<compile_context>
chip_gen: v7x
topology: tpu7x:2x2x1
jax: 0.10.2.dev20260603
libtpu: 0.0.44.dev20260713+nightly
codegen_flags: <defaults>
</compile_context>

<pallas_src>
import functools

import jax
import jax.numpy as jnp
from jax import lax
from jax.experimental import pallas as pl
from jax.experimental.pallas import tpu as pltpu
from jax.experimental.pallas import tpu_sc as plsc

NC = 2
NS = 16
NW = NC * NS
L = 16


@functools.lru_cache(maxsize=None)
def _build(V, K, C, F, B):
    assert F == L and V % B == 0 and K == L and B % 8 == 0
    W = (F + C + 7) // 8 * 8
    CHUNKS = V // B
    OUTW = F * C * C + F * C
    GSZ = 128
    assert (B * K) % GSZ == 0
    GROUPS = B * K // GSZ
    MYI = (CHUNKS + NW - 1) // NW
    NPAIRS = (MYI + 1) // 2
    mesh = plsc.VectorSubcoreMesh(
        core_axis_name="c", subcore_axis_name="s", num_cores=NC, num_subcores=NS
    )

    @functools.partial(
        pl.kernel,
        out_type=jax.ShapeDtypeStruct((OUTW, V), jnp.float32),
        mesh=mesh,
        scratch_types=[
            pltpu.VMEM((GROUPS, GSZ), jnp.int32),
            pltpu.VMEM((GROUPS, GSZ), jnp.int32),
            pltpu.VMEM((B, K), jnp.float32),
            pltpu.VMEM((B, K), jnp.float32),
            pltpu.VMEM((B * K, W), jnp.float32),
            pltpu.VMEM((B * K, W), jnp.float32),
            pltpu.VMEM((OUTW, B), jnp.float32),
            pltpu.VMEM((OUTW, B), jnp.float32),
            pltpu.SemaphoreType.DMA,
            pltpu.SemaphoreType.DMA,
            pltpu.SemaphoreType.DMA,
            pltpu.SemaphoreType.DMA,
        ],
        compiler_params=pltpu.CompilerParams(
            use_tc_tiling_on_sc=False, needs_layout_passes=False),
    )
    def nbcov(tbl_hbm, dsq_hbm, idx_hbm, out_hbm,
              idx0, idx1, dsq0, dsq1, rows0, rows1, out0, out1,
              semg0, semg1, semo0, semo1):
        wid = lax.axis_index("s") * NC + lax.axis_index("c")
        iota = lax.iota(jnp.int32, L)
        base_cov = iota * (C * C)
        base_mean = iota * C + F * C * C
        idx_v = (idx0, idx1)
        dsq_v = (dsq0, dsq1)
        rows_v = (rows0, rows1)
        out_v = (out0, out1)
        semg = (semg0, semg1)
        semo = (semo0, semo1)

        def stage_inputs(chunk, s):
            pltpu.sync_copy(idx_hbm.at[pl.ds(chunk * GROUPS, GROUPS)], idx_v[s])
            pltpu.sync_copy(dsq_hbm.at[pl.ds(chunk * B, B)], dsq_v[s])
            for g in range(GROUPS):
                pltpu.async_copy(tbl_hbm.at[idx_v[s].at[g]],
                                 rows_v[s].at[pl.ds(g * GSZ, GSZ)], semg[s])

        def drain_gathers(s):
            for g in range(GROUPS):
                pltpu.make_async_copy(tbl_hbm.at[idx_v[s].at[g]],
                                      rows_v[s].at[pl.ds(g * GSZ, GSZ)],
                                      semg[s]).wait()

        def drain_out(s):
            pltpu.make_async_copy(
                out_hbm.at[:, pl.ds(0, B)], out_v[s], semo[s]).wait()

        def compute_chunk(s):
            rows = rows_v[s]
            dsq = dsq_v[s]
            out = out_v[s]

            def vertex(b, _):
                row0 = b * K
                bfull = jnp.full((L,), b, jnp.int32)
                w = jnp.exp(dsq[b, :] * -10.0)
                cvec = [plsc.load_gather(rows, [row0 + iota,
                                                jnp.full((L,), F + c, jnp.int32)])
                        for c in range(C)]
                sumw = jnp.zeros((L,), jnp.float32)
                m = [jnp.zeros((L,), jnp.float32) for _ in range(C)]
                e = {(c, d): jnp.zeros((L,), jnp.float32)
                     for c in range(C) for d in range(c, C)}
                for k in range(K):
                    kfull = jnp.full((L,), k, jnp.int32)
                    frow = rows[row0 + k, pl.ds(0, F)]
                    wb = jnp.take_along_axis(w, kfull, axis=0,
                                             mode="promise_in_bounds")
                    cb = [jnp.take_along_axis(cvec[c], kfull, axis=0,
                                              mode="promise_in_bounds")
                          for c in range(C)]
                    wf = frow * wb
                    sumw = sumw + wf
                    for c in range(C):
                        t = wf * cb[c]
                        m[c] = m[c] + t
                        for d in range(c, C):
                            e[(c, d)] = e[(c, d)] + t * cb[d]
                iszero = sumw == 0.0
                r_ = jnp.where(iszero, 0.0, 1.0 / sumw)
                mm = [m[c] * r_ for c in range(C)]
                for c in range(C):
                    plsc.store_scatter(out, [base_mean + c, bfull], mm[c])
                    for d in range(c, C):
                        cov = e[(c, d)] * r_ - mm[c] * mm[d]
                        plsc.store_scatter(out, [base_cov + (c * C + d), bfull], cov)
                        if d > c:
                            plsc.store_scatter(out, [base_cov + (d * C + c), bfull], cov)
                return 0

            lax.fori_loop(0, B, vertex, 0, unroll=False)

        def half(p, s):
            i = 2 * p + s
            ci = wid + i * NW
            cn = ci + 2 * NW

            def work():
                drain_gathers(s)
                pl.when(i >= 2)(lambda: drain_out(s))
                compute_chunk(s)
                pltpu.async_copy(out_v[s], out_hbm.at[:, pl.ds(ci * B, B)],
                                 semo[s])
                pl.when(cn < CHUNKS)(lambda: stage_inputs(cn, s))

            pl.when(ci < CHUNKS)(work)

        for s in range(2):
            c0 = wid + s * NW
            pl.when(c0 < CHUNKS)(lambda s=s, c0=c0: stage_inputs(c0, s))

        def pair(p, _):
            half(p, 0)
            half(p, 1)
            return 0

        lax.fori_loop(0, NPAIRS, pair, 0, unroll=False)

        my_n = (CHUNKS - wid + NW - 1) // NW
        pl.when(my_n >= 1)(lambda: drain_out(0))
        pl.when(my_n >= 2)(lambda: drain_out(1))

    return nbcov


def kernel(coordinates, distsq, features, n_idxs):
    V, C = coordinates.shape
    _, K = n_idxs.shape
    _, F = features.shape
    B = 80
    W = (F + C + 7) // 8 * 8
    tbl = jnp.concatenate(
        [features, coordinates,
         jnp.zeros((V, W - F - C), jnp.float32)], axis=1)
    fn = _build(V, K, C, F, B)
    return fn(tbl, distsq, n_idxs.reshape(-1, 128)).T

# --- scband reference (transcript-rebuilt; emitter-appended) ---
"""Pipeline reference for scband-neighbour-covariance-36094905155927 (READ-ONLY COPY).

The authoritative reference and input builder live on the scoring server;
editing this copy changes nothing except your own understanding.
"""

import jax, jax.numpy as jnp
import numpy as np

V = 50000
K = 16
C = 4
F = 16

def setup_inputs(seed: int = 0) -> dict:
    key = jax.random.key(seed)
    k1, k2, k3, k4 = jax.random.split(key, 4)
    coordinates = jax.random.normal(k1, (V, C), dtype=jnp.float32)
    distsq = jax.random.uniform(k2, (V, K), dtype=jnp.float32)
    features = jax.random.uniform(k3, (V, F), dtype=jnp.float32)
    n_idxs = jax.random.randint(k4, (V, K), 0, V, dtype=jnp.int32)
    return {"coordinates": coordinates, "distsq": distsq, "features": features, "n_idxs": n_idxs}


def reference(coordinates, distsq, features, n_idxs):
    # NeighbourCovariance.call: distsq is scaled by 10 before the op
    dsq = 10.0 * distsq                                  # V x K
    # SelectWithDefault-style neighbour gathers (all idxs valid here)
    n_coords = jnp.take(coordinates, n_idxs, axis=0)     # V x K x C
    n_feats = jnp.take(features, n_idxs, axis=0)         # V x K x F
    # distance-damped feature weights
    w = jnp.exp(-dsq)                                    # V x K
    wf = n_feats * w[..., None]                          # V x K x F
    sum_w = jnp.sum(wf, axis=1)                          # V x F
    denom = jnp.where(sum_w == 0.0, 1.0, sum_w)
    # feature-weighted mean of neighbour coordinates: V x F x C
    mean = jnp.einsum('vkf,vkc->vfc', wf, n_coords)
    mean = jnp.where((sum_w == 0.0)[..., None], 0.0, mean / denom[..., None])
    # feature-weighted second moment E[x x^T]: V x F x C x C
    exx = jnp.einsum('vkf,vkc,vkd->vfcd', wf, n_coords, n_coords)
    exx = jnp.where((sum_w == 0.0)[..., None, None], 0.0, exx / denom[..., None, None])
    # covariance = E[xx^T] - mean mean^T
    cov = exx - mean[..., :, None] * mean[..., None, :]  # V x F x C x C
    nF = features.shape[1]
    nC = coordinates.shape[1]
    cov_flat = jnp.reshape(cov, (-1, nF * nC * nC))
    mean_flat = jnp.reshape(mean, (-1, nF * nC))
    return jnp.concatenate([cov_flat, mean_flat], axis=-1)  # V x (F*C^2 + F*C)

if __name__ == "__main__":
    import jax
    _d = setup_inputs()
    print(jax.jit(kernel)(*tuple(_d.values())))

</pallas_src>

<mosaic_0001>
#map = affine_map<(d0, d1) -> (0, 0)>
module attributes {stable_mosaic.version = 14 : i64} {
  func.func @nbcov(%arg0: i32, %arg1: i32, %arg2: memref<50000x24xf32, #tpu.memory_space<hbm>>, %arg3: memref<50000x16xf32, #tpu.memory_space<hbm>>, %arg4: memref<6250x128xi32, #tpu.memory_space<hbm>>, %arg5: memref<320x50000xf32, #tpu.memory_space<hbm>>, %arg6: memref<10x128xi32, #tpu.memory_space<vmem>>, %arg7: memref<10x128xi32, #tpu.memory_space<vmem>>, %arg8: memref<80x16xf32, #tpu.memory_space<vmem>>, %arg9: memref<80x16xf32, #tpu.memory_space<vmem>>, %arg10: memref<1280x24xf32, #tpu.memory_space<vmem>>, %arg11: memref<1280x24xf32, #tpu.memory_space<vmem>>, %arg12: memref<320x80xf32, #tpu.memory_space<vmem>>, %arg13: memref<320x80xf32, #tpu.memory_space<vmem>>, %arg14: memref<!tpu.dma_semaphore, #tpu.memory_space<semaphore_mem>>, %arg15: memref<!tpu.dma_semaphore, #tpu.memory_space<semaphore_mem>>, %arg16: memref<!tpu.dma_semaphore, #tpu.memory_space<semaphore_mem>>, %arg17: memref<!tpu.dma_semaphore, #tpu.memory_space<semaphore_mem>>) attributes {dimension_semantics = [#tpu.dimension_semantics<core_parallel>, #tpu.dimension_semantics<subcore_parallel>], iteration_bounds = array<i64: 2, 16>, scalar_prefetch = 0 : i64, scratch_operands = 12 : i64, tpu.core_type = #tpu.core_type<sc_vector_subcore>, window_params = [{transform_indices = #map}, {transform_indices = #map}, {transform_indices = #map}, {transform_indices = #map}]} {
    %mul3A = arith.constant 2 : i32
    %mul3A_0 = arith.muli %arg1, %mul3A : i32
    %add3A = arith.addi %mul3A_0, %arg0 : i32
    %iota3A = tpu.iota {dimensions = array<i32: 0>} : vector<16xi32>
    %mul3A_1 = arith.constant 16 : i32
    %mul3A_2 = vector.broadcast %mul3A_1 : i32 to vector<16xi32>
    %mul3A_3 = arith.muli %iota3A, %mul3A_2 : vector<16xi32>
    %mul3A_4 = arith.constant 4 : i32
    %mul3A_5 = vector.broadcast %mul3A_4 : i32 to vector<16xi32>
    %mul3A_6 = arith.muli %iota3A, %mul3A_5 : vector<16xi32>
    %add3A_7 = arith.constant 256 : i32
    %add3A_8 = vector.broadcast %add3A_7 : i32 to vector<16xi32>
    %add3A_9 = arith.addi %mul3A_6, %add3A_8 : vector<16xi32>
    %add3A_10 = arith.constant 0 : i32
    %add3A_11 = arith.addi %add3A, %add3A_10 : i32
    %lt3A = arith.constant 625 : i32
    %lt3A_12 = arith.cmpi slt, %add3A_11, %lt3A : i32
    %convert_element_type3A = arith.extui %lt3A_12 : i1 to i32
    %cond3A = arith.constant 0 : i32
    %cond3A_13 = arith.cmpi ne, %convert_element_type3A, %cond3A : i32
    scf.if %cond3A_13 {
      %mul3A_58 = arith.constant 10 : i32
      %mul3A_59 = arith.muli %add3A_11, %mul3A_58 : i32
      "tpu.region"() ({
        %run_scoped3A = tpu.sem_alloc : memref<!tpu.dma_semaphore, #tpu.memory_space<semaphore_mem>>
        %dma_start3A_161 = arith.constant 0 : i32
        %dma_start3A_162 = tpu.memref_slice %arg4[%mul3A_59, %dma_start3A_161] : memref<6250x128xi32, #tpu.memory_space<hbm>> -> memref<10x128xi32, #tpu.memory_space<hbm>>
        %dma_start3A_163 = arith.constant 0 : i32
        %dma_start3A_164 = tpu.memref_slice %arg4[%mul3A_59, %dma_start3A_163] : memref<6250x128xi32, #tpu.memory_space<hbm>> -> memref<10x128xi32, #tpu.memory_space<hbm>>
        tpu.enqueue_dma source(%dma_start3A_164 : memref<10x128xi32, #tpu.memory_space<hbm>>) target(%arg6 : memref<10x128xi32, #tpu.memory_space<vmem>>) target_semaphore(%run_scoped3A : memref<!tpu.dma_semaphore, #tpu.memory_space<semaphore_mem>>)
        %dma_wait3A = arith.constant 0 : i32
        %dma_wait3A_165 = tpu.memref_slice %arg4[%mul3A_59, %dma_wait3A] : memref<6250x128xi32, #tpu.memory_space<hbm>> -> memref<10x128xi32, #tpu.memory_space<hbm>>
        %dma_wait3A_166 = arith.constant 0 : i32
        %dma_wait3A_167 = tpu.memref_slice %arg4[%mul3A_59, %dma_wait3A_166] : memref<6250x128xi32, #tpu.memory_space<hbm>> -> memref<10x128xi32, #tpu.memory_space<hbm>>
        tpu.wait_dma2 semaphore(%run_scoped3A : memref<!tpu.dma_semaphore, #tpu.memory_space<semaphore_mem>>) src(%dma_wait3A_167 : memref<10x128xi32, #tpu.memory_space<hbm>>) dst(%arg6 : memref<10x128xi32, #tpu.memory_space<vmem>>)
        tpu.yield
      }) : () -> ()
      %mul3A_60 = arith.constant 80 : i32
      %mul3A_61 = arith.muli %add3A_11, %mul3A_60 : i32
      "tpu.region"() ({
        %run_scoped3A = tpu.sem_alloc : memref<!tpu.dma_semaphore, #tpu.memory_space<semaphore_mem>>
        %dma_start3A_161 = arith.constant 0 : i32
        %dma_start3A_162 = tpu.memref_slice %arg3[%mul3A_61, %dma_start3A_161] : memref<50000x16xf32, #tpu.memory_space<hbm>> -> memref<80x16xf32, #tpu.memory_space<hbm>>
        %dma_start3A_163 = arith.constant 0 : i32
        %dma_start3A_164 = tpu.memref_slice %arg3[%mul3A_61, %dma_start3A_163] : memref<50000x16xf32, #tpu.memory_space<hbm>> -> memref<80x16xf32, #tpu.memory_space<hbm>>
        tpu.enqueue_dma source(%dma_start3A_164 : memref<80x16xf32, #tpu.memory_space<hbm>>) target(%arg8 : memref<80x16xf32, #tpu.memory_space<vmem>>) target_semaphore(%run_scoped3A : memref<!tpu.dma_semaphore, #tpu.memory_space<semaphore_mem>>)
        %dma_wait3A = arith.constant 0 : i32
        %dma_wait3A_165 = tpu.memref_slice %arg3[%mul3A_61, %dma_wait3A] : memref<50000x16xf32, #tpu.memory_space<hbm>> -> memref<80x16xf32, #tpu.memory_space<hbm>>
        %dma_wait3A_166 = arith.constant 0 : i32
        %dma_wait3A_167 = tpu.memref_slice %arg3[%mul3A_61, %dma_wait3A_166] : memref<50000x16xf32, #tpu.memory_space<hbm>> -> memref<80x16xf32, #tpu.memory_space<hbm>>
        tpu.wait_dma2 semaphore(%run_scoped3A : memref<!tpu.dma_semaphore, #tpu.memory_space<semaphore_mem>>) src(%dma_wait3A_167 : memref<80x16xf32, #tpu.memory_space<hbm>>) dst(%arg8 : memref<80x16xf32, #tpu.memory_space<vmem>>)
        tpu.yield
      }) : () -> ()
      %dma_start3A = arith.constant 0 : i32
      %dma_start3A_62 = arith.constant 0 : i32
      %dma_start3A_63 = arith.constant 0 : i32
      %dma_start3A_64 = tpu.memref_slice %arg10[%dma_start3A_62, %dma_start3A_63] : memref<1280x24xf32, #tpu.memory_space<vmem>> -> memref<128x24xf32, #tpu.memory_space<vmem>>
      %dma_start3A_65 = arith.constant 0 : i32
      %dma_start3A_66 = tpu.memref_slice %arg6[%dma_start3A, %dma_start3A_65] : memref<10x128xi32, #tpu.memory_space<vmem>> -> memref<1x128xi32, #tpu.memory_space<vmem>>
      %dma_start3A_67 = tpu.memref_squeeze %dma_start3A_66 : memref<1x128xi32, #tpu.memory_space<vmem>> -> memref<128xi32, #tpu.memory_space<vmem>>
      %dma_start3A_68 = arith.constant 0 : i32
      %dma_start3A_69 = arith.constant 0 : i32
      %dma_start3A_70 = tpu.memref_slice %arg2[%dma_start3A_68, %dma_start3A_69] : memref<50000x24xf32, #tpu.memory_space<hbm>> -> memref<50000x24xf32, #tpu.memory_space<hbm>>
      tpu.enqueue_indirect_dma source(%dma_start3A_70 : memref<50000x24xf32, #tpu.memory_space<hbm>>) target(%dma_start3A_64 : memref<128x24xf32, #tpu.memory_space<vmem>>) offsets(%dma_start3A_67 : memref<128xi32, #tpu.memory_space<vmem>>) semaphore(%arg14 : memref<!tpu.dma_semaphore, #tpu.memory_space<semaphore_mem>>)
      %dma_start3A_71 = arith.constant 1 : i32
      %dma_start3A_72 = arith.constant 128 : i32
      %dma_start3A_73 = arith.constant 0 : i32
      %dma_start3A_74 = tpu.memref_slice %arg10[%dma_start3A_72, %dma_start3A_73] : memref<1280x24xf32, #tpu.memory_space<vmem>> -> memref<128x24xf32, #tpu.memory_space<vmem>>
      %dma_start3A_75 = arith.constant 0 : i32
      %dma_start3A_76 = tpu.memref_slice %arg6[%dma_start3A_71, %dma_start3A_75] : memref<10x128xi32, #tpu.memory_space<vmem>> -> memref<1x128xi32, #tpu.memory_space<vmem>>
      %dma_start3A_77 = tpu.memref_squeeze %dma_start3A_76 : memref<1x128xi32, #tpu.memory_space<vmem>> -> memref<128xi32, #tpu.memory_space<vmem>>
      %dma_start3A_78 = arith.constant 0 : i32
      %dma_start3A_79 = arith.constant 0 : i32
      %dma_start3A_80 = tpu.memref_slice %arg2[%dma_start3A_78, %dma_start3A_79] : memref<50000x24xf32, #tpu.memory_space<hbm>> -> memref<50000x24xf32, #tpu.memory_space<hbm>>
      tpu.enqueue_indirect_dma source(%dma_start3A_80 : memref<50000x24xf32, #tpu.memory_space<hbm>>) target(%dma_start3A_74 : memref<128x24xf32, #tpu.memory_space<vmem>>) offsets(%dma_start3A_77 : memref<128xi32, #tpu.memory_space<vmem>>) semaphore(%arg14 : memref<!tpu.dma_semaphore, #tpu.memory_space<semaphore_mem>>)
      %dma_start3A_81 = arith.constant 2 : i32
      %dma_start3A_82 = arith.constant 256 : i32
      %dma_start3A_83 = arith.constant 0 : i32
      %dma_start3A_84 = tpu.memref_slice %arg10[%dma_start3A_82, %dma_start3A_83] : memref<1280x24xf32, #tpu.memory_space<vmem>> -> memref<128x24xf32, #tpu.memory_space<vmem>>
      %dma_start3A_85 = arith.constant 0 : i32
      %dma_start3A_86 = tpu.memref_slice %arg6[%dma_start3A_81, %dma_start3A_85] : memref<10x128xi32, #tpu.memory_space<vmem>> -> memref<1x128xi32, #tpu.memory_space<vmem>>
      %dma_start3A_87 = tpu.memref_squeeze %dma_start3A_86 : memref<1x128xi32, #tpu.memory_space<vmem>> -> memref<128xi32, #tpu.memory_space<vmem>>
      %dma_start3A_88 = arith.constant 0 : i32
      %dma_start3A_89 = arith.constant 0 : i32
      %dma_start3A_90 = tpu.memref_slice %arg2[%dma_start3A_88, %dma_start3A_89] : memref<50000x24xf32, #tpu.memory_space<hbm>> -> memref<50000x24xf32, #tpu.memory_space<hbm>>
      tpu.enqueue_indirect_dma source(%dma_start3A_90 : memref<50000x24xf32, #tpu.memory_space<hbm>>) target(%dma_start3A_84 : memref<128x24xf32, #tpu.memory_space<vmem>>) offsets(%dma_start3A_87 : memref<128xi32, #tpu.memory_space<vmem>>) semaphore(%arg14 : memref<!tpu.dma_semaphore, #tpu.memory_space<semaphore_mem>>)
      %dma_start3A_91 = arith.constant 3 : i32
      %dma_start3A_92 = arith.constant 384 : i32
      %dma_start3A_93 = arith.constant 0 : i32
      %dma_start3A_94 = tpu.memref_slice %arg10[%dma_start3A_92, %dma_start3A_93] : memref<1280x24xf32, #tpu.memory_space<vmem>> -> memref<128x24xf32, #tpu.memory_space<vmem>>
      %dma_start3A_95 = arith.constant 0 : i32
      %dma_start3A_96 = tpu.memref_slice %arg6[%dma_start3A_91, %dma_start3A_95] : memref<10x128xi32, #tpu.memory_space<vmem>> -> memref<1x128xi32, #tpu.memory_space<vmem>>
      %dma_start3A_97 = tpu.memref_squeeze %dma_start3A_96 : memref<1x128xi32, #tpu.memory_space<vmem>> -> memref<128xi32, #tpu.memory_space<vmem>>
      %dma_start3A_98 = arith.constant 0 : i32
      %dma_start3A_99 = arith.constant 0 : i32
      %dma_start3A_100 = tpu.memref_slice %arg2[%dma_start3A_98, %dma_start3A_99] : memref<50000x24xf32, #tpu.memory_space<hbm>> -> memref<50000x24xf32, #tpu.memory_space<hbm>>
      tpu.enqueue_indirect_dma source(%dma_start3A_100 : memref<50000x24xf32, #tpu.memory_space<hbm>>) target(%dma_start3A_94 : memref<128x24xf32, #tpu.memory_space<vmem>>) offsets(%dma_start3A_97 : memref<128xi32, #tpu.memory_space<vmem>>) semaphore(%arg14 : memref<!tpu.dma_semaphore, #tpu.memory_space<semaphore_mem>>)
      %dma_start3A_101 = arith.constant 4 : i32
      %dma_start3A_102 = arith.constant 512 : i32
      %dma_start3A_103 = arith.constant 0 : i32
      %dma_start3A_104 = tpu.memref_slice %arg10[%dma_start3A_102, %dma_start3A_103] : memref<1280x24xf32, #tpu.memory_space<vmem>> -> memref<128x24xf32, #tpu.memory_space<vmem>>
      %dma_start3A_105 = arith.constant 0 : i32
      %dma_start3A_106 = tpu.memref_slice %arg6[%dma_start3A_101, %dma_start3A_105] : memref<10x128xi32, #tpu.memory_space<vmem>> -> memref<1x128xi32, #tpu.memory_space<vmem>>
      %dma_start3A_107 = tpu.memref_squeeze %dma_start3A_106 : memref<1x128xi32, #tpu.memory_space<vmem>> -> memref<128xi32, #tpu.memory_space<vmem>>
      %dma_start3A_108 = arith.constant 0 : i32
      %dma_start3A_109 = arith.constant 0 : i32
      %dma_start3A_110 = tpu.memref_slice %arg2[%dma_start3A_108, %dma_start3A_109] : memref<50000x24xf32, #tpu.memory_space<hbm>> -> memref<50000x24xf32, #tpu.memory_space<hbm>>
      tpu.enqueue_indirect_dma source(%dma_start3A_110 : memref<50000x24xf32, #tpu.memory_space<hbm>>) target(%dma_start3A_104 : memref<128x24xf32, #tpu.memory_space<vmem>>) offsets(%dma_start3A_107 : memref<128xi32, #tpu.memory_space<vmem>>) semaphore(%arg14 : memref<!tpu.dma_semaphore, #tpu.memory_space<semaphore_mem>>)
      %dma_start3A_111 = arith.constant 5 : i32
      %dma_start3A_112 = arith.constant 640 : i32
      %dma_start3A_113 = arith.constant 0 : i32
      %dma_start3A_114 = tpu.memref_slice %arg10[%dma_start3A_112, %dma_start3A_113] : memref<1280x24xf32, #tpu.memory_space<vmem>> -> memref<128x24xf32, #tpu.memory_space<vmem>>
      %dma_start3A_115 = arith.constant 0 : i32
      %dma_start3A_116 = tpu.memref_slice %arg6[%dma_start3A_111, %dma_start3A_115] : memref<10x128xi32, #tpu.memory_space<vmem>> -> memref<1x128xi32, #tpu.memory_space<vmem>>
      %dma_start3A_117 = tpu.memref_squeeze %dma_start3A_116 : memref<1x128xi32, #tpu.memory_space<vmem>> -> memref<128xi32, #tpu.memory_space<vmem>>
      %dma_start3A_118 = arith.constant 0 : i32
      %dma_start3A_119 = arith.constant 0 : i32
      %dma_start3A_120 = tpu.memref_slice %arg2[%dma_start3A_118, %dma_start3A_119] : memref<50000x24xf32, #tpu.memory_space<hbm>> -> memref<50000x24xf32, #tpu.memory_space<hbm>>
      tpu.enqueue_indirect_dma source(%dma_start3A_120 : memref<50000x24xf32, #tpu.memory_space<hbm>>) target(%dma_start3A_114 : memref<128x24xf32, #tpu.memory_space<vmem>>) offsets(%dma_start3A_117 : memref<128xi32, #tpu.memory_space<vmem>>) semaphore(%arg14 : memref<!tpu.dma_semaphore, #tpu.memory_space<semaphore_mem>>)
      %dma_start3A_121 = arith.constant 6 : i32
      %dma_start3A_122 = arith.constant 768 : i32
      %dma_start3A_123 = arith.constant 0 : i32
      %dma_start3A_124 = tpu.memref_slice %arg10[%dma_start3A_122, %dma_start3A_123] : memref<1280x24xf32, #tpu.memory_space<vmem>> -> memref<128x24xf32, #tpu.memory_space<vmem>>
      %dma_start3A_125 = arith.constant 0 : i32
      %dma_start3A_126 = tpu.memref_slice %arg6[%dma_start3A_121, %dma_start3A_125] : memref<10x128xi32, #tpu.memory_space<vmem>> -> memref<1x128xi32, #tpu.memory_space<vmem>>
      %dma_start3A_127 = tpu.memref_squeeze %dma_start3A_126 : memref<1x128xi32, #tpu.memory_space<vmem>> -> memref<128xi32, #tpu.memory_space<vmem>>
      %dma_start3A_128 = arith.constant 0 : i32
      %dma_start3A_129 = arith.constant 0 : i32
      %dma_start3A_130 = tpu.memref_slice %arg2[%dma_start3A_128, %dma_start3A_129] : memref<50000x24xf32, #tpu.memory_space<hbm>> -> memref<50000x24xf32, #tpu.memory_space<hbm>>
      tpu.enqueue_indirect_dma source(%dma_start3A_130 : memref<50000x24xf32, #tpu.memory_space<hbm>>) target(%dma_start3A_124 : memref<128x24xf32, #tpu.memory_space<vmem>>) offsets(%dma_start3A_127 : memref<128xi32, #tpu.memory_space<vmem>>) semaphore(%arg14 : memref<!tpu.dma_semaphore, #tpu.memory_space<semaphore_mem>>)
      %dma_start3A_131 = arith.constant 7 : i32
      %dma_start3A_132 = arith.constant 896 : i32
      %dma_start3A_133 = arith.constant 0 : i32
      %dma_start3A_134 = tpu.memref_slice %arg10[%dma_start3A_132, %dma_start3A_133] : memref<1280x24xf32, #tpu.memory_space<vmem>> -> memref<128x24xf32, #tpu.memory_space<vmem>>
      %dma_start3A_135 = arith.constant 0 : i32
      %dma_start3A_136 = tpu.memref_slice %arg6[%dma_start3A_131, %dma_start3A_135] : memref<10x128xi32, #tpu.memory_space<vmem>> -> memref<1x128xi32, #tpu.memory_space<vmem>>
      %dma_start3A_137 = tpu.memref_squeeze %dma_start3A_136 : memref<1x128xi32, #tpu.memory_space<vmem>> -> memref<128xi32, #tpu.memory_space<vmem>>
      %dma_start3A_138 = arith.constant 0 : i32
      %dma_start3A_139 = arith.constant 0 : i32
      %dma_start3A_140 = tpu.memref_slice %arg2[%dma_start3A_138, %dma_start3A_139] : memref<50000x24xf32, #tpu.memory_space<hbm>> -> memref<50000x24xf32, #tpu.memory_space<hbm>>
      tpu.enqueue_indirect_dma source(%dma_start3A_140 : memref<50000x24xf32, #tpu.memory_space<hbm>>) target(%dma_start3A_134 : memref<128x24xf32, #tpu.memory_space<vmem>>) offsets(%dma_start3A_137 : memref<128xi32, #tpu.memory_space<vmem>>) semaphore(%arg14 : memref<!tpu.dma_semaphore, #tpu.memory_space<semaphore_mem>>)
      %dma_start3A_141 = arith.constant 8 : i32
      %dma_start3A_142 = arith.constant 1024 : i32
      %dma_start3A_143 = arith.constant 0 : i32
      %dma_start3A_144 = tpu.memref_slice %arg10[%dma_start3A_142, %dma_start3A_143] : memref<1280x24xf32, #tpu.memory_space<vmem>> -> memref<128x24xf32, #tpu.memory_space<vmem>>
      %dma_start3A_145 = arith.constant 0 : i32
      %dma_start3A_146 = tpu.memref_slice %arg6[%dma_start3A_141, %dma_start3A_145] : memref<10x128xi32, #tpu.memory_space<vmem>> -> memref<1x128xi32, #tpu.memory_space<vmem>>
      %dma_start3A_147 = tpu.memref_squeeze %dma_start3A_146 : memref<1x128xi32, #tpu.memory_space<vmem>> -> memref<128xi32, #tpu.memory_space<vmem>>
      %dma_start3A_148 = arith.constant 0 : i32
      %dma_start3A_149 = arith.constant 0 : i32
      %dma_start3A_150 = tpu.memref_slice %arg2[%dma_start3A_148, %dma_start3A_149] : memref<50000x24xf32, #tpu.memory_space<hbm>> -> memref<50000x24xf32, #tpu.memory_space<hbm>>
      tpu.enqueue_indirect_dma source(%dma_start3A_150 : memref<50000x24xf32, #tpu.memory_space<hbm>>) target(%dma_start3A_144 : memref<128x24xf32, #tpu.memory_space<vmem>>) offsets(%dma_start3A_147 : memref<128xi32, #tpu.memory_space<vmem>>) semaphore(%arg14 : memref<!tpu.dma_semaphore, #tpu.memory_space<semaphore_mem>>)
      %dma_start3A_151 = arith.constant 9 : i32
      %dma_start3A_152 = arith.constant 1152 : i32
      %dma_start3A_153 = arith.constant 0 : i32
      %dma_start3A_154 = tpu.memref_slice %arg10[%dma_start3A_152, %dma_start3A_153] : memref<1280x24xf32, #tpu.memory_space<vmem>> -> memref<128x24xf32, #tpu.memory_space<vmem>>
      %dma_start3A_155 = arith.constant 0 : i32
      %dma_start3A_156 = tpu.memref_slice %arg6[%dma_start3A_151, %dma_start3A_155] : memref<10x128xi32, #tpu.memory_space<vmem>> -> memref<1x128xi32, #tpu.memory_space<vmem>>
      %dma_start3A_157 = tpu.memref_squeeze %dma_start3A_156 : memref<1x128xi32, #tpu.memory_space<vmem>> -> memref<128xi32, #tpu.memory_space<vmem>>
      %dma_start3A_158 = arith.constant 0 : i32
      %dma_start3A_159 = arith.constant 0 : i32
      %dma_start3A_160 = tpu.memref_slice %arg2[%dma_start3A_158, %dma_start3A_159] : memref<50000x24xf32, #tpu.memory_space<hbm>> -> memref<50000x24xf32, #tpu.memory_space<hbm>>
      tpu.enqueue_indirect_dma source(%dma_start3A_160 : memref<50000x24xf32, #tpu.memory_space<hbm>>) target(%dma_start3A_154 : memref<128x24xf32, #tpu.memory_space<vmem>>) offsets(%dma_start3A_157 : memref<128xi32, #tpu.memory_space<vmem>>) semaphore(%arg14 : memref<!tpu.dma_semaphore, #tpu.memory_space<semaphore_mem>>)
    } else {
    }
    %add3A_14 = arith.constant 32 : i32
    %add3A_15 = arith.addi %add3A, %add3A_14 : i32
    %lt3A_16 = arith.constant 625 : i32
    %lt3A_17 = arith.cmpi slt, %add3A_15, %lt3A_16 : i32
    %convert_element_type3A_18 = arith.extui %lt3A_17 : i1 to i32
    %cond3A_19 = arith.constant 0 : i32
    %cond3A_20 = arith.cmpi ne, %convert_element_type3A_18, %cond3A_19 : i32
    scf.if %cond3A_20 {
      %mul3A_58 = arith.constant 10 : i32
      %mul3A_59 = arith.muli %add3A_15, %mul3A_58 : i32
      "tpu.region"() ({
        %run_scoped3A = tpu.sem_alloc : memref<!tpu.dma_semaphore, #tpu.memory_space<semaphore_mem>>
        %dma_start3A_161 = arith.constant 0 : i32
        %dma_start3A_162 = tpu.memref_slice %arg4[%mul3A_59, %dma_start3A_161] : memref<6250x128xi32, #tpu.memory_space<hbm>> -> memref<10x128xi32, #tpu.memory_space<hbm>>
        %dma_start3A_163 = arith.constant 0 : i32
        %dma_start3A_164 = tpu.memref_slice %arg4[%mul3A_59, %dma_start3A_163] : memref<6250x128xi32, #tpu.memory_space<hbm>> -> memref<10x128xi32, #tpu.memory_space<hbm>>
        tpu.enqueue_dma source(%dma_start3A_164 : memref<10x128xi32, #tpu.memory_space<hbm>>) target(%arg7 : memref<10x128xi32, #tpu.memory_space<vmem>>) target_semaphore(%run_scoped3A : memref<!tpu.dma_semaphore, #tpu.memory_space<semaphore_mem>>)
        %dma_wait3A = arith.constant 0 : i32
        %dma_wait3A_165 = tpu.memref_slice %arg4[%mul3A_59, %dma_wait3A] : memref<6250x128xi32, #tpu.memory_space<hbm>> -> memref<10x128xi32, #tpu.memory_space<hbm>>
        %dma_wait3A_166 = arith.constant 0 : i32
        %dma_wait3A_167 = tpu.memref_slice %arg4[%mul3A_59, %dma_wait3A_166] : memref<6250x128xi32, #tpu.memory_space<hbm>> -> memref<10x128xi32, #tpu.memory_space<hbm>>
        tpu.wait_dma2 semaphore(%run_scoped3A : memref<!tpu.dma_semaphore, #tpu.memory_space<semaphore_mem>>) src(%dma_wait3A_167 : memref<10x128xi32, #tpu.memory_space<hbm>>) dst(%arg7 : memref<10x128xi32, #tpu.memory_space<vmem>>)
        tpu.yield
      }) : () -> ()
      %mul3A_60 = arith.constant 80 : i32
      %mul3A_61 = arith.muli %add3A_15, %mul3A_60 : i32
      "tpu.region"() ({
        %run_scoped3A = tpu.sem_alloc : memref<!tpu.dma_semaphore, #tpu.memory_space<semaphore_mem>>
        %dma_start3A_161 = arith.constant 0 : i32
        %dma_start3A_162 = tpu.memref_slice %arg3[%mul3A_61, %dma_start3A_161] : memref<50000x16xf32, #tpu.memory_space<hbm>> -> memref<80x16xf32, #tpu.memory_space<hbm>>
        %dma_start3A_163 = arith.constant 0 : i32
        %dma_start3A_164 = tpu.memref_slice %arg3[%mul3A_61, %dma_start3A_163] : memref<50000x16xf32, #tpu.memory_space<hbm>> -> memref<80x16xf32, #tpu.memory_space<hbm>>
        tpu.enqueue_dma source(%dma_start3A_164 : memref<80x16xf32, #tpu.memory_space<hbm>>) target(%arg9 : memref<80x16xf32, #tpu.memory_space<vmem>>) target_semaphore(%run_scoped3A : memref<!tpu.dma_semaphore, #tpu.memory_space<semaphore_mem>>)
        %dma_wait3A = arith.constant 0 : i32
        %dma_wait3A_165 = tpu.memref_slice %arg3[%mul3A_61, %dma_wait3A] : memref<50000x16xf32, #tpu.memory_space<hbm>> -> memref<80x16xf32, #tpu.memory_space<hbm>>
        %dma_wait3A_166 = arith.constant 0 : i32
        %dma_wait3A_167 = tpu.memref_slice %arg3[%mul3A_61, %dma_wait3A_166] : memref<50000x16xf32, #tpu.memory_space<hbm>> -> memref<80x16xf32, #tpu.memory_space<hbm>>
        tpu.wait_dma2 semaphore(%run_scoped3A : memref<!tpu.dma_semaphore, #tpu.memory_space<semaphore_mem>>) src(%dma_wait3A_167 : memref<80x16xf32, #tpu.memory_space<hbm>>) dst(%arg9 : memref<80x16xf32, #tpu.memory_space<vmem>>)
        tpu.yield
      }) : () -> ()
      %dma_start3A = arith.constant 0 : i32
      %dma_start3A_62 = arith.constant 0 : i32
      %dma_start3A_63 = arith.constant 0 : i32
      %dma_start3A_64 = tpu.memref_slice %arg11[%dma_start3A_62, %dma_start3A_63] : memref<1280x24xf32, #tpu.memory_space<vmem>> -> memref<128x24xf32, #tpu.memory_space<vmem>>
      %dma_start3A_65 = arith.constant 0 : i32
      %dma_start3A_66 = tpu.memref_slice %arg7[%dma_start3A, %dma_start3A_65] : memref<10x128xi32, #tpu.memory_space<vmem>> -> memref<1x128xi32, #tpu.memory_space<vmem>>
      %dma_start3A_67 = tpu.memref_squeeze %dma_start3A_66 : memref<1x128xi32, #tpu.memory_space<vmem>> -> memref<128xi32, #tpu.memory_space<vmem>>
      %dma_start3A_68 = arith.constant 0 : i32
      %dma_start3A_69 = arith.constant 0 : i32
      %dma_start3A_70 = tpu.memref_slice %arg2[%dma_start3A_68, %dma_start3A_69] : memref<50000x24xf32, #tpu.memory_space<hbm>> -> memref<50000x24xf32, #tpu.memory_space<hbm>>
      tpu.enqueue_indirect_dma source(%dma_start3A_70 : memref<50000x24xf32, #tpu.memory_space<hbm>>) target(%dma_start3A_64 : memref<128x24xf32, #tpu.memory_space<vmem>>) offsets(%dma_start3A_67 : memref<128xi32, #tpu.memory_space<vmem>>) semaphore(%arg15 : memref<!tpu.dma_semaphore, #tpu.memory_space<semaphore_mem>>)
      %dma_start3A_71 = arith.constant 1 : i32
      %dma_start3A_72 = arith.constant 128 : i32
      %dma_start3A_73 = arith.constant 0 : i32
      %dma_start3A_74 = tpu.memref_slice %arg11[%dma_start3A_72, %dma_start3A_73] : memref<1280x24xf32, #tpu.memory_space<vmem>> -> memref<128x24xf32, #tpu.memory_space<vmem>>
      %dma_start3A_75 = arith.constant 0 : i32
      %dma_start3A_76 = tpu.memref_slice %arg7[%dma_start3A_71, %dma_start3A_75] : memref<10x128xi32, #tpu.memory_space<vmem>> -> memref<1x128xi32, #tpu.memory_space<vmem>>
      %dma_start3A_77 = tpu.memref_squeeze %dma_start3A_76 : memref<1x128xi32, #tpu.memory_space<vmem>> -> memref<128xi32, #tpu.memory_space<vmem>>
      %dma_start3A_78 = arith.constant 0 : i32
      %dma_start3A_79 = arith.constant 0 : i32
      %dma_start3A_80 = tpu.memref_slice %arg2[%dma_start3A_78, %dma_start3A_79] : memref<50000x24xf32, #tpu.memory_space<hbm>> -> memref<50000x24xf32, #tpu.memory_space<hbm>>
      tpu.enqueue_indirect_dma source(%dma_start3A_80 : memref<50000x24xf32, #tpu.memory_space<hbm>>) target(%dma_start3A_74 : memref<128x24xf32, #tpu.memory_space<vmem>>) offsets(%dma_start3A_77 : memref<128xi32, #tpu.memory_space<vmem>>) semaphore(%arg15 : memref<!tpu.dma_semaphore, #tpu.memory_space<semaphore_mem>>)
      %dma_start3A_81 = arith.constant 2 : i32
      %dma_start3A_82 = arith.constant 256 : i32
      %dma_start3A_83 = arith.constant 0 : i32
      %dma_start3A_84 = tpu.memref_slice %arg11[%dma_start3A_82, %dma_start3A_83] : memref<1280x24xf32, #tpu.memory_space<vmem>> -> memref<128x24xf32, #tpu.memory_space<vmem>>
      %dma_start3A_85 = arith.constant 0 : i32
      %dma_start3A_86 = tpu.memref_slice %arg7[%dma_start3A_81, %dma_start3A_85] : memref<10x128xi32, #tpu.memory_space<vmem>> -> memref<1x128xi32, #tpu.memory_space<vmem>>
      %dma_start3A_87 = tpu.memref_squeeze %dma_start3A_86 : memref<1x128xi32, #tpu.memory_space<vmem>> -> memref<128xi32, #tpu.memory_space<vmem>>
      %dma_start3A_88 = arith.constant 0 : i32
      %dma_start3A_89 = arith.constant 0 : i32
      %dma_start3A_90 = tpu.memref_slice %arg2[%dma_start3A_88, %dma_start3A_89] : memref<50000x24xf32, #tpu.memory_space<hbm>> -> memref<50000x24xf32, #tpu.memory_space<hbm>>
      tpu.enqueue_indirect_dma source(%dma_start3A_90 : memref<50000x24xf32, #tpu.memory_space<hbm>>) target(%dma_start3A_84 : memref<128x24xf32, #tpu.memory_space<vmem>>) offsets(%dma_start3A_87 : memref<128xi32, #tpu.memory_space<vmem>>) semaphore(%arg15 : memref<!tpu.dma_semaphore, #tpu.memory_space<semaphore_mem>>)
      %dma_start3A_91 = arith.constant 3 : i32
      %dma_start3A_92 = arith.constant 384 : i32
      %dma_start3A_93 = arith.constant 0 : i32
      %dma_start3A_94 = tpu.memref_slice %arg11[%dma_start3A_92, %dma_start3A_93] : memref<1280x24xf32, #tpu.memory_space<vmem>> -> memref<128x24xf32, #tpu.memory_space<vmem>>
      %dma_start3A_95 = arith.constant 0 : i32
      %dma_start3A_96 = tpu.memref_slice %arg7[%dma_start3A_91, %dma_start3A_95] : memref<10x128xi32, #tpu.memory_space<vmem>> -> memref<1x128xi32, #tpu.memory_space<vmem>>
      %dma_start3A_97 = tpu.memref_squeeze %dma_start3A_96 : memref<1x128xi32, #tpu.memory_space<vmem>> -> memref<128xi32, #tpu.memory_space<vmem>>
      %dma_start3A_98 = arith.constant 0 : i32
      %dma_start3A_99 = arith.constant 0 : i32
      %dma_start3A_100 = tpu.memref_slice %arg2[%dma_start3A_98, %dma_start3A_99] : memref<50000x24xf32, #tpu.memory_space<hbm>> -> memref<50000x24xf32, #tpu.memory_space<hbm>>
      tpu.enqueue_indirect_dma source(%dma_start3A_100 : memref<50000x24xf32, #tpu.memory_space<hbm>>) target(%dma_start3A_94 : memref<128x24xf32, #tpu.memory_space<vmem>>) offsets(%dma_start3A_97 : memref<128xi32, #tpu.memory_space<vmem>>) semaphore(%arg15 : memref<!tpu.dma_semaphore, #tpu.memory_space<semaphore_mem>>)
      %dma_start3A_101 = arith.constant 4 : i32
      %dma_start3A_102 = arith.constant 512 : i32
      %dma_start3A_103 = arith.constant 0 : i32
      %dma_start3A_104 = tpu.memref_slice %arg11[%dma_start3A_102, %dma_start3A_103] : memref<1280x24xf32, #tpu.memory_space<vmem>> -> memref<128x24xf32, #tpu.memory_space<vmem>>
      %dma_start3A_105 = arith.constant 0 : i32
      %dma_start3A_106 = tpu.memref_slice %arg7[%dma_start3A_101, %dma_start3A_105] : memref<10x128xi32, #tpu.memory_space<vmem>> -> memref<1x128xi32, #tpu.memory_space<vmem>>
      %dma_start3A_107 = tpu.memref_squeeze %dma_start3A_106 : memref<1x128xi32, #tpu.memory_space<vmem>> -> memref<128xi32, #tpu.memory_space<vmem>>
      %dma_start3A_108 = arith.constant 0 : i32
      %dma_start3A_109 = arith.constant 0 : i32
      %dma_start3A_110 = tpu.memref_slice %arg2[%dma_start3A_108, %dma_start3A_109] : memref<50000x24xf32, #tpu.memory_space<hbm>> -> memref<50000x24xf32, #tpu.memory_space<hbm>>
      tpu.enqueue_indirect_dma source(%dma_start3A_110 : memref<50000x24xf32, #tpu.memory_space<hbm>>) target(%dma_start3A_104 : memref<128x24xf32, #tpu.memory_space<vmem>>) offsets(%dma_start3A_107 : memref<128xi32, #tpu.memory_space<vmem>>) semaphore(%arg15 : memref<!tpu.dma_semaphore, #tpu.memory_space<semaphore_mem>>)
      %dma_start3A_111 = arith.constant 5 : i32
      %dma_start3A_112 = arith.constant 640 : i32
      %dma_start3A_113 = arith.constant 0 : i32
      %dma_start3A_114 = tpu.memref_slice %arg11[%dma_start3A_112, %dma_start3A_113] : memref<1280x24xf32, #tpu.memory_space<vmem>> -> memref<128x24xf32, #tpu.memory_space<vmem>>
      %dma_start3A_115 = arith.constant 0 : i32
      %dma_start3A_116 = tpu.memref_slice %arg7[%dma_start3A_111, %dma_start3A_115] : memref<10x128xi32, #tpu.memory_space<vmem>> -> memref<1x128xi32, #tpu.memory_space<vmem>>
      %dma_start3A_117 = tpu.memref_squeeze %dma_start3A_116 : memref<1x128xi32, #tpu.memory_space<vmem>> -> memref<128xi32, #tpu.memory_space<vmem>>
      %dma_start3A_118 = arith.constant 0 : i32
      %dma_start3A_119 = arith.constant 0 : i32
      %dma_start3A_120 = tpu.memref_slice %arg2[%dma_start3A_118, %dma_start3A_119] : memref<50000x24xf32, #tpu.memory_space<hbm>> -> memref<50000x24xf32, #tpu.memory_space<hbm>>
      tpu.enqueue_indirect_dma source(%dma_start3A_120 : memref<50000x24xf32, #tpu.memory_space<hbm>>) target(%dma_start3A_114 : memref<128x24xf32, #tpu.memory_space<vmem>>) offsets(%dma_start3A_117 : memref<128xi32, #tpu.memory_space<vmem>>) semaphore(%arg15 : memref<!tpu.dma_semaphore, #tpu.memory_space<semaphore_mem>>)
      %dma_start3A_121 = arith.constant 6 : i32
      %dma_start3A_122 = arith.constant 768 : i32
      %dma_start3A_123 = arith.constant 0 : i32
      %dma_start3A_124 = tpu.memref_slice %arg11[%dma_start3A_122, %dma_start3A_123] : memref<1280x24xf32, #tpu.memory_space<vmem>> -> memref<128x24xf32, #tpu.memory_space<vmem>>
      %dma_start3A_125 = arith.constant 0 : i32
      %dma_start3A_126 = tpu.memref_slice %arg7[%dma_start3A_121, %dma_start3A_125] : memref<10x128xi32, #tpu.memory_space<vmem>> -> memref<1x128xi32, #tpu.memory_space<vmem>>
      %dma_start3A_127 = tpu.memref_squeeze %dma_start3A_126 : memref<1x128xi32, #tpu.memory_space<vmem>> -> memref<128xi32, #tpu.memory_space<vmem>>
      %dma_start3A_128 = arith.constant 0 : i32
      %dma_start3A_129 = arith.constant 0 : i32
      %dma_start3A_130 = tpu.memref_slice %arg2[%dma_start3A_128, %dma_start3A_129] : memref<50000x24xf32, #tpu.memory_space<hbm>> -> memref<50000x24xf32, #tpu.memory_space<hbm>>
      tpu.enqueue_indirect_dma source(%dma_start3A_130 : memref<50000x24xf32, #tpu.memory_space<hbm>>) target(%dma_start3A_124 : memref<128x24xf32, #tpu.memory_space<vmem>>) offsets(%dma_start3A_127 : memref<128xi32, #tpu.memory_space<vmem>>) semaphore(%arg15 : memref<!tpu.dma_semaphore, #tpu.memory_space<semaphore_mem>>)
      %dma_start3A_131 = arith.constant 7 : i32
      %dma_start3A_132 = arith.constant 896 : i32
      %dma_start3A_133 = arith.constant 0 : i32
      %dma_start3A_134 = tpu.memref_slice %arg11[%dma_start3A_132, %dma_start3A_133] : memref<1280x24xf32, #tpu.memory_space<vmem>> -> memref<128x24xf32, #tpu.memory_space<vmem>>
      %dma_start3A_135 = arith.constant 0 : i32
      %dma_start3A_136 = tpu.memref_slice %arg7[%dma_start3A_131, %dma_start3A_135] : memref<10x128xi32, #tpu.memory_space<vmem>> -> memref<1x128xi32, #tpu.memory_space<vmem>>
      %dma_start3A_137 = tpu.memref_squeeze %dma_start3A_136 : memref<1x128xi32, #tpu.memory_space<vmem>> -> memref<128xi32, #tpu.memory_space<vmem>>
      %dma_start3A_138 = arith.constant 0 : i32
      %dma_start3A_139 = arith.constant 0 : i32
      %dma_start3A_140 = tpu.memref_slice %arg2[%dma_start3A_138, %dma_start3A_139] : memref<50000x24xf32, #tpu.memory_space<hbm>> -> memref<50000x24xf32, #tpu.memory_space<hbm>>
      tpu.enqueue_indirect_dma source(%dma_start3A_140 : memref<50000x24xf32, #tpu.memory_space<hbm>>) target(%dma_start3A_134 : memref<128x24xf32, #tpu.memory_space<vmem>>) offsets(%dma_start3A_137 : memref<128xi32, #tpu.memory_space<vmem>>) semaphore(%arg15 : memref<!tpu.dma_semaphore, #tpu.memory_space<semaphore_mem>>)
      %dma_start3A_141 = arith.constant 8 : i32
      %dma_start3A_142 = arith.constant 1024 : i32
      %dma_start3A_143 = arith.constant 0 : i32
      %dma_start3A_144 = tpu.memref_slice %arg11[%dma_start3A_142, %dma_start3A_143] : memref<1280x24xf32, #tpu.memory_space<vmem>> -> memref<128x24xf32, #tpu.memory_space<vmem>>
      %dma_start3A_145 = arith.constant 0 : i32
      %dma_start3A_146 = tpu.memref_slice %arg7[%dma_start3A_141, %dma_start3A_145] : memref<10x128xi32, #tpu.memory_space<vmem>> -> memref<1x128xi32, #tpu.memory_space<vmem>>
      %dma_start3A_147 = tpu.memref_squeeze %dma_start3A_146 : memref<1x128xi32, #tpu.memory_space<vmem>> -> memref<128xi32, #tpu.memory_space<vmem>>
      %dma_start3A_148 = arith.constant 0 : i32
      %dma_start3A_149 = arith.constant 0 : i32
      %dma_start3A_150 = tpu.memref_slice %arg2[%dma_start3A_148, %dma_start3A_149] : memref<50000x24xf32, #tpu.memory_space<hbm>> -> memref<50000x24xf32, #tpu.memory_space<hbm>>
      tpu.enqueue_indirect_dma source(%dma_start3A_150 : memref<50000x24xf32, #tpu.memory_space<hbm>>) target(%dma_start3A_144 : memref<128x24xf32, #tpu.memory_space<vmem>>) offsets(%dma_start3A_147 : memref<128xi32, #tpu.memory_space<vmem>>) semaphore(%arg15 : memref<!tpu.dma_semaphore, #tpu.memory_space<semaphore_mem>>)
      %dma_start3A_151 = arith.constant 9 : i32
      %dma_start3A_152 = arith.constant 1152 : i32
      %dma_start3A_153 = arith.constant 0 : i32
      %dma_start3A_154 = tpu.memref_slice %arg11[%dma_start3A_152, %dma_start3A_153] : memref<1280x24xf32, #tpu.memory_space<vmem>> -> memref<128x24xf32, #tpu.memory_space<vmem>>
      %dma_start3A_155 = arith.constant 0 : i32
      %dma_start3A_156 = tpu.memref_slice %arg7[%dma_start3A_151, %dma_start3A_155] : memref<10x128xi32, #tpu.memory_space<vmem>> -> memref<1x128xi32, #tpu.memory_space<vmem>>
      %dma_start3A_157 = tpu.memref_squeeze %dma_start3A_156 : memref<1x128xi32, #tpu.memory_space<vmem>> -> memref<128xi32, #tpu.memory_space<vmem>>
      %dma_start3A_158 = arith.constant 0 : i32
      %dma_start3A_159 = arith.constant 0 : i32
      %dma_start3A_160 = tpu.memref_slice %arg2[%dma_start3A_158, %dma_start3A_159] : memref<50000x24xf32, #tpu.memory_space<hbm>> -> memref<50000x24xf32, #tpu.memory_space<hbm>>
      tpu.enqueue_indirect_dma source(%dma_start3A_160 : memref<50000x24xf32, #tpu.memory_space<hbm>>) target(%dma_start3A_154 : memref<128x24xf32, #tpu.memory_space<vmem>>) offsets(%dma_start3A_157 : memref<128xi32, #tpu.memory_space<vmem>>) semaphore(%arg15 : memref<!tpu.dma_semaphore, #tpu.memory_space<semaphore_mem>>)
    } else {
    }
    %scan3A = arith.constant 0 : i32
    %scan3A_21 = arith.constant 0 : i32
    %scan3A_22 = arith.constant 10 : i32
    %scan3A_23 = arith.addi %scan3A_21, %scan3A_22 : i32
    %scan3A_24 = arith.constant 1 : i32
    %scan3A_25 = scf.for %scan3A_58 = %scan3A_21 to %scan3A_23 step %scan3A_24 iter_args(%scan3A_59 = %scan3A) -> (i32)  : i32 {
      %mul3A_60 = arith.constant 2 : i32
      %mul3A_61 = arith.muli %mul3A_60, %scan3A_58 : i32
      %add3A_62 = arith.constant 0 : i32
      %add3A_63 = arith.addi %mul3A_61, %add3A_62 : i32
      %mul3A_64 = arith.constant 32 : i32
      %mul3A_65 = arith.muli %add3A_63, %mul3A_64 : i32
      %add3A_66 = arith.addi %add3A, %mul3A_65 : i32
      %add3A_67 = arith.constant 64 : i32
      %add3A_68 = arith.addi %add3A_66, %add3A_67 : i32
      %lt3A_69 = arith.constant 625 : i32
      %lt3A_70 = arith.cmpi slt, %add3A_66, %lt3A_69 : i32
      %convert_element_type3A_71 = arith.extui %lt3A_70 : i1 to i32
      %cond3A_72 = arith.constant 0 : i32
      %cond3A_73 = arith.cmpi ne, %convert_element_type3A_71, %cond3A_72 : i32
      scf.if %cond3A_73 {
        %dma_wait3A = arith.constant 0 : i32
        %dma_wait3A_89 = arith.constant 0 : i32
        %dma_wait3A_90 = arith.constant 0 : i32
        %dma_wait3A_91 = tpu.memref_slice %arg10[%dma_wait3A_89, %dma_wait3A_90] : memref<1280x24xf32, #tpu.memory_space<vmem>> -> memref<128x24xf32, #tpu.memory_space<vmem>>
        %dma_wait3A_92 = arith.constant 0 : i32
        %dma_wait3A_93 = tpu.memref_slice %arg6[%dma_wait3A, %dma_wait3A_92] : memref<10x128xi32, #tpu.memory_space<vmem>> -> memref<1x128xi32, #tpu.memory_space<vmem>>
        %dma_wait3A_94 = tpu.memref_squeeze %dma_wait3A_93 : memref<1x128xi32, #tpu.memory_space<vmem>> -> memref<128xi32, #tpu.memory_space<vmem>>
        %dma_wait3A_95 = arith.constant 0 : i32
        %dma_wait3A_96 = arith.constant 0 : i32
        %dma_wait3A_97 = tpu.memref_slice %arg2[%dma_wait3A_95, %dma_wait3A_96] : memref<50000x24xf32, #tpu.memory_space<hbm>> -> memref<50000x24xf32, #tpu.memory_space<hbm>>
        tpu.wait_indirect_dma semaphore(%arg14 : memref<!tpu.dma_semaphore, #tpu.memory_space<semaphore_mem>>) src(%dma_wait3A_97 : memref<50000x24xf32, #tpu.memory_space<hbm>>) dst(%dma_wait3A_91 : memref<128x24xf32, #tpu.memory_space<vmem>>)
        %dma_wait3A_98 = arith.constant 1 : i32
        %dma_wait3A_99 = arith.constant 128 : i32
        %dma_wait3A_100 = arith.constant 0 : i32
        %dma_wait3A_101 = tpu.memref_slice %arg10[%dma_wait3A_99, %dma_wait3A_100] : memref<1280x24xf32, #tpu.memory_space<vmem>> -> memref<128x24xf32, #tpu.memory_space<vmem>>
        %dma_wait3A_102 = arith.constant 0 : i32
        %dma_wait3A_103 = tpu.memref_slice %arg6[%dma_wait3A_98, %dma_wait3A_102] : memref<10x128xi32, #tpu.memory_space<vmem>> -> memref<1x128xi32, #tpu.memory_space<vmem>>
        %dma_wait3A_104 = tpu.memref_squeeze %dma_wait3A_103 : memref<1x128xi32, #tpu.memory_space<vmem>> -> memref<128xi32, #tpu.memory_space<vmem>>
        %dma_wait3A_105 = arith.constant 0 : i32
        %dma_wait3A_106 = arith.constant 0 : i32
        %dma_wait3A_107 = tpu.memref_slice %arg2[%dma_wait3A_105, %dma_wait3A_106] : memref<50000x24xf32, #tpu.memory_space<hbm>> -> memref<50000x24xf32, #tpu.memory_space<hbm>>
        tpu.wait_indirect_dma semaphore(%arg14 : memref<!tpu.dma_semaphore, #tpu.memory_space<semaphore_mem>>) src(%dma_wait3A_107 : memref<50000x24xf32, #tpu.memory_space<hbm>>) dst(%dma_wait3A_101 : memref<128x24xf32, #tpu.memory_space<vmem>>)
        %dma_wait3A_108 = arith.constant 2 : i32
        %dma_wait3A_109 = arith.constant 256 : i32
        %dma_wait3A_110 = arith.constant 0 : i32
        %dma_wait3A_111 = tpu.memref_slice %arg10[%dma_wait3A_109, %dma_wait3A_110] : memref<1280x24xf32, #tpu.memory_space<vmem>> -> memref<128x24xf32, #tpu.memory_space<vmem>>
        %dma_wait3A_112 = arith.constant 0 : i32
        %dma_wait3A_113 = tpu.memref_slice %arg6[%dma_wait3A_108, %dma_wait3A_112] : memref<10x128xi32, #tpu.memory_space<vmem>> -> memref<1x128xi32, #tpu.memory_space<vmem>>
        %dma_wait3A_114 = tpu.memref_squeeze %dma_wait3A_113 : memref<1x128xi32, #tpu.memory_space<vmem>> -> memref<128xi32, #tpu.memory_space<vmem>>
        %dma_wait3A_115 = arith.constant 0 : i32
        %dma_wait3A_116 = arith.constant 0 : i32
        %dma_wait3A_117 = tpu.memref_slice %arg2[%dma_wait3A_115, %dma_wait3A_116] : memref<50000x24xf32, #tpu.memory_space<hbm>> -> memref<50000x24xf32, #tpu.memory_space<hbm>>
        tpu.wait_indirect_dma semaphore(%arg14 : memref<!tpu.dma_semaphore, #tpu.memory_space<semaphore_mem>>) src(%dma_wait3A_117 : memref<50000x24xf32, #tpu.memory_space<hbm>>) dst(%dma_wait3A_111 : memref<128x24xf32, #tpu.memory_space<vmem>>)
        %dma_wait3A_118 = arith.constant 3 : i32
        %dma_wait3A_119 = arith.constant 384 : i32
        %dma_wait3A_120 = arith.constant 0 : i32
        %dma_wait3A_121 = tpu.memref_slice %arg10[%dma_wait3A_119, %dma_wait3A_120] : memref<1280x24xf32, #tpu.memory_space<vmem>> -> memref<128x24xf32, #tpu.memory_space<vmem>>
        %dma_wait3A_122 = arith.constant 0 : i32
        %dma_wait3A_123 = tpu.memref_slice %arg6[%dma_wait3A_118, %dma_wait3A_122] : memref<10x128xi32, #tpu.memory_space<vmem>> -> memref<1x128xi32, #tpu.memory_space<vmem>>
        %dma_wait3A_124 = tpu.memref_squeeze %dma_wait3A_123 : memref<1x128xi32, #tpu.memory_space<vmem>> -> memref<128xi32, #tpu.memory_space<vmem>>
        %dma_wait3A_125 = arith.constant 0 : i32
        %dma_wait3A_126 = arith.constant 0 : i32
        %dma_wait3A_127 = tpu.memref_slice %arg2[%dma_wait3A_125, %dma_wait3A_126] : memref<50000x24xf32, #tpu.memory_space<hbm>> -> memref<50000x24xf32, #tpu.memory_space<hbm>>
        tpu.wait_indirect_dma semaphore(%arg14 : memref<!tpu.dma_semaphore, #tpu.memory_space<semaphore_mem>>) src(%dma_wait3A_127 : memref<50000x24xf32, #tpu.memory_space<hbm>>) dst(%dma_wait3A_121 : memref<128x24xf32, #tpu.memory_space<vmem>>)
        %dma_wait3A_128 = arith.constant 4 : i32
        %dma_wait3A_129 = arith.constant 512 : i32
        %dma_wait3A_130 = arith.constant 0 : i32
        %dma_wait3A_131 = tpu.memref_slice %arg10[%dma_wait3A_129, %dma_wait3A_130] : memref<1280x24xf32, #tpu.memory_space<vmem>> -> memref<128x24xf32, #tpu.memory_space<vmem>>
        %dma_wait3A_132 = arith.constant 0 : i32
        %dma_wait3A_133 = tpu.memref_slice %arg6[%dma_wait3A_128, %dma_wait3A_132] : memref<10x128xi32, #tpu.memory_space<vmem>> -> memref<1x128xi32, #tpu.memory_space<vmem>>
        %dma_wait3A_134 = tpu.memref_squeeze %dma_wait3A_133 : memref<1x128xi32, #tpu.memory_space<vmem>> -> memref<128xi32, #tpu.memory_space<vmem>>
        %dma_wait3A_135 = arith.constant 0 : i32
        %dma_wait3A_136 = arith.constant 0 : i32
        %dma_wait3A_137 = tpu.memref_slice %arg2[%dma_wait3A_135, %dma_wait3A_136] : memref<50000x24xf32, #tpu.memory_space<hbm>> -> memref<50000x24xf32, #tpu.memory_space<hbm>>
        tpu.wait_indirect_dma semaphore(%arg14 : memref<!tpu.dma_semaphore, #tpu.memory_space<semaphore_mem>>) src(%dma_wait3A_137 : memref<50000x24xf32, #tpu.memory_space<hbm>>) dst(%dma_wait3A_131 : memref<128x24xf32, #tpu.memory_space<vmem>>)
        %dma_wait3A_138 = arith.constant 5 : i32
        %dma_wait3A_139 = arith.constant 640 : i32
        %dma_wait3A_140 = arith.constant 0 : i32
        %dma_wait3A_141 = tpu.memref_slice %arg10[%dma_wait3A_139, %dma_wait3A_140] : memref<1280x24xf32, #tpu.memory_space<vmem>> -> memref<128x24xf32, #tpu.memory_space<vmem>>
        %dma_wait3A_142 = arith.constant 0 : i32
        %dma_wait3A_143 = tpu.memref_slice %arg6[%dma_wait3A_138, %dma_wait3A_142] : memref<10x128xi32, #tpu.memory_space<vmem>> -> memref<1x128xi32, #tpu.memory_space<vmem>>
        %dma_wait3A_144 = tpu.memref_squeeze %dma_wait3A_143 : memref<1x128xi32, #tpu.memory_space<vmem>> -> memref<128xi32, #tpu.memory_space<vmem>>
        %dma_wait3A_145 = arith.constant 0 : i32
        %dma_wait3A_146 = arith.constant 0 : i32
        %dma_wait3A_147 = tpu.memref_slice %arg2[%dma_wait3A_145, %dma_wait3A_146] : memref<50000x24xf32, #tpu.memory_space<hbm>> -> memref<50000x24xf32, #tpu.memory_space<hbm>>
        tpu.wait_indirect_dma semaphore(%arg14 : memref<!tpu.dma_semaphore, #tpu.memory_space<semaphore_mem>>) src(%dma_wait3A_147 : memref<50000x24xf32, #tpu.memory_space<hbm>>) dst(%dma_wait3A_141 : memref<128x24xf32, #tpu.memory_space<vmem>>)
        %dma_wait3A_148 = arith.constant 6 : i32
        %dma_wait3A_149 = arith.constant 768 : i32
        %dma_wait3A_150 = arith.constant 0 : i32
        %dma_wait3A_151 = tpu.memref_slice %arg10[%dma_wait3A_149, %dma_wait3A_150] : memref<1280x24xf32, #tpu.memory_space<vmem>> -> memref<128x24xf32, #tpu.memory_space<vmem>>
        %dma_wait3A_152 = arith.constant 0 : i32
        %dma_wait3A_153 = tpu.memref_slice %arg6[%dma_wait3A_148, %dma_wait3A_152] : memref<10x128xi32, #tpu.memory_space<vmem>> -> memref<1x128xi32, #tpu.memory_space<vmem>>
        %dma_wait3A_154 = tpu.memref_squeeze %dma_wait3A_153 : memref<1x128xi32, #tpu.memory_space<vmem>> -> memref<128xi32, #tpu.memory_space<vmem>>
        %dma_wait3A_155 = arith.constant 0 : i32
        %dma_wait3A_156 = arith.constant 0 : i32
        %dma_wait3A_157 = tpu.memref_slice %arg2[%dma_wait3A_155, %dma_wait3A_156] : memref<50000x24xf32, #tpu.memory_space<hbm>> -> memref<50000x24xf32, #tpu.memory_space<hbm>>
        tpu.wait_indirect_dma semaphore(%arg14 : memref<!tpu.dma_semaphore, #tpu.memory_space<semaphore_mem>>) src(%dma_wait3A_157 : memref<50000x24xf32, #tpu.memory_space<hbm>>) dst(%dma_wait3A_151 : memref<128x24xf32, #tpu.memory_space<vmem>>)
        %dma_wait3A_158 = arith.constant 7 : i32
        %dma_wait3A_159 = arith.constant 896 : i32
        %dma_wait3A_160 = arith.constant 0 : i32
        %dma_wait3A_161 = tpu.memref_slice %arg10[%dma_wait3A_159, %dma_wait3A_160] : memref<1280x24xf32, #tpu.memory_space<vmem>> -> memref<128x24xf32, #tpu.memory_space<vmem>>
        %dma_wait3A_162 = arith.constant 0 : i32
        %dma_wait3A_163 = tpu.memref_slice %arg6[%dma_wait3A_158, %dma_wait3A_162] : memref<10x128xi32, #tpu.memory_space<vmem>> -> memref<1x128xi32, #tpu.memory_space<vmem>>
        %dma_wait3A_164 = tpu.memref_squeeze %dma_wait3A_163 : memref<1x128xi32, #tpu.memory_space<vmem>> -> memref<128xi32, #tpu.memory_space<vmem>>
        %dma_wait3A_165 = arith.constant 0 : i32
        %dma_wait3A_166 = arith.constant 0 : i32
        %dma_wait3A_167 = tpu.memref_slice %arg2[%dma_wait3A_165, %dma_wait3A_166] : memref<50000x24xf32, #tpu.memory_space<hbm>> -> memref<50000x24xf32, #tpu.memory_space<hbm>>
        tpu.wait_indirect_dma semaphore(%arg14 : memref<!tpu.dma_semaphore, #tpu.memory_space<semaphore_mem>>) src(%dma_wait3A_167 : memref<50000x24xf32, #tpu.memory_space<hbm>>) dst(%dma_wait3A_161 : memref<128x24xf32, #tpu.memory_space<vmem>>)
        %dma_wait3A_168 = arith.constant 8 : i32
        %dma_wait3A_169 = arith.constant 1024 : i32
        %dma_wait3A_170 = arith.constant 0 : i32
        %dma_wait3A_171 = tpu.memref_slice %arg10[%dma_wait3A_169, %dma_wait3A_170] : memref<1280x24xf32, #tpu.memory_space<vmem>> -> memref<128x24xf32, #tpu.memory_space<vmem>>
        %dma_wait3A_172 = arith.constant 0 : i32
        %dma_wait3A_173 = tpu.memref_slice %arg6[%dma_wait3A_168, %dma_wait3A_172] : memref<10x128xi32, #tpu.memory_space<vmem>> -> memref<1x128xi32, #tpu.memory_space<vmem>>
        %dma_wait3A_174 = tpu.memref_squeeze %dma_wait3A_173 : memref<1x128xi32, #tpu.memory_space<vmem>> -> memref<128xi32, #tpu.memory_space<vmem>>
        %dma_wait3A_175 = arith.constant 0 : i32
        %dma_wait3A_176 = arith.constant 0 : i32
        %dma_wait3A_177 = tpu.memref_slice %arg2[%dma_wait3A_175, %dma_wait3A_176] : memref<50000x24xf32, #tpu.memory_space<hbm>> -> memref<50000x24xf32, #tpu.memory_space<hbm>>
        tpu.wait_indirect_dma semaphore(%arg14 : memref<!tpu.dma_semaphore, #tpu.memory_space<semaphore_mem>>) src(%dma_wait3A_177 : memref<50000x24xf32, #tpu.memory_space<hbm>>) dst(%dma_wait3A_171 : memref<128x24xf32, #tpu.memory_space<vmem>>)
        %dma_wait3A_178 = arith.constant 9 : i32
        %dma_wait3A_179 = arith.constant 1152 : i32
        %dma_wait3A_180 = arith.constant 0 : i32
        %dma_wait3A_181 = tpu.memref_slice %arg10[%dma_wait3A_179, %dma_wait3A_180] : memref<1280x24xf32, #tpu.memory_space<vmem>> -> memref<128x24xf32, #tpu.memory_space<vmem>>
        %dma_wait3A_182 = arith.constant 0 : i32
        %dma_wait3A_183 = tpu.memref_slice %arg6[%dma_wait3A_178, %dma_wait3A_182] : memref<10x128xi32, #tpu.memory_space<vmem>> -> memref<1x128xi32, #tpu.memory_space<vmem>>
        %dma_wait3A_184 = tpu.memref_squeeze %dma_wait3A_183 : memref<1x128xi32, #tpu.memory_space<vmem>> -> memref<128xi32, #tpu.memory_space<vmem>>
        %dma_wait3A_185 = arith.constant 0 : i32
        %dma_wait3A_186 = arith.constant 0 : i32
        %dma_wait3A_187 = tpu.memref_slice %arg2[%dma_wait3A_185, %dma_wait3A_186] : memref<50000x24xf32, #tpu.memory_space<hbm>> -> memref<50000x24xf32, #tpu.memory_space<hbm>>
        tpu.wait_indirect_dma semaphore(%arg14 : memref<!tpu.dma_semaphore, #tpu.memory_space<semaphore_mem>>) src(%dma_wait3A_187 : memref<50000x24xf32, #tpu.memory_space<hbm>>) dst(%dma_wait3A_181 : memref<128x24xf32, #tpu.memory_space<vmem>>)
        %ge3A_188 = arith.constant 2 : i32
        %ge3A_189 = arith.cmpi sge, %add3A_63, %ge3A_188 : i32
        %convert_element_type3A_190 = arith.extui %ge3A_189 : i1 to i32
        %cond3A_191 = arith.constant 0 : i32
        %cond3A_192 = arith.cmpi ne, %convert_element_type3A_190, %cond3A_191 : i32
        scf.if %cond3A_192 {
          %dma_wait3A_210 = arith.constant 0 : i32
          %dma_wait3A_211 = arith.constant 0 : i32
          %dma_wait3A_212 = tpu.memref_slice %arg5[%dma_wait3A_210, %dma_wait3A_211] : memref<320x50000xf32, #tpu.memory_space<hbm>> -> memref<320x80xf32, #tpu.memory_space<hbm>>
          %dma_wait3A_213 = arith.constant 0 : i32
          %dma_wait3A_214 = arith.constant 0 : i32
          %dma_wait3A_215 = tpu.memref_slice %arg5[%dma_wait3A_213, %dma_wait3A_214] : memref<320x50000xf32, #tpu.memory_space<hbm>> -> memref<320x80xf32, #tpu.memory_space<hbm>>
          tpu.wait_dma2 semaphore(%arg16 : memref<!tpu.dma_semaphore, #tpu.memory_space<semaphore_mem>>) src(%dma_wait3A_215 : memref<320x80xf32, #tpu.memory_space<hbm>>) dst(%arg12 : memref<320x80xf32, #tpu.memory_space<vmem>>)
        } else {
        }
        %scan3A_193 = arith.constant 0 : i32
        %scan3A_194 = arith.constant 0 : i32
        %scan3A_195 = arith.constant 80 : i32
        %scan3A_196 = arith.addi %scan3A_194, %scan3A_195 : i32
        %scan3A_197 = arith.constant 1 : i32
        %scan3A_198 = scf.for %scan3A_210 = %scan3A_194 to %scan3A_196 step %scan3A_197 iter_args(%scan3A_211 = %scan3A_193) -> (i32)  : i32 {
          %mul3A_212 = arith.constant 16 : i32
          %mul3A_213 = arith.muli %scan3A_210, %mul3A_212 : i32
          %broadcast_in_dim3A = vector.broadcast %scan3A_210 : i32 to vector<16xi32>
          %get3A = arith.index_cast %scan3A_210 : i32 to index
          %get3A_214 = arith.constant 0 : index
          %get3A_215 = tpu.vector_load %arg8[%get3A, %get3A_214] {strides = array<i32>} : memref<80x16xf32, #tpu.memory_space<vmem>>, vector<16xf32>,
          %mul3A_216 = arith.constant -1.000000e+01 : f32
          %mul3A_217 = vector.broadcast %mul3A_216 : f32 to vector<16xf32>
          %mul3A_218 = arith.mulf %get3A_215, %mul3A_217 : vector<16xf32>
          %exp3A = math.exp %mul3A_218 : vector<16xf32>
          %add3A_219 = vector.broadcast %mul3A_213 : i32 to vector<16xi32>
          %add3A_220 = arith.addi %add3A_219, %iota3A : vector<16xi32>
          %broadcast_in_dim3A_221 = arith.constant 16 : i32
          %broadcast_in_dim3A_222 = vector.broadcast %broadcast_in_dim3A_221 : i32 to vector<16xi32>
          %gather3A = tpu.vector_load_idx %arg10[%add3A_220, %broadcast_in_dim3A_222] : memref<1280x24xf32, #tpu.memory_space<vmem>>[vector<16xi32>, vector<16xi32>], vector<16xf32>,
          %add3A_223 = vector.broadcast %mul3A_213 : i32 to vector<16xi32>
          %add3A_224 = arith.addi %add3A_223, %iota3A : vector<16xi32>
          %broadcast_in_dim3A_225 = arith.constant 17 : i32
          %broadcast_in_dim3A_226 = vector.broadcast %broadcast_in_dim3A_225 : i32 to vector<16xi32>
          %gather3A_227 = tpu.vector_load_idx %arg10[%add3A_224, %broadcast_in_dim3A_226] : memref<1280x24xf32, #tpu.memory_space<vmem>>[vector<16xi32>, vector<16xi32>], vector<16xf32>,
          %add3A_228 = vector.broadcast %mul3A_213 : i32 to vector<16xi32>
          %add3A_229 = arith.addi %add3A_228, %iota3A : vector<16xi32>
          %broadcast_in_dim3A_230 = arith.constant 18 : i32
          %broadcast_in_dim3A_231 = vector.broadcast %broadcast_in_dim3A_230 : i32 to vector<16xi32>
          %gather3A_232 = tpu.vector_load_idx %arg10[%add3A_229, %broadcast_in_dim3A_231] : memref<1280x24xf32, #tpu.memory_space<vmem>>[vector<16xi32>, vector<16xi32>], vector<16xf32>,
          %add3A_233 = vector.broadcast %mul3A_213 : i32 to vector<16xi32>
          %add3A_234 = arith.addi %add3A_233, %iota3A : vector<16xi32>
          %broadcast_in_dim3A_235 = arith.constant 19 : i32
          %broadcast_in_dim3A_236 = vector.broadcast %broadcast_in_dim3A_235 : i32 to vector<16xi32>
          %gather3A_237 = tpu.vector_load_idx %arg10[%add3A_234, %broadcast_in_dim3A_236] : memref<1280x24xf32, #tpu.memory_space<vmem>>[vector<16xi32>, vector<16xi32>], vector<16xf32>,
          %broadcast_in_dim3A_238 = arith.constant 0.000000e+00 : f32
          %broadcast_in_dim3A_239 = vector.broadcast %broadcast_in_dim3A_238 : f32 to vector<16xf32>
          %broadcast_in_dim3A_240 = arith.constant 0.000000e+00 : f32
          %broadcast_in_dim3A_241 = vector.broadcast %broadcast_in_dim3A_240 : f32 to vector<16xf32>
          %broadcast_in_dim3A_242 = arith.constant 0.000000e+00 : f32
          %broadcast_in_dim3A_243 = vector.broadcast %broadcast_in_dim3A_242 : f32 to vector<16xf32>
          %broadcast_in_dim3A_244 = arith.constant 0.000000e+00 : f32
          %broadcast_in_dim3A_245 = vector.broadcast %broadcast_in_dim3A_244 : f32 to vector<16xf32>
          %broadcast_in_dim3A_246 = arith.constant 0.000000e+00 : f32
          %broadcast_in_dim3A_247 = vector.broadcast %broadcast_in_dim3A_246 : f32 to vector<16xf32>
          %broadcast_in_dim3A_248 = arith.constant 0.000000e+00 : f32
          %broadcast_in_dim3A_249 = vector.broadcast %broadcast_in_dim3A_248 : f32 to vector<16xf32>
          %broadcast_in_dim3A_250 = arith.constant 0.000000e+00 : f32
          %broadcast_in_dim3A_251 = vector.broadcast %broadcast_in_dim3A_250 : f32 to vector<16xf32>
          %broadcast_in_dim3A_252 = arith.constant 0.000000e+00 : f32
          %broadcast_in_dim3A_253 = vector.broadcast %broadcast_in_dim3A_252 : f32 to vector<16xf32>
          %broadcast_in_dim3A_254 = arith.constant 0.000000e+00 : f32
          %broadcast_in_dim3A_255 = vector.broadcast %broadcast_in_dim3A_254 : f32 to vector<16xf32>
          %broadcast_in_dim3A_256 = arith.constant 0.000000e+00 : f32
          %broadcast_in_dim3A_257 = vector.broadcast %broadcast_in_dim3A_256 : f32 to vector<16xf32>
          %broadcast_in_dim3A_258 = arith.constant 0.000000e+00 : f32
          %broadcast_in_dim3A_259 = vector.broadcast %broadcast_in_dim3A_258 : f32 to vector<16xf32>
          %broadcast_in_dim3A_260 = arith.constant 0.000000e+00 : f32
          %broadcast_in_dim3A_261 = vector.broadcast %broadcast_in_dim3A_260 : f32 to vector<16xf32>
          %broadcast_in_dim3A_262 = arith.constant 0.000000e+00 : f32
          %broadcast_in_dim3A_263 = vector.broadcast %broadcast_in_dim3A_262 : f32 to vector<16xf32>
          %broadcast_in_dim3A_264 = arith.constant 0.000000e+00 : f32
          %broadcast_in_dim3A_265 = vector.broadcast %broadcast_in_dim3A_264 : f32 to vector<16xf32>
          %broadcast_in_dim3A_266 = arith.constant 0.000000e+00 : f32
          %broadcast_in_dim3A_267 = vector.broadcast %broadcast_in_dim3A_266 : f32 to vector<16xf32>
          %broadcast_in_dim3A_268 = arith.constant 0 : i32
          %broadcast_in_dim3A_269 = vector.broadcast %broadcast_in_dim3A_268 : i32 to vector<16xi32>
          %add3A_270 = arith.constant 0 : i32
          %add3A_271 = arith.addi %mul3A_213, %add3A_270 : i32
          %get3A_272 = arith.index_cast %add3A_271 : i32 to index
          %get3A_273 = arith.constant 0 : index
          %get3A_274 = tpu.vector_load %arg10[%get3A_272, %get3A_273] {strides = array<i32>} : memref<1280x24xf32, #tpu.memory_space<vmem>>, vector<16xf32>,
          %reshape3A = vector.shape_cast %broadcast_in_dim3A_269 : vector<16xi32> to vector<16x1xi32>
          %gather3A_275 = vector.shape_cast %reshape3A : vector<16x1xi32> to vector<16xi32>
          %gather3A_276 = tpu.dynamic_gather %exp3A[%gather3A_275] in [0] : vector<16xf32>, vector<16xi32> -> vector<16xf32>
          %reshape3A_277 = vector.shape_cast %broadcast_in_dim3A_269 : vector<16xi32> to vector<16x1xi32>
          %gather3A_278 = vector.shape_cast %reshape3A_277 : vector<16x1xi32> to vector<16xi32>
          %gather3A_279 = tpu.dynamic_gather %gather3A[%gather3A_278] in [0] : vector<16xf32>, vector<16xi32> -> vector<16xf32>
          %reshape3A_280 = vector.shape_cast %broadcast_in_dim3A_269 : vector<16xi32> to vector<16x1xi32>
          %gather3A_281 = vector.shape_cast %reshape3A_280 : vector<16x1xi32> to vector<16xi32>
          %gather3A_282 = tpu.dynamic_gather %gather3A_227[%gather3A_281] in [0] : vector<16xf32>, vector<16xi32> -> vector<16xf32>
          %reshape3A_283 = vector.shape_cast %broadcast_in_dim3A_269 : vector<16xi32> to vector<16x1xi32>
          %gather3A_284 = vector.shape_cast %reshape3A_283 : vector<16x1xi32> to vector<16xi32>
          %gather3A_285 = tpu.dynamic_gather %gather3A_232[%gather3A_284] in [0] : vector<16xf32>, vector<16xi32> -> vector<16xf32>
          %reshape3A_286 = vector.shape_cast %broadcast_in_dim3A_269 : vector<16xi32> to vector<16x1xi32>
          %gather3A_287 = vector.shape_cast %reshape3A_286 : vector<16x1xi32> to vector<16xi32>
          %gather3A_288 = tpu.dynamic_gather %gather3A_237[%gather3A_287] in [0] : vector<16xf32>, vector<16xi32> -> vector<16xf32>
          %mul3A_289 = arith.mulf %get3A_274, %gather3A_276 : vector<16xf32>
          %add3A_290 = arith.addf %broadcast_in_dim3A_239, %mul3A_289 : vector<16xf32>
          %mul3A_291 = arith.mulf %mul3A_289, %gather3A_279 : vector<16xf32>
          %add3A_292 = arith.addf %broadcast_in_dim3A_241, %mul3A_291 : vector<16xf32>
          %mul3A_293 = arith.mulf %mul3A_291, %gather3A_279 : vector<16xf32>
          %add3A_294 = arith.addf %broadcast_in_dim3A_249, %mul3A_293 : vector<16xf32>
          %mul3A_295 = arith.mulf %mul3A_291, %gather3A_282 : vector<16xf32>
          %add3A_296 = arith.addf %broadcast_in_dim3A_251, %mul3A_295 : vector<16xf32>
          %mul3A_297 = arith.mulf %mul3A_291, %gather3A_285 : vector<16xf32>
          %add3A_298 = arith.addf %broadcast_in_dim3A_253, %mul3A_297 : vector<16xf32>
          %mul3A_299 = arith.mulf %mul3A_291, %gather3A_288 : vector<16xf32>
          %add3A_300 = arith.addf %broadcast_in_dim3A_255, %mul3A_299 : vector<16xf32>
          %mul3A_301 = arith.mulf %mul3A_289, %gather3A_282 : vector<16xf32>
          %add3A_302 = arith.addf %broadcast_in_dim3A_243, %mul3A_301 : vector<16xf32>
          %mul3A_303 = arith.mulf %mul3A_301, %gather3A_282 : vector<16xf32>
          %add3A_304 = arith.addf %broadcast_in_dim3A_257, %mul3A_303 : vector<16xf32>
          %mul3A_305 = arith.mulf %mul3A_301, %gather3A_285 : vector<16xf32>
          %add3A_306 = arith.addf %broadcast_in_dim3A_259, %mul3A_305 : vector<16xf32>
          %mul3A_307 = arith.mulf %mul3A_301, %gather3A_288 : vector<16xf32>
          %add3A_308 = arith.addf %broadcast_in_dim3A_261, %mul3A_307 : vector<16xf32>
          %mul3A_309 = arith.mulf %mul3A_289, %gather3A_285 : vector<16xf32>
          %add3A_310 = arith.addf %broadcast_in_dim3A_245, %mul3A_309 : vector<16xf32>
          %mul3A_311 = arith.mulf %mul3A_309, %gather3A_285 : vector<16xf32>
          %add3A_312 = arith.addf %broadcast_in_dim3A_263, %mul3A_311 : vector<16xf32>
          %mul3A_313 = arith.mulf %mul3A_309, %gather3A_288 : vector<16xf32>
          %add3A_314 = arith.addf %broadcast_in_dim3A_265, %mul3A_313 : vector<16xf32>
          %mul3A_315 = arith.mulf %mul3A_289, %gather3A_288 : vector<16xf32>
          %add3A_316 = arith.addf %broadcast_in_dim3A_247, %mul3A_315 : vector<16xf32>
          %mul3A_317 = arith.mulf %mul3A_315, %gather3A_288 : vector<16xf32>
          %add3A_318 = arith.addf %broadcast_in_dim3A_267, %mul3A_317 : vector<16xf32>
          %broadcast_in_dim3A_319 = arith.constant 1 : i32
          %broadcast_in_dim3A_320 = vector.broadcast %broadcast_in_dim3A_319 : i32 to vector<16xi32>
          %add3A_321 = arith.constant 1 : i32
          %add3A_322 = arith.addi %mul3A_213, %add3A_321 : i32
          %get3A_323 = arith.index_cast %add3A_322 : i32 to index
          %get3A_324 = arith.constant 0 : index
          %get3A_325 = tpu.vector_load %arg10[%get3A_323, %get3A_324] {strides = array<i32>} : memref<1280x24xf32, #tpu.memory_space<vmem>>, vector<16xf32>,
          %reshape3A_326 = vector.shape_cast %broadcast_in_dim3A_320 : vector<16xi32> to vector<16x1xi32>
          %gather3A_327 = vector.shape_cast %reshape3A_326 : vector<16x1xi32> to vector<16xi32>
          %gather3A_328 = tpu.dynamic_gather %exp3A[%gather3A_327] in [0] : vector<16xf32>, vector<16xi32> -> vector<16xf32>
          %reshape3A_329 = vector.shape_cast %broadcast_in_dim3A_320 : vector<16xi32> to vector<16x1xi32>
          %gather3A_330 = vector.shape_cast %reshape3A_329 : vector<16x1xi32> to vector<16xi32>
          %gather3A_331 = tpu.dynamic_gather %gather3A[%gather3A_330] in [0] : vector<16xf32>, vector<16xi32> -> vector<16xf32>
          %reshape3A_332 = vector.shape_cast %broadcast_in_dim3A_320 : vector<16xi32> to vector<16x1xi32>
          %gather3A_333 = vector.shape_cast %reshape3A_332 : vector<16x1xi32> to vector<16xi32>
          %gather3A_334 = tpu.dynamic_gather %gather3A_227[%gather3A_333] in [0] : vector<16xf32>, vector<16xi32> -> vector<16xf32>
          %reshape3A_335 = vector.shape_cast %broadcast_in_dim3A_320 : vector<16xi32> to vector<16x1xi32>
          %gather3A_336 = vector.shape_cast %reshape3A_335 : vector<16x1xi32> to vector<16xi32>
          %gather3A_337 = tpu.dynamic_gather %gather3A_232[%gather3A_336] in [0] : vector<16xf32>, vector<16xi32> -> vector<16xf32>
          %reshape3A_338 = vector.shape_cast %broadcast_in_dim3A_320 : vector<16xi32> to vector<16x1xi32>
          %gather3A_339 = vector.shape_cast %reshape3A_338 : vector<16x1xi32> to vector<16xi32>
          %gather3A_340 = tpu.dynamic_gather %gather3A_237[%gather3A_339] in [0] : vector<16xf32>, vector<16xi32> -> vector<16xf32>
          %mul3A_341 = arith.mulf %get3A_325, %gather3A_328 : vector<16xf32>
          %add3A_342 = arith.addf %add3A_290, %mul3A_341 : vector<16xf32>
          %mul3A_343 = arith.mulf %mul3A_341, %gather3A_331 : vector<16xf32>
          %add3A_344 = arith.addf %add3A_292, %mul3A_343 : vector<16xf32>
          %mul3A_345 = arith.mulf %mul3A_343, %gather3A_331 : vector<16xf32>
          %add3A_346 = arith.addf %add3A_294, %mul3A_345 : vector<16xf32>
          %mul3A_347 = arith.mulf %mul3A_343, %gather3A_334 : vector<16xf32>
          %add3A_348 = arith.addf %add3A_296, %mul3A_347 : vector<16xf32>
          %mul3A_349 = arith.mulf %mul3A_343, %gather3A_337 : vector<16xf32>
          %add3A_350 = arith.addf %add3A_298, %mul3A_349 : vector<16xf32>
          %mul3A_351 = arith.mulf %mul3A_343, %gather3A_340 : vector<16xf32>
          %add3A_352 = arith.addf %add3A_300, %mul3A_351 : vector<16xf32>
          %mul3A_353 = arith.mulf %mul3A_341, %gather3A_334 : vector<16xf32>
          %add3A_354 = arith.addf %add3A_302, %mul3A_353 : vector<16xf32>
          %mul3A_355 = arith.mulf %mul3A_353, %gather3A_334 : vector<16xf32>
          %add3A_356 = arith.addf %add3A_304, %mul3A_355 : vector<16xf32>
          %mul3A_357 = arith.mulf %mul3A_353, %gather3A_337 : vector<16xf32>
          %add3A_358 = arith.addf %add3A_306, %mul3A_357 : vector<16xf32>
          %mul3A_359 = arith.mulf %mul3A_353, %gather3A_340 : vector<16xf32>
          %add3A_360 = arith.addf %add3A_308, %mul3A_359 : vector<16xf32>
          %mul3A_361 = arith.mulf %mul3A_341, %gather3A_337 : vector<16xf32>
          %add3A_362 = arith.addf %add3A_310, %mul3A_361 : vector<16xf32>
          %mul3A_363 = arith.mulf %mul3A_361, %gather3A_337 : vector<16xf32>
          %add3A_364 = arith.addf %add3A_312, %mul3A_363 : vector<16xf32>
          %mul3A_365 = arith.mulf %mul3A_361, %gather3A_340 : vector<16xf32>
          %add3A_366 = arith.addf %add3A_314, %mul3A_365 : vector<16xf32>
          %mul3A_367 = arith.mulf %mul3A_341, %gather3A_340 : vector<16xf32>
          %add3A_368 = arith.addf %add3A_316, %mul3A_367 : vector<16xf32>
          %mul3A_369 = arith.mulf %mul3A_367, %gather3A_340 : vector<16xf32>
          %add3A_370 = arith.addf %add3A_318, %mul3A_369 : vector<16xf32>
          %broadcast_in_dim3A_371 = arith.constant 2 : i32
          %broadcast_in_dim3A_372 = vector.broadcast %broadcast_in_dim3A_371 : i32 to vector<16xi32>
          %add3A_373 = arith.constant 2 : i32
          %add3A_374 = arith.addi %mul3A_213, %add3A_373 : i32
          %get3A_375 = arith.index_cast %add3A_374 : i32 to index
          %get3A_376 = arith.constant 0 : index
          %get3A_377 = tpu.vector_load %arg10[%get3A_375, %get3A_376] {strides = array<i32>} : memref<1280x24xf32, #tpu.memory_space<vmem>>, vector<16xf32>,
          %reshape3A_378 = vector.shape_cast %broadcast_in_dim3A_372 : vector<16xi32> to vector<16x1xi32>
          %gather3A_379 = vector.shape_cast %reshape3A_378 : vector<16x1xi32> to vector<16xi32>
          %gather3A_380 = tpu.dynamic_gather %exp3A[%gather3A_379] in [0] : vector<16xf32>, vector<16xi32> -> vector<16xf32>
          %reshape3A_381 = vector.shape_cast %broadcast_in_dim3A_372 : vector<16xi32> to vector<16x1xi32>
          %gather3A_382 = vector.shape_cast %reshape3A_381 : vector<16x1xi32> to vector<16xi32>
          %gather3A_383 = tpu.dynamic_gather %gather3A[%gather3A_382] in [0] : vector<16xf32>, vector<16xi32> -> vector<16xf32>
          %reshape3A_384 = vector.shape_cast %broadcast_in_dim3A_372 : vector<16xi32> to vector<16x1xi32>
          %gather3A_385 = vector.shape_cast %reshape3A_384 : vector<16x1xi32> to vector<16xi32>
          %gather3A_386 = tpu.dynamic_gather %gather3A_227[%gather3A_385] in [0] : vector<16xf32>, vector<16xi32> -> vector<16xf32>
          %reshape3A_387 = vector.shape_cast %broadcast_in_dim3A_372 : vector<16xi32> to vector<16x1xi32>
          %gather3A_388 = vector.shape_cast %reshape3A_387 : vector<16x1xi32> to vector<16xi32>
          %gather3A_389 = tpu.dynamic_gather %gather3A_232[%gather3A_388] in [0] : vector<16xf32>, vector<16xi32> -> vector<16xf32>
          %reshape3A_390 = vector.shape_cast %broadcast_in_dim3A_372 : vector<16xi32> to vector<16x1xi32>
          %gather3A_391 = vector.shape_cast %reshape3A_390 : vector<16x1xi32> to vector<16xi32>
          %gather3A_392 = tpu.dynamic_gather %gather3A_237[%gather3A_391] in [0] : vector<16xf32>, vector<16xi32> -> vector<16xf32>
          %mul3A_393 = arith.mulf %get3A_377, %gather3A_380 : vector<16xf32>
          %add3A_394 = arith.addf %add3A_342, %mul3A_393 : vector<16xf32>
          %mul3A_395 = arith.mulf %mul3A_393, %gather3A_383 : vector<16xf32>
          %add3A_396 = arith.addf %add3A_344, %mul3A_395 : vector<16xf32>
          %mul3A_397 = arith.mulf %mul3A_395, %gather3A_383 : vector<16xf32>
          %add3A_398 = arith.addf %add3A_346, %mul3A_397 : vector<16xf32>
          %mul3A_399 = arith.mulf %mul3A_395, %gather3A_386 : vector<16xf32>
          %add3A_400 = arith.addf %add3A_348, %mul3A_399 : vector<16xf32>
          %mul3A_401 = arith.mulf %mul3A_395, %gather3A_389 : vector<16xf32>
          %add3A_402 = arith.addf %add3A_350, %mul3A_401 : vector<16xf32>
          %mul3A_403 = arith.mulf %mul3A_395, %gather3A_392 : vector<16xf32>
          %add3A_404 = arith.addf %add3A_352, %mul3A_403 : vector<16xf32>
          %mul3A_405 = arith.mulf %mul3A_393, %gather3A_386 : vector<16xf32>
          %add3A_406 = arith.addf %add3A_354, %mul3A_405 : vector<16xf32>
          %mul3A_407 = arith.mulf %mul3A_405, %gather3A_386 : vector<16xf32>
          %add3A_408 = arith.addf %add3A_356, %mul3A_407 : vector<16xf32>
          %mul3A_409 = arith.mulf %mul3A_405, %gather3A_389 : vector<16xf32>
          %add3A_410 = arith.addf %add3A_358, %mul3A_409 : vector<16xf32>
          %mul3A_411 = arith.mulf %mul3A_405, %gather3A_392 : vector<16xf32>
          %add3A_412 = arith.addf %add3A_360, %mul3A_411 : vector<16xf32>
          %mul3A_413 = arith.mulf %mul3A_393, %gather3A_389 : vector<16xf32>
          %add3A_414 = arith.addf %add3A_362, %mul3A_413 : vector<16xf32>
          %mul3A_415 = arith.mulf %mul3A_413, %gather3A_389 : vector<16xf32>
          %add3A_416 = arith.addf %add3A_364, %mul3A_415 : vector<16xf32>
          %mul3A_417 = arith.mulf %mul3A_413, %gather3A_392 : vector<16xf32>
          %add3A_418 = arith.addf %add3A_366, %mul3A_417 : vector<16xf32>
          %mul3A_419 = arith.mulf %mul3A_393, %gather3A_392 : vector<16xf32>
          %add3A_420 = arith.addf %add3A_368, %mul3A_419 : vector<16xf32>
          %mul3A_421 = arith.mulf %mul3A_419, %gather3A_392 : vector<16xf32>
          %add3A_422 = arith.addf %add3A_370, %mul3A_421 : vector<16xf32>
          %broadcast_in_dim3A_423 = arith.constant 3 : i32
          %broadcast_in_dim3A_424 = vector.broadcast %broadcast_in_dim3A_423 : i32 to vector<16xi32>
          %add3A_425 = arith.constant 3 : i32
          %add3A_426 = arith.addi %mul3A_213, %add3A_425 : i32
          %get3A_427 = arith.index_cast %add3A_426 : i32 to index
          %get3A_428 = arith.constant 0 : index
          %get3A_429 = tpu.vector_load %arg10[%get3A_427, %get3A_428] {strides = array<i32>} : memref<1280x24xf32, #tpu.memory_space<vmem>>, vector<16xf32>,
          %reshape3A_430 = vector.shape_cast %broadcast_in_dim3A_424 : vector<16xi32> to vector<16x1xi32>
          %gather3A_431 = vector.shape_cast %reshape3A_430 : vector<16x1xi32> to vector<16xi32>
          %gather3A_432 = tpu.dynamic_gather %exp3A[%gather3A_431] in [0] : vector<16xf32>, vector<16xi32> -> vector<16xf32>
          %reshape3A_433 = vector.shape_cast %broadcast_in_dim3A_424 : vector<16xi32> to vector<16x1xi32>
          %gather3A_434 = vector.shape_cast %reshape3A_433 : vector<16x1xi32> to vector<16xi32>
          %gather3A_435 = tpu.dynamic_gather %gather3A[%gather3A_434] in [0] : vector<16xf32>, vector<16xi32> -> vector<16xf32>
          %reshape3A_436 = vector.shape_cast %broadcast_in_dim3A_424 : vector<16xi32> to vector<16x1xi32>
          %gather3A_437 = vector.shape_cast %reshape3A_436 : vector<16x1xi32> to vector<16xi32>
          %gather3A_438 = tpu.dynamic_gather %gather3A_227[%gather3A_437] in [0] : vector<16xf32>, vector<16xi32> -> vector<16xf32>
          %reshape3A_439 = vector.shape_cast %broadcast_in_dim3A_424 : vector<16xi32> to vector<16x1xi32>
          %gather3A_440 = vector.shape_cast %reshape3A_439 : vector<16x1xi32> to vector<16xi32>
          %gather3A_441 = tpu.dynamic_gather %gather3A_232[%gather3A_440] in [0] : vector<16xf32>, vector<16xi32> -> vector<16xf32>
          %reshape3A_442 = vector.shape_cast %broadcast_in_dim3A_424 : vector<16xi32> to vector<16x1xi32>
          %gather3A_443 = vector.shape_cast %reshape3A_442 : vector<16x1xi32> to vector<16xi32>
          %gather3A_444 = tpu.dynamic_gather %gather3A_237[%gather3A_443] in [0] : vector<16xf32>, vector<16xi32> -> vector<16xf32>
          %mul3A_445 = arith.mulf %get3A_429, %gather3A_432 : vector<16xf32>
          %add3A_446 = arith.addf %add3A_394, %mul3A_445 : vector<16xf32>
          %mul3A_447 = arith.mulf %mul3A_445, %gather3A_435 : vector<16xf32>
          %add3A_448 = arith.addf %add3A_396, %mul3A_447 : vector<16xf32>
          %mul3A_449 = arith.mulf %mul3A_447, %gather3A_435 : vector<16xf32>
          %add3A_450 = arith.addf %add3A_398, %mul3A_449 : vector<16xf32>
          %mul3A_451 = arith.mulf %mul3A_447, %gather3A_438 : vector<16xf32>
          %add3A_452 = arith.addf %add3A_400, %mul3A_451 : vector<16xf32>
          %mul3A_453 = arith.mulf %mul3A_447, %gather3A_441 : vector<16xf32>
          %add3A_454 = arith.addf %add3A_402, %mul3A_453 : vector<16xf32>
          %mul3A_455 = arith.mulf %mul3A_447, %gather3A_444 : vector<16xf32>
          %add3A_456 = arith.addf %add3A_404, %mul3A_455 : vector<16xf32>
          %mul3A_457 = arith.mulf %mul3A_445, %gather3A_438 : vector<16xf32>
          %add3A_458 = arith.addf %add3A_406, %mul3A_457 : vector<16xf32>
          %mul3A_459 = arith.mulf %mul3A_457, %gather3A_438 : vector<16xf32>
          %add3A_460 = arith.addf %add3A_408, %mul3A_459 : vector<16xf32>
          %mul3A_461 = arith.mulf %mul3A_457, %gather3A_441 : vector<16xf32>
          %add3A_462 = arith.addf %add3A_410, %mul3A_461 : vector<16xf32>
          %mul3A_463 = arith.mulf %mul3A_457, %gather3A_444 : vector<16xf32>
          %add3A_464 = arith.addf %add3A_412, %mul3A_463 : vector<16xf32>
          %mul3A_465 = arith.mulf %mul3A_445, %gather3A_441 : vector<16xf32>
          %add3A_466 = arith.addf %add3A_414, %mul3A_465 : vector<16xf32>
          %mul3A_467 = arith.mulf %mul3A_465, %gather3A_441 : vector<16xf32>
          %add3A_468 = arith.addf %add3A_416, %mul3A_467 : vector<16xf32>
          %mul3A_469 = arith.mulf %mul3A_465, %gather3A_444 : vector<16xf32>
          %add3A_470 = arith.addf %add3A_418, %mul3A_469 : vector<16xf32>
          %mul3A_471 = arith.mulf %mul3A_445, %gather3A_444 : vector<16xf32>
          %add3A_472 = arith.addf %add3A_420, %mul3A_471 : vector<16xf32>
          %mul3A_473 = arith.mulf %mul3A_471, %gather3A_444 : vector<16xf32>
          %add3A_474 = arith.addf %add3A_422, %mul3A_473 : vector<16xf32>
          %broadcast_in_dim3A_475 = arith.constant 4 : i32
          %broadcast_in_dim3A_476 = vector.broadcast %broadcast_in_dim3A_475 : i32 to vector<16xi32>
          %add3A_477 = arith.constant 4 : i32
          %add3A_478 = arith.addi %mul3A_213, %add3A_477 : i32
          %get3A_479 = arith.index_cast %add3A_478 : i32 to index
          %get3A_480 = arith.constant 0 : index
          %get3A_481 = tpu.vector_load %arg10[%get3A_479, %get3A_480] {strides = array<i32>} : memref<1280x24xf32, #tpu.memory_space<vmem>>, vector<16xf32>,
          %reshape3A_482 = vector.shape_cast %broadcast_in_dim3A_476 : vector<16xi32> to vector<16x1xi32>
          %gather3A_483 = vector.shape_cast %reshape3A_482 : vector<16x1xi32> to vector<16xi32>
          %gather3A_484 = tpu.dynamic_gather %exp3A[%gather3A_483] in [0] : vector<16xf32>, vector<16xi32> -> vector<16xf32>
          %reshape3A_485 = vector.shape_cast %broadcast_in_dim3A_476 : vector<16xi32> to vector<16x1xi32>
          %gather3A_486 = vector.shape_cast %reshape3A_485 : vector<16x1xi32> to vector<16xi32>
          %gather3A_487 = tpu.dynamic_gather %gather3A[%gather3A_486] in [0] : vector<16xf32>, vector<16xi32> -> vector<16xf32>
          %reshape3A_488 = vector.shape_cast %broadcast_in_dim3A_476 : vector<16xi32> to vector<16x1xi32>
          %gather3A_489 = vector.shape_cast %reshape3A_488 : vector<16x1xi32> to vector<16xi32>
          %gather3A_490 = tpu.dynamic_gather %gather3A_227[%gather3A_489] in [0] : vector<16xf32>, vector<16xi32> -> vector<16xf32>
          %reshape3A_491 = vector.shape_cast %broadcast_in_dim3A_476 : vector<16xi32> to vector<16x1xi32>
          %gather3A_492 = vector.shape_cast %reshape3A_491 : vector<16x1xi32> to vector<16xi32>
          %gather3A_493 = tpu.dynamic_gather %gather3A_232[%gather3A_492] in [0] : vector<16xf32>, vector<16xi32> -> vector<16xf32>
          %reshape3A_494 = vector.shape_cast %broadcast_in_dim3A_476 : vector<16xi32> to vector<16x1xi32>
          %gather3A_495 = vector.shape_cast %reshape3A_494 : vector<16x1xi32> to vector<16xi32>
          %gather3A_496 = tpu.dynamic_gather %gather3A_237[%gather3A_495] in [0] : vector<16xf32>, vector<16xi32> -> vector<16xf32>
          %mul3A_497 = arith.mulf %get3A_481, %gather3A_484 : vector<16xf32>
          %add3A_498 = arith.addf %add3A_446, %mul3A_497 : vector<16xf32>
          %mul3A_499 = arith.mulf %mul3A_497, %gather3A_487 : vector<16xf32>
          %add3A_500 = arith.addf %add3A_448, %mul3A_499 : vector<16xf32>
          %mul3A_501 = arith.mulf %mul3A_499, %gather3A_487 : vector<16xf32>
          %add3A_502 = arith.addf %add3A_450, %mul3A_501 : vector<16xf32>
          %mul3A_503 = arith.mulf %mul3A_499, %gather3A_490 : vector<16xf32>
          %add3A_504 = arith.addf %add3A_452, %mul3A_503 : vector<16xf32>
          %mul3A_505 = arith.mulf %mul3A_499, %gather3A_493 : vector<16xf32>
          %add3A_506 = arith.addf %add3A_454, %mul3A_505 : vector<16xf32>
          %mul3A_507 = arith.mulf %mul3A_499, %gather3A_496 : vector<16xf32>
          %add3A_508 = arith.addf %add3A_456, %mul3A_507 : vector<16xf32>
          %mul3A_509 = arith.mulf %mul3A_497, %gather3A_490 : vector<16xf32>
          %add3A_510 = arith.addf %add3A_458, %mul3A_509 : vector<16xf32>
          %mul3A_511 = arith.mulf %mul3A_509, %gather3A_490 : vector<16xf32>
          %add3A_512 = arith.addf %add3A_460, %mul3A_511 : vector<16xf32>
          %mul3A_513 = arith.mulf %mul3A_509, %gather3A_493 : vector<16xf32>
          %add3A_514 = arith.addf %add3A_462, %mul3A_513 : vector<16xf32>
          %mul3A_515 = arith.mulf %mul3A_509, %gather3A_496 : vector<16xf32>
          %add3A_516 = arith.addf %add3A_464, %mul3A_515 : vector<16xf32>
          %mul3A_517 = arith.mulf %mul3A_497, %gather3A_493 : vector<16xf32>
          %add3A_518 = arith.addf %add3A_466, %mul3A_517 : vector<16xf32>
          %mul3A_519 = arith.mulf %mul3A_517, %gather3A_493 : vector<16xf32>
          %add3A_520 = arith.addf %add3A_468, %mul3A_519 : vector<16xf32>
          %mul3A_521 = arith.mulf %mul3A_517, %gather3A_496 : vector<16xf32>
          %add3A_522 = arith.addf %add3A_470, %mul3A_521 : vector<16xf32>
          %mul3A_523 = arith.mulf %mul3A_497, %gather3A_496 : vector<16xf32>
          %add3A_524 = arith.addf %add3A_472, %mul3A_523 : vector<16xf32>
          %mul3A_525 = arith.mulf %mul3A_523, %gather3A_496 : vector<16xf32>
          %add3A_526 = arith.addf %add3A_474, %mul3A_525 : vector<16xf32>
          %broadcast_in_dim3A_527 = arith.constant 5 : i32
          %broadcast_in_dim3A_528 = vector.broadcast %broadcast_in_dim3A_527 : i32 to vector<16xi32>
          %add3A_529 = arith.constant 5 : i32
          %add3A_530 = arith.addi %mul3A_213, %add3A_529 : i32
          %get3A_531 = arith.index_cast %add3A_530 : i32 to index
          %get3A_532 = arith.constant 0 : index
          %get3A_533 = tpu.vector_load %arg10[%get3A_531, %get3A_532] {strides = array<i32>} : memref<1280x24xf32, #tpu.memory_space<vmem>>, vector<16xf32>,
          %reshape3A_534 = vector.shape_cast %broadcast_in_dim3A_528 : vector<16xi32> to vector<16x1xi32>
          %gather3A_535 = vector.shape_cast %reshape3A_534 : vector<16x1xi32> to vector<16xi32>
          %gather3A_536 = tpu.dynamic_gather %exp3A[%gather3A_535] in [0] : vector<16xf32>, vector<16xi32> -> vector<16xf32>
          %reshape3A_537 = vector.shape_cast %broadcast_in_dim3A_528 : vector<16xi32> to vector<16x1xi32>
          %gather3A_538 = vector.shape_cast %reshape3A_537 : vector<16x1xi32> to vector<16xi32>
          %gather3A_539 = tpu.dynamic_gather %gather3A[%gather3A_538] in [0] : vector<16xf32>, vector<16xi32> -> vector<16xf32>
          %reshape3A_540 = vector.shape_cast %broadcast_in_dim3A_528 : vector<16xi32> to vector<16x1xi32>
          %gather3A_541 = vector.shape_cast %reshape3A_540 : vector<16x1xi32> to vector<16xi32>
          %gather3A_542 = tpu.dynamic_gather %gather3A_227[%gather3A_541] in [0] : vector<16xf32>, vector<16xi32> -> vector<16xf32>
          %reshape3A_543 = vector.shape_cast %broadcast_in_dim3A_528 : vector<16xi32> to vector<16x1xi32>
          %gather3A_544 = vector.shape_cast %reshape3A_543 : vector<16x1xi32> to vector<16xi32>
          %gather3A_545 = tpu.dynamic_gather %gather3A_232[%gather3A_544] in [0] : vector<16xf32>, vector<16xi32> -> vector<16xf32>
          %reshape3A_546 = vector.shape_cast %broadcast_in_dim3A_528 : vector<16xi32> to vector<16x1xi32>
          %gather3A_547 = vector.shape_cast %reshape3A_546 : vector<16x1xi32> to vector<16xi32>
          %gather3A_548 = tpu.dynamic_gather %gather3A_237[%gather3A_547] in [0] : vector<16xf32>, vector<16xi32> -> vector<16xf32>
          %mul3A_549 = arith.mulf %get3A_533, %gather3A_536 : vector<16xf32>
          %add3A_550 = arith.addf %add3A_498, %mul3A_549 : vector<16xf32>
          %mul3A_551 = arith.mulf %mul3A_549, %gather3A_539 : vector<16xf32>
          %add3A_552 = arith.addf %add3A_500, %mul3A_551 : vector<16xf32>
          %mul3A_553 = arith.mulf %mul3A_551, %gather3A_539 : vector<16xf32>
          %add3A_554 = arith.addf %add3A_502, %mul3A_553 : vector<16xf32>
          %mul3A_555 = arith.mulf %mul3A_551, %gather3A_542 : vector<16xf32>
          %add3A_556 = arith.addf %add3A_504, %mul3A_555 : vector<16xf32>
          %mul3A_557 = arith.mulf %mul3A_551, %gather3A_545 : vector<16xf32>
          %add3A_558 = arith.addf %add3A_506, %mul3A_557 : vector<16xf32>
          %mul3A_559 = arith.mulf %mul3A_551, %gather3A_548 : vector<16xf32>
          %add3A_560 = arith.addf %add3A_508, %mul3A_559 : vector<16xf32>
          %mul3A_561 = arith.mulf %mul3A_549, %gather3A_542 : vector<16xf32>
          %add3A_562 = arith.addf %add3A_510, %mul3A_561 : vector<16xf32>
          %mul3A_563 = arith.mulf %mul3A_561, %gather3A_542 : vector<16xf32>
          %add3A_564 = arith.addf %add3A_512, %mul3A_563 : vector<16xf32>
          %mul3A_565 = arith.mulf %mul3A_561, %gather3A_545 : vector<16xf32>
          %add3A_566 = arith.addf %add3A_514, %mul3A_565 : vector<16xf32>
          %mul3A_567 = arith.mulf %mul3A_561, %gather3A_548 : vector<16xf32>
          %add3A_568 = arith.addf %add3A_516, %mul3A_567 : vector<16xf32>
          %mul3A_569 = arith.mulf %mul3A_549, %gather3A_545 : vector<16xf32>
          %add3A_570 = arith.addf %add3A_518, %mul3A_569 : vector<16xf32>
          %mul3A_571 = arith.mulf %mul3A_569, %gather3A_545 : vector<16xf32>
          %add3A_572 = arith.addf %add3A_520, %mul3A_571 : vector<16xf32>
          %mul3A_573 = arith.mulf %mul3A_569, %gather3A_548 : vector<16xf32>
          %add3A_574 = arith.addf %add3A_522, %mul3A_573 : vector<16xf32>
          %mul3A_575 = arith.mulf %mul3A_549, %gather3A_548 : vector<16xf32>
          %add3A_576 = arith.addf %add3A_524, %mul3A_575 : vector<16xf32>
          %mul3A_577 = arith.mulf %mul3A_575, %gather3A_548 : vector<16xf32>
          %add3A_578 = arith.addf %add3A_526, %mul3A_577 : vector<16xf32>
          %broadcast_in_dim3A_579 = arith.constant 6 : i32
          %broadcast_in_dim3A_580 = vector.broadcast %broadcast_in_dim3A_579 : i32 to vector<16xi32>
          %add3A_581 = arith.constant 6 : i32
          %add3A_582 = arith.addi %mul3A_213, %add3A_581 : i32
          %get3A_583 = arith.index_cast %add3A_582 : i32 to index
          %get3A_584 = arith.constant 0 : index
          %get3A_585 = tpu.vector_load %arg10[%get3A_583, %get3A_584] {strides = array<i32>} : memref<1280x24xf32, #tpu.memory_space<vmem>>, vector<16xf32>,
          %reshape3A_586 = vector.shape_cast %broadcast_in_dim3A_580 : vector<16xi32> to vector<16x1xi32>
          %gather3A_587 = vector.shape_cast %reshape3A_586 : vector<16x1xi32> to vector<16xi32>
          %gather3A_588 = tpu.dynamic_gather %exp3A[%gather3A_587] in [0] : vector<16xf32>, vector<16xi32> -> vector<16xf32>
          %reshape3A_589 = vector.shape_cast %broadcast_in_dim3A_580 : vector<16xi32> to vector<16x1xi32>
          %gather3A_590 = vector.shape_cast %reshape3A_589 : vector<16x1xi32> to vector<16xi32>
          %gather3A_591 = tpu.dynamic_gather %gather3A[%gather3A_590] in [0] : vector<16xf32>, vector<16xi32> -> vector<16xf32>
          %reshape3A_592 = vector.shape_cast %broadcast_in_dim3A_580 : vector<16xi32> to vector<16x1xi32>
          %gather3A_593 = vector.shape_cast %reshape3A_592 : vector<16x1xi32> to vector<16xi32>
          %gather3A_594 = tpu.dynamic_gather %gather3A_227[%gather3A_593] in [0] : vector<16xf32>, vector<16xi32> -> vector<16xf32>
          %reshape3A_595 = vector.shape_cast %broadcast_in_dim3A_580 : vector<16xi32> to vector<16x1xi32>
          %gather3A_596 = vector.shape_cast %reshape3A_595 : vector<16x1xi32> to vector<16xi32>
          %gather3A_597 = tpu.dynamic_gather %gather3A_232[%gather3A_596] in [0] : vector<16xf32>, vector<16xi32> -> vector<16xf32>
          %reshape3A_598 = vector.shape_cast %broadcast_in_dim3A_580 : vector<16xi32> to vector<16x1xi32>
          %gather3A_599 = vector.shape_cast %reshape3A_598 : vector<16x1xi32> to vector<16xi32>
          %gather3A_600 = tpu.dynamic_gather %gather3A_237[%gather3A_599] in [0] : vector<16xf32>, vector<16xi32> -> vector<16xf32>
          %mul3A_601 = arith.mulf %get3A_585, %gather3A_588 : vector<16xf32>
          %add3A_602 = arith.addf %add3A_550, %mul3A_601 : vector<16xf32>
          %mul3A_603 = arith.mulf %mul3A_601, %gather3A_591 : vector<16xf32>
          %add3A_604 = arith.addf %add3A_552, %mul3A_603 : vector<16xf32>
          %mul3A_605 = arith.mulf %mul3A_603, %gather3A_591 : vector<16xf32>
          %add3A_606 = arith.addf %add3A_554, %mul3A_605 : vector<16xf32>
          %mul3A_607 = arith.mulf %mul3A_603, %gather3A_594 : vector<16xf32>
          %add3A_608 = arith.addf %add3A_556, %mul3A_607 : vector<16xf32>
          %mul3A_609 = arith.mulf %mul3A_603, %gather3A_597 : vector<16xf32>
          %add3A_610 = arith.addf %add3A_558, %mul3A_609 : vector<16xf32>
          %mul3A_611 = arith.mulf %mul3A_603, %gather3A_600 : vector<16xf32>
          %add3A_612 = arith.addf %add3A_560, %mul3A_611 : vector<16xf32>
          %mul3A_613 = arith.mulf %mul3A_601, %gather3A_594 : vector<16xf32>
          %add3A_614 = arith.addf %add3A_562, %mul3A_613 : vector<16xf32>
          %mul3A_615 = arith.mulf %mul3A_613, %gather3A_594 : vector<16xf32>
          %add3A_616 = arith.addf %add3A_564, %mul3A_615 : vector<16xf32>
          %mul3A_617 = arith.mulf %mul3A_613, %gather3A_597 : vector<16xf32>
          %add3A_618 = arith.addf %add3A_566, %mul3A_617 : vector<16xf32>
          %mul3A_619 = arith.mulf %mul3A_613, %gather3A_600 : vector<16xf32>
          %add3A_620 = arith.addf %add3A_568, %mul3A_619 : vector<16xf32>
          %mul3A_621 = arith.mulf %mul3A_601, %gather3A_597 : vector<16xf32>
          %add3A_622 = arith.addf %add3A_570, %mul3A_621 : vector<16xf32>
          %mul3A_623 = arith.mulf %mul3A_621, %gather3A_597 : vector<16xf32>
          %add3A_624 = arith.addf %add3A_572, %mul3A_623 : vector<16xf32>
          %mul3A_625 = arith.mulf %mul3A_621, %gather3A_600 : vector<16xf32>
          %add3A_626 = arith.addf %add3A_574, %mul3A_625 : vector<16xf32>
          %mul3A_627 = arith.mulf %mul3A_601, %gather3A_600 : vector<16xf32>
          %add3A_628 = arith.addf %add3A_576, %mul3A_627 : vector<16xf32>
          %mul3A_629 = arith.mulf %mul3A_627, %gather3A_600 : vector<16xf32>
          %add3A_630 = arith.addf %add3A_578, %mul3A_629 : vector<16xf32>
          %broadcast_in_dim3A_631 = arith.constant 7 : i32
          %broadcast_in_dim3A_632 = vector.broadcast %broadcast_in_dim3A_631 : i32 to vector<16xi32>
          %add3A_633 = arith.constant 7 : i32
          %add3A_634 = arith.addi %mul3A_213, %add3A_633 : i32
          %get3A_635 = arith.index_cast %add3A_634 : i32 to index
          %get3A_636 = arith.constant 0 : index
          %get3A_637 = tpu.vector_load %arg10[%get3A_635, %get3A_636] {strides = array<i32>} : memref<1280x24xf32, #tpu.memory_space<vmem>>, vector<16xf32>,
          %reshape3A_638 = vector.shape_cast %broadcast_in_dim3A_632 : vector<16xi32> to vector<16x1xi32>
          %gather3A_639 = vector.shape_cast %reshape3A_638 : vector<16x1xi32> to vector<16xi32>
          %gather3A_640 = tpu.dynamic_gather %exp3A[%gather3A_639] in [0] : vector<16xf32>, vector<16xi32> -> vector<16xf32>
          %reshape3A_641 = vector.shape_cast %broadcast_in_dim3A_632 : vector<16xi32> to vector<16x1xi32>
          %gather3A_642 = vector.shape_cast %reshape3A_641 : vector<16x1xi32> to vector<16xi32>
          %gather3A_643 = tpu.dynamic_gather %gather3A[%gather3A_642] in [0] : vector<16xf32>, vector<16xi32> -> vector<16xf32>
          %reshape3A_644 = vector.shape_cast %broadcast_in_dim3A_632 : vector<16xi32> to vector<16x1xi32>
          %gather3A_645 = vector.shape_cast %reshape3A_644 : vector<16x1xi32> to vector<16xi32>
          %gather3A_646 = tpu.dynamic_gather %gather3A_227[%gather3A_645] in [0] : vector<16xf32>, vector<16xi32> -> vector<16xf32>
          %reshape3A_647 = vector.shape_cast %broadcast_in_dim3A_632 : vector<16xi32> to vector<16x1xi32>
          %gather3A_648 = vector.shape_cast %reshape3A_647 : vector<16x1xi32> to vector<16xi32>
          %gather3A_649 = tpu.dynamic_gather %gather3A_232[%gather3A_648] in [0] : vector<16xf32>, vector<16xi32> -> vector<16xf32>
          %reshape3A_650 = vector.shape_cast %broadcast_in_dim3A_632 : vector<16xi32> to vector<16x1xi32>
          %gather3A_651 = vector.shape_cast %reshape3A_650 : vector<16x1xi32> to vector<16xi32>
          %gather3A_652 = tpu.dynamic_gather %gather3A_237[%gather3A_651] in [0] : vector<16xf32>, vector<16xi32> -> vector<16xf32>
          %mul3A_653 = arith.mulf %get3A_637, %gather3A_640 : vector<16xf32>
          %add3A_654 = arith.addf %add3A_602, %mul3A_653 : vector<16xf32>
          %mul3A_655 = arith.mulf %mul3A_653, %gather3A_643 : vector<16xf32>
          %add3A_656 = arith.addf %add3A_604, %mul3A_655 : vector<16xf32>
          %mul3A_657 = arith.mulf %mul3A_655, %gather3A_643 : vector<16xf32>
          %add3A_658 = arith.addf %add3A_606, %mul3A_657 : vector<16xf32>
          %mul3A_659 = arith.mulf %mul3A_655, %gather3A_646 : vector<16xf32>
          %add3A_660 = arith.addf %add3A_608, %mul3A_659 : vector<16xf32>
          %mul3A_661 = arith.mulf %mul3A_655, %gather3A_649 : vector<16xf32>
          %add3A_662 = arith.addf %add3A_610, %mul3A_661 : vector<16xf32>
          %mul3A_663 = arith.mulf %mul3A_655, %gather3A_652 : vector<16xf32>
          %add3A_664 = arith.addf %add3A_612, %mul3A_663 : vector<16xf32>
          %mul3A_665 = arith.mulf %mul3A_653, %gather3A_646 : vector<16xf32>
          %add3A_666 = arith.addf %add3A_614, %mul3A_665 : vector<16xf32>
          %mul3A_667 = arith.mulf %mul3A_665, %gather3A_646 : vector<16xf32>
          %add3A_668 = arith.addf %add3A_616, %mul3A_667 : vector<16xf32>
          %mul3A_669 = arith.mulf %mul3A_665, %gather3A_649 : vector<16xf32>
          %add3A_670 = arith.addf %add3A_618, %mul3A_669 : vector<16xf32>
          %mul3A_671 = arith.mulf %mul3A_665, %gather3A_652 : vector<16xf32>
          %add3A_672 = arith.addf %add3A_620, %mul3A_671 : vector<16xf32>
          %mul3A_673 = arith.mulf %mul3A_653, %gather3A_649 : vector<16xf32>
          %add3A_674 = arith.addf %add3A_622, %mul3A_673 : vector<16xf32>
          %mul3A_675 = arith.mulf %mul3A_673, %gather3A_649 : vector<16xf32>
          %add3A_676 = arith.addf %add3A_624, %mul3A_675 : vector<16xf32>
          %mul3A_677 = arith.mulf %mul3A_673, %gather3A_652 : vector<16xf32>
          %add3A_678 = arith.addf %add3A_626, %mul3A_677 : vector<16xf32>
          %mul3A_679 = arith.mulf %mul3A_653, %gather3A_652 : vector<16xf32>
          %add3A_680 = arith.addf %add3A_628, %mul3A_679 : vector<16xf32>
          %mul3A_681 = arith.mulf %mul3A_679, %gather3A_652 : vector<16xf32>
          %add3A_682 = arith.addf %add3A_630, %mul3A_681 : vector<16xf32>
          %broadcast_in_dim3A_683 = arith.constant 8 : i32
          %broadcast_in_dim3A_684 = vector.broadcast %broadcast_in_dim3A_683 : i32 to vector<16xi32>
          %add3A_685 = arith.constant 8 : i32
          %add3A_686 = arith.addi %mul3A_213, %add3A_685 : i32
          %get3A_687 = arith.index_cast %add3A_686 : i32 to index
          %get3A_688 = arith.constant 0 : index
          %get3A_689 = tpu.vector_load %arg10[%get3A_687, %get3A_688] {strides = array<i32>} : memref<1280x24xf32, #tpu.memory_space<vmem>>, vector<16xf32>,
          %reshape3A_690 = vector.shape_cast %broadcast_in_dim3A_684 : vector<16xi32> to vector<16x1xi32>
          %gather3A_691 = vector.shape_cast %reshape3A_690 : vector<16x1xi32> to vector<16xi32>
          %gather3A_692 = tpu.dynamic_gather %exp3A[%gather3A_691] in [0] : vector<16xf32>, vector<16xi32> -> vector<16xf32>
          %reshape3A_693 = vector.shape_cast %broadcast_in_dim3A_684 : vector<16xi32> to vector<16x1xi32>
          %gather3A_694 = vector.shape_cast %reshape3A_693 : vector<16x1xi32> to vector<16xi32>
          %gather3A_695 = tpu.dynamic_gather %gather3A[%gather3A_694] in [0] : vector<16xf32>, vector<16xi32> -> vector<16xf32>
          %reshape3A_696 = vector.shape_cast %broadcast_in_dim3A_684 : vector<16xi32> to vector<16x1xi32>
          %gather3A_697 = vector.shape_cast %reshape3A_696 : vector<16x1xi32> to vector<16xi32>
          %gather3A_698 = tpu.dynamic_gather %gather3A_227[%gather3A_697] in [0] : vector<16xf32>, vector<16xi32> -> vector<16xf32>
          %reshape3A_699 = vector.shape_cast %broadcast_in_dim3A_684 : vector<16xi32> to vector<16x1xi32>
          %gather3A_700 = vector.shape_cast %reshape3A_699 : vector<16x1xi32> to vector<16xi32>
          %gather3A_701 = tpu.dynamic_gather %gather3A_232[%gather3A_700] in [0] : vector<16xf32>, vector<16xi32> -> vector<16xf32>
          %reshape3A_702 = vector.shape_cast %broadcast_in_dim3A_684 : vector<16xi32> to vector<16x1xi32>
          %gather3A_703 = vector.shape_cast %reshape3A_702 : vector<16x1xi32> to vector<16xi32>
          %gather3A_704 = tpu.dynamic_gather %gather3A_237[%gather3A_703] in [0] : vector<16xf32>, vector<16xi32> -> vector<16xf32>
          %mul3A_705 = arith.mulf %get3A_689, %gather3A_692 : vector<16xf32>
          %add3A_706 = arith.addf %add3A_654, %mul3A_705 : vector<16xf32>
          %mul3A_707 = arith.mulf %mul3A_705, %gather3A_695 : vector<16xf32>
          %add3A_708 = arith.addf %add3A_656, %mul3A_707 : vector<16xf32>
          %mul3A_709 = arith.mulf %mul3A_707, %gather3A_695 : vector<16xf32>
          %add3A_710 = arith.addf %add3A_658, %mul3A_709 : vector<16xf32>
          %mul3A_711 = arith.mulf %mul3A_707, %gather3A_698 : vector<16xf32>
          %add3A_712 = arith.addf %add3A_660, %mul3A_711 : vector<16xf32>
          %mul3A_713 = arith.mulf %mul3A_707, %gather3A_701 : vector<16xf32>
          %add3A_714 = arith.addf %add3A_662, %mul3A_713 : vector<16xf32>
          %mul3A_715 = arith.mulf %mul3A_707, %gather3A_704 : vector<16xf32>
          %add3A_716 = arith.addf %add3A_664, %mul3A_715 : vector<16xf32>
          %mul3A_717 = arith.mulf %mul3A_705, %gather3A_698 : vector<16xf32>
          %add3A_718 = arith.addf %add3A_666, %mul3A_717 : vector<16xf32>
          %mul3A_719 = arith.mulf %mul3A_717, %gather3A_698 : vector<16xf32>
          %add3A_720 = arith.addf %add3A_668, %mul3A_719 : vector<16xf32>
          %mul3A_721 = arith.mulf %mul3A_717, %gather3A_701 : vector<16xf32>
          %add3A_722 = arith.addf %add3A_670, %mul3A_721 : vector<16xf32>
          %mul3A_723 = arith.mulf %mul3A_717, %gather3A_704 : vector<16xf32>
          %add3A_724 = arith.addf %add3A_672, %mul3A_723 : vector<16xf32>
          %mul3A_725 = arith.mulf %mul3A_705, %gather3A_701 : vector<16xf32>
          %add3A_726 = arith.addf %add3A_674, %mul3A_725 : vector<16xf32>
          %mul3A_727 = arith.mulf %mul3A_725, %gather3A_701 : vector<16xf32>
          %add3A_728 = arith.addf %add3A_676, %mul3A_727 : vector<16xf32>
          %mul3A_729 = arith.mulf %mul3A_725, %gather3A_704 : vector<16xf32>
          %add3A_730 = arith.addf %add3A_678, %mul3A_729 : vector<16xf32>
          %mul3A_731 = arith.mulf %mul3A_705, %gather3A_704 : vector<16xf32>
          %add3A_732 = arith.addf %add3A_680, %mul3A_731 : vector<16xf32>
          %mul3A_733 = arith.mulf %mul3A_731, %gather3A_704 : vector<16xf32>
          %add3A_734 = arith.addf %add3A_682, %mul3A_733 : vector<16xf32>
          %broadcast_in_dim3A_735 = arith.constant 9 : i32
          %broadcast_in_dim3A_736 = vector.broadcast %broadcast_in_dim3A_735 : i32 to vector<16xi32>
          %add3A_737 = arith.constant 9 : i32
          %add3A_738 = arith.addi %mul3A_213, %add3A_737 : i32
          %get3A_739 = arith.index_cast %add3A_738 : i32 to index
          %get3A_740 = arith.constant 0 : index
          %get3A_741 = tpu.vector_load %arg10[%get3A_739, %get3A_740] {strides = array<i32>} : memref<1280x24xf32, #tpu.memory_space<vmem>>, vector<16xf32>,
          %reshape3A_742 = vector.shape_cast %broadcast_in_dim3A_736 : vector<16xi32> to vector<16x1xi32>
          %gather3A_743 = vector.shape_cast %reshape3A_742 : vector<16x1xi32> to vector<16xi32>
          %gather3A_744 = tpu.dynamic_gather %exp3A[%gather3A_743] in [0] : vector<16xf32>, vector<16xi32> -> vector<16xf32>
          %reshape3A_745 = vector.shape_cast %broadcast_in_dim3A_736 : vector<16xi32> to vector<16x1xi32>
          %gather3A_746 = vector.shape_cast %reshape3A_745 : vector<16x1xi32> to vector<16xi32>
          %gather3A_747 = tpu.dynamic_gather %gather3A[%gather3A_746] in [0] : vector<16xf32>, vector<16xi32> -> vector<16xf32>
          %reshape3A_748 = vector.shape_cast %broadcast_in_dim3A_736 : vector<16xi32> to vector<16x1xi32>
          %gather3A_749 = vector.shape_cast %reshape3A_748 : vector<16x1xi32> to vector<16xi32>
          %gather3A_750 = tpu.dynamic_gather %gather3A_227[%gather3A_749] in [0] : vector<16xf32>, vector<16xi32> -> vector<16xf32>
          %reshape3A_751 = vector.shape_cast %broadcast_in_dim3A_736 : vector<16xi32> to vector<16x1xi32>
          %gather3A_752 = vector.shape_cast %reshape3A_751 : vector<16x1xi32> to vector<16xi32>
          %gather3A_753 = tpu.dynamic_gather %gather3A_232[%gather3A_752] in [0] : vector<16xf32>, vector<16xi32> -> vector<16xf32>
          %reshape3A_754 = vector.shape_cast %broadcast_in_dim3A_736 : vector<16xi32> to vector<16x1xi32>
          %gather3A_755 = vector.shape_cast %reshape3A_754 : vector<16x1xi32> to vector<16xi32>
          %gather3A_756 = tpu.dynamic_gather %gather3A_237[%gather3A_755] in [0] : vector<16xf32>, vector<16xi32> -> vector<16xf32>
          %mul3A_757 = arith.mulf %get3A_741, %gather3A_744 : vector<16xf32>
          %add3A_758 = arith.addf %add3A_706, %mul3A_757 : vector<16xf32>
          %mul3A_759 = arith.mulf %mul3A_757, %gather3A_747 : vector<16xf32>
          %add3A_760 = arith.addf %add3A_708, %mul3A_759 : vector<16xf32>
          %mul3A_761 = arith.mulf %mul3A_759, %gather3A_747 : vector<16xf32>
          %add3A_762 = arith.addf %add3A_710, %mul3A_761 : vector<16xf32>
          %mul3A_763 = arith.mulf %mul3A_759, %gather3A_750 : vector<16xf32>
          %add3A_764 = arith.addf %add3A_712, %mul3A_763 : vector<16xf32>
          %mul3A_765 = arith.mulf %mul3A_759, %gather3A_753 : vector<16xf32>
          %add3A_766 = arith.addf %add3A_714, %mul3A_765 : vector<16xf32>
          %mul3A_767 = arith.mulf %mul3A_759, %gather3A_756 : vector<16xf32>
          %add3A_768 = arith.addf %add3A_716, %mul3A_767 : vector<16xf32>
          %mul3A_769 = arith.mulf %mul3A_757, %gather3A_750 : vector<16xf32>
          %add3A_770 = arith.addf %add3A_718, %mul3A_769 : vector<16xf32>
          %mul3A_771 = arith.mulf %mul3A_769, %gather3A_750 : vector<16xf32>
          %add3A_772 = arith.addf %add3A_720, %mul3A_771 : vector<16xf32>
          %mul3A_773 = arith.mulf %mul3A_769, %gather3A_753 : vector<16xf32>
          %add3A_774 = arith.addf %add3A_722, %mul3A_773 : vector<16xf32>
          %mul3A_775 = arith.mulf %mul3A_769, %gather3A_756 : vector<16xf32>
          %add3A_776 = arith.addf %add3A_724, %mul3A_775 : vector<16xf32>
          %mul3A_777 = arith.mulf %mul3A_757, %gather3A_753 : vector<16xf32>
          %add3A_778 = arith.addf %add3A_726, %mul3A_777 : vector<16xf32>
          %mul3A_779 = arith.mulf %mul3A_777, %gather3A_753 : vector<16xf32>
          %add3A_780 = arith.addf %add3A_728, %mul3A_779 : vector<16xf32>
          %mul3A_781 = arith.mulf %mul3A_777, %gather3A_756 : vector<16xf32>
          %add3A_782 = arith.addf %add3A_730, %mul3A_781 : vector<16xf32>
          %mul3A_783 = arith.mulf %mul3A_757, %gather3A_756 : vector<16xf32>
          %add3A_784 = arith.addf %add3A_732, %mul3A_783 : vector<16xf32>
          %mul3A_785 = arith.mulf %mul3A_783, %gather3A_756 : vector<16xf32>
          %add3A_786 = arith.addf %add3A_734, %mul3A_785 : vector<16xf32>
          %broadcast_in_dim3A_787 = arith.constant 10 : i32
          %broadcast_in_dim3A_788 = vector.broadcast %broadcast_in_dim3A_787 : i32 to vector<16xi32>
          %add3A_789 = arith.constant 10 : i32
          %add3A_790 = arith.addi %mul3A_213, %add3A_789 : i32
          %get3A_791 = arith.index_cast %add3A_790 : i32 to index
          %get3A_792 = arith.constant 0 : index
          %get3A_793 = tpu.vector_load %arg10[%get3A_791, %get3A_792] {strides = array<i32>} : memref<1280x24xf32, #tpu.memory_space<vmem>>, vector<16xf32>,
          %reshape3A_794 = vector.shape_cast %broadcast_in_dim3A_788 : vector<16xi32> to vector<16x1xi32>
          %gather3A_795 = vector.shape_cast %reshape3A_794 : vector<16x1xi32> to vector<16xi32>
          %gather3A_796 = tpu.dynamic_gather %exp3A[%gather3A_795] in [0] : vector<16xf32>, vector<16xi32> -> vector<16xf32>
          %reshape3A_797 = vector.shape_cast %broadcast_in_dim3A_788 : vector<16xi32> to vector<16x1xi32>
          %gather3A_798 = vector.shape_cast %reshape3A_797 : vector<16x1xi32> to vector<16xi32>
          %gather3A_799 = tpu.dynamic_gather %gather3A[%gather3A_798] in [0] : vector<16xf32>, vector<16xi32> -> vector<16xf32>
          %reshape3A_800 = vector.shape_cast %broadcast_in_dim3A_788 : vector<16xi32> to vector<16x1xi32>
          %gather3A_801 = vector.shape_cast %reshape3A_800 : vector<16x1xi32> to vector<16xi32>
          %gather3A_802 = tpu.dynamic_gather %gather3A_227[%gather3A_801] in [0] : vector<16xf32>, vector<16xi32> -> vector<16xf32>
          %reshape3A_803 = vector.shape_cast %broadcast_in_dim3A_788 : vector<16xi32> to vector<16x1xi32>
          %gather3A_804 = vector.shape_cast %reshape3A_803 : vector<16x1xi32> to vector<16xi32>
          %gather3A_805 = tpu.dynamic_gather %gather3A_232[%gather3A_804] in [0] : vector<16xf32>, vector<16xi32> -> vector<16xf32>
          %reshape3A_806 = vector.shape_cast %broadcast_in_dim3A_788 : vector<16xi32> to vector<16x1xi32>
          %gather3A_807 = vector.shape_cast %reshape3A_806 : vector<16x1xi32> to vector<16xi32>
          %gather3A_808 = tpu.dynamic_gather %gather3A_237[%gather3A_807] in [0] : vector<16xf32>, vector<16xi32> -> vector<16xf32>
          %mul3A_809 = arith.mulf %get3A_793, %gather3A_796 : vector<16xf32>
          %add3A_810 = arith.addf %add3A_758, %mul3A_809 : vector<16xf32>
          %mul3A_811 = arith.mulf %mul3A_809, %gather3A_799 : vector<16xf32>
          %add3A_812 = arith.addf %add3A_760, %mul3A_811 : vector<16xf32>
          %mul3A_813 = arith.mulf %mul3A_811, %gather3A_799 : vector<16xf32>
          %add3A_814 = arith.addf %add3A_762, %mul3A_813 : vector<16xf32>
          %mul3A_815 = arith.mulf %mul3A_811, %gather3A_802 : vector<16xf32>
          %add3A_816 = arith.addf %add3A_764, %mul3A_815 : vector<16xf32>
          %mul3A_817 = arith.mulf %mul3A_811, %gather3A_805 : vector<16xf32>
          %add3A_818 = arith.addf %add3A_766, %mul3A_817 : vector<16xf32>
          %mul3A_819 = arith.mulf %mul3A_811, %gather3A_808 : vector<16xf32>
          %add3A_820 = arith.addf %add3A_768, %mul3A_819 : vector<16xf32>
          %mul3A_821 = arith.mulf %mul3A_809, %gather3A_802 : vector<16xf32>
          %add3A_822 = arith.addf %add3A_770, %mul3A_821 : vector<16xf32>
          %mul3A_823 = arith.mulf %mul3A_821, %gather3A_802 : vector<16xf32>
          %add3A_824 = arith.addf %add3A_772, %mul3A_823 : vector<16xf32>
          %mul3A_825 = arith.mulf %mul3A_821, %gather3A_805 : vector<16xf32>
          %add3A_826 = arith.addf %add3A_774, %mul3A_825 : vector<16xf32>
          %mul3A_827 = arith.mulf %mul3A_821, %gather3A_808 : vector<16xf32>
          %add3A_828 = arith.addf %add3A_776, %mul3A_827 : vector<16xf32>
          %mul3A_829 = arith.mulf %mul3A_809, %gather3A_805 : vector<16xf32>
          %add3A_830 = arith.addf %add3A_778, %mul3A_829 : vector<16xf32>
          %mul3A_831 = arith.mulf %mul3A_829, %gather3A_805 : vector<16xf32>
          %add3A_832 = arith.addf %add3A_780, %mul3A_831 : vector<16xf32>
          %mul3A_833 = arith.mulf %mul3A_829, %gather3A_808 : vector<16xf32>
          %add3A_834 = arith.addf %add3A_782, %mul3A_833 : vector<16xf32>
          %mul3A_835 = arith.mulf %mul3A_809, %gather3A_808 : vector<16xf32>
          %add3A_836 = arith.addf %add3A_784, %mul3A_835 : vector<16xf32>
          %mul3A_837 = arith.mulf %mul3A_835, %gather3A_808 : vector<16xf32>
          %add3A_838 = arith.addf %add3A_786, %mul3A_837 : vector<16xf32>
          %broadcast_in_dim3A_839 = arith.constant 11 : i32
          %broadcast_in_dim3A_840 = vector.broadcast %broadcast_in_dim3A_839 : i32 to vector<16xi32>
          %add3A_841 = arith.constant 11 : i32
          %add3A_842 = arith.addi %mul3A_213, %add3A_841 : i32
          %get3A_843 = arith.index_cast %add3A_842 : i32 to index
          %get3A_844 = arith.constant 0 : index
          %get3A_845 = tpu.vector_load %arg10[%get3A_843, %get3A_844] {strides = array<i32>} : memref<1280x24xf32, #tpu.memory_space<vmem>>, vector<16xf32>,
          %reshape3A_846 = vector.shape_cast %broadcast_in_dim3A_840 : vector<16xi32> to vector<16x1xi32>
          %gather3A_847 = vector.shape_cast %reshape3A_846 : vector<16x1xi32> to vector<16xi32>
          %gather3A_848 = tpu.dynamic_gather %exp3A[%gather3A_847] in [0] : vector<16xf32>, vector<16xi32> -> vector<16xf32>
          %reshape3A_849 = vector.shape_cast %broadcast_in_dim3A_840 : vector<16xi32> to vector<16x1xi32>
          %gather3A_850 = vector.shape_cast %reshape3A_849 : vector<16x1xi32> to vector<16xi32>
          %gather3A_851 = tpu.dynamic_gather %gather3A[%gather3A_850] in [0] : vector<16xf32>, vector<16xi32> -> vector<16xf32>
          %reshape3A_852 = vector.shape_cast %broadcast_in_dim3A_840 : vector<16xi32> to vector<16x1xi32>
          %gather3A_853 = vector.shape_cast %reshape3A_852 : vector<16x1xi32> to vector<16xi32>
          %gather3A_854 = tpu.dynamic_gather %gather3A_227[%gather3A_853] in [0] : vector<16xf32>, vector<16xi32> -> vector<16xf32>
          %reshape3A_855 = vector.shape_cast %broadcast_in_dim3A_840 : vector<16xi32> to vector<16x1xi32>
          %gather3A_856 = vector.shape_cast %reshape3A_855 : vector<16x1xi32> to vector<16xi32>
          %gather3A_857 = tpu.dynamic_gather %gather3A_232[%gather3A_856] in [0] : vector<16xf32>, vector<16xi32> -> vector<16xf32>
          %reshape3A_858 = vector.shape_cast %broadcast_in_dim3A_840 : vector<16xi32> to vector<16x1xi32>
          %gather3A_859 = vector.shape_cast %reshape3A_858 : vector<16x1xi32> to vector<16xi32>
          %gather3A_860 = tpu.dynamic_gather %gather3A_237[%gather3A_859] in [0] : vector<16xf32>, vector<16xi32> -> vector<16xf32>
          %mul3A_861 = arith.mulf %get3A_845, %gather3A_848 : vector<16xf32>
          %add3A_862 = arith.addf %add3A_810, %mul3A_861 : vector<16xf32>
          %mul3A_863 = arith.mulf %mul3A_861, %gather3A_851 : vector<16xf32>
          %add3A_864 = arith.addf %add3A_812, %mul3A_863 : vector<16xf32>
          %mul3A_865 = arith.mulf %mul3A_863, %gather3A_851 : vector<16xf32>
          %add3A_866 = arith.addf %add3A_814, %mul3A_865 : vector<16xf32>
          %mul3A_867 = arith.mulf %mul3A_863, %gather3A_854 : vector<16xf32>
          %add3A_868 = arith.addf %add3A_816, %mul3A_867 : vector<16xf32>
          %mul3A_869 = arith.mulf %mul3A_863, %gather3A_857 : vector<16xf32>
          %add3A_870 = arith.addf %add3A_818, %mul3A_869 : vector<16xf32>
          %mul3A_871 = arith.mulf %mul3A_863, %gather3A_860 : vector<16xf32>
          %add3A_872 = arith.addf %add3A_820, %mul3A_871 : vector<16xf32>
          %mul3A_873 = arith.mulf %mul3A_861, %gather3A_854 : vector<16xf32>
          %add3A_874 = arith.addf %add3A_822, %mul3A_873 : vector<16xf32>
          %mul3A_875 = arith.mulf %mul3A_873, %gather3A_854 : vector<16xf32>
          %add3A_876 = arith.addf %add3A_824, %mul3A_875 : vector<16xf32>
          %mul3A_877 = arith.mulf %mul3A_873, %gather3A_857 : vector<16xf32>
          %add3A_878 = arith.addf %add3A_826, %mul3A_877 : vector<16xf32>
          %mul3A_879 = arith.mulf %mul3A_873, %gather3A_860 : vector<16xf32>
          %add3A_880 = arith.addf %add3A_828, %mul3A_879 : vector<16xf32>
          %mul3A_881 = arith.mulf %mul3A_861, %gather3A_857 : vector<16xf32>
          %add3A_882 = arith.addf %add3A_830, %mul3A_881 : vector<16xf32>
          %mul3A_883 = arith.mulf %mul3A_881, %gather3A_857 : vector<16xf32>
          %add3A_884 = arith.addf %add3A_832, %mul3A_883 : vector<16xf32>
          %mul3A_885 = arith.mulf %mul3A_881, %gather3A_860 : vector<16xf32>
          %add3A_886 = arith.addf %add3A_834, %mul3A_885 : vector<16xf32>
          %mul3A_887 = arith.mulf %mul3A_861, %gather3A_860 : vector<16xf32>
          %add3A_888 = arith.addf %add3A_836, %mul3A_887 : vector<16xf32>
          %mul3A_889 = arith.mulf %mul3A_887, %gather3A_860 : vector<16xf32>
          %add3A_890 = arith.addf %add3A_838, %mul3A_889 : vector<16xf32>
          %broadcast_in_dim3A_891 = arith.constant 12 : i32
          %broadcast_in_dim3A_892 = vector.broadcast %broadcast_in_dim3A_891 : i32 to vector<16xi32>
          %add3A_893 = arith.constant 12 : i32
          %add3A_894 = arith.addi %mul3A_213, %add3A_893 : i32
          %get3A_895 = arith.index_cast %add3A_894 : i32 to index
          %get3A_896 = arith.constant 0 : index
          %get3A_897 = tpu.vector_load %arg10[%get3A_895, %get3A_896] {strides = array<i32>} : memref<1280x24xf32, #tpu.memory_space<vmem>>, vector<16xf32>,
          %reshape3A_898 = vector.shape_cast %broadcast_in_dim3A_892 : vector<16xi32> to vector<16x1xi32>
          %gather3A_899 = vector.shape_cast %reshape3A_898 : vector<16x1xi32> to vector<16xi32>
          %gather3A_900 = tpu.dynamic_gather %exp3A[%gather3A_899] in [0] : vector<16xf32>, vector<16xi32> -> vector<16xf32>
          %reshape3A_901 = vector.shape_cast %broadcast_in_dim3A_892 : vector<16xi32> to vector<16x1xi32>
          %gather3A_902 = vector.shape_cast %reshape3A_901 : vector<16x1xi32> to vector<16xi32>
          %gather3A_903 = tpu.dynamic_gather %gather3A[%gather3A_902] in [0] : vector<16xf32>, vector<16xi32> -> vector<16xf32>
          %reshape3A_904 = vector.shape_cast %broadcast_in_dim3A_892 : vector<16xi32> to vector<16x1xi32>
          %gather3A_905 = vector.shape_cast %reshape3A_904 : vector<16x1xi32> to vector<16xi32>
          %gather3A_906 = tpu.dynamic_gather %gather3A_227[%gather3A_905] in [0] : vector<16xf32>, vector<16xi32> -> vector<16xf32>
          %reshape3A_907 = vector.shape_cast %broadcast_in_dim3A_892 : vector<16xi32> to vector<16x1xi32>
          %gather3A_908 = vector.shape_cast %reshape3A_907 : vector<16x1xi32> to vector<16xi32>
          %gather3A_909 = tpu.dynamic_gather %gather3A_232[%gather3A_908] in [0] : vector<16xf32>, vector<16xi32> -> vector<16xf32>
          %reshape3A_910 = vector.shape_cast %broadcast_in_dim3A_892 : vector<16xi32> to vector<16x1xi32>
          %gather3A_911 = vector.shape_cast %reshape3A_910 : vector<16x1xi32> to vector<16xi32>
          %gather3A_912 = tpu.dynamic_gather %gather3A_237[%gather3A_911] in [0] : vector<16xf32>, vector<16xi32> -> vector<16xf32>
          %mul3A_913 = arith.mulf %get3A_897, %gather3A_900 : vector<16xf32>
          %add3A_914 = arith.addf %add3A_862, %mul3A_913 : vector<16xf32>
          %mul3A_915 = arith.mulf %mul3A_913, %gather3A_903 : vector<16xf32>
          %add3A_916 = arith.addf %add3A_864, %mul3A_915 : vector<16xf32>
          %mul3A_917 = arith.mulf %mul3A_915, %gather3A_903 : vector<16xf32>
          %add3A_918 = arith.addf %add3A_866, %mul3A_917 : vector<16xf32>
          %mul3A_919 = arith.mulf %mul3A_915, %gather3A_906 : vector<16xf32>
          %add3A_920 = arith.addf %add3A_868, %mul3A_919 : vector<16xf32>
          %mul3A_921 = arith.mulf %mul3A_915, %gather3A_909 : vector<16xf32>
          %add3A_922 = arith.addf %add3A_870, %mul3A_921 : vector<16xf32>
          %mul3A_923 = arith.mulf %mul3A_915, %gather3A_912 : vector<16xf32>
          %add3A_924 = arith.addf %add3A_872, %mul3A_923 : vector<16xf32>
          %mul3A_925 = arith.mulf %mul3A_913, %gather3A_906 : vector<16xf32>
          %add3A_926 = arith.addf %add3A_874, %mul3A_925 : vector<16xf32>
          %mul3A_927 = arith.mulf %mul3A_925, %gather3A_906 : vector<16xf32>
          %add3A_928 = arith.addf %add3A_876, %mul3A_927 : vector<16xf32>
          %mul3A_929 = arith.mulf %mul3A_925, %gather3A_909 : vector<16xf32>
          %add3A_930 = arith.addf %add3A_878, %mul3A_929 : vector<16xf32>
          %mul3A_931 = arith.mulf %mul3A_925, %gather3A_912 : vector<16xf32>
          %add3A_932 = arith.addf %add3A_880, %mul3A_931 : vector<16xf32>
          %mul3A_933 = arith.mulf %mul3A_913, %gather3A_909 : vector<16xf32>
          %add3A_934 = arith.addf %add3A_882, %mul3A_933 : vector<16xf32>
          %mul3A_935 = arith.mulf %mul3A_933, %gather3A_909 : vector<16xf32>
          %add3A_936 = arith.addf %add3A_884, %mul3A_935 : vector<16xf32>
          %mul3A_937 = arith.mulf %mul3A_933, %gather3A_912 : vector<16xf32>
          %add3A_938 = arith.addf %add3A_886, %mul3A_937 : vector<16xf32>
          %mul3A_939 = arith.mulf %mul3A_913, %gather3A_912 : vector<16xf32>
          %add3A_940 = arith.addf %add3A_888, %mul3A_939 : vector<16xf32>
          %mul3A_941 = arith.mulf %mul3A_939, %gather3A_912 : vector<16xf32>
          %add3A_942 = arith.addf %add3A_890, %mul3A_941 : vector<16xf32>
          %broadcast_in_dim3A_943 = arith.constant 13 : i32
          %broadcast_in_dim3A_944 = vector.broadcast %broadcast_in_dim3A_943 : i32 to vector<16xi32>
          %add3A_945 = arith.constant 13 : i32
          %add3A_946 = arith.addi %mul3A_213, %add3A_945 : i32
          %get3A_947 = arith.index_cast %add3A_946 : i32 to index
          %get3A_948 = arith.constant 0 : index
          %get3A_949 = tpu.vector_load %arg10[%get3A_947, %get3A_948] {strides = array<i32>} : memref<1280x24xf32, #tpu.memory_space<vmem>>, vector<16xf32>,
          %reshape3A_950 = vector.shape_cast %broadcast_in_dim3A_944 : vector<16xi32> to vector<16x1xi32>
          %gather3A_951 = vector.shape_cast %reshape3A_950 : vector<16x1xi32> to vector<16xi32>
          %gather3A_952 = tpu.dynamic_gather %exp3A[%gather3A_951] in [0] : vector<16xf32>, vector<16xi32> -> vector<16xf32>
          %reshape3A_953 = vector.shape_cast %broadcast_in_dim3A_944 : vector<16xi32> to vector<16x1xi32>
          %gather3A_954 = vector.shape_cast %reshape3A_953 : vector<16x1xi32> to vector<16xi32>
          %gather3A_955 = tpu.dynamic_gather %gather3A[%gather3A_954] in [0] : vector<16xf32>, vector<16xi32> -> vector<16xf32>
          %reshape3A_956 = vector.shape_cast %broadcast_in_dim3A_944 : vector<16xi32> to vector<16x1xi32>
          %gather3A_957 = vector.shape_cast %reshape3A_956 : vector<16x1xi32> to vector<16xi32>
          %gather3A_958 = tpu.dynamic_gather %gather3A_227[%gather3A_957] in [0] : vector<16xf32>, vector<16xi32> -> vector<16xf32>
          %reshape3A_959 = vector.shape_cast %broadcast_in_dim3A_944 : vector<16xi32> to vector<16x1xi32>
          %gather3A_960 = vector.shape_cast %reshape3A_959 : vector<16x1xi32> to vector<16xi32>
          %gather3A_961 = tpu.dynamic_gather %gather3A_232[%gather3A_960] in [0] : vector<16xf32>, vector<16xi32> -> vector<16xf32>
          %reshape3A_962 = vector.shape_cast %broadcast_in_dim3A_944 : vector<16xi32> to vector<16x1xi32>
          %gather3A_963 = vector.shape_cast %reshape3A_962 : vector<16x1xi32> to vector<16xi32>
          %gather3A_964 = tpu.dynamic_gather %gather3A_237[%gather3A_963] in [0] : vector<16xf32>, vector<16xi32> -> vector<16xf32>
          %mul3A_965 = arith.mulf %get3A_949, %gather3A_952 : vector<16xf32>
          %add3A_966 = arith.addf %add3A_914, %mul3A_965 : vector<16xf32>
          %mul3A_967 = arith.mulf %mul3A_965, %gather3A_955 : vector<16xf32>
          %add3A_968 = arith.addf %add3A_916, %mul3A_967 : vector<16xf32>
          %mul3A_969 = arith.mulf %mul3A_967, %gather3A_955 : vector<16xf32>
          %add3A_970 = arith.addf %add3A_918, %mul3A_969 : vector<16xf32>
          %mul3A_971 = arith.mulf %mul3A_967, %gather3A_958 : vector<16xf32>
          %add3A_972 = arith.addf %add3A_920, %mul3A_971 : vector<16xf32>
          %mul3A_973 = arith.mulf %mul3A_967, %gather3A_961 : vector<16xf32>
          %add3A_974 = arith.addf %add3A_922, %mul3A_973 : vector<16xf32>
          %mul3A_975 = arith.mulf %mul3A_967, %gather3A_964 : vector<16xf32>
          %add3A_976 = arith.addf %add3A_924, %mul3A_975 : vector<16xf32>
          %mul3A_977 = arith.mulf %mul3A_965, %gather3A_958 : vector<16xf32>
          %add3A_978 = arith.addf %add3A_926, %mul3A_977 : vector<16xf32>
          %mul3A_979 = arith.mulf %mul3A_977, %gather3A_958 : vector<16xf32>
          %add3A_980 = arith.addf %add3A_928, %mul3A_979 : vector<16xf32>
          %mul3A_981 = arith.mulf %mul3A_977, %gather3A_961 : vector<16xf32>
          %add3A_982 = arith.addf %add3A_930, %mul3A_981 : vector<16xf32>
          %mul3A_983 = arith.mulf %mul3A_977, %gather3A_964 : vector<16xf32>
          %add3A_984 = arith.addf %add3A_932, %mul3A_983 : vector<16xf32>
          %mul3A_985 = arith.mulf %mul3A_965, %gather3A_961 : vector<16xf32>
          %add3A_986 = arith.addf %add3A_934, %mul3A_985 : vector<16xf32>
          %mul3A_987 = arith.mulf %mul3A_985, %gather3A_961 : vector<16xf32>
          %add3A_988 = arith.addf %add3A_936, %mul3A_987 : vector<16xf32>
          %mul3A_989 = arith.mulf %mul3A_985, %gather3A_964 : vector<16xf32>
          %add3A_990 = arith.addf %add3A_938, %mul3A_989 : vector<16xf32>
          %mul3A_991 = arith.mulf %mul3A_965, %gather3A_964 : vector<16xf32>
          %add3A_992 = arith.addf %add3A_940, %mul3A_991 : vector<16xf32>
          %mul3A_993 = arith.mulf %mul3A_991, %gather3A_964 : vector<16xf32>
          %add3A_994 = arith.addf %add3A_942, %mul3A_993 : vector<16xf32>
          %broadcast_in_dim3A_995 = arith.constant 14 : i32
          %broadcast_in_dim3A_996 = vector.broadcast %broadcast_in_dim3A_995 : i32 to vector<16xi32>
          %add3A_997 = arith.constant 14 : i32
          %add3A_998 = arith.addi %mul3A_213, %add3A_997 : i32
          %get3A_999 = arith.index_cast %add3A_998 : i32 to index
          %get3A_1000 = arith.constant 0 : index
          %get3A_1001 = tpu.vector_load %arg10[%get3A_999, %get3A_1000] {strides = array<i32>} : memref<1280x24xf32, #tpu.memory_space<vmem>>, vector<16xf32>,
          %reshape3A_1002 = vector.shape_cast %broadcast_in_dim3A_996 : vector<16xi32> to vector<16x1xi32>
          %gather3A_1003 = vector.shape_cast %reshape3A_1002 : vector<16x1xi32> to vector<16xi32>
          %gather3A_1004 = tpu.dynamic_gather %exp3A[%gather3A_1003] in [0] : vector<16xf32>, vector<16xi32> -> vector<16xf32>
          %reshape3A_1005 = vector.shape_cast %broadcast_in_dim3A_996 : vector<16xi32> to vector<16x1xi32>
          %gather3A_1006 = vector.shape_cast %reshape3A_1005 : vector<16x1xi32> to vector<16xi32>
          %gather3A_1007 = tpu.dynamic_gather %gather3A[%gather3A_1006] in [0] : vector<16xf32>, vector<16xi32> -> vector<16xf32>
          %reshape3A_1008 = vector.shape_cast %broadcast_in_dim3A_996 : vector<16xi32> to vector<16x1xi32>
          %gather3A_1009 = vector.shape_cast %reshape3A_1008 : vector<16x1xi32> to vector<16xi32>
          %gather3A_1010 = tpu.dynamic_gather %gather3A_227[%gather3A_1009] in [0] : vector<16xf32>, vector<16xi32> -> vector<16xf32>
          %reshape3A_1011 = vector.shape_cast %broadcast_in_dim3A_996 : vector<16xi32> to vector<16x1xi32>
          %gather3A_1012 = vector.shape_cast %reshape3A_1011 : vector<16x1xi32> to vector<16xi32>
          %gather3A_1013 = tpu.dynamic_gather %gather3A_232[%gather3A_1012] in [0] : vector<16xf32>, vector<16xi32> -> vector<16xf32>
          %reshape3A_1014 = vector.shape_cast %broadcast_in_dim3A_996 : vector<16xi32> to vector<16x1xi32>
          %gather3A_1015 = vector.shape_cast %reshape3A_1014 : vector<16x1xi32> to vector<16xi32>
          %gather3A_1016 = tpu.dynamic_gather %gather3A_237[%gather3A_1015] in [0] : vector<16xf32>, vector<16xi32> -> vector<16xf32>
          %mul3A_1017 = arith.mulf %get3A_1001, %gather3A_1004 : vector<16xf32>
          %add3A_1018 = arith.addf %add3A_966, %mul3A_1017 : vector<16xf32>
          %mul3A_1019 = arith.mulf %mul3A_1017, %gather3A_1007 : vector<16xf32>
          %add3A_1020 = arith.addf %add3A_968, %mul3A_1019 : vector<16xf32>
          %mul3A_1021 = arith.mulf %mul3A_1019, %gather3A_1007 : vector<16xf32>
          %add3A_1022 = arith.addf %add3A_970, %mul3A_1021 : vector<16xf32>
          %mul3A_1023 = arith.mulf %mul3A_1019, %gather3A_1010 : vector<16xf32>
          %add3A_1024 = arith.addf %add3A_972, %mul3A_1023 : vector<16xf32>
          %mul3A_1025 = arith.mulf %mul3A_1019, %gather3A_1013 : vector<16xf32>
          %add3A_1026 = arith.addf %add3A_974, %mul3A_1025 : vector<16xf32>
          %mul3A_1027 = arith.mulf %mul3A_1019, %gather3A_1016 : vector<16xf32>
          %add3A_1028 = arith.addf %add3A_976, %mul3A_1027 : vector<16xf32>
          %mul3A_1029 = arith.mulf %mul3A_1017, %gather3A_1010 : vector<16xf32>
          %add3A_1030 = arith.addf %add3A_978, %mul3A_1029 : vector<16xf32>
          %mul3A_1031 = arith.mulf %mul3A_1029, %gather3A_1010 : vector<16xf32>
          %add3A_1032 = arith.addf %add3A_980, %mul3A_1031 : vector<16xf32>
          %mul3A_1033 = arith.mulf %mul3A_1029, %gather3A_1013 : vector<16xf32>
          %add3A_1034 = arith.addf %add3A_982, %mul3A_1033 : vector<16xf32>
          %mul3A_1035 = arith.mulf %mul3A_1029, %gather3A_1016 : vector<16xf32>
          %add3A_1036 = arith.addf %add3A_984, %mul3A_1035 : vector<16xf32>
          %mul3A_1037 = arith.mulf %mul3A_1017, %gather3A_1013 : vector<16xf32>
          %add3A_1038 = arith.addf %add3A_986, %mul3A_1037 : vector<16xf32>
          %mul3A_1039 = arith.mulf %mul3A_1037, %gather3A_1013 : vector<16xf32>
          %add3A_1040 = arith.addf %add3A_988, %mul3A_1039 : vector<16xf32>
          %mul3A_1041 = arith.mulf %mul3A_1037, %gather3A_1016 : vector<16xf32>
          %add3A_1042 = arith.addf %add3A_990, %mul3A_1041 : vector<16xf32>
          %mul3A_1043 = arith.mulf %mul3A_1017, %gather3A_1016 : vector<16xf32>
          %add3A_1044 = arith.addf %add3A_992, %mul3A_1043 : vector<16xf32>
          %mul3A_1045 = arith.mulf %mul3A_1043, %gather3A_1016 : vector<16xf32>
          %add3A_1046 = arith.addf %add3A_994, %mul3A_1045 : vector<16xf32>
          %broadcast_in_dim3A_1047 = arith.constant 15 : i32
          %broadcast_in_dim3A_1048 = vector.broadcast %broadcast_in_dim3A_1047 : i32 to vector<16xi32>
          %add3A_1049 = arith.constant 15 : i32
          %add3A_1050 = arith.addi %mul3A_213, %add3A_1049 : i32
          %get3A_1051 = arith.index_cast %add3A_1050 : i32 to index
          %get3A_1052 = arith.constant 0 : index
          %get3A_1053 = tpu.vector_load %arg10[%get3A_1051, %get3A_1052] {strides = array<i32>} : memref<1280x24xf32, #tpu.memory_space<vmem>>, vector<16xf32>,
          %reshape3A_1054 = vector.shape_cast %broadcast_in_dim3A_1048 : vector<16xi32> to vector<16x1xi32>
          %gather3A_1055 = vector.shape_cast %reshape3A_1054 : vector<16x1xi32> to vector<16xi32>
          %gather3A_1056 = tpu.dynamic_gather %exp3A[%gather3A_1055] in [0] : vector<16xf32>, vector<16xi32> -> vector<16xf32>
          %reshape3A_1057 = vector.shape_cast %broadcast_in_dim3A_1048 : vector<16xi32> to vector<16x1xi32>
          %gather3A_1058 = vector.shape_cast %reshape3A_1057 : vector<16x1xi32> to vector<16xi32>
          %gather3A_1059 = tpu.dynamic_gather %gather3A[%gather3A_1058] in [0] : vector<16xf32>, vector<16xi32> -> vector<16xf32>
          %reshape3A_1060 = vector.shape_cast %broadcast_in_dim3A_1048 : vector<16xi32> to vector<16x1xi32>
          %gather3A_1061 = vector.shape_cast %reshape3A_1060 : vector<16x1xi32> to vector<16xi32>
          %gather3A_1062 = tpu.dynamic_gather %gather3A_227[%gather3A_1061] in [0] : vector<16xf32>, vector<16xi32> -> vector<16xf32>
          %reshape3A_1063 = vector.shape_cast %broadcast_in_dim3A_1048 : vector<16xi32> to vector<16x1xi32>
          %gather3A_1064 = vector.shape_cast %reshape3A_1063 : vector<16x1xi32> to vector<16xi32>
          %gather3A_1065 = tpu.dynamic_gather %gather3A_232[%gather3A_1064] in [0] : vector<16xf32>, vector<16xi32> -> vector<16xf32>
          %reshape3A_1066 = vector.shape_cast %broadcast_in_dim3A_1048 : vector<16xi32> to vector<16x1xi32>
          %gather3A_1067 = vector.shape_cast %reshape3A_1066 : vector<16x1xi32> to vector<16xi32>
          %gather3A_1068 = tpu.dynamic_gather %gather3A_237[%gather3A_1067] in [0] : vector<16xf32>, vector<16xi32> -> vector<16xf32>
          %mul3A_1069 = arith.mulf %get3A_1053, %gather3A_1056 : vector<16xf32>
          %add3A_1070 = arith.addf %add3A_1018, %mul3A_1069 : vector<16xf32>
          %mul3A_1071 = arith.mulf %mul3A_1069, %gather3A_1059 : vector<16xf32>
          %add3A_1072 = arith.addf %add3A_1020, %mul3A_1071 : vector<16xf32>
          %mul3A_1073 = arith.mulf %mul3A_1071, %gather3A_1059 : vector<16xf32>
          %add3A_1074 = arith.addf %add3A_1022, %mul3A_1073 : vector<16xf32>
          %mul3A_1075 = arith.mulf %mul3A_1071, %gather3A_1062 : vector<16xf32>
          %add3A_1076 = arith.addf %add3A_1024, %mul3A_1075 : vector<16xf32>
          %mul3A_1077 = arith.mulf %mul3A_1071, %gather3A_1065 : vector<16xf32>
          %add3A_1078 = arith.addf %add3A_1026, %mul3A_1077 : vector<16xf32>
          %mul3A_1079 = arith.mulf %mul3A_1071, %gather3A_1068 : vector<16xf32>
          %add3A_1080 = arith.addf %add3A_1028, %mul3A_1079 : vector<16xf32>
          %mul3A_1081 = arith.mulf %mul3A_1069, %gather3A_1062 : vector<16xf32>
          %add3A_1082 = arith.addf %add3A_1030, %mul3A_1081 : vector<16xf32>
          %mul3A_1083 = arith.mulf %mul3A_1081, %gather3A_1062 : vector<16xf32>
          %add3A_1084 = arith.addf %add3A_1032, %mul3A_1083 : vector<16xf32>
          %mul3A_1085 = arith.mulf %mul3A_1081, %gather3A_1065 : vector<16xf32>
          %add3A_1086 = arith.addf %add3A_1034, %mul3A_1085 : vector<16xf32>
          %mul3A_1087 = arith.mulf %mul3A_1081, %gather3A_1068 : vector<16xf32>
          %add3A_1088 = arith.addf %add3A_1036, %mul3A_1087 : vector<16xf32>
          %mul3A_1089 = arith.mulf %mul3A_1069, %gather3A_1065 : vector<16xf32>
          %add3A_1090 = arith.addf %add3A_1038, %mul3A_1089 : vector<16xf32>
          %mul3A_1091 = arith.mulf %mul3A_1089, %gather3A_1065 : vector<16xf32>
          %add3A_1092 = arith.addf %add3A_1040, %mul3A_1091 : vector<16xf32>
          %mul3A_1093 = arith.mulf %mul3A_1089, %gather3A_1068 : vector<16xf32>
          %add3A_1094 = arith.addf %add3A_1042, %mul3A_1093 : vector<16xf32>
          %mul3A_1095 = arith.mulf %mul3A_1069, %gather3A_1068 : vector<16xf32>
          %add3A_1096 = arith.addf %add3A_1044, %mul3A_1095 : vector<16xf32>
          %mul3A_1097 = arith.mulf %mul3A_1095, %gather3A_1068 : vector<16xf32>
          %add3A_1098 = arith.addf %add3A_1046, %mul3A_1097 : vector<16xf32>
          %eq3A = arith.constant 0.000000e+00 : f32
          %eq3A_1099 = vector.broadcast %eq3A : f32 to vector<16xf32>
          %eq3A_1100 = arith.cmpf oeq, %add3A_1070, %eq3A_1099 : vector<16xf32>
          %div3A_1101 = arith.constant 1.000000e+00 : f32
          %div3A_1102 = vector.broadcast %div3A_1101 : f32 to vector<16xf32>
          %div3A_1103 = arith.divf %div3A_1102, %add3A_1070 : vector<16xf32>
          %jit3A_1104 = arith.constant 0.000000e+00 : f32
          %broadcast_in_dim3A_1105 = vector.broadcast %jit3A_1104 : f32 to vector<16xf32>
          %select_n3A_1106 = arith.select %eq3A_1100, %broadcast_in_dim3A_1105, %div3A_1103 : vector<16xi1>, vector<16xf32>
          %mul3A_1107 = arith.mulf %add3A_1072, %select_n3A_1106 : vector<16xf32>
          %mul3A_1108 = arith.mulf %add3A_1082, %select_n3A_1106 : vector<16xf32>
          %mul3A_1109 = arith.mulf %add3A_1090, %select_n3A_1106 : vector<16xf32>
          %mul3A_1110 = arith.mulf %add3A_1096, %select_n3A_1106 : vector<16xf32>
          %add3A_1111 = arith.constant 0 : i32
          %add3A_1112 = vector.broadcast %add3A_1111 : i32 to vector<16xi32>
          %add3A_1113 = arith.addi %add3A_9, %add3A_1112 : vector<16xi32>
          tpu.vector_store_idx %arg12[%add3A_1113, %broadcast_in_dim3A], %mul3A_1107 : memref<320x80xf32, #tpu.memory_space<vmem>>[vector<16xi32>, vector<16xi32>], vector<16xf32>,
          %mul3A_1114 = arith.mulf %add3A_1074, %select_n3A_1106 : vector<16xf32>
          %mul3A_1115 = arith.mulf %mul3A_1107, %mul3A_1107 : vector<16xf32>
          %sub3A_1116 = arith.subf %mul3A_1114, %mul3A_1115 : vector<16xf32>
          %add3A_1117 = arith.constant 0 : i32
          %add3A_1118 = vector.broadcast %add3A_1117 : i32 to vector<16xi32>
          %add3A_1119 = arith.addi %mul3A_3, %add3A_1118 : vector<16xi32>
          tpu.vector_store_idx %arg12[%add3A_1119, %broadcast_in_dim3A], %sub3A_1116 : memref<320x80xf32, #tpu.memory_space<vmem>>[vector<16xi32>, vector<16xi32>], vector<16xf32>,
          %mul3A_1120 = arith.mulf %add3A_1076, %select_n3A_1106 : vector<16xf32>
          %mul3A_1121 = arith.mulf %mul3A_1107, %mul3A_1108 : vector<16xf32>
          %sub3A_1122 = arith.subf %mul3A_1120, %mul3A_1121 : vector<16xf32>
          %add3A_1123 = arith.constant 1 : i32
          %add3A_1124 = vector.broadcast %add3A_1123 : i32 to vector<16xi32>
          %add3A_1125 = arith.addi %mul3A_3, %add3A_1124 : vector<16xi32>
          tpu.vector_store_idx %arg12[%add3A_1125, %broadcast_in_dim3A], %sub3A_1122 : memref<320x80xf32, #tpu.memory_space<vmem>>[vector<16xi32>, vector<16xi32>], vector<16xf32>,
          %add3A_1126 = arith.constant 4 : i32
          %add3A_1127 = vector.broadcast %add3A_1126 : i32 to vector<16xi32>
          %add3A_1128 = arith.addi %mul3A_3, %add3A_1127 : vector<16xi32>
          tpu.vector_store_idx %arg12[%add3A_1128, %broadcast_in_dim3A], %sub3A_1122 : memref<320x80xf32, #tpu.memory_space<vmem>>[vector<16xi32>, vector<16xi32>], vector<16xf32>,
          %mul3A_1129 = arith.mulf %add3A_1078, %select_n3A_1106 : vector<16xf32>
          %mul3A_1130 = arith.mulf %mul3A_1107, %mul3A_1109 : vector<16xf32>
          %sub3A_1131 = arith.subf %mul3A_1129, %mul3A_1130 : vector<16xf32>
          %add3A_1132 = arith.constant 2 : i32
          %add3A_1133 = vector.broadcast %add3A_1132 : i32 to vector<16xi32>
          %add3A_1134 = arith.addi %mul3A_3, %add3A_1133 : vector<16xi32>
          tpu.vector_store_idx %arg12[%add3A_1134, %broadcast_in_dim3A], %sub3A_1131 : memref<320x80xf32, #tpu.memory_space<vmem>>[vector<16xi32>, vector<16xi32>], vector<16xf32>,
          %add3A_1135 = arith.constant 8 : i32
          %add3A_1136 = vector.broadcast %add3A_1135 : i32 to vector<16xi32>
          %add3A_1137 = arith.addi %mul3A_3, %add3A_1136 : vector<16xi32>
          tpu.vector_store_idx %arg12[%add3A_1137, %broadcast_in_dim3A], %sub3A_1131 : memref<320x80xf32, #tpu.memory_space<vmem>>[vector<16xi32>, vector<16xi32>], vector<16xf32>,
          %mul3A_1138 = arith.mulf %add3A_1080, %select_n3A_1106 : vector<16xf32>
          %mul3A_1139 = arith.mulf %mul3A_1107, %mul3A_1110 : vector<16xf32>
          %sub3A_1140 = arith.subf %mul3A_1138, %mul3A_1139 : vector<16xf32>
          %add3A_1141 = arith.constant 3 : i32
          %add3A_1142 = vector.broadcast %add3A_1141 : i32 to vector<16xi32>
          %add3A_1143 = arith.addi %mul3A_3, %add3A_1142 : vector<16xi32>
          tpu.vector_store_idx %arg12[%add3A_1143, %broadcast_in_dim3A], %sub3A_1140 : memref<320x80xf32, #tpu.memory_space<vmem>>[vector<16xi32>, vector<16xi32>], vector<16xf32>,
          %add3A_1144 = arith.constant 12 : i32
          %add3A_1145 = vector.broadcast %add3A_1144 : i32 to vector<16xi32>
          %add3A_1146 = arith.addi %mul3A_3, %add3A_1145 : vector<16xi32>
          tpu.vector_store_idx %arg12[%add3A_1146, %broadcast_in_dim3A], %sub3A_1140 : memref<320x80xf32, #tpu.memory_space<vmem>>[vector<16xi32>, vector<16xi32>], vector<16xf32>,
          %add3A_1147 = arith.constant 1 : i32
          %add3A_1148 = vector.broadcast %add3A_1147 : i32 to vector<16xi32>
          %add3A_1149 = arith.addi %add3A_9, %add3A_1148 : vector<16xi32>
          tpu.vector_store_idx %arg12[%add3A_1149, %broadcast_in_dim3A], %mul3A_1108 : memref<320x80xf32, #tpu.memory_space<vmem>>[vector<16xi32>, vector<16xi32>], vector<16xf32>,
          %mul3A_1150 = arith.mulf %add3A_1084, %select_n3A_1106 : vector<16xf32>
          %mul3A_1151 = arith.mulf %mul3A_1108, %mul3A_1108 : vector<16xf32>
          %sub3A_1152 = arith.subf %mul3A_1150, %mul3A_1151 : vector<16xf32>
          %add3A_1153 = arith.constant 5 : i32
          %add3A_1154 = vector.broadcast %add3A_1153 : i32 to vector<16xi32>
          %add3A_1155 = arith.addi %mul3A_3, %add3A_1154 : vector<16xi32>
          tpu.vector_store_idx %arg12[%add3A_1155, %broadcast_in_dim3A], %sub3A_1152 : memref<320x80xf32, #tpu.memory_space<vmem>>[vector<16xi32>, vector<16xi32>], vector<16xf32>,
          %mul3A_1156 = arith.mulf %add3A_1086, %select_n3A_1106 : vector<16xf32>
          %mul3A_1157 = arith.mulf %mul3A_1108, %mul3A_1109 : vector<16xf32>
          %sub3A_1158 = arith.subf %mul3A_1156, %mul3A_1157 : vector<16xf32>
          %add3A_1159 = arith.constant 6 : i32
          %add3A_1160 = vector.broadcast %add3A_1159 : i32 to vector<16xi32>
          %add3A_1161 = arith.addi %mul3A_3, %add3A_1160 : vector<16xi32>
          tpu.vector_store_idx %arg12[%add3A_1161, %broadcast_in_dim3A], %sub3A_1158 : memref<320x80xf32, #tpu.memory_space<vmem>>[vector<16xi32>, vector<16xi32>], vector<16xf32>,
          %add3A_1162 = arith.constant 9 : i32
          %add3A_1163 = vector.broadcast %add3A_1162 : i32 to vector<16xi32>
          %add3A_1164 = arith.addi %mul3A_3, %add3A_1163 : vector<16xi32>
          tpu.vector_store_idx %arg12[%add3A_1164, %broadcast_in_dim3A], %sub3A_1158 : memref<320x80xf32, #tpu.memory_space<vmem>>[vector<16xi32>, vector<16xi32>], vector<16xf32>,
          %mul3A_1165 = arith.mulf %add3A_1088, %select_n3A_1106 : vector<16xf32>
          %mul3A_1166 = arith.mulf %mul3A_1108, %mul3A_1110 : vector<16xf32>
          %sub3A_1167 = arith.subf %mul3A_1165, %mul3A_1166 : vector<16xf32>
          %add3A_1168 = arith.constant 7 : i32
          %add3A_1169 = vector.broadcast %add3A_1168 : i32 to vector<16xi32>
          %add3A_1170 = arith.addi %mul3A_3, %add3A_1169 : vector<16xi32>
          tpu.vector_store_idx %arg12[%add3A_1170, %broadcast_in_dim3A], %sub3A_1167 : memref<320x80xf32, #tpu.memory_space<vmem>>[vector<16xi32>, vector<16xi32>], vector<16xf32>,
          %add3A_1171 = arith.constant 13 : i32
          %add3A_1172 = vector.broadcast %add3A_1171 : i32 to vector<16xi32>
          %add3A_1173 = arith.addi %mul3A_3, %add3A_1172 : vector<16xi32>
          tpu.vector_store_idx %arg12[%add3A_1173, %broadcast_in_dim3A], %sub3A_1167 : memref<320x80xf32, #tpu.memory_space<vmem>>[vector<16xi32>, vector<16xi32>], vector<16xf32>,
          %add3A_1174 = arith.constant 2 : i32
          %add3A_1175 = vector.broadcast %add3A_1174 : i32 to vector<16xi32>
          %add3A_1176 = arith.addi %add3A_9, %add3A_1175 : vector<16xi32>
          tpu.vector_store_idx %arg12[%add3A_1176, %broadcast_in_dim3A], %mul3A_1109 : memref<320x80xf32, #tpu.memory_space<vmem>>[vector<16xi32>, vector<16xi32>], vector<16xf32>,
          %mul3A_1177 = arith.mulf %add3A_1092, %select_n3A_1106 : vector<16xf32>
          %mul3A_1178 = arith.mulf %mul3A_1109, %mul3A_1109 : vector<16xf32>
          %sub3A_1179 = arith.subf %mul3A_1177, %mul3A_1178 : vector<16xf32>
          %add3A_1180 = arith.constant 10 : i32
          %add3A_1181 = vector.broadcast %add3A_1180 : i32 to vector<16xi32>
          %add3A_1182 = arith.addi %mul3A_3, %add3A_1181 : vector<16xi32>
          tpu.vector_store_idx %arg12[%add3A_1182, %broadcast_in_dim3A], %sub3A_1179 : memref<320x80xf32, #tpu.memory_space<vmem>>[vector<16xi32>, vector<16xi32>], vector<16xf32>,
          %mul3A_1183 = arith.mulf %add3A_1094, %select_n3A_1106 : vector<16xf32>
          %mul3A_1184 = arith.mulf %mul3A_1109, %mul3A_1110 : vector<16xf32>
          %sub3A_1185 = arith.subf %mul3A_1183, %mul3A_1184 : vector<16xf32>
          %add3A_1186 = arith.constant 11 : i32
          %add3A_1187 = vector.broadcast %add3A_1186 : i32 to vector<16xi32>
          %add3A_1188 = arith.addi %mul3A_3, %add3A_1187 : vector<16xi32>
          tpu.vector_store_idx %arg12[%add3A_1188, %broadcast_in_dim3A], %sub3A_1185 : memref<320x80xf32, #tpu.memory_space<vmem>>[vector<16xi32>, vector<16xi32>], vector<16xf32>,
          %add3A_1189 = arith.constant 14 : i32
          %add3A_1190 = vector.broadcast %add3A_1189 : i32 to vector<16xi32>
          %add3A_1191 = arith.addi %mul3A_3, %add3A_1190 : vector<16xi32>
          tpu.vector_store_idx %arg12[%add3A_1191, %broadcast_in_dim3A], %sub3A_1185 : memref<320x80xf32, #tpu.memory_space<vmem>>[vector<16xi32>, vector<16xi32>], vector<16xf32>,
          %add3A_1192 = arith.constant 3 : i32
          %add3A_1193 = vector.broadcast %add3A_1192 : i32 to vector<16xi32>
          %add3A_1194 = arith.addi %add3A_9, %add3A_1193 : vector<16xi32>
          tpu.vector_store_idx %arg12[%add3A_1194, %broadcast_in_dim3A], %mul3A_1110 : memref<320x80xf32, #tpu.memory_space<vmem>>[vector<16xi32>, vector<16xi32>], vector<16xf32>,
          %mul3A_1195 = arith.mulf %add3A_1098, %select_n3A_1106 : vector<16xf32>
          %mul3A_1196 = arith.mulf %mul3A_1110, %mul3A_1110 : vector<16xf32>
          %sub3A_1197 = arith.subf %mul3A_1195, %mul3A_1196 : vector<16xf32>
          %add3A_1198 = arith.constant 15 : i32
          %add3A_1199 = vector.broadcast %add3A_1198 : i32 to vector<16xi32>
          %add3A_1200 = arith.addi %mul3A_3, %add3A_1199 : vector<16xi32>
          tpu.vector_store_idx %arg12[%add3A_1200, %broadcast_in_dim3A], %sub3A_1197 : memref<320x80xf32, #tpu.memory_space<vmem>>[vector<16xi32>, vector<16xi32>], vector<16xf32>,
          %scan3A_1201 = arith.constant 0 : i32
          scf.yield %scan3A_1201 : i32
        }
        %scan3A_199 = arith.constant 80 : i32
        %mul3A_200 = arith.constant 80 : i32
        %mul3A_201 = arith.muli %add3A_66, %mul3A_200 : i32
        %dma_start3A = arith.constant 0 : i32
        %dma_start3A_202 = tpu.memref_slice %arg5[%dma_start3A, %mul3A_201] : memref<320x50000xf32, #tpu.memory_space<hbm>> -> memref<320x80xf32, #tpu.memory_space<hbm>>
        %dma_start3A_203 = arith.constant 0 : i32
        %dma_start3A_204 = tpu.memref_slice %arg5[%dma_start3A_203, %mul3A_201] : memref<320x50000xf32, #tpu.memory_space<hbm>> -> memref<320x80xf32, #tpu.memory_space<hbm>>
        tpu.enqueue_dma source(%arg12 : memref<320x80xf32, #tpu.memory_space<vmem>>) target(%dma_start3A_204 : memref<320x80xf32, #tpu.memory_space<hbm>>) target_semaphore(%arg16 : memref<!tpu.dma_semaphore, #tpu.memory_space<semaphore_mem>>)
        %lt3A_205 = arith.constant 625 : i32
        %lt3A_206 = arith.cmpi slt, %add3A_68, %lt3A_205 : i32
        %convert_element_type3A_207 = arith.extui %lt3A_206 : i1 to i32
        %cond3A_208 = arith.constant 0 : i32
        %cond3A_209 = arith.cmpi ne, %convert_element_type3A_207, %cond3A_208 : i32
        scf.if %cond3A_209 {
          %mul3A_210 = arith.constant 10 : i32
          %mul3A_211 = arith.muli %add3A_68, %mul3A_210 : i32
          "tpu.region"() ({
            %run_scoped3A = tpu.sem_alloc : memref<!tpu.dma_semaphore, #tpu.memory_space<semaphore_mem>>
            %dma_start3A_314 = arith.constant 0 : i32
            %dma_start3A_315 = tpu.memref_slice %arg4[%mul3A_211, %dma_start3A_314] : memref<6250x128xi32, #tpu.memory_space<hbm>> -> memref<10x128xi32, #tpu.memory_space<hbm>>
            %dma_start3A_316 = arith.constant 0 : i32
            %dma_start3A_317 = tpu.memref_slice %arg4[%mul3A_211, %dma_start3A_316] : memref<6250x128xi32, #tpu.memory_space<hbm>> -> memref<10x128xi32, #tpu.memory_space<hbm>>
            tpu.enqueue_dma source(%dma_start3A_317 : memref<10x128xi32, #tpu.memory_space<hbm>>) target(%arg6 : memref<10x128xi32, #tpu.memory_space<vmem>>) target_semaphore(%run_scoped3A : memref<!tpu.dma_semaphore, #tpu.memory_space<semaphore_mem>>)
            %dma_wait3A_318 = arith.constant 0 : i32
            %dma_wait3A_319 = tpu.memref_slice %arg4[%mul3A_211, %dma_wait3A_318] : memref<6250x128xi32, #tpu.memory_space<hbm>> -> memref<10x128xi32, #tpu.memory_space<hbm>>
            %dma_wait3A_320 = arith.constant 0 : i32
            %dma_wait3A_321 = tpu.memref_slice %arg4[%mul3A_211, %dma_wait3A_320] : memref<6250x128xi32, #tpu.memory_space<hbm>> -> memref<10x128xi32, #tpu.memory_space<hbm>>
            tpu.wait_dma2 semaphore(%run_scoped3A : memref<!tpu.dma_semaphore, #tpu.memory_space<semaphore_mem>>) src(%dma_wait3A_321 : memref<10x128xi32, #tpu.memory_space<hbm>>) dst(%arg6 : memref<10x128xi32, #tpu.memory_space<vmem>>)
            tpu.yield
          }) : () -> ()
          %mul3A_212 = arith.constant 80 : i32
          %mul3A_213 = arith.muli %add3A_68, %mul3A_212 : i32
          "tpu.region"() ({
            %run_scoped3A = tpu.sem_alloc : memref<!tpu.dma_semaphore, #tpu.memory_space<semaphore_mem>>
            %dma_start3A_314 = arith.constant 0 : i32
            %dma_start3A_315 = tpu.memref_slice %arg3[%mul3A_213, %dma_start3A_314] : memref<50000x16xf32, #tpu.memory_space<hbm>> -> memref<80x16xf32, #tpu.memory_space<hbm>>
            %dma_start3A_316 = arith.constant 0 : i32
            %dma_start3A_317 = tpu.memref_slice %arg3[%mul3A_213, %dma_start3A_316] : memref<50000x16xf32, #tpu.memory_space<hbm>> -> memref<80x16xf32, #tpu.memory_space<hbm>>
            tpu.enqueue_dma source(%dma_start3A_317 : memref<80x16xf32, #tpu.memory_space<hbm>>) target(%arg8 : memref<80x16xf32, #tpu.memory_space<vmem>>) target_semaphore(%run_scoped3A : memref<!tpu.dma_semaphore, #tpu.memory_space<semaphore_mem>>)
            %dma_wait3A_318 = arith.constant 0 : i32
            %dma_wait3A_319 = tpu.memref_slice %arg3[%mul3A_213, %dma_wait3A_318] : memref<50000x16xf32, #tpu.memory_space<hbm>> -> memref<80x16xf32, #tpu.memory_space<hbm>>
            %dma_wait3A_320 = arith.constant 0 : i32
            %dma_wait3A_321 = tpu.memref_slice %arg3[%mul3A_213, %dma_wait3A_320] : memref<50000x16xf32, #tpu.memory_space<hbm>> -> memref<80x16xf32, #tpu.memory_space<hbm>>
            tpu.wait_dma2 semaphore(%run_scoped3A : memref<!tpu.dma_semaphore, #tpu.memory_space<semaphore_mem>>) src(%dma_wait3A_321 : memref<80x16xf32, #tpu.memory_space<hbm>>) dst(%arg8 : memref<80x16xf32, #tpu.memory_space<vmem>>)
            tpu.yield
          }) : () -> ()
          %dma_start3A_214 = arith.constant 0 : i32
          %dma_start3A_215 = arith.constant 0 : i32
          %dma_start3A_216 = arith.constant 0 : i32
          %dma_start3A_217 = tpu.memref_slice %arg10[%dma_start3A_215, %dma_start3A_216] : memref<1280x24xf32, #tpu.memory_space<vmem>> -> memref<128x24xf32, #tpu.memory_space<vmem>>
          %dma_start3A_218 = arith.constant 0 : i32
          %dma_start3A_219 = tpu.memref_slice %arg6[%dma_start3A_214, %dma_start3A_218] : memref<10x128xi32, #tpu.memory_space<vmem>> -> memref<1x128xi32, #tpu.memory_space<vmem>>
          %dma_start3A_220 = tpu.memref_squeeze %dma_start3A_219 : memref<1x128xi32, #tpu.memory_space<vmem>> -> memref<128xi32, #tpu.memory_space<vmem>>
          %dma_start3A_221 = arith.constant 0 : i32
          %dma_start3A_222 = arith.constant 0 : i32
          %dma_start3A_223 = tpu.memref_slice %arg2[%dma_start3A_221, %dma_start3A_222] : memref<50000x24xf32, #tpu.memory_space<hbm>> -> memref<50000x24xf32, #tpu.memory_space<hbm>>
          tpu.enqueue_indirect_dma source(%dma_start3A_223 : memref<50000x24xf32, #tpu.memory_space<hbm>>) target(%dma_start3A_217 : memref<128x24xf32, #tpu.memory_space<vmem>>) offsets(%dma_start3A_220 : memref<128xi32, #tpu.memory_space<vmem>>) semaphore(%arg14 : memref<!tpu.dma_semaphore, #tpu.memory_space<semaphore_mem>>)
          %dma_start3A_224 = arith.constant 1 : i32
          %dma_start3A_225 = arith.constant 128 : i32
          %dma_start3A_226 = arith.constant 0 : i32
          %dma_start3A_227 = tpu.memref_slice %arg10[%dma_start3A_225, %dma_start3A_226] : memref<1280x24xf32, #tpu.memory_space<vmem>> -> memref<128x24xf32, #tpu.memory_space<vmem>>
          %dma_start3A_228 = arith.constant 0 : i32
          %dma_start3A_229 = tpu.memref_slice %arg6[%dma_start3A_224, %dma_start3A_228] : memref<10x128xi32, #tpu.memory_space<vmem>> -> memref<1x128xi32, #tpu.memory_space<vmem>>
          %dma_start3A_230 = tpu.memref_squeeze %dma_start3A_229 : memref<1x128xi32, #tpu.memory_space<vmem>> -> memref<128xi32, #tpu.memory_space<vmem>>
          %dma_start3A_231 = arith.constant 0 : i32
          %dma_start3A_232 = arith.constant 0 : i32
          %dma_start3A_233 = tpu.memref_slice %arg2[%dma_start3A_231, %dma_start3A_232] : memref<50000x24xf32, #tpu.memory_space<hbm>> -> memref<50000x24xf32, #tpu.memory_space<hbm>>
          tpu.enqueue_indirect_dma source(%dma_start3A_233 : memref<50000x24xf32, #tpu.memory_space<hbm>>) target(%dma_start3A_227 : memref<128x24xf32, #tpu.memory_space<vmem>>) offsets(%dma_start3A_230 : memref<128xi32, #tpu.memory_space<vmem>>) semaphore(%arg14 : memref<!tpu.dma_semaphore, #tpu.memory_space<semaphore_mem>>)
          %dma_start3A_234 = arith.constant 2 : i32
          %dma_start3A_235 = arith.constant 256 : i32
          %dma_start3A_236 = arith.constant 0 : i32
          %dma_start3A_237 = tpu.memref_slice %arg10[%dma_start3A_235, %dma_start3A_236] : memref<1280x24xf32, #tpu.memory_space<vmem>> -> memref<128x24xf32, #tpu.memory_space<vmem>>
          %dma_start3A_238 = arith.constant 0 : i32
          %dma_start3A_239 = tpu.memref_slice %arg6[%dma_start3A_234, %dma_start3A_238] : memref<10x128xi32, #tpu.memory_space<vmem>> -> memref<1x128xi32, #tpu.memory_space<vmem>>
          %dma_start3A_240 = tpu.memref_squeeze %dma_start3A_239 : memref<1x128xi32, #tpu.memory_space<vmem>> -> memref<128xi32, #tpu.memory_space<vmem>>
          %dma_start3A_241 = arith.constant 0 : i32
          %dma_start3A_242 = arith.constant 0 : i32
          %dma_start3A_243 = tpu.memref_slice %arg2[%dma_start3A_241, %dma_start3A_242] : memref<50000x24xf32, #tpu.memory_space<hbm>> -> memref<50000x24xf32, #tpu.memory_space<hbm>>
          tpu.enqueue_indirect_dma source(%dma_start3A_243 : memref<50000x24xf32, #tpu.memory_space<hbm>>) target(%dma_start3A_237 : memref<128x24xf32, #tpu.memory_space<vmem>>) offsets(%dma_start3A_240 : memref<128xi32, #tpu.memory_space<vmem>>) semaphore(%arg14 : memref<!tpu.dma_semaphore, #tpu.memory_space<semaphore_mem>>)
          %dma_start3A_244 = arith.constant 3 : i32
          %dma_start3A_245 = arith.constant 384 : i32
          %dma_start3A_246 = arith.constant 0 : i32
          %dma_start3A_247 = tpu.memref_slice %arg10[%dma_start3A_245, %dma_start3A_246] : memref<1280x24xf32, #tpu.memory_space<vmem>> -> memref<128x24xf32, #tpu.memory_space<vmem>>
          %dma_start3A_248 = arith.constant 0 : i32
          %dma_start3A_249 = tpu.memref_slice %arg6[%dma_start3A_244, %dma_start3A_248] : memref<10x128xi32, #tpu.memory_space<vmem>> -> memref<1x128xi32, #tpu.memory_space<vmem>>
          %dma_start3A_250 = tpu.memref_squeeze %dma_start3A_249 : memref<1x128xi32, #tpu.memory_space<vmem>> -> memref<128xi32, #tpu.memory_space<vmem>>
          %dma_start3A_251 = arith.constant 0 : i32
          %dma_start3A_252 = arith.constant 0 : i32
          %dma_start3A_253 = tpu.memref_slice %arg2[%dma_start3A_251, %dma_start3A_252] : memref<50000x24xf32, #tpu.memory_space<hbm>> -> memref<50000x24xf32, #tpu.memory_space<hbm>>
          tpu.enqueue_indirect_dma source(%dma_start3A_253 : memref<50000x24xf32, #tpu.memory_space<hbm>>) target(%dma_start3A_247 : memref<128x24xf32, #tpu.memory_space<vmem>>) offsets(%dma_start3A_250 : memref<128xi32, #tpu.memory_space<vmem>>) semaphore(%arg14 : memref<!tpu.dma_semaphore, #tpu.memory_space<semaphore_mem>>)
          %dma_start3A_254 = arith.constant 4 : i32
          %dma_start3A_255 = arith.constant 512 : i32
          %dma_start3A_256 = arith.constant 0 : i32
          %dma_start3A_257 = tpu.memref_slice %arg10[%dma_start3A_255, %dma_start3A_256] : memref<1280x24xf32, #tpu.memory_space<vmem>> -> memref<128x24xf32, #tpu.memory_space<vmem>>
          %dma_start3A_258 = arith.constant 0 : i32
          %dma_start3A_259 = tpu.memref_slice %arg6[%dma_start3A_254, %dma_start3A_258] : memref<10x128xi32, #tpu.memory_space<vmem>> -> memref<1x128xi32, #tpu.memory_space<vmem>>
          %dma_start3A_260 = tpu.memref_squeeze %dma_start3A_259 : memref<1x128xi32, #tpu.memory_space<vmem>> -> memref<128xi32, #tpu.memory_space<vmem>>
          %dma_start3A_261 = arith.constant 0 : i32
          %dma_start3A_262 = arith.constant 0 : i32
          %dma_start3A_263 = tpu.memref_slice %arg2[%dma_start3A_261, %dma_start3A_262] : memref<50000x24xf32, #tpu.memory_space<hbm>> -> memref<50000x24xf32, #tpu.memory_space<hbm>>
          tpu.enqueue_indirect_dma source(%dma_start3A_263 : memref<50000x24xf32, #tpu.memory_space<hbm>>) target(%dma_start3A_257 : memref<128x24xf32, #tpu.memory_space<vmem>>) offsets(%dma_start3A_260 : memref<128xi32, #tpu.memory_space<vmem>>) semaphore(%arg14 : memref<!tpu.dma_semaphore, #tpu.memory_space<semaphore_mem>>)
          %dma_start3A_264 = arith.constant 5 : i32
          %dma_start3A_265 = arith.constant 640 : i32
          %dma_start3A_266 = arith.constant 0 : i32
          %dma_start3A_267 = tpu.memref_slice %arg10[%dma_start3A_265, %dma_start3A_266] : memref<1280x24xf32, #tpu.memory_space<vmem>> -> memref<128x24xf32, #tpu.memory_space<vmem>>
          %dma_start3A_268 = arith.constant 0 : i32
          %dma_start3A_269 = tpu.memref_slice %arg6[%dma_start3A_264, %dma_start3A_268] : memref<10x128xi32, #tpu.memory_space<vmem>> -> memref<1x128xi32, #tpu.memory_space<vmem>>
          %dma_start3A_270 = tpu.memref_squeeze %dma_start3A_269 : memref<1x128xi32, #tpu.memory_space<vmem>> -> memref<128xi32, #tpu.memory_space<vmem>>
          %dma_start3A_271 = arith.constant 0 : i32
          %dma_start3A_272 = arith.constant 0 : i32
          %dma_start3A_273 = tpu.memref_slice %arg2[%dma_start3A_271, %dma_start3A_272] : memref<50000x24xf32, #tpu.memory_space<hbm>> -> memref<50000x24xf32, #tpu.memory_space<hbm>>
          tpu.enqueue_indirect_dma source(%dma_start3A_273 : memref<50000x24xf32, #tpu.memory_space<hbm>>) target(%dma_start3A_267 : memref<128x24xf32, #tpu.memory_space<vmem>>) offsets(%dma_start3A_270 : memref<128xi32, #tpu.memory_space<vmem>>) semaphore(%arg14 : memref<!tpu.dma_semaphore, #tpu.memory_space<semaphore_mem>>)
          %dma_start3A_274 = arith.constant 6 : i32
          %dma_start3A_275 = arith.constant 768 : i32
          %dma_start3A_276 = arith.constant 0 : i32
          %dma_start3A_277 = tpu.memref_slice %arg10[%dma_start3A_275, %dma_start3A_276] : memref<1280x24xf32, #tpu.memory_space<vmem>> -> memref<128x24xf32, #tpu.memory_space<vmem>>
          %dma_start3A_278 = arith.constant 0 : i32
          %dma_start3A_279 = tpu.memref_slice %arg6[%dma_start3A_274, %dma_start3A_278] : memref<10x128xi32, #tpu.memory_space<vmem>> -> memref<1x128xi32, #tpu.memory_space<vmem>>
          %dma_start3A_280 = tpu.memref_squeeze %dma_start3A_279 : memref<1x128xi32, #tpu.memory_space<vmem>> -> memref<128xi32, #tpu.memory_space<vmem>>
          %dma_start3A_281 = arith.constant 0 : i32
          %dma_start3A_282 = arith.constant 0 : i32
          %dma_start3A_283 = tpu.memref_slice %arg2[%dma_start3A_281, %dma_start3A_282] : memref<50000x24xf32, #tpu.memory_space<hbm>> -> memref<50000x24xf32, #tpu.memory_space<hbm>>
          tpu.enqueue_indirect_dma source(%dma_start3A_283 : memref<50000x24xf32, #tpu.memory_space<hbm>>) target(%dma_start3A_277 : memref<128x24xf32, #tpu.memory_space<vmem>>) offsets(%dma_start3A_280 : memref<128xi32, #tpu.memory_space<vmem>>) semaphore(%arg14 : memref<!tpu.dma_semaphore, #tpu.memory_space<semaphore_mem>>)
          %dma_start3A_284 = arith.constant 7 : i32
          %dma_start3A_285 = arith.constant 896 : i32
          %dma_start3A_286 = arith.constant 0 : i32
          %dma_start3A_287 = tpu.memref_slice %arg10[%dma_start3A_285, %dma_start3A_286] : memref<1280x24xf32, #tpu.memory_space<vmem>> -> memref<128x24xf32, #tpu.memory_space<vmem>>
          %dma_start3A_288 = arith.constant 0 : i32
          %dma_start3A_289 = tpu.memref_slice %arg6[%dma_start3A_284, %dma_start3A_288] : memref<10x128xi32, #tpu.memory_space<vmem>> -> memref<1x128xi32, #tpu.memory_space<vmem>>
          %dma_start3A_290 = tpu.memref_squeeze %dma_start3A_289 : memref<1x128xi32, #tpu.memory_space<vmem>> -> memref<128xi32, #tpu.memory_space<vmem>>
          %dma_start3A_291 = arith.constant 0 : i32
          %dma_start3A_292 = arith.constant 0 : i32
          %dma_start3A_293 = tpu.memref_slice %arg2[%dma_start3A_291, %dma_start3A_292] : memref<50000x24xf32, #tpu.memory_space<hbm>> -> memref<50000x24xf32, #tpu.memory_space<hbm>>
          tpu.enqueue_indirect_dma source(%dma_start3A_293 : memref<50000x24xf32, #tpu.memory_space<hbm>>) target(%dma_start3A_287 : memref<128x24xf32, #tpu.memory_space<vmem>>) offsets(%dma_start3A_290 : memref<128xi32, #tpu.memory_space<vmem>>) semaphore(%arg14 : memref<!tpu.dma_semaphore, #tpu.memory_space<semaphore_mem>>)
          %dma_start3A_294 = arith.constant 8 : i32
          %dma_start3A_295 = arith.constant 1024 : i32
          %dma_start3A_296 = arith.constant 0 : i32
          %dma_start3A_297 = tpu.memref_slice %arg10[%dma_start3A_295, %dma_start3A_296] : memref<1280x24xf32, #tpu.memory_space<vmem>> -> memref<128x24xf32, #tpu.memory_space<vmem>>
          %dma_start3A_298 = arith.constant 0 : i32
          %dma_start3A_299 = tpu.memref_slice %arg6[%dma_start3A_294, %dma_start3A_298] : memref<10x128xi32, #tpu.memory_space<vmem>> -> memref<1x128xi32, #tpu.memory_space<vmem>>
          %dma_start3A_300 = tpu.memref_squeeze %dma_start3A_299 : memref<1x128xi32, #tpu.memory_space<vmem>> -> memref<128xi32, #tpu.memory_space<vmem>>
          %dma_start3A_301 = arith.constant 0 : i32
          %dma_start3A_302 = arith.constant 0 : i32
          %dma_start3A_303 = tpu.memref_slice %arg2[%dma_start3A_301, %dma_start3A_302] : memref<50000x24xf32, #tpu.memory_space<hbm>> -> memref<50000x24xf32, #tpu.memory_space<hbm>>
          tpu.enqueue_indirect_dma source(%dma_start3A_303 : memref<50000x24xf32, #tpu.memory_space<hbm>>) target(%dma_start3A_297 : memref<128x24xf32, #tpu.memory_space<vmem>>) offsets(%dma_start3A_300 : memref<128xi32, #tpu.memory_space<vmem>>) semaphore(%arg14 : memref<!tpu.dma_semaphore, #tpu.memory_space<semaphore_mem>>)
          %dma_start3A_304 = arith.constant 9 : i32
          %dma_start3A_305 = arith.constant 1152 : i32
          %dma_start3A_306 = arith.constant 0 : i32
          %dma_start3A_307 = tpu.memref_slice %arg10[%dma_start3A_305, %dma_start3A_306] : memref<1280x24xf32, #tpu.memory_space<vmem>> -> memref<128x24xf32, #tpu.memory_space<vmem>>
          %dma_start3A_308 = arith.constant 0 : i32
          %dma_start3A_309 = tpu.memref_slice %arg6[%dma_start3A_304, %dma_start3A_308] : memref<10x128xi32, #tpu.memory_space<vmem>> -> memref<1x128xi32, #tpu.memory_space<vmem>>
          %dma_start3A_310 = tpu.memref_squeeze %dma_start3A_309 : memref<1x128xi32, #tpu.memory_space<vmem>> -> memref<128xi32, #tpu.memory_space<vmem>>
          %dma_start3A_311 = arith.constant 0 : i32
          %dma_start3A_312 = arith.constant 0 : i32
          %dma_start3A_313 = tpu.memref_slice %arg2[%dma_start3A_311, %dma_start3A_312] : memref<50000x24xf32, #tpu.memory_space<hbm>> -> memref<50000x24xf32, #tpu.memory_space<hbm>>
          tpu.enqueue_indirect_dma source(%dma_start3A_313 : memref<50000x24xf32, #tpu.memory_space<hbm>>) target(%dma_start3A_307 : memref<128x24xf32, #tpu.memory_space<vmem>>) offsets(%dma_start3A_310 : memref<128xi32, #tpu.memory_space<vmem>>) semaphore(%arg14 : memref<!tpu.dma_semaphore, #tpu.memory_space<semaphore_mem>>)
        } else {
        }
      } else {
      }
      %mul3A_74 = arith.constant 2 : i32
      %mul3A_75 = arith.muli %mul3A_74, %scan3A_58 : i32
      %add3A_76 = arith.constant 1 : i32
      %add3A_77 = arith.addi %mul3A_75, %add3A_76 : i32
      %mul3A_78 = arith.constant 32 : i32
      %mul3A_79 = arith.muli %add3A_77, %mul3A_78 : i32
      %add3A_80 = arith.addi %add3A, %mul3A_79 : i32
      %add3A_81 = arith.constant 64 : i32
      %add3A_82 = arith.addi %add3A_80, %add3A_81 : i32
      %lt3A_83 = arith.constant 625 : i32
      %lt3A_84 = arith.cmpi slt, %add3A_80, %lt3A_83 : i32
      %convert_element_type3A_85 = arith.extui %lt3A_84 : i1 to i32
      %cond3A_86 = arith.constant 0 : i32
      %cond3A_87 = arith.cmpi ne, %convert_element_type3A_85, %cond3A_86 : i32
      scf.if %cond3A_87 {
        %dma_wait3A = arith.constant 0 : i32
        %dma_wait3A_89 = arith.constant 0 : i32
        %dma_wait3A_90 = arith.constant 0 : i32
        %dma_wait3A_91 = tpu.memref_slice %arg11[%dma_wait3A_89, %dma_wait3A_90] : memref<1280x24xf32, #tpu.memory_space<vmem>> -> memref<128x24xf32, #tpu.memory_space<vmem>>
        %dma_wait3A_92 = arith.constant 0 : i32
        %dma_wait3A_93 = tpu.memref_slice %arg7[%dma_wait3A, %dma_wait3A_92] : memref<10x128xi32, #tpu.memory_space<vmem>> -> memref<1x128xi32, #tpu.memory_space<vmem>>
        %dma_wait3A_94 = tpu.memref_squeeze %dma_wait3A_93 : memref<1x128xi32, #tpu.memory_space<vmem>> -> memref<128xi32, #tpu.memory_space<vmem>>
        %dma_wait3A_95 = arith.constant 0 : i32
        %dma_wait3A_96 = arith.constant 0 : i32
        %dma_wait3A_97 = tpu.memref_slice %arg2[%dma_wait3A_95, %dma_wait3A_96] : memref<50000x24xf32, #tpu.memory_space<hbm>> -> memref<50000x24xf32, #tpu.memory_space<hbm>>
        tpu.wait_indirect_dma semaphore(%arg15 : memref<!tpu.dma_semaphore, #tpu.memory_space<semaphore_mem>>) src(%dma_wait3A_97 : memref<50000x24xf32, #tpu.memory_space<hbm>>) dst(%dma_wait3A_91 : memref<128x24xf32, #tpu.memory_space<vmem>>)
        %dma_wait3A_98 = arith.constant 1 : i32
        %dma_wait3A_99 = arith.constant 128 : i32
        %dma_wait3A_100 = arith.constant 0 : i32
        %dma_wait3A_101 = tpu.memref_slice %arg11[%dma_wait3A_99, %dma_wait3A_100] : memref<1280x24xf32, #tpu.memory_space<vmem>> -> memref<128x24xf32, #tpu.memory_space<vmem>>
        %dma_wait3A_102 = arith.constant 0 : i32
        %dma_wait3A_103 = tpu.memref_slice %arg7[%dma_wait3A_98, %dma_wait3A_102] : memref<10x128xi32, #tpu.memory_space<vmem>> -> memref<1x128xi32, #tpu.memory_space<vmem>>
        %dma_wait3A_104 = tpu.memref_squeeze %dma_wait3A_103 : memref<1x128xi32, #tpu.memory_space<vmem>> -> memref<128xi32, #tpu.memory_space<vmem>>
        %dma_wait3A_105 = arith.constant 0 : i32
        %dma_wait3A_106 = arith.constant 0 : i32
        %dma_wait3A_107 = tpu.memref_slice %arg2[%dma_wait3A_105, %dma_wait3A_106] : memref<50000x24xf32, #tpu.memory_space<hbm>> -> memref<50000x24xf32, #tpu.memory_space<hbm>>
        tpu.wait_indirect_dma semaphore(%arg15 : memref<!tpu.dma_semaphore, #tpu.memory_space<semaphore_mem>>) src(%dma_wait3A_107 : memref<50000x24xf32, #tpu.memory_space<hbm>>) dst(%dma_wait3A_101 : memref<128x24xf32, #tpu.memory_space<vmem>>)
        %dma_wait3A_108 = arith.constant 2 : i32
        %dma_wait3A_109 = arith.constant 256 : i32
        %dma_wait3A_110 = arith.constant 0 : i32
        %dma_wait3A_111 = tpu.memref_slice %arg11[%dma_wait3A_109, %dma_wait3A_110] : memref<1280x24xf32, #tpu.memory_space<vmem>> -> memref<128x24xf32, #tpu.memory_space<vmem>>
        %dma_wait3A_112 = arith.constant 0 : i32
        %dma_wait3A_113 = tpu.memref_slice %arg7[%dma_wait3A_108, %dma_wait3A_112] : memref<10x128xi32, #tpu.memory_space<vmem>> -> memref<1x128xi32, #tpu.memory_space<vmem>>
        %dma_wait3A_114 = tpu.memref_squeeze %dma_wait3A_113 : memref<1x128xi32, #tpu.memory_space<vmem>> -> memref<128xi32, #tpu.memory_space<vmem>>
        %dma_wait3A_115 = arith.constant 0 : i32
        %dma_wait3A_116 = arith.constant 0 : i32
        %dma_wait3A_117 = tpu.memref_slice %arg2[%dma_wait3A_115, %dma_wait3A_116] : memref<50000x24xf32, #tpu.memory_space<hbm>> -> memref<50000x24xf32, #tpu.memory_space<hbm>>
        tpu.wait_indirect_dma semaphore(%arg15 : memref<!tpu.dma_semaphore, #tpu.memory_space<semaphore_mem>>) src(%dma_wait3A_117 : memref<50000x24xf32, #tpu.memory_space<hbm>>) dst(%dma_wait3A_111 : memref<128x24xf32, #tpu.memory_space<vmem>>)
        %dma_wait3A_118 = arith.constant 3 : i32
        %dma_wait3A_119 = arith.constant 384 : i32
        %dma_wait3A_120 = arith.constant 0 : i32
        %dma_wait3A_121 = tpu.memref_slice %arg11[%dma_wait3A_119, %dma_wait3A_120] : memref<1280x24xf32, #tpu.memory_space<vmem>> -> memref<128x24xf32, #tpu.memory_space<vmem>>
        %dma_wait3A_122 = arith.constant 0 : i32
        %dma_wait3A_123 = tpu.memref_slice %arg7[%dma_wait3A_118, %dma_wait3A_122] : memref<10x128xi32, #tpu.memory_space<vmem>> -> memref<1x128xi32, #tpu.memory_space<vmem>>
        %dma_wait3A_124 = tpu.memref_squeeze %dma_wait3A_123 : memref<1x128xi32, #tpu.memory_space<vmem>> -> memref<128xi32, #tpu.memory_space<vmem>>
        %dma_wait3A_125 = arith.constant 0 : i32
        %dma_wait3A_126 = arith.constant 0 : i32
        %dma_wait3A_127 = tpu.memref_slice %arg2[%dma_wait3A_125, %dma_wait3A_126] : memref<50000x24xf32, #tpu.memory_space<hbm>> -> memref<50000x24xf32, #tpu.memory_space<hbm>>
        tpu.wait_indirect_dma semaphore(%arg15 : memref<!tpu.dma_semaphore, #tpu.memory_space<semaphore_mem>>) src(%dma_wait3A_127 : memref<50000x24xf32, #tpu.memory_space<hbm>>) dst(%dma_wait3A_121 : memref<128x24xf32, #tpu.memory_space<vmem>>)
        %dma_wait3A_128 = arith.constant 4 : i32
        %dma_wait3A_129 = arith.constant 512 : i32
        %dma_wait3A_130 = arith.constant 0 : i32
        %dma_wait3A_131 = tpu.memref_slice %arg11[%dma_wait3A_129, %dma_wait3A_130] : memref<1280x24xf32, #tpu.memory_space<vmem>> -> memref<128x24xf32, #tpu.memory_space<vmem>>
        %dma_wait3A_132 = arith.constant 0 : i32
        %dma_wait3A_133 = tpu.memref_slice %arg7[%dma_wait3A_128, %dma_wait3A_132] : memref<10x128xi32, #tpu.memory_space<vmem>> -> memref<1x128xi32, #tpu.memory_space<vmem>>
        %dma_wait3A_134 = tpu.memref_squeeze %dma_wait3A_133 : memref<1x128xi32, #tpu.memory_space<vmem>> -> memref<128xi32, #tpu.memory_space<vmem>>
        %dma_wait3A_135 = arith.constant 0 : i32
        %dma_wait3A_136 = arith.constant 0 : i32
        %dma_wait3A_137 = tpu.memref_slice %arg2[%dma_wait3A_135, %dma_wait3A_136] : memref<50000x24xf32, #tpu.memory_space<hbm>> -> memref<50000x24xf32, #tpu.memory_space<hbm>>
        tpu.wait_indirect_dma semaphore(%arg15 : memref<!tpu.dma_semaphore, #tpu.memory_space<semaphore_mem>>) src(%dma_wait3A_137 : memref<50000x24xf32, #tpu.memory_space<hbm>>) dst(%dma_wait3A_131 : memref<128x24xf32, #tpu.memory_space<vmem>>)
        %dma_wait3A_138 = arith.constant 5 : i32
        %dma_wait3A_139 = arith.constant 640 : i32
        %dma_wait3A_140 = arith.constant 0 : i32
        %dma_wait3A_141 = tpu.memref_slice %arg11[%dma_wait3A_139, %dma_wait3A_140] : memref<1280x24xf32, #tpu.memory_space<vmem>> -> memref<128x24xf32, #tpu.memory_space<vmem>>
        %dma_wait3A_142 = arith.constant 0 : i32
        %dma_wait3A_143 = tpu.memref_slice %arg7[%dma_wait3A_138, %dma_wait3A_142] : memref<10x128xi32, #tpu.memory_space<vmem>> -> memref<1x128xi32, #tpu.memory_space<vmem>>
        %dma_wait3A_144 = tpu.memref_squeeze %dma_wait3A_143 : memref<1x128xi32, #tpu.memory_space<vmem>> -> memref<128xi32, #tpu.memory_space<vmem>>
        %dma_wait3A_145 = arith.constant 0 : i32
        %dma_wait3A_146 = arith.constant 0 : i32
        %dma_wait3A_147 = tpu.memref_slice %arg2[%dma_wait3A_145, %dma_wait3A_146] : memref<50000x24xf32, #tpu.memory_space<hbm>> -> memref<50000x24xf32, #tpu.memory_space<hbm>>
        tpu.wait_indirect_dma semaphore(%arg15 : memref<!tpu.dma_semaphore, #tpu.memory_space<semaphore_mem>>) src(%dma_wait3A_147 : memref<50000x24xf32, #tpu.memory_space<hbm>>) dst(%dma_wait3A_141 : memref<128x24xf32, #tpu.memory_space<vmem>>)
        %dma_wait3A_148 = arith.constant 6 : i32
        %dma_wait3A_149 = arith.constant 768 : i32
        %dma_wait3A_150 = arith.constant 0 : i32
        %dma_wait3A_151 = tpu.memref_slice %arg11[%dma_wait3A_149, %dma_wait3A_150] : memref<1280x24xf32, #tpu.memory_space<vmem>> -> memref<128x24xf32, #tpu.memory_space<vmem>>
        %dma_wait3A_152 = arith.constant 0 : i32
        %dma_wait3A_153 = tpu.memref_slice %arg7[%dma_wait3A_148, %dma_wait3A_152] : memref<10x128xi32, #tpu.memory_space<vmem>> -> memref<1x128xi32, #tpu.memory_space<vmem>>
        %dma_wait3A_154 = tpu.memref_squeeze %dma_wait3A_153 : memref<1x128xi32, #tpu.memory_space<vmem>> -> memref<128xi32, #tpu.memory_space<vmem>>
        %dma_wait3A_155 = arith.constant 0 : i32
        %dma_wait3A_156 = arith.constant 0 : i32
        %dma_wait3A_157 = tpu.memref_slice %arg2[%dma_wait3A_155, %dma_wait3A_156] : memref<50000x24xf32, #tpu.memory_space<hbm>> -> memref<50000x24xf32, #tpu.memory_space<hbm>>
        tpu.wait_indirect_dma semaphore(%arg15 : memref<!tpu.dma_semaphore, #tpu.memory_space<semaphore_mem>>) src(%dma_wait3A_157 : memref<50000x24xf32, #tpu.memory_space<hbm>>) dst(%dma_wait3A_151 : memref<128x24xf32, #tpu.memory_space<vmem>>)
        %dma_wait3A_158 = arith.constant 7 : i32
        %dma_wait3A_159 = arith.constant 896 : i32
        %dma_wait3A_160 = arith.constant 0 : i32
        %dma_wait3A_161 = tpu.memref_slice %arg11[%dma_wait3A_159, %dma_wait3A_160] : memref<1280x24xf32, #tpu.memory_space<vmem>> -> memref<128x24xf32, #tpu.memory_space<vmem>>
        %dma_wait3A_162 = arith.constant 0 : i32
        %dma_wait3A_163 = tpu.memref_slice %arg7[%dma_wait3A_158, %dma_wait3A_162] : memref<10x128xi32, #tpu.memory_space<vmem>> -> memref<1x128xi32, #tpu.memory_space<vmem>>
        %dma_wait3A_164 = tpu.memref_squeeze %dma_wait3A_163 : memref<1x128xi32, #tpu.memory_space<vmem>> -> memref<128xi32, #tpu.memory_space<vmem>>
        %dma_wait3A_165 = arith.constant 0 : i32
        %dma_wait3A_166 = arith.constant 0 : i32
        %dma_wait3A_167 = tpu.memref_slice %arg2[%dma_wait3A_165, %dma_wait3A_166] : memref<50000x24xf32, #tpu.memory_space<hbm>> -> memref<50000x24xf32, #tpu.memory_space<hbm>>
        tpu.wait_indirect_dma semaphore(%arg15 : memref<!tpu.dma_semaphore, #tpu.memory_space<semaphore_mem>>) src(%dma_wait3A_167 : memref<50000x24xf32, #tpu.memory_space<hbm>>) dst(%dma_wait3A_161 : memref<128x24xf32, #tpu.memory_space<vmem>>)
        %dma_wait3A_168 = arith.constant 8 : i32
        %dma_wait3A_169 = arith.constant 1024 : i32
        %dma_wait3A_170 = arith.constant 0 : i32
        %dma_wait3A_171 = tpu.memref_slice %arg11[%dma_wait3A_169, %dma_wait3A_170] : memref<1280x24xf32, #tpu.memory_space<vmem>> -> memref<128x24xf32, #tpu.memory_space<vmem>>
        %dma_wait3A_172 = arith.constant 0 : i32
        %dma_wait3A_173 = tpu.memref_slice %arg7[%dma_wait3A_168, %dma_wait3A_172] : memref<10x128xi32, #tpu.memory_space<vmem>> -> memref<1x128xi32, #tpu.memory_space<vmem>>
        %dma_wait3A_174 = tpu.memref_squeeze %dma_wait3A_173 : memref<1x128xi32, #tpu.memory_space<vmem>> -> memref<128xi32, #tpu.memory_space<vmem>>
        %dma_wait3A_175 = arith.constant 0 : i32
        %dma_wait3A_176 = arith.constant 0 : i32
        %dma_wait3A_177 = tpu.memref_slice %arg2[%dma_wait3A_175, %dma_wait3A_176] : memref<50000x24xf32, #tpu.memory_space<hbm>> -> memref<50000x24xf32, #tpu.memory_space<hbm>>
        tpu.wait_indirect_dma semaphore(%arg15 : memref<!tpu.dma_semaphore, #tpu.memory_space<semaphore_mem>>) src(%dma_wait3A_177 : memref<50000x24xf32, #tpu.memory_space<hbm>>) dst(%dma_wait3A_171 : memref<128x24xf32, #tpu.memory_space<vmem>>)
        %dma_wait3A_178 = arith.constant 9 : i32
        %dma_wait3A_179 = arith.constant 1152 : i32
        %dma_wait3A_180 = arith.constant 0 : i32
        %dma_wait3A_181 = tpu.memref_slice %arg11[%dma_wait3A_179, %dma_wait3A_180] : memref<1280x24xf32, #tpu.memory_space<vmem>> -> memref<128x24xf32, #tpu.memory_space<vmem>>
        %dma_wait3A_182 = arith.constant 0 : i32
        %dma_wait3A_183 = tpu.memref_slice %arg7[%dma_wait3A_178, %dma_wait3A_182] : memref<10x128xi32, #tpu.memory_space<vmem>> -> memref<1x128xi32, #tpu.memory_space<vmem>>
        %dma_wait3A_184 = tpu.memref_squeeze %dma_wait3A_183 : memref<1x128xi32, #tpu.memory_space<vmem>> -> memref<128xi32, #tpu.memory_space<vmem>>
        %dma_wait3A_185 = arith.constant 0 : i32
        %dma_wait3A_186 = arith.constant 0 : i32
        %dma_wait3A_187 = tpu.memref_slice %arg2[%dma_wait3A_185, %dma_wait3A_186] : memref<50000x24xf32, #tpu.memory_space<hbm>> -> memref<50000x24xf32, #tpu.memory_space<hbm>>
        tpu.wait_indirect_dma semaphore(%arg15 : memref<!tpu.dma_semaphore, #tpu.memory_space<semaphore_mem>>) src(%dma_wait3A_187 : memref<50000x24xf32, #tpu.memory_space<hbm>>) dst(%dma_wait3A_181 : memref<128x24xf32, #tpu.memory_space<vmem>>)
        %ge3A_188 = arith.constant 2 : i32
        %ge3A_189 = arith.cmpi sge, %add3A_77, %ge3A_188 : i32
        %convert_element_type3A_190 = arith.extui %ge3A_189 : i1 to i32
        %cond3A_191 = arith.constant 0 : i32
        %cond3A_192 = arith.cmpi ne, %convert_element_type3A_190, %cond3A_191 : i32
        scf.if %cond3A_192 {
          %dma_wait3A_210 = arith.constant 0 : i32
          %dma_wait3A_211 = arith.constant 0 : i32
          %dma_wait3A_212 = tpu.memref_slice %arg5[%dma_wait3A_210, %dma_wait3A_211] : memref<320x50000xf32, #tpu.memory_space<hbm>> -> memref<320x80xf32, #tpu.memory_space<hbm>>
          %dma_wait3A_213 = arith.constant 0 : i32
          %dma_wait3A_214 = arith.constant 0 : i32
          %dma_wait3A_215 = tpu.memref_slice %arg5[%dma_wait3A_213, %dma_wait3A_214] : memref<320x50000xf32, #tpu.memory_space<hbm>> -> memref<320x80xf32, #tpu.memory_space<hbm>>
          tpu.wait_dma2 semaphore(%arg17 : memref<!tpu.dma_semaphore, #tpu.memory_space<semaphore_mem>>) src(%dma_wait3A_215 : memref<320x80xf32, #tpu.memory_space<hbm>>) dst(%arg13 : memref<320x80xf32, #tpu.memory_space<vmem>>)
        } else {
        }
        %scan3A_193 = arith.constant 0 : i32
        %scan3A_194 = arith.constant 0 : i32
        %scan3A_195 = arith.constant 80 : i32
        %scan3A_196 = arith.addi %scan3A_194, %scan3A_195 : i32
        %scan3A_197 = arith.constant 1 : i32
        %scan3A_198 = scf.for %scan3A_210 = %scan3A_194 to %scan3A_196 step %scan3A_197 iter_args(%scan3A_211 = %scan3A_193) -> (i32)  : i32 {
          %mul3A_212 = arith.constant 16 : i32
          %mul3A_213 = arith.muli %scan3A_210, %mul3A_212 : i32
          %broadcast_in_dim3A = vector.broadcast %scan3A_210 : i32 to vector<16xi32>
          %get3A = arith.index_cast %scan3A_210 : i32 to index
          %get3A_214 = arith.constant 0 : index
          %get3A_215 = tpu.vector_load %arg9[%get3A, %get3A_214] {strides = array<i32>} : memref<80x16xf32, #tpu.memory_space<vmem>>, vector<16xf32>,
          %mul3A_216 = arith.constant -1.000000e+01 : f32
          %mul3A_217 = vector.broadcast %mul3A_216 : f32 to vector<16xf32>
          %mul3A_218 = arith.mulf %get3A_215, %mul3A_217 : vector<16xf32>
          %exp3A = math.exp %mul3A_218 : vector<16xf32>
          %add3A_219 = vector.broadcast %mul3A_213 : i32 to vector<16xi32>
          %add3A_220 = arith.addi %add3A_219, %iota3A : vector<16xi32>
          %broadcast_in_dim3A_221 = arith.constant 16 : i32
          %broadcast_in_dim3A_222 = vector.broadcast %broadcast_in_dim3A_221 : i32 to vector<16xi32>
          %gather3A = tpu.vector_load_idx %arg11[%add3A_220, %broadcast_in_dim3A_222] : memref<1280x24xf32, #tpu.memory_space<vmem>>[vector<16xi32>, vector<16xi32>], vector<16xf32>,
          %add3A_223 = vector.broadcast %mul3A_213 : i32 to vector<16xi32>
          %add3A_224 = arith.addi %add3A_223, %iota3A : vector<16xi32>
          %broadcast_in_dim3A_225 = arith.constant 17 : i32
          %broadcast_in_dim3A_226 = vector.broadcast %broadcast_in_dim3A_225 : i32 to vector<16xi32>
          %gather3A_227 = tpu.vector_load_idx %arg11[%add3A_224, %broadcast_in_dim3A_226] : memref<1280x24xf32, #tpu.memory_space<vmem>>[vector<16xi32>, vector<16xi32>], vector<16xf32>,
          %add3A_228 = vector.broadcast %mul3A_213 : i32 to vector<16xi32>
          %add3A_229 = arith.addi %add3A_228, %iota3A : vector<16xi32>
          %broadcast_in_dim3A_230 = arith.constant 18 : i32
          %broadcast_in_dim3A_231 = vector.broadcast %broadcast_in_dim3A_230 : i32 to vector<16xi32>
          %gather3A_232 = tpu.vector_load_idx %arg11[%add3A_229, %broadcast_in_dim3A_231] : memref<1280x24xf32, #tpu.memory_space<vmem>>[vector<16xi32>, vector<16xi32>], vector<16xf32>,
          %add3A_233 = vector.broadcast %mul3A_213 : i32 to vector<16xi32>
          %add3A_234 = arith.addi %add3A_233, %iota3A : vector<16xi32>
          %broadcast_in_dim3A_235 = arith.constant 19 : i32
          %broadcast_in_dim3A_236 = vector.broadcast %broadcast_in_dim3A_235 : i32 to vector<16xi32>
          %gather3A_237 = tpu.vector_load_idx %arg11[%add3A_234, %broadcast_in_dim3A_236] : memref<1280x24xf32, #tpu.memory_space<vmem>>[vector<16xi32>, vector<16xi32>], vector<16xf32>,
          %broadcast_in_dim3A_238 = arith.constant 0.000000e+00 : f32
          %broadcast_in_dim3A_239 = vector.broadcast %broadcast_in_dim3A_238 : f32 to vector<16xf32>
          %broadcast_in_dim3A_240 = arith.constant 0.000000e+00 : f32
          %broadcast_in_dim3A_241 = vector.broadcast %broadcast_in_dim3A_240 : f32 to vector<16xf32>
          %broadcast_in_dim3A_242 = arith.constant 0.000000e+00 : f32
          %broadcast_in_dim3A_243 = vector.broadcast %broadcast_in_dim3A_242 : f32 to vector<16xf32>
          %broadcast_in_dim3A_244 = arith.constant 0.000000e+00 : f32
          %broadcast_in_dim3A_245 = vector.broadcast %broadcast_in_dim3A_244 : f32 to vector<16xf32>
          %broadcast_in_dim3A_246 = arith.constant 0.000000e+00 : f32
          %broadcast_in_dim3A_247 = vector.broadcast %broadcast_in_dim3A_246 : f32 to vector<16xf32>
          %broadcast_in_dim3A_248 = arith.constant 0.000000e+00 : f32
          %broadcast_in_dim3A_249 = vector.broadcast %broadcast_in_dim3A_248 : f32 to vector<16xf32>
          %broadcast_in_dim3A_250 = arith.constant 0.000000e+00 : f32
          %broadcast_in_dim3A_251 = vector.broadcast %broadcast_in_dim3A_250 : f32 to vector<16xf32>
          %broadcast_in_dim3A_252 = arith.constant 0.000000e+00 : f32
          %broadcast_in_dim3A_253 = vector.broadcast %broadcast_in_dim3A_252 : f32 to vector<16xf32>
          %broadcast_in_dim3A_254 = arith.constant 0.000000e+00 : f32
          %broadcast_in_dim3A_255 = vector.broadcast %broadcast_in_dim3A_254 : f32 to vector<16xf32>
          %broadcast_in_dim3A_256 = arith.constant 0.000000e+00 : f32
          %broadcast_in_dim3A_257 = vector.broadcast %broadcast_in_dim3A_256 : f32 to vector<16xf32>
          %broadcast_in_dim3A_258 = arith.constant 0.000000e+00 : f32
          %broadcast_in_dim3A_259 = vector.broadcast %broadcast_in_dim3A_258 : f32 to vector<16xf32>
          %broadcast_in_dim3A_260 = arith.constant 0.000000e+00 : f32
          %broadcast_in_dim3A_261 = vector.broadcast %broadcast_in_dim3A_260 : f32 to vector<16xf32>
          %broadcast_in_dim3A_262 = arith.constant 0.000000e+00 : f32
          %broadcast_in_dim3A_263 = vector.broadcast %broadcast_in_dim3A_262 : f32 to vector<16xf32>
          %broadcast_in_dim3A_264 = arith.constant 0.000000e+00 : f32
          %broadcast_in_dim3A_265 = vector.broadcast %broadcast_in_dim3A_264 : f32 to vector<16xf32>
          %broadcast_in_dim3A_266 = arith.constant 0.000000e+00 : f32
          %broadcast_in_dim3A_267 = vector.broadcast %broadcast_in_dim3A_266 : f32 to vector<16xf32>
          %broadcast_in_dim3A_268 = arith.constant 0 : i32
          %broadcast_in_dim3A_269 = vector.broadcast %broadcast_in_dim3A_268 : i32 to vector<16xi32>
          %add3A_270 = arith.constant 0 : i32
          %add3A_271 = arith.addi %mul3A_213, %add3A_270 : i32
          %get3A_272 = arith.index_cast %add3A_271 : i32 to index
          %get3A_273 = arith.constant 0 : index
          %get3A_274 = tpu.vector_load %arg11[%get3A_272, %get3A_273] {strides = array<i32>} : memref<1280x24xf32, #tpu.memory_space<vmem>>, vector<16xf32>,
          %reshape3A = vector.shape_cast %broadcast_in_dim3A_269 : vector<16xi32> to vector<16x1xi32>
          %gather3A_275 = vector.shape_cast %reshape3A : vector<16x1xi32> to vector<16xi32>
          %gather3A_276 = tpu.dynamic_gather %exp3A[%gather3A_275] in [0] : vector<16xf32>, vector<16xi32> -> vector<16xf32>
          %reshape3A_277 = vector.shape_cast %broadcast_in_dim3A_269 : vector<16xi32> to vector<16x1xi32>
          %gather3A_278 = vector.shape_cast %reshape3A_277 : vector<16x1xi32> to vector<16xi32>
          %gather3A_279 = tpu.dynamic_gather %gather3A[%gather3A_278] in [0] : vector<16xf32>, vector<16xi32> -> vector<16xf32>
          %reshape3A_280 = vector.shape_cast %broadcast_in_dim3A_269 : vector<16xi32> to vector<16x1xi32>
          %gather3A_281 = vector.shape_cast %reshape3A_280 : vector<16x1xi32> to vector<16xi32>
          %gather3A_282 = tpu.dynamic_gather %gather3A_227[%gather3A_281] in [0] : vector<16xf32>, vector<16xi32> -> vector<16xf32>
          %reshape3A_283 = vector.shape_cast %broadcast_in_dim3A_269 : vector<16xi32> to vector<16x1xi32>
          %gather3A_284 = vector.shape_cast %reshape3A_283 : vector<16x1xi32> to vector<16xi32>
          %gather3A_285 = tpu.dynamic_gather %gather3A_232[%gather3A_284] in [0] : vector<16xf32>, vector<16xi32> -> vector<16xf32>
          %reshape3A_286 = vector.shape_cast %broadcast_in_dim3A_269 : vector<16xi32> to vector<16x1xi32>
          %gather3A_287 = vector.shape_cast %reshape3A_286 : vector<16x1xi32> to vector<16xi32>
          %gather3A_288 = tpu.dynamic_gather %gather3A_237[%gather3A_287] in [0] : vector<16xf32>, vector<16xi32> -> vector<16xf32>
          %mul3A_289 = arith.mulf %get3A_274, %gather3A_276 : vector<16xf32>
          %add3A_290 = arith.addf %broadcast_in_dim3A_239, %mul3A_289 : vector<16xf32>
          %mul3A_291 = arith.mulf %mul3A_289, %gather3A_279 : vector<16xf32>
          %add3A_292 = arith.addf %broadcast_in_dim3A_241, %mul3A_291 : vector<16xf32>
          %mul3A_293 = arith.mulf %mul3A_291, %gather3A_279 : vector<16xf32>
          %add3A_294 = arith.addf %broadcast_in_dim3A_249, %mul3A_293 : vector<16xf32>
          %mul3A_295 = arith.mulf %mul3A_291, %gather3A_282 : vector<16xf32>
          %add3A_296 = arith.addf %broadcast_in_dim3A_251, %mul3A_295 : vector<16xf32>
          %mul3A_297 = arith.mulf %mul3A_291, %gather3A_285 : vector<16xf32>
          %add3A_298 = arith.addf %broadcast_in_dim3A_253, %mul3A_297 : vector<16xf32>
          %mul3A_299 = arith.mulf %mul3A_291, %gather3A_288 : vector<16xf32>
          %add3A_300 = arith.addf %broadcast_in_dim3A_255, %mul3A_299 : vector<16xf32>
          %mul3A_301 = arith.mulf %mul3A_289, %gather3A_282 : vector<16xf32>
          %add3A_302 = arith.addf %broadcast_in_dim3A_243, %mul3A_301 : vector<16xf32>
          %mul3A_303 = arith.mulf %mul3A_301, %gather3A_282 : vector<16xf32>
          %add3A_304 = arith.addf %broadcast_in_dim3A_257, %mul3A_303 : vector<16xf32>
          %mul3A_305 = arith.mulf %mul3A_301, %gather3A_285 : vector<16xf32>
          %add3A_306 = arith.addf %broadcast_in_dim3A_259, %mul3A_305 : vector<16xf32>
          %mul3A_307 = arith.mulf %mul3A_301, %gather3A_288 : vector<16xf32>
          %add3A_308 = arith.addf %broadcast_in_dim3A_261, %mul3A_307 : vector<16xf32>
          %mul3A_309 = arith.mulf %mul3A_289, %gather3A_285 : vector<16xf32>
          %add3A_310 = arith.addf %broadcast_in_dim3A_245, %mul3A_309 : vector<16xf32>
          %mul3A_311 = arith.mulf %mul3A_309, %gather3A_285 : vector<16xf32>
          %add3A_312 = arith.addf %broadcast_in_dim3A_263, %mul3A_311 : vector<16xf32>
          %mul3A_313 = arith.mulf %mul3A_309, %gather3A_288 : vector<16xf32>
          %add3A_314 = arith.addf %broadcast_in_dim3A_265, %mul3A_313 : vector<16xf32>
          %mul3A_315 = arith.mulf %mul3A_289, %gather3A_288 : vector<16xf32>
          %add3A_316 = arith.addf %broadcast_in_dim3A_247, %mul3A_315 : vector<16xf32>
          %mul3A_317 = arith.mulf %mul3A_315, %gather3A_288 : vector<16xf32>
          %add3A_318 = arith.addf %broadcast_in_dim3A_267, %mul3A_317 : vector<16xf32>
          %broadcast_in_dim3A_319 = arith.constant 1 : i32
          %broadcast_in_dim3A_320 = vector.broadcast %broadcast_in_dim3A_319 : i32 to vector<16xi32>
          %add3A_321 = arith.constant 1 : i32
          %add3A_322 = arith.addi %mul3A_213, %add3A_321 : i32
          %get3A_323 = arith.index_cast %add3A_322 : i32 to index
          %get3A_324 = arith.constant 0 : index
          %get3A_325 = tpu.vector_load %arg11[%get3A_323, %get3A_324] {strides = array<i32>} : memref<1280x24xf32, #tpu.memory_space<vmem>>, vector<16xf32>,
          %reshape3A_326 = vector.shape_cast %broadcast_in_dim3A_320 : vector<16xi32> to vector<16x1xi32>
          %gather3A_327 = vector.shape_cast %reshape3A_326 : vector<16x1xi32> to vector<16xi32>
          %gather3A_328 = tpu.dynamic_gather %exp3A[%gather3A_327] in [0] : vector<16xf32>, vector<16xi32> -> vector<16xf32>
          %reshape3A_329 = vector.shape_cast %broadcast_in_dim3A_320 : vector<16xi32> to vector<16x1xi32>
          %gather3A_330 = vector.shape_cast %reshape3A_329 : vector<16x1xi32> to vector<16xi32>
          %gather3A_331 = tpu.dynamic_gather %gather3A[%gather3A_330] in [0] : vector<16xf32>, vector<16xi32> -> vector<16xf32>
          %reshape3A_332 = vector.shape_cast %broadcast_in_dim3A_320 : vector<16xi32> to vector<16x1xi32>
          %gather3A_333 = vector.shape_cast %reshape3A_332 : vector<16x1xi32> to vector<16xi32>
          %gather3A_334 = tpu.dynamic_gather %gather3A_227[%gather3A_333] in [0] : vector<16xf32>, vector<16xi32> -> vector<16xf32>
          %reshape3A_335 = vector.shape_cast %broadcast_in_dim3A_320 : vector<16xi32> to vector<16x1xi32>
          %gather3A_336 = vector.shape_cast %reshape3A_335 : vector<16x1xi32> to vector<16xi32>
          %gather3A_337 = tpu.dynamic_gather %gather3A_232[%gather3A_336] in [0] : vector<16xf32>, vector<16xi32> -> vector<16xf32>
          %reshape3A_338 = vector.shape_cast %broadcast_in_dim3A_320 : vector<16xi32> to vector<16x1xi32>
          %gather3A_339 = vector.shape_cast %reshape3A_338 : vector<16x1xi32> to vector<16xi32>
          %gather3A_340 = tpu.dynamic_gather %gather3A_237[%gather3A_339] in [0] : vector<16xf32>, vector<16xi32> -> vector<16xf32>
          %mul3A_341 = arith.mulf %get3A_325, %gather3A_328 : vector<16xf32>
          %add3A_342 = arith.addf %add3A_290, %mul3A_341 : vector<16xf32>
          %mul3A_343 = arith.mulf %mul3A_341, %gather3A_331 : vector<16xf32>
          %add3A_344 = arith.addf %add3A_292, %mul3A_343 : vector<16xf32>
          %mul3A_345 = arith.mulf %mul3A_343, %gather3A_331 : vector<16xf32>
          %add3A_346 = arith.addf %add3A_294, %mul3A_345 : vector<16xf32>
          %mul3A_347 = arith.mulf %mul3A_343, %gather3A_334 : vector<16xf32>
          %add3A_348 = arith.addf %add3A_296, %mul3A_347 : vector<16xf32>
          %mul3A_349 = arith.mulf %mul3A_343, %gather3A_337 : vector<16xf32>
          %add3A_350 = arith.addf %add3A_298, %mul3A_349 : vector<16xf32>
          %mul3A_351 = arith.mulf %mul3A_343, %gather3A_340 : vector<16xf32>
          %add3A_352 = arith.addf %add3A_300, %mul3A_351 : vector<16xf32>
          %mul3A_353 = arith.mulf %mul3A_341, %gather3A_334 : vector<16xf32>
          %add3A_354 = arith.addf %add3A_302, %mul3A_353 : vector<16xf32>
          %mul3A_355 = arith.mulf %mul3A_353, %gather3A_334 : vector<16xf32>
          %add3A_356 = arith.addf %add3A_304, %mul3A_355 : vector<16xf32>
          %mul3A_357 = arith.mulf %mul3A_353, %gather3A_337 : vector<16xf32>
          %add3A_358 = arith.addf %add3A_306, %mul3A_357 : vector<16xf32>
          %mul3A_359 = arith.mulf %mul3A_353, %gather3A_340 : vector<16xf32>
          %add3A_360 = arith.addf %add3A_308, %mul3A_359 : vector<16xf32>
          %mul3A_361 = arith.mulf %mul3A_341, %gather3A_337 : vector<16xf32>
          %add3A_362 = arith.addf %add3A_310, %mul3A_361 : vector<16xf32>
          %mul3A_363 = arith.mulf %mul3A_361, %gather3A_337 : vector<16xf32>
          %add3A_364 = arith.addf %add3A_312, %mul3A_363 : vector<16xf32>
          %mul3A_365 = arith.mulf %mul3A_361, %gather3A_340 : vector<16xf32>
          %add3A_366 = arith.addf %add3A_314, %mul3A_365 : vector<16xf32>
          %mul3A_367 = arith.mulf %mul3A_341, %gather3A_340 : vector<16xf32>
          %add3A_368 = arith.addf %add3A_316, %mul3A_367 : vector<16xf32>
          %mul3A_369 = arith.mulf %mul3A_367, %gather3A_340 : vector<16xf32>
          %add3A_370 = arith.addf %add3A_318, %mul3A_369 : vector<16xf32>
          %broadcast_in_dim3A_371 = arith.constant 2 : i32
          %broadcast_in_dim3A_372 = vector.broadcast %broadcast_in_dim3A_371 : i32 to vector<16xi32>
          %add3A_373 = arith.constant 2 : i32
          %add3A_374 = arith.addi %mul3A_213, %add3A_373 : i32
          %get3A_375 = arith.index_cast %add3A_374 : i32 to index
          %get3A_376 = arith.constant 0 : index
          %get3A_377 = tpu.vector_load %arg11[%get3A_375, %get3A_376] {strides = array<i32>} : memref<1280x24xf32, #tpu.memory_space<vmem>>, vector<16xf32>,
          %reshape3A_378 = vector.shape_cast %broadcast_in_dim3A_372 : vector<16xi32> to vector<16x1xi32>
          %gather3A_379 = vector.shape_cast %reshape3A_378 : vector<16x1xi32> to vector<16xi32>
          %gather3A_380 = tpu.dynamic_gather %exp3A[%gather3A_379] in [0] : vector<16xf32>, vector<16xi32> -> vector<16xf32>
          %reshape3A_381 = vector.shape_cast %broadcast_in_dim3A_372 : vector<16xi32> to vector<16x1xi32>
          %gather3A_382 = vector.shape_cast %reshape3A_381 : vector<16x1xi32> to vector<16xi32>
          %gather3A_383 = tpu.dynamic_gather %gather3A[%gather3A_382] in [0] : vector<16xf32>, vector<16xi32> -> vector<16xf32>
          %reshape3A_384 = vector.shape_cast %broadcast_in_dim3A_372 : vector<16xi32> to vector<16x1xi32>
          %gather3A_385 = vector.shape_cast %reshape3A_384 : vector<16x1xi32> to vector<16xi32>
          %gather3A_386 = tpu.dynamic_gather %gather3A_227[%gather3A_385] in [0] : vector<16xf32>, vector<16xi32> -> vector<16xf32>
          %reshape3A_387 = vector.shape_cast %broadcast_in_dim3A_372 : vector<16xi32> to vector<16x1xi32>
          %gather3A_388 = vector.shape_cast %reshape3A_387 : vector<16x1xi32> to vector<16xi32>
          %gather3A_389 = tpu.dynamic_gather %gather3A_232[%gather3A_388] in [0] : vector<16xf32>, vector<16xi32> -> vector<16xf32>
          %reshape3A_390 = vector.shape_cast %broadcast_in_dim3A_372 : vector<16xi32> to vector<16x1xi32>
          %gather3A_391 = vector.shape_cast %reshape3A_390 : vector<16x1xi32> to vector<16xi32>
          %gather3A_392 = tpu.dynamic_gather %gather3A_237[%gather3A_391] in [0] : vector<16xf32>, vector<16xi32> -> vector<16xf32>
          %mul3A_393 = arith.mulf %get3A_377, %gather3A_380 : vector<16xf32>
          %add3A_394 = arith.addf %add3A_342, %mul3A_393 : vector<16xf32>
          %mul3A_395 = arith.mulf %mul3A_393, %gather3A_383 : vector<16xf32>
          %add3A_396 = arith.addf %add3A_344, %mul3A_395 : vector<16xf32>
          %mul3A_397 = arith.mulf %mul3A_395, %gather3A_383 : vector<16xf32>
          %add3A_398 = arith.addf %add3A_346, %mul3A_397 : vector<16xf32>
          %mul3A_399 = arith.mulf %mul3A_395, %gather3A_386 : vector<16xf32>
          %add3A_400 = arith.addf %add3A_348, %mul3A_399 : vector<16xf32>
          %mul3A_401 = arith.mulf %mul3A_395, %gather3A_389 : vector<16xf32>
          %add3A_402 = arith.addf %add3A_350, %mul3A_401 : vector<16xf32>
          %mul3A_403 = arith.mulf %mul3A_395, %gather3A_392 : vector<16xf32>
          %add3A_404 = arith.addf %add3A_352, %mul3A_403 : vector<16xf32>
          %mul3A_405 = arith.mulf %mul3A_393, %gather3A_386 : vector<16xf32>
          %add3A_406 = arith.addf %add3A_354, %mul3A_405 : vector<16xf32>
          %mul3A_407 = arith.mulf %mul3A_405, %gather3A_386 : vector<16xf32>
          %add3A_408 = arith.addf %add3A_356, %mul3A_407 : vector<16xf32>
          %mul3A_409 = arith.mulf %mul3A_405, %gather3A_389 : vector<16xf32>
          %add3A_410 = arith.addf %add3A_358, %mul3A_409 : vector<16xf32>
          %mul3A_411 = arith.mulf %mul3A_405, %gather3A_392 : vector<16xf32>
          %add3A_412 = arith.addf %add3A_360, %mul3A_411 : vector<16xf32>
          %mul3A_413 = arith.mulf %mul3A_393, %gather3A_389 : vector<16xf32>
          %add3A_414 = arith.addf %add3A_362, %mul3A_413 : vector<16xf32>
          %mul3A_415 = arith.mulf %mul3A_413, %gather3A_389 : vector<16xf32>
          %add3A_416 = arith.addf %add3A_364, %mul3A_415 : vector<16xf32>
          %mul3A_417 = arith.mulf %mul3A_413, %gather3A_392 : vector<16xf32>
          %add3A_418 = arith.addf %add3A_366, %mul3A_417 : vector<16xf32>
          %mul3A_419 = arith.mulf %mul3A_393, %gather3A_392 : vector<16xf32>
          %add3A_420 = arith.addf %add3A_368, %mul3A_419 : vector<16xf32>
          %mul3A_421 = arith.mulf %mul3A_419, %gather3A_392 : vector<16xf32>
          %add3A_422 = arith.addf %add3A_370, %mul3A_421 : vector<16xf32>
          %broadcast_in_dim3A_423 = arith.constant 3 : i32
          %broadcast_in_dim3A_424 = vector.broadcast %broadcast_in_dim3A_423 : i32 to vector<16xi32>
          %add3A_425 = arith.constant 3 : i32
          %add3A_426 = arith.addi %mul3A_213, %add3A_425 : i32
          %get3A_427 = arith.index_cast %add3A_426 : i32 to index
          %get3A_428 = arith.constant 0 : index
          %get3A_429 = tpu.vector_load %arg11[%get3A_427, %get3A_428] {strides = array<i32>} : memref<1280x24xf32, #tpu.memory_space<vmem>>, vector<16xf32>,
          %reshape3A_430 = vector.shape_cast %broadcast_in_dim3A_424 : vector<16xi32> to vector<16x1xi32>
          %gather3A_431 = vector.shape_cast %reshape3A_430 : vector<16x1xi32> to vector<16xi32>
          %gather3A_432 = tpu.dynamic_gather %exp3A[%gather3A_431] in [0] : vector<16xf32>, vector<16xi32> -> vector<16xf32>
          %reshape3A_433 = vector.shape_cast %broadcast_in_dim3A_424 : vector<16xi32> to vector<16x1xi32>
          %gather3A_434 = vector.shape_cast %reshape3A_433 : vector<16x1xi32> to vector<16xi32>
          %gather3A_435 = tpu.dynamic_gather %gather3A[%gather3A_434] in [0] : vector<16xf32>, vector<16xi32> -> vector<16xf32>
          %reshape3A_436 = vector.shape_cast %broadcast_in_dim3A_424 : vector<16xi32> to vector<16x1xi32>
          %gather3A_437 = vector.shape_cast %reshape3A_436 : vector<16x1xi32> to vector<16xi32>
          %gather3A_438 = tpu.dynamic_gather %gather3A_227[%gather3A_437] in [0] : vector<16xf32>, vector<16xi32> -> vector<16xf32>
          %reshape3A_439 = vector.shape_cast %broadcast_in_dim3A_424 : vector<16xi32> to vector<16x1xi32>
          %gather3A_440 = vector.shape_cast %reshape3A_439 : vector<16x1xi32> to vector<16xi32>
          %gather3A_441 = tpu.dynamic_gather %gather3A_232[%gather3A_440] in [0] : vector<16xf32>, vector<16xi32> -> vector<16xf32>
          %reshape3A_442 = vector.shape_cast %broadcast_in_dim3A_424 : vector<16xi32> to vector<16x1xi32>
          %gather3A_443 = vector.shape_cast %reshape3A_442 : vector<16x1xi32> to vector<16xi32>
          %gather3A_444 = tpu.dynamic_gather %gather3A_237[%gather3A_443] in [0] : vector<16xf32>, vector<16xi32> -> vector<16xf32>
          %mul3A_445 = arith.mulf %get3A_429, %gather3A_432 : vector<16xf32>
          %add3A_446 = arith.addf %add3A_394, %mul3A_445 : vector<16xf32>
          %mul3A_447 = arith.mulf %mul3A_445, %gather3A_435 : vector<16xf32>
          %add3A_448 = arith.addf %add3A_396, %mul3A_447 : vector<16xf32>
          %mul3A_449 = arith.mulf %mul3A_447, %gather3A_435 : vector<16xf32>
          %add3A_450 = arith.addf %add3A_398, %mul3A_449 : vector<16xf32>
          %mul3A_451 = arith.mulf %mul3A_447, %gather3A_438 : vector<16xf32>
          %add3A_452 = arith.addf %add3A_400, %mul3A_451 : vector<16xf32>
          %mul3A_453 = arith.mulf %mul3A_447, %gather3A_441 : vector<16xf32>
          %add3A_454 = arith.addf %add3A_402, %mul3A_453 : vector<16xf32>
          %mul3A_455 = arith.mulf %mul3A_447, %gather3A_444 : vector<16xf32>
          %add3A_456 = arith.addf %add3A_404, %mul3A_455 : vector<16xf32>
          %mul3A_457 = arith.mulf %mul3A_445, %gather3A_438 : vector<16xf32>
          %add3A_458 = arith.addf %add3A_406, %mul3A_457 : vector<16xf32>
          %mul3A_459 = arith.mulf %mul3A_457, %gather3A_438 : vector<16xf32>
          %add3A_460 = arith.addf %add3A_408, %mul3A_459 : vector<16xf32>
          %mul3A_461 = arith.mulf %mul3A_457, %gather3A_441 : vector<16xf32>
          %add3A_462 = arith.addf %add3A_410, %mul3A_461 : vector<16xf32>
          %mul3A_463 = arith.mulf %mul3A_457, %gather3A_444 : vector<16xf32>
          %add3A_464 = arith.addf %add3A_412, %mul3A_463 : vector<16xf32>
          %mul3A_465 = arith.mulf %mul3A_445, %gather3A_441 : vector<16xf32>
          %add3A_466 = arith.addf %add3A_414, %mul3A_465 : vector<16xf32>
          %mul3A_467 = arith.mulf %mul3A_465, %gather3A_441 : vector<16xf32>
          %add3A_468 = arith.addf %add3A_416, %mul3A_467 : vector<16xf32>
          %mul3A_469 = arith.mulf %mul3A_465, %gather3A_444 : vector<16xf32>
          %add3A_470 = arith.addf %add3A_418, %mul3A_469 : vector<16xf32>
          %mul3A_471 = arith.mulf %mul3A_445, %gather3A_444 : vector<16xf32>
          %add3A_472 = arith.addf %add3A_420, %mul3A_471 : vector<16xf32>
          %mul3A_473 = arith.mulf %mul3A_471, %gather3A_444 : vector<16xf32>
          %add3A_474 = arith.addf %add3A_422, %mul3A_473 : vector<16xf32>
          %broadcast_in_dim3A_475 = arith.constant 4 : i32
          %broadcast_in_dim3A_476 = vector.broadcast %broadcast_in_dim3A_475 : i32 to vector<16xi32>
          %add3A_477 = arith.constant 4 : i32
          %add3A_478 = arith.addi %mul3A_213, %add3A_477 : i32
          %get3A_479 = arith.index_cast %add3A_478 : i32 to index
          %get3A_480 = arith.constant 0 : index
          %get3A_481 = tpu.vector_load %arg11[%get3A_479, %get3A_480] {strides = array<i32>} : memref<1280x24xf32, #tpu.memory_space<vmem>>, vector<16xf32>,
          %reshape3A_482 = vector.shape_cast %broadcast_in_dim3A_476 : vector<16xi32> to vector<16x1xi32>
          %gather3A_483 = vector.shape_cast %reshape3A_482 : vector<16x1xi32> to vector<16xi32>
          %gather3A_484 = tpu.dynamic_gather %exp3A[%gather3A_483] in [0] : vector<16xf32>, vector<16xi32> -> vector<16xf32>
          %reshape3A_485 = vector.shape_cast %broadcast_in_dim3A_476 : vector<16xi32> to vector<16x1xi32>
          %gather3A_486 = vector.shape_cast %reshape3A_485 : vector<16x1xi32> to vector<16xi32>
          %gather3A_487 = tpu.dynamic_gather %gather3A[%gather3A_486] in [0] : vector<16xf32>, vector<16xi32> -> vector<16xf32>
          %reshape3A_488 = vector.shape_cast %broadcast_in_dim3A_476 : vector<16xi32> to vector<16x1xi32>
          %gather3A_489 = vector.shape_cast %reshape3A_488 : vector<16x1xi32> to vector<16xi32>
          %gather3A_490 = tpu.dynamic_gather %gather3A_227[%gather3A_489] in [0] : vector<16xf32>, vector<16xi32> -> vector<16xf32>
          %reshape3A_491 = vector.shape_cast %broadcast_in_dim3A_476 : vector<16xi32> to vector<16x1xi32>
          %gather3A_492 = vector.shape_cast %reshape3A_491 : vector<16x1xi32> to vector<16xi32>
          %gather3A_493 = tpu.dynamic_gather %gather3A_232[%gather3A_492] in [0] : vector<16xf32>, vector<16xi32> -> vector<16xf32>
          %reshape3A_494 = vector.shape_cast %broadcast_in_dim3A_476 : vector<16xi32> to vector<16x1xi32>
          %gather3A_495 = vector.shape_cast %reshape3A_494 : vector<16x1xi32> to vector<16xi32>
          %gather3A_496 = tpu.dynamic_gather %gather3A_237[%gather3A_495] in [0] : vector<16xf32>, vector<16xi32> -> vector<16xf32>
          %mul3A_497 = arith.mulf %get3A_481, %gather3A_484 : vector<16xf32>
          %add3A_498 = arith.addf %add3A_446, %mul3A_497 : vector<16xf32>
          %mul3A_499 = arith.mulf %mul3A_497, %gather3A_487 : vector<16xf32>
          %add3A_500 = arith.addf %add3A_448, %mul3A_499 : vector<16xf32>
          %mul3A_501 = arith.mulf %mul3A_499, %gather3A_487 : vector<16xf32>
          %add3A_502 = arith.addf %add3A_450, %mul3A_501 : vector<16xf32>
          %mul3A_503 = arith.mulf %mul3A_499, %gather3A_490 : vector<16xf32>
          %add3A_504 = arith.addf %add3A_452, %mul3A_503 : vector<16xf32>
          %mul3A_505 = arith.mulf %mul3A_499, %gather3A_493 : vector<16xf32>
          %add3A_506 = arith.addf %add3A_454, %mul3A_505 : vector<16xf32>
          %mul3A_507 = arith.mulf %mul3A_499, %gather3A_496 : vector<16xf32>
          %add3A_508 = arith.addf %add3A_456, %mul3A_507 : vector<16xf32>
          %mul3A_509 = arith.mulf %mul3A_497, %gather3A_490 : vector<16xf32>
          %add3A_510 = arith.addf %add3A_458, %mul3A_509 : vector<16xf32>
          %mul3A_511 = arith.mulf %mul3A_509, %gather3A_490 : vector<16xf32>
          %add3A_512 = arith.addf %add3A_460, %mul3A_511 : vector<16xf32>
          %mul3A_513 = arith.mulf %mul3A_509, %gather3A_493 : vector<16xf32>
          %add3A_514 = arith.addf %add3A_462, %mul3A_513 : vector<16xf32>
          %mul3A_515 = arith.mulf %mul3A_509, %gather3A_496 : vector<16xf32>
          %add3A_516 = arith.addf %add3A_464, %mul3A_515 : vector<16xf32>
          %mul3A_517 = arith.mulf %mul3A_497, %gather3A_493 : vector<16xf32>
          %add3A_518 = arith.addf %add3A_466, %mul3A_517 : vector<16xf32>
          %mul3A_519 = arith.mulf %mul3A_517, %gather3A_493 : vector<16xf32>
          %add3A_520 = arith.addf %add3A_468, %mul3A_519 : vector<16xf32>
          %mul3A_521 = arith.mulf %mul3A_517, %gather3A_496 : vector<16xf32>
          %add3A_522 = arith.addf %add3A_470, %mul3A_521 : vector<16xf32>
          %mul3A_523 = arith.mulf %mul3A_497, %gather3A_496 : vector<16xf32>
          %add3A_524 = arith.addf %add3A_472, %mul3A_523 : vector<16xf32>
          %mul3A_525 = arith.mulf %mul3A_523, %gather3A_496 : vector<16xf32>
          %add3A_526 = arith.addf %add3A_474, %mul3A_525 : vector<16xf32>
          %broadcast_in_dim3A_527 = arith.constant 5 : i32
          %broadcast_in_dim3A_528 = vector.broadcast %broadcast_in_dim3A_527 : i32 to vector<16xi32>
          %add3A_529 = arith.constant 5 : i32
          %add3A_530 = arith.addi %mul3A_213, %add3A_529 : i32
          %get3A_531 = arith.index_cast %add3A_530 : i32 to index
          %get3A_532 = arith.constant 0 : index
          %get3A_533 = tpu.vector_load %arg11[%get3A_531, %get3A_532] {strides = array<i32>} : memref<1280x24xf32, #tpu.memory_space<vmem>>, vector<16xf32>,
          %reshape3A_534 = vector.shape_cast %broadcast_in_dim3A_528 : vector<16xi32> to vector<16x1xi32>
          %gather3A_535 = vector.shape_cast %reshape3A_534 : vector<16x1xi32> to vector<16xi32>
          %gather3A_536 = tpu.dynamic_gather %exp3A[%gather3A_535] in [0] : vector<16xf32>, vector<16xi32> -> vector<16xf32>
          %reshape3A_537 = vector.shape_cast %broadcast_in_dim3A_528 : vector<16xi32> to vector<16x1xi32>
          %gather3A_538 = vector.shape_cast %reshape3A_537 : vector<16x1xi32> to vector<16xi32>
          %gather3A_539 = tpu.dynamic_gather %gather3A[%gather3A_538] in [0] : vector<16xf32>, vector<16xi32> -> vector<16xf32>
          %reshape3A_540 = vector.shape_cast %broadcast_in_dim3A_528 : vector<16xi32> to vector<16x1xi32>
          %gather3A_541 = vector.shape_cast %reshape3A_540 : vector<16x1xi32> to vector<16xi32>
          %gather3A_542 = tpu.dynamic_gather %gather3A_227[%gather3A_541] in [0] : vector<16xf32>, vector<16xi32> -> vector<16xf32>
          %reshape3A_543 = vector.shape_cast %broadcast_in_dim3A_528 : vector<16xi32> to vector<16x1xi32>
          %gather3A_544 = vector.shape_cast %reshape3A_543 : vector<16x1xi32> to vector<16xi32>
          %gather3A_545 = tpu.dynamic_gather %gather3A_232[%gather3A_544] in [0] : vector<16xf32>, vector<16xi32> -> vector<16xf32>
          %reshape3A_546 = vector.shape_cast %broadcast_in_dim3A_528 : vector<16xi32> to vector<16x1xi32>
          %gather3A_547 = vector.shape_cast %reshape3A_546 : vector<16x1xi32> to vector<16xi32>
          %gather3A_548 = tpu.dynamic_gather %gather3A_237[%gather3A_547] in [0] : vector<16xf32>, vector<16xi32> -> vector<16xf32>
          %mul3A_549 = arith.mulf %get3A_533, %gather3A_536 : vector<16xf32>
          %add3A_550 = arith.addf %add3A_498, %mul3A_549 : vector<16xf32>
          %mul3A_551 = arith.mulf %mul3A_549, %gather3A_539 : vector<16xf32>
          %add3A_552 = arith.addf %add3A_500, %mul3A_551 : vector<16xf32>
          %mul3A_553 = arith.mulf %mul3A_551, %gather3A_539 : vector<16xf32>
          %add3A_554 = arith.addf %add3A_502, %mul3A_553 : vector<16xf32>
          %mul3A_555 = arith.mulf %mul3A_551, %gather3A_542 : vector<16xf32>
          %add3A_556 = arith.addf %add3A_504, %mul3A_555 : vector<16xf32>
          %mul3A_557 = arith.mulf %mul3A_551, %gather3A_545 : vector<16xf32>
          %add3A_558 = arith.addf %add3A_506, %mul3A_557 : vector<16xf32>
          %mul3A_559 = arith.mulf %mul3A_551, %gather3A_548 : vector<16xf32>
          %add3A_560 = arith.addf %add3A_508, %mul3A_559 : vector<16xf32>
          %mul3A_561 = arith.mulf %mul3A_549, %gather3A_542 : vector<16xf32>
          %add3A_562 = arith.addf %add3A_510, %mul3A_561 : vector<16xf32>
          %mul3A_563 = arith.mulf %mul3A_561, %gather3A_542 : vector<16xf32>
          %add3A_564 = arith.addf %add3A_512, %mul3A_563 : vector<16xf32>
          %mul3A_565 = arith.mulf %mul3A_561, %gather3A_545 : vector<16xf32>
          %add3A_566 = arith.addf %add3A_514, %mul3A_565 : vector<16xf32>
          %mul3A_567 = arith.mulf %mul3A_561, %gather3A_548 : vector<16xf32>
          %add3A_568 = arith.addf %add3A_516, %mul3A_567 : vector<16xf32>
          %mul3A_569 = arith.mulf %mul3A_549, %gather3A_545 : vector<16xf32>
          %add3A_570 = arith.addf %add3A_518, %mul3A_569 : vector<16xf32>
          %mul3A_571 = arith.mulf %mul3A_569, %gather3A_545 : vector<16xf32>
          %add3A_572 = arith.addf %add3A_520, %mul3A_571 : vector<16xf32>
          %mul3A_573 = arith.mulf %mul3A_569, %gather3A_548 : vector<16xf32>
          %add3A_574 = arith.addf %add3A_522, %mul3A_573 : vector<16xf32>
          %mul3A_575 = arith.mulf %mul3A_549, %gather3A_548 : vector<16xf32>
          %add3A_576 = arith.addf %add3A_524, %mul3A_575 : vector<16xf32>
          %mul3A_577 = arith.mulf %mul3A_575, %gather3A_548 : vector<16xf32>
          %add3A_578 = arith.addf %add3A_526, %mul3A_577 : vector<16xf32>
          %broadcast_in_dim3A_579 = arith.constant 6 : i32
          %broadcast_in_dim3A_580 = vector.broadcast %broadcast_in_dim3A_579 : i32 to vector<16xi32>
          %add3A_581 = arith.constant 6 : i32
          %add3A_582 = arith.addi %mul3A_213, %add3A_581 : i32
          %get3A_583 = arith.index_cast %add3A_582 : i32 to index
          %get3A_584 = arith.constant 0 : index
          %get3A_585 = tpu.vector_load %arg11[%get3A_583, %get3A_584] {strides = array<i32>} : memref<1280x24xf32, #tpu.memory_space<vmem>>, vector<16xf32>,
          %reshape3A_586 = vector.shape_cast %broadcast_in_dim3A_580 : vector<16xi32> to vector<16x1xi32>
          %gather3A_587 = vector.shape_cast %reshape3A_586 : vector<16x1xi32> to vector<16xi32>
          %gather3A_588 = tpu.dynamic_gather %exp3A[%gather3A_587] in [0] : vector<16xf32>, vector<16xi32> -> vector<16xf32>
          %reshape3A_589 = vector.shape_cast %broadcast_in_dim3A_580 : vector<16xi32> to vector<16x1xi32>
          %gather3A_590 = vector.shape_cast %reshape3A_589 : vector<16x1xi32> to vector<16xi32>
          %gather3A_591 = tpu.dynamic_gather %gather3A[%gather3A_590] in [0] : vector<16xf32>, vector<16xi32> -> vector<16xf32>
          %reshape3A_592 = vector.shape_cast %broadcast_in_dim3A_580 : vector<16xi32> to vector<16x1xi32>
          %gather3A_593 = vector.shape_cast %reshape3A_592 : vector<16x1xi32> to vector<16xi32>
          %gather3A_594 = tpu.dynamic_gather %gather3A_227[%gather3A_593] in [0] : vector<16xf32>, vector<16xi32> -> vector<16xf32>
          %reshape3A_595 = vector.shape_cast %broadcast_in_dim3A_580 : vector<16xi32> to vector<16x1xi32>
          %gather3A_596 = vector.shape_cast %reshape3A_595 : vector<16x1xi32> to vector<16xi32>
          %gather3A_597 = tpu.dynamic_gather %gather3A_232[%gather3A_596] in [0] : vector<16xf32>, vector<16xi32> -> vector<16xf32>
          %reshape3A_598 = vector.shape_cast %broadcast_in_dim3A_580 : vector<16xi32> to vector<16x1xi32>
          %gather3A_599 = vector.shape_cast %reshape3A_598 : vector<16x1xi32> to vector<16xi32>
          %gather3A_600 = tpu.dynamic_gather %gather3A_237[%gather3A_599] in [0] : vector<16xf32>, vector<16xi32> -> vector<16xf32>
          %mul3A_601 = arith.mulf %get3A_585, %gather3A_588 : vector<16xf32>
          %add3A_602 = arith.addf %add3A_550, %mul3A_601 : vector<16xf32>
          %mul3A_603 = arith.mulf %mul3A_601, %gather3A_591 : vector<16xf32>
          %add3A_604 = arith.addf %add3A_552, %mul3A_603 : vector<16xf32>
          %mul3A_605 = arith.mulf %mul3A_603, %gather3A_591 : vector<16xf32>
          %add3A_606 = arith.addf %add3A_554, %mul3A_605 : vector<16xf32>
          %mul3A_607 = arith.mulf %mul3A_603, %gather3A_594 : vector<16xf32>
          %add3A_608 = arith.addf %add3A_556, %mul3A_607 : vector<16xf32>
          %mul3A_609 = arith.mulf %mul3A_603, %gather3A_597 : vector<16xf32>
          %add3A_610 = arith.addf %add3A_558, %mul3A_609 : vector<16xf32>
          %mul3A_611 = arith.mulf %mul3A_603, %gather3A_600 : vector<16xf32>
          %add3A_612 = arith.addf %add3A_560, %mul3A_611 : vector<16xf32>
          %mul3A_613 = arith.mulf %mul3A_601, %gather3A_594 : vector<16xf32>
          %add3A_614 = arith.addf %add3A_562, %mul3A_613 : vector<16xf32>
          %mul3A_615 = arith.mulf %mul3A_613, %gather3A_594 : vector<16xf32>
          %add3A_616 = arith.addf %add3A_564, %mul3A_615 : vector<16xf32>
          %mul3A_617 = arith.mulf %mul3A_613, %gather3A_597 : vector<16xf32>
          %add3A_618 = arith.addf %add3A_566, %mul3A_617 : vector<16xf32>
          %mul3A_619 = arith.mulf %mul3A_613, %gather3A_600 : vector<16xf32>
          %add3A_620 = arith.addf %add3A_568, %mul3A_619 : vector<16xf32>
          %mul3A_621 = arith.mulf %mul3A_601, %gather3A_597 : vector<16xf32>
          %add3A_622 = arith.addf %add3A_570, %mul3A_621 : vector<16xf32>
          %mul3A_623 = arith.mulf %mul3A_621, %gather3A_597 : vector<16xf32>
          %add3A_624 = arith.addf %add3A_572, %mul3A_623 : vector<16xf32>
          %mul3A_625 = arith.mulf %mul3A_621, %gather3A_600 : vector<16xf32>
          %add3A_626 = arith.addf %add3A_574, %mul3A_625 : vector<16xf32>
          %mul3A_627 = arith.mulf %mul3A_601, %gather3A_600 : vector<16xf32>
          %add3A_628 = arith.addf %add3A_576, %mul3A_627 : vector<16xf32>
          %mul3A_629 = arith.mulf %mul3A_627, %gather3A_600 : vector<16xf32>
          %add3A_630 = arith.addf %add3A_578, %mul3A_629 : vector<16xf32>
          %broadcast_in_dim3A_631 = arith.constant 7 : i32
          %broadcast_in_dim3A_632 = vector.broadcast %broadcast_in_dim3A_631 : i32 to vector<16xi32>
          %add3A_633 = arith.constant 7 : i32
          %add3A_634 = arith.addi %mul3A_213, %add3A_633 : i32
          %get3A_635 = arith.index_cast %add3A_634 : i32 to index
          %get3A_636 = arith.constant 0 : index
          %get3A_637 = tpu.vector_load %arg11[%get3A_635, %get3A_636] {strides = array<i32>} : memref<1280x24xf32, #tpu.memory_space<vmem>>, vector<16xf32>,
          %reshape3A_638 = vector.shape_cast %broadcast_in_dim3A_632 : vector<16xi32> to vector<16x1xi32>
          %gather3A_639 = vector.shape_cast %reshape3A_638 : vector<16x1xi32> to vector<16xi32>
          %gather3A_640 = tpu.dynamic_gather %exp3A[%gather3A_639] in [0] : vector<16xf32>, vector<16xi32> -> vector<16xf32>
          %reshape3A_641 = vector.shape_cast %broadcast_in_dim3A_632 : vector<16xi32> to vector<16x1xi32>
          %gather3A_642 = vector.shape_cast %reshape3A_641 : vector<16x1xi32> to vector<16xi32>
          %gather3A_643 = tpu.dynamic_gather %gather3A[%gather3A_642] in [0] : vector<16xf32>, vector<16xi32> -> vector<16xf32>
          %reshape3A_644 = vector.shape_cast %broadcast_in_dim3A_632 : vector<16xi32> to vector<16x1xi32>
          %gather3A_645 = vector.shape_cast %reshape3A_644 : vector<16x1xi32> to vector<16xi32>
          %gather3A_646 = tpu.dynamic_gather %gather3A_227[%gather3A_645] in [0] : vector<16xf32>, vector<16xi32> -> vector<16xf32>
          %reshape3A_647 = vector.shape_cast %broadcast_in_dim3A_632 : vector<16xi32> to vector<16x1xi32>
          %gather3A_648 = vector.shape_cast %reshape3A_647 : vector<16x1xi32> to vector<16xi32>
          %gather3A_649 = tpu.dynamic_gather %gather3A_232[%gather3A_648] in [0] : vector<16xf32>, vector<16xi32> -> vector<16xf32>
          %reshape3A_650 = vector.shape_cast %broadcast_in_dim3A_632 : vector<16xi32> to vector<16x1xi32>
          %gather3A_651 = vector.shape_cast %reshape3A_650 : vector<16x1xi32> to vector<16xi32>
          %gather3A_652 = tpu.dynamic_gather %gather3A_237[%gather3A_651] in [0] : vector<16xf32>, vector<16xi32> -> vector<16xf32>
          %mul3A_653 = arith.mulf %get3A_637, %gather3A_640 : vector<16xf32>
          %add3A_654 = arith.addf %add3A_602, %mul3A_653 : vector<16xf32>
          %mul3A_655 = arith.mulf %mul3A_653, %gather3A_643 : vector<16xf32>
          %add3A_656 = arith.addf %add3A_604, %mul3A_655 : vector<16xf32>
          %mul3A_657 = arith.mulf %mul3A_655, %gather3A_643 : vector<16xf32>
          %add3A_658 = arith.addf %add3A_606, %mul3A_657 : vector<16xf32>
          %mul3A_659 = arith.mulf %mul3A_655, %gather3A_646 : vector<16xf32>
          %add3A_660 = arith.addf %add3A_608, %mul3A_659 : vector<16xf32>
          %mul3A_661 = arith.mulf %mul3A_655, %gather3A_649 : vector<16xf32>
          %add3A_662 = arith.addf %add3A_610, %mul3A_661 : vector<16xf32>
          %mul3A_663 = arith.mulf %mul3A_655, %gather3A_652 : vector<16xf32>
          %add3A_664 = arith.addf %add3A_612, %mul3A_663 : vector<16xf32>
          %mul3A_665 = arith.mulf %mul3A_653, %gather3A_646 : vector<16xf32>
          %add3A_666 = arith.addf %add3A_614, %mul3A_665 : vector<16xf32>
          %mul3A_667 = arith.mulf %mul3A_665, %gather3A_646 : vector<16xf32>
          %add3A_668 = arith.addf %add3A_616, %mul3A_667 : vector<16xf32>
          %mul3A_669 = arith.mulf %mul3A_665, %gather3A_649 : vector<16xf32>
          %add3A_670 = arith.addf %add3A_618, %mul3A_669 : vector<16xf32>
          %mul3A_671 = arith.mulf %mul3A_665, %gather3A_652 : vector<16xf32>
          %add3A_672 = arith.addf %add3A_620, %mul3A_671 : vector<16xf32>
          %mul3A_673 = arith.mulf %mul3A_653, %gather3A_649 : vector<16xf32>
          %add3A_674 = arith.addf %add3A_622, %mul3A_673 : vector<16xf32>
          %mul3A_675 = arith.mulf %mul3A_673, %gather3A_649 : vector<16xf32>
          %add3A_676 = arith.addf %add3A_624, %mul3A_675 : vector<16xf32>
          %mul3A_677 = arith.mulf %mul3A_673, %gather3A_652 : vector<16xf32>
          %add3A_678 = arith.addf %add3A_626, %mul3A_677 : vector<16xf32>
          %mul3A_679 = arith.mulf %mul3A_653, %gather3A_652 : vector<16xf32>
          %add3A_680 = arith.addf %add3A_628, %mul3A_679 : vector<16xf32>
          %mul3A_681 = arith.mulf %mul3A_679, %gather3A_652 : vector<16xf32>
          %add3A_682 = arith.addf %add3A_630, %mul3A_681 : vector<16xf32>
          %broadcast_in_dim3A_683 = arith.constant 8 : i32
          %broadcast_in_dim3A_684 = vector.broadcast %broadcast_in_dim3A_683 : i32 to vector<16xi32>
          %add3A_685 = arith.constant 8 : i32
          %add3A_686 = arith.addi %mul3A_213, %add3A_685 : i32
          %get3A_687 = arith.index_cast %add3A_686 : i32 to index
          %get3A_688 = arith.constant 0 : index
          %get3A_689 = tpu.vector_load %arg11[%get3A_687, %get3A_688] {strides = array<i32>} : memref<1280x24xf32, #tpu.memory_space<vmem>>, vector<16xf32>,
          %reshape3A_690 = vector.shape_cast %broadcast_in_dim3A_684 : vector<16xi32> to vector<16x1xi32>
          %gather3A_691 = vector.shape_cast %reshape3A_690 : vector<16x1xi32> to vector<16xi32>
          %gather3A_692 = tpu.dynamic_gather %exp3A[%gather3A_691] in [0] : vector<16xf32>, vector<16xi32> -> vector<16xf32>
          %reshape3A_693 = vector.shape_cast %broadcast_in_dim3A_684 : vector<16xi32> to vector<16x1xi32>
          %gather3A_694 = vector.shape_cast %reshape3A_693 : vector<16x1xi32> to vector<16xi32>
          %gather3A_695 = tpu.dynamic_gather %gather3A[%gather3A_694] in [0] : vector<16xf32>, vector<16xi32> -> vector<16xf32>
          %reshape3A_696 = vector.shape_cast %broadcast_in_dim3A_684 : vector<16xi32> to vector<16x1xi32>
          %gather3A_697 = vector.shape_cast %reshape3A_696 : vector<16x1xi32> to vector<16xi32>
          %gather3A_698 = tpu.dynamic_gather %gather3A_227[%gather3A_697] in [0] : vector<16xf32>, vector<16xi32> -> vector<16xf32>
          %reshape3A_699 = vector.shape_cast %broadcast_in_dim3A_684 : vector<16xi32> to vector<16x1xi32>
          %gather3A_700 = vector.shape_cast %reshape3A_699 : vector<16x1xi32> to vector<16xi32>
          %gather3A_701 = tpu.dynamic_gather %gather3A_232[%gather3A_700] in [0] : vector<16xf32>, vector<16xi32> -> vector<16xf32>
          %reshape3A_702 = vector.shape_cast %broadcast_in_dim3A_684 : vector<16xi32> to vector<16x1xi32>
          %gather3A_703 = vector.shape_cast %reshape3A_702 : vector<16x1xi32> to vector<16xi32>
          %gather3A_704 = tpu.dynamic_gather %gather3A_237[%gather3A_703] in [0] : vector<16xf32>, vector<16xi32> -> vector<16xf32>
          %mul3A_705 = arith.mulf %get3A_689, %gather3A_692 : vector<16xf32>
          %add3A_706 = arith.addf %add3A_654, %mul3A_705 : vector<16xf32>
          %mul3A_707 = arith.mulf %mul3A_705, %gather3A_695 : vector<16xf32>
          %add3A_708 = arith.addf %add3A_656, %mul3A_707 : vector<16xf32>
          %mul3A_709 = arith.mulf %mul3A_707, %gather3A_695 : vector<16xf32>
          %add3A_710 = arith.addf %add3A_658, %mul3A_709 : vector<16xf32>
          %mul3A_711 = arith.mulf %mul3A_707, %gather3A_698 : vector<16xf32>
          %add3A_712 = arith.addf %add3A_660, %mul3A_711 : vector<16xf32>
          %mul3A_713 = arith.mulf %mul3A_707, %gather3A_701 : vector<16xf32>
          %add3A_714 = arith.addf %add3A_662, %mul3A_713 : vector<16xf32>
          %mul3A_715 = arith.mulf %mul3A_707, %gather3A_704 : vector<16xf32>
          %add3A_716 = arith.addf %add3A_664, %mul3A_715 : vector<16xf32>
          %mul3A_717 = arith.mulf %mul3A_705, %gather3A_698 : vector<16xf32>
          %add3A_718 = arith.addf %add3A_666, %mul3A_717 : vector<16xf32>
          %mul3A_719 = arith.mulf %mul3A_717, %gather3A_698 : vector<16xf32>
          %add3A_720 = arith.addf %add3A_668, %mul3A_719 : vector<16xf32>
          %mul3A_721 = arith.mulf %mul3A_717, %gather3A_701 : vector<16xf32>
          %add3A_722 = arith.addf %add3A_670, %mul3A_721 : vector<16xf32>
          %mul3A_723 = arith.mulf %mul3A_717, %gather3A_704 : vector<16xf32>
          %add3A_724 = arith.addf %add3A_672, %mul3A_723 : vector<16xf32>
          %mul3A_725 = arith.mulf %mul3A_705, %gather3A_701 : vector<16xf32>
          %add3A_726 = arith.addf %add3A_674, %mul3A_725 : vector<16xf32>
          %mul3A_727 = arith.mulf %mul3A_725, %gather3A_701 : vector<16xf32>
          %add3A_728 = arith.addf %add3A_676, %mul3A_727 : vector<16xf32>
          %mul3A_729 = arith.mulf %mul3A_725, %gather3A_704 : vector<16xf32>
          %add3A_730 = arith.addf %add3A_678, %mul3A_729 : vector<16xf32>
          %mul3A_731 = arith.mulf %mul3A_705, %gather3A_704 : vector<16xf32>
          %add3A_732 = arith.addf %add3A_680, %mul3A_731 : vector<16xf32>
          %mul3A_733 = arith.mulf %mul3A_731, %gather3A_704 : vector<16xf32>
          %add3A_734 = arith.addf %add3A_682, %mul3A_733 : vector<16xf32>
          %broadcast_in_dim3A_735 = arith.constant 9 : i32
          %broadcast_in_dim3A_736 = vector.broadcast %broadcast_in_dim3A_735 : i32 to vector<16xi32>
          %add3A_737 = arith.constant 9 : i32
          %add3A_738 = arith.addi %mul3A_213, %add3A_737 : i32
          %get3A_739 = arith.index_cast %add3A_738 : i32 to index
          %get3A_740 = arith.constant 0 : index
          %get3A_741 = tpu.vector_load %arg11[%get3A_739, %get3A_740] {strides = array<i32>} : memref<1280x24xf32, #tpu.memory_space<vmem>>, vector<16xf32>,
          %reshape3A_742 = vector.shape_cast %broadcast_in_dim3A_736 : vector<16xi32> to vector<16x1xi32>
          %gather3A_743 = vector.shape_cast %reshape3A_742 : vector<16x1xi32> to vector<16xi32>
          %gather3A_744 = tpu.dynamic_gather %exp3A[%gather3A_743] in [0] : vector<16xf32>, vector<16xi32> -> vector<16xf32>
          %reshape3A_745 = vector.shape_cast %broadcast_in_dim3A_736 : vector<16xi32> to vector<16x1xi32>
          %gather3A_746 = vector.shape_cast %reshape3A_745 : vector<16x1xi32> to vector<16xi32>
          %gather3A_747 = tpu.dynamic_gather %gather3A[%gather3A_746] in [0] : vector<16xf32>, vector<16xi32> -> vector<16xf32>
          %reshape3A_748 = vector.shape_cast %broadcast_in_dim3A_736 : vector<16xi32> to vector<16x1xi32>
          %gather3A_749 = vector.shape_cast %reshape3A_748 : vector<16x1xi32> to vector<16xi32>
          %gather3A_750 = tpu.dynamic_gather %gather3A_227[%gather3A_749] in [0] : vector<16xf32>, vector<16xi32> -> vector<16xf32>
          %reshape3A_751 = vector.shape_cast %broadcast_in_dim3A_736 : vector<16xi32> to vector<16x1xi32>
          %gather3A_752 = vector.shape_cast %reshape3A_751 : vector<16x1xi32> to vector<16xi32>
          %gather3A_753 = tpu.dynamic_gather %gather3A_232[%gather3A_752] in [0] : vector<16xf32>, vector<16xi32> -> vector<16xf32>
          %reshape3A_754 = vector.shape_cast %broadcast_in_dim3A_736 : vector<16xi32> to vector<16x1xi32>
          %gather3A_755 = vector.shape_cast %reshape3A_754 : vector<16x1xi32> to vector<16xi32>
          %gather3A_756 = tpu.dynamic_gather %gather3A_237[%gather3A_755] in [0] : vector<16xf32>, vector<16xi32> -> vector<16xf32>
          %mul3A_757 = arith.mulf %get3A_741, %gather3A_744 : vector<16xf32>
          %add3A_758 = arith.addf %add3A_706, %mul3A_757 : vector<16xf32>
          %mul3A_759 = arith.mulf %mul3A_757, %gather3A_747 : vector<16xf32>
          %add3A_760 = arith.addf %add3A_708, %mul3A_759 : vector<16xf32>
          %mul3A_761 = arith.mulf %mul3A_759, %gather3A_747 : vector<16xf32>
          %add3A_762 = arith.addf %add3A_710, %mul3A_761 : vector<16xf32>
          %mul3A_763 = arith.mulf %mul3A_759, %gather3A_750 : vector<16xf32>
          %add3A_764 = arith.addf %add3A_712, %mul3A_763 : vector<16xf32>
          %mul3A_765 = arith.mulf %mul3A_759, %gather3A_753 : vector<16xf32>
          %add3A_766 = arith.addf %add3A_714, %mul3A_765 : vector<16xf32>
          %mul3A_767 = arith.mulf %mul3A_759, %gather3A_756 : vector<16xf32>
          %add3A_768 = arith.addf %add3A_716, %mul3A_767 : vector<16xf32>
          %mul3A_769 = arith.mulf %mul3A_757, %gather3A_750 : vector<16xf32>
          %add3A_770 = arith.addf %add3A_718, %mul3A_769 : vector<16xf32>
          %mul3A_771 = arith.mulf %mul3A_769, %gather3A_750 : vector<16xf32>
          %add3A_772 = arith.addf %add3A_720, %mul3A_771 : vector<16xf32>
          %mul3A_773 = arith.mulf %mul3A_769, %gather3A_753 : vector<16xf32>
          %add3A_774 = arith.addf %add3A_722, %mul3A_773 : vector<16xf32>
          %mul3A_775 = arith.mulf %mul3A_769, %gather3A_756 : vector<16xf32>
          %add3A_776 = arith.addf %add3A_724, %mul3A_775 : vector<16xf32>
          %mul3A_777 = arith.mulf %mul3A_757, %gather3A_753 : vector<16xf32>
          %add3A_778 = arith.addf %add3A_726, %mul3A_777 : vector<16xf32>
          %mul3A_779 = arith.mulf %mul3A_777, %gather3A_753 : vector<16xf32>
          %add3A_780 = arith.addf %add3A_728, %mul3A_779 : vector<16xf32>
          %mul3A_781 = arith.mulf %mul3A_777, %gather3A_756 : vector<16xf32>
          %add3A_782 = arith.addf %add3A_730, %mul3A_781 : vector<16xf32>
          %mul3A_783 = arith.mulf %mul3A_757, %gather3A_756 : vector<16xf32>
          %add3A_784 = arith.addf %add3A_732, %mul3A_783 : vector<16xf32>
          %mul3A_785 = arith.mulf %mul3A_783, %gather3A_756 : vector<16xf32>
          %add3A_786 = arith.addf %add3A_734, %mul3A_785 : vector<16xf32>
          %broadcast_in_dim3A_787 = arith.constant 10 : i32
          %broadcast_in_dim3A_788 = vector.broadcast %broadcast_in_dim3A_787 : i32 to vector<16xi32>
          %add3A_789 = arith.constant 10 : i32
          %add3A_790 = arith.addi %mul3A_213, %add3A_789 : i32
          %get3A_791 = arith.index_cast %add3A_790 : i32 to index
          %get3A_792 = arith.constant 0 : index
          %get3A_793 = tpu.vector_load %arg11[%get3A_791, %get3A_792] {strides = array<i32>} : memref<1280x24xf32, #tpu.memory_space<vmem>>, vector<16xf32>,
          %reshape3A_794 = vector.shape_cast %broadcast_in_dim3A_788 : vector<16xi32> to vector<16x1xi32>
          %gather3A_795 = vector.shape_cast %reshape3A_794 : vector<16x1xi32> to vector<16xi32>
          %gather3A_796 = tpu.dynamic_gather %exp3A[%gather3A_795] in [0] : vector<16xf32>, vector<16xi32> -> vector<16xf32>
          %reshape3A_797 = vector.shape_cast %broadcast_in_dim3A_788 : vector<16xi32> to vector<16x1xi32>
          %gather3A_798 = vector.shape_cast %reshape3A_797 : vector<16x1xi32> to vector<16xi32>
          %gather3A_799 = tpu.dynamic_gather %gather3A[%gather3A_798] in [0] : vector<16xf32>, vector<16xi32> -> vector<16xf32>
          %reshape3A_800 = vector.shape_cast %broadcast_in_dim3A_788 : vector<16xi32> to vector<16x1xi32>
          %gather3A_801 = vector.shape_cast %reshape3A_800 : vector<16x1xi32> to vector<16xi32>
          %gather3A_802 = tpu.dynamic_gather %gather3A_227[%gather3A_801] in [0] : vector<16xf32>, vector<16xi32> -> vector<16xf32>
          %reshape3A_803 = vector.shape_cast %broadcast_in_dim3A_788 : vector<16xi32> to vector<16x1xi32>
          %gather3A_804 = vector.shape_cast %reshape3A_803 : vector<16x1xi32> to vector<16xi32>
          %gather3A_805 = tpu.dynamic_gather %gather3A_232[%gather3A_804] in [0] : vector<16xf32>, vector<16xi32> -> vector<16xf32>
          %reshape3A_806 = vector.shape_cast %broadcast_in_dim3A_788 : vector<16xi32> to vector<16x1xi32>
          %gather3A_807 = vector.shape_cast %reshape3A_806 : vector<16x1xi32> to vector<16xi32>
          %gather3A_808 = tpu.dynamic_gather %gather3A_237[%gather3A_807] in [0] : vector<16xf32>, vector<16xi32> -> vector<16xf32>
          %mul3A_809 = arith.mulf %get3A_793, %gather3A_796 : vector<16xf32>
          %add3A_810 = arith.addf %add3A_758, %mul3A_809 : vector<16xf32>
          %mul3A_811 = arith.mulf %mul3A_809, %gather3A_799 : vector<16xf32>
          %add3A_812 = arith.addf %add3A_760, %mul3A_811 : vector<16xf32>
          %mul3A_813 = arith.mulf %mul3A_811, %gather3A_799 : vector<16xf32>
          %add3A_814 = arith.addf %add3A_762, %mul3A_813 : vector<16xf32>
          %mul3A_815 = arith.mulf %mul3A_811, %gather3A_802 : vector<16xf32>
          %add3A_816 = arith.addf %add3A_764, %mul3A_815 : vector<16xf32>
          %mul3A_817 = arith.mulf %mul3A_811, %gather3A_805 : vector<16xf32>
          %add3A_818 = arith.addf %add3A_766, %mul3A_817 : vector<16xf32>
          %mul3A_819 = arith.mulf %mul3A_811, %gather3A_808 : vector<16xf32>
          %add3A_820 = arith.addf %add3A_768, %mul3A_819 : vector<16xf32>
          %mul3A_821 = arith.mulf %mul3A_809, %gather3A_802 : vector<16xf32>
          %add3A_822 = arith.addf %add3A_770, %mul3A_821 : vector<16xf32>
          %mul3A_823 = arith.mulf %mul3A_821, %gather3A_802 : vector<16xf32>
          %add3A_824 = arith.addf %add3A_772, %mul3A_823 : vector<16xf32>
          %mul3A_825 = arith.mulf %mul3A_821, %gather3A_805 : vector<16xf32>
          %add3A_826 = arith.addf %add3A_774, %mul3A_825 : vector<16xf32>
          %mul3A_827 = arith.mulf %mul3A_821, %gather3A_808 : vector<16xf32>
          %add3A_828 = arith.addf %add3A_776, %mul3A_827 : vector<16xf32>
          %mul3A_829 = arith.mulf %mul3A_809, %gather3A_805 : vector<16xf32>
          %add3A_830 = arith.addf %add3A_778, %mul3A_829 : vector<16xf32>
          %mul3A_831 = arith.mulf %mul3A_829, %gather3A_805 : vector<16xf32>
          %add3A_832 = arith.addf %add3A_780, %mul3A_831 : vector<16xf32>
          %mul3A_833 = arith.mulf %mul3A_829, %gather3A_808 : vector<16xf32>
          %add3A_834 = arith.addf %add3A_782, %mul3A_833 : vector<16xf32>
          %mul3A_835 = arith.mulf %mul3A_809, %gather3A_808 : vector<16xf32>
          %add3A_836 = arith.addf %add3A_784, %mul3A_835 : vector<16xf32>
          %mul3A_837 = arith.mulf %mul3A_835, %gather3A_808 : vector<16xf32>
          %add3A_838 = arith.addf %add3A_786, %mul3A_837 : vector<16xf32>
          %broadcast_in_dim3A_839 = arith.constant 11 : i32
          %broadcast_in_dim3A_840 = vector.broadcast %broadcast_in_dim3A_839 : i32 to vector<16xi32>
          %add3A_841 = arith.constant 11 : i32
          %add3A_842 = arith.addi %mul3A_213, %add3A_841 : i32
          %get3A_843 = arith.index_cast %add3A_842 : i32 to index
          %get3A_844 = arith.constant 0 : index
          %get3A_845 = tpu.vector_load %arg11[%get3A_843, %get3A_844] {strides = array<i32>} : memref<1280x24xf32, #tpu.memory_space<vmem>>, vector<16xf32>,
          %reshape3A_846 = vector.shape_cast %broadcast_in_dim3A_840 : vector<16xi32> to vector<16x1xi32>
          %gather3A_847 = vector.shape_cast %reshape3A_846 : vector<16x1xi32> to vector<16xi32>
          %gather3A_848 = tpu.dynamic_gather %exp3A[%gather3A_847] in [0] : vector<16xf32>, vector<16xi32> -> vector<16xf32>
          %reshape3A_849 = vector.shape_cast %broadcast_in_dim3A_840 : vector<16xi32> to vector<16x1xi32>
          %gather3A_850 = vector.shape_cast %reshape3A_849 : vector<16x1xi32> to vector<16xi32>
          %gather3A_851 = tpu.dynamic_gather %gather3A[%gather3A_850] in [0] : vector<16xf32>, vector<16xi32> -> vector<16xf32>
          %reshape3A_852 = vector.shape_cast %broadcast_in_dim3A_840 : vector<16xi32> to vector<16x1xi32>
          %gather3A_853 = vector.shape_cast %reshape3A_852 : vector<16x1xi32> to vector<16xi32>
          %gather3A_854 = tpu.dynamic_gather %gather3A_227[%gather3A_853] in [0] : vector<16xf32>, vector<16xi32> -> vector<16xf32>
          %reshape3A_855 = vector.shape_cast %broadcast_in_dim3A_840 : vector<16xi32> to vector<16x1xi32>
          %gather3A_856 = vector.shape_cast %reshape3A_855 : vector<16x1xi32> to vector<16xi32>
          %gather3A_857 = tpu.dynamic_gather %gather3A_232[%gather3A_856] in [0] : vector<16xf32>, vector<16xi32> -> vector<16xf32>
          %reshape3A_858 = vector.shape_cast %broadcast_in_dim3A_840 : vector<16xi32> to vector<16x1xi32>
          %gather3A_859 = vector.shape_cast %reshape3A_858 : vector<16x1xi32> to vector<16xi32>
          %gather3A_860 = tpu.dynamic_gather %gather3A_237[%gather3A_859] in [0] : vector<16xf32>, vector<16xi32> -> vector<16xf32>
          %mul3A_861 = arith.mulf %get3A_845, %gather3A_848 : vector<16xf32>
          %add3A_862 = arith.addf %add3A_810, %mul3A_861 : vector<16xf32>
          %mul3A_863 = arith.mulf %mul3A_861, %gather3A_851 : vector<16xf32>
          %add3A_864 = arith.addf %add3A_812, %mul3A_863 : vector<16xf32>
          %mul3A_865 = arith.mulf %mul3A_863, %gather3A_851 : vector<16xf32>
          %add3A_866 = arith.addf %add3A_814, %mul3A_865 : vector<16xf32>
          %mul3A_867 = arith.mulf %mul3A_863, %gather3A_854 : vector<16xf32>
          %add3A_868 = arith.addf %add3A_816, %mul3A_867 : vector<16xf32>
          %mul3A_869 = arith.mulf %mul3A_863, %gather3A_857 : vector<16xf32>
          %add3A_870 = arith.addf %add3A_818, %mul3A_869 : vector<16xf32>
          %mul3A_871 = arith.mulf %mul3A_863, %gather3A_860 : vector<16xf32>
          %add3A_872 = arith.addf %add3A_820, %mul3A_871 : vector<16xf32>
          %mul3A_873 = arith.mulf %mul3A_861, %gather3A_854 : vector<16xf32>
          %add3A_874 = arith.addf %add3A_822, %mul3A_873 : vector<16xf32>
          %mul3A_875 = arith.mulf %mul3A_873, %gather3A_854 : vector<16xf32>
          %add3A_876 = arith.addf %add3A_824, %mul3A_875 : vector<16xf32>
          %mul3A_877 = arith.mulf %mul3A_873, %gather3A_857 : vector<16xf32>
          %add3A_878 = arith.addf %add3A_826, %mul3A_877 : vector<16xf32>
          %mul3A_879 = arith.mulf %mul3A_873, %gather3A_860 : vector<16xf32>
          %add3A_880 = arith.addf %add3A_828, %mul3A_879 : vector<16xf32>
          %mul3A_881 = arith.mulf %mul3A_861, %gather3A_857 : vector<16xf32>
          %add3A_882 = arith.addf %add3A_830, %mul3A_881 : vector<16xf32>
          %mul3A_883 = arith.mulf %mul3A_881, %gather3A_857 : vector<16xf32>
          %add3A_884 = arith.addf %add3A_832, %mul3A_883 : vector<16xf32>
          %mul3A_885 = arith.mulf %mul3A_881, %gather3A_860 : vector<16xf32>
          %add3A_886 = arith.addf %add3A_834, %mul3A_885 : vector<16xf32>
          %mul3A_887 = arith.mulf %mul3A_861, %gather3A_860 : vector<16xf32>
          %add3A_888 = arith.addf %add3A_836, %mul3A_887 : vector<16xf32>
          %mul3A_889 = arith.mulf %mul3A_887, %gather3A_860 : vector<16xf32>
          %add3A_890 = arith.addf %add3A_838, %mul3A_889 : vector<16xf32>
          %broadcast_in_dim3A_891 = arith.constant 12 : i32
          %broadcast_in_dim3A_892 = vector.broadcast %broadcast_in_dim3A_891 : i32 to vector<16xi32>
          %add3A_893 = arith.constant 12 : i32
          %add3A_894 = arith.addi %mul3A_213, %add3A_893 : i32
          %get3A_895 = arith.index_cast %add3A_894 : i32 to index
          %get3A_896 = arith.constant 0 : index
          %get3A_897 = tpu.vector_load %arg11[%get3A_895, %get3A_896] {strides = array<i32>} : memref<1280x24xf32, #tpu.memory_space<vmem>>, vector<16xf32>,
          %reshape3A_898 = vector.shape_cast %broadcast_in_dim3A_892 : vector<16xi32> to vector<16x1xi32>
          %gather3A_899 = vector.shape_cast %reshape3A_898 : vector<16x1xi32> to vector<16xi32>
          %gather3A_900 = tpu.dynamic_gather %exp3A[%gather3A_899] in [0] : vector<16xf32>, vector<16xi32> -> vector<16xf32>
          %reshape3A_901 = vector.shape_cast %broadcast_in_dim3A_892 : vector<16xi32> to vector<16x1xi32>
          %gather3A_902 = vector.shape_cast %reshape3A_901 : vector<16x1xi32> to vector<16xi32>
          %gather3A_903 = tpu.dynamic_gather %gather3A[%gather3A_902] in [0] : vector<16xf32>, vector<16xi32> -> vector<16xf32>
          %reshape3A_904 = vector.shape_cast %broadcast_in_dim3A_892 : vector<16xi32> to vector<16x1xi32>
          %gather3A_905 = vector.shape_cast %reshape3A_904 : vector<16x1xi32> to vector<16xi32>
          %gather3A_906 = tpu.dynamic_gather %gather3A_227[%gather3A_905] in [0] : vector<16xf32>, vector<16xi32> -> vector<16xf32>
          %reshape3A_907 = vector.shape_cast %broadcast_in_dim3A_892 : vector<16xi32> to vector<16x1xi32>
          %gather3A_908 = vector.shape_cast %reshape3A_907 : vector<16x1xi32> to vector<16xi32>
          %gather3A_909 = tpu.dynamic_gather %gather3A_232[%gather3A_908] in [0] : vector<16xf32>, vector<16xi32> -> vector<16xf32>
          %reshape3A_910 = vector.shape_cast %broadcast_in_dim3A_892 : vector<16xi32> to vector<16x1xi32>
          %gather3A_911 = vector.shape_cast %reshape3A_910 : vector<16x1xi32> to vector<16xi32>
          %gather3A_912 = tpu.dynamic_gather %gather3A_237[%gather3A_911] in [0] : vector<16xf32>, vector<16xi32> -> vector<16xf32>
          %mul3A_913 = arith.mulf %get3A_897, %gather3A_900 : vector<16xf32>
          %add3A_914 = arith.addf %add3A_862, %mul3A_913 : vector<16xf32>
          %mul3A_915 = arith.mulf %mul3A_913, %gather3A_903 : vector<16xf32>
          %add3A_916 = arith.addf %add3A_864, %mul3A_915 : vector<16xf32>
          %mul3A_917 = arith.mulf %mul3A_915, %gather3A_903 : vector<16xf32>
          %add3A_918 = arith.addf %add3A_866, %mul3A_917 : vector<16xf32>
          %mul3A_919 = arith.mulf %mul3A_915, %gather3A_906 : vector<16xf32>
          %add3A_920 = arith.addf %add3A_868, %mul3A_919 : vector<16xf32>
          %mul3A_921 = arith.mulf %mul3A_915, %gather3A_909 : vector<16xf32>
          %add3A_922 = arith.addf %add3A_870, %mul3A_921 : vector<16xf32>
          %mul3A_923 = arith.mulf %mul3A_915, %gather3A_912 : vector<16xf32>
          %add3A_924 = arith.addf %add3A_872, %mul3A_923 : vector<16xf32>
          %mul3A_925 = arith.mulf %mul3A_913, %gather3A_906 : vector<16xf32>
          %add3A_926 = arith.addf %add3A_874, %mul3A_925 : vector<16xf32>
          %mul3A_927 = arith.mulf %mul3A_925, %gather3A_906 : vector<16xf32>
          %add3A_928 = arith.addf %add3A_876, %mul3A_927 : vector<16xf32>
          %mul3A_929 = arith.mulf %mul3A_925, %gather3A_909 : vector<16xf32>
          %add3A_930 = arith.addf %add3A_878, %mul3A_929 : vector<16xf32>
          %mul3A_931 = arith.mulf %mul3A_925, %gather3A_912 : vector<16xf32>
          %add3A_932 = arith.addf %add3A_880, %mul3A_931 : vector<16xf32>
          %mul3A_933 = arith.mulf %mul3A_913, %gather3A_909 : vector<16xf32>
          %add3A_934 = arith.addf %add3A_882, %mul3A_933 : vector<16xf32>
          %mul3A_935 = arith.mulf %mul3A_933, %gather3A_909 : vector<16xf32>
          %add3A_936 = arith.addf %add3A_884, %mul3A_935 : vector<16xf32>
          %mul3A_937 = arith.mulf %mul3A_933, %gather3A_912 : vector<16xf32>
          %add3A_938 = arith.addf %add3A_886, %mul3A_937 : vector<16xf32>
          %mul3A_939 = arith.mulf %mul3A_913, %gather3A_912 : vector<16xf32>
          %add3A_940 = arith.addf %add3A_888, %mul3A_939 : vector<16xf32>
          %mul3A_941 = arith.mulf %mul3A_939, %gather3A_912 : vector<16xf32>
          %add3A_942 = arith.addf %add3A_890, %mul3A_941 : vector<16xf32>
          %broadcast_in_dim3A_943 = arith.constant 13 : i32
          %broadcast_in_dim3A_944 = vector.broadcast %broadcast_in_dim3A_943 : i32 to vector<16xi32>
          %add3A_945 = arith.constant 13 : i32
          %add3A_946 = arith.addi %mul3A_213, %add3A_945 : i32
          %get3A_947 = arith.index_cast %add3A_946 : i32 to index
          %get3A_948 = arith.constant 0 : index
          %get3A_949 = tpu.vector_load %arg11[%get3A_947, %get3A_948] {strides = array<i32>} : memref<1280x24xf32, #tpu.memory_space<vmem>>, vector<16xf32>,
          %reshape3A_950 = vector.shape_cast %broadcast_in_dim3A_944 : vector<16xi32> to vector<16x1xi32>
          %gather3A_951 = vector.shape_cast %reshape3A_950 : vector<16x1xi32> to vector<16xi32>
          %gather3A_952 = tpu.dynamic_gather %exp3A[%gather3A_951] in [0] : vector<16xf32>, vector<16xi32> -> vector<16xf32>
          %reshape3A_953 = vector.shape_cast %broadcast_in_dim3A_944 : vector<16xi32> to vector<16x1xi32>
          %gather3A_954 = vector.shape_cast %reshape3A_953 : vector<16x1xi32> to vector<16xi32>
          %gather3A_955 = tpu.dynamic_gather %gather3A[%gather3A_954] in [0] : vector<16xf32>, vector<16xi32> -> vector<16xf32>
          %reshape3A_956 = vector.shape_cast %broadcast_in_dim3A_944 : vector<16xi32> to vector<16x1xi32>
          %gather3A_957 = vector.shape_cast %reshape3A_956 : vector<16x1xi32> to vector<16xi32>
          %gather3A_958 = tpu.dynamic_gather %gather3A_227[%gather3A_957] in [0] : vector<16xf32>, vector<16xi32> -> vector<16xf32>
          %reshape3A_959 = vector.shape_cast %broadcast_in_dim3A_944 : vector<16xi32> to vector<16x1xi32>
          %gather3A_960 = vector.shape_cast %reshape3A_959 : vector<16x1xi32> to vector<16xi32>
          %gather3A_961 = tpu.dynamic_gather %gather3A_232[%gather3A_960] in [0] : vector<16xf32>, vector<16xi32> -> vector<16xf32>
          %reshape3A_962 = vector.shape_cast %broadcast_in_dim3A_944 : vector<16xi32> to vector<16x1xi32>
          %gather3A_963 = vector.shape_cast %reshape3A_962 : vector<16x1xi32> to vector<16xi32>
          %gather3A_964 = tpu.dynamic_gather %gather3A_237[%gather3A_963] in [0] : vector<16xf32>, vector<16xi32> -> vector<16xf32>
          %mul3A_965 = arith.mulf %get3A_949, %gather3A_952 : vector<16xf32>
          %add3A_966 = arith.addf %add3A_914, %mul3A_965 : vector<16xf32>
          %mul3A_967 = arith.mulf %mul3A_965, %gather3A_955 : vector<16xf32>
          %add3A_968 = arith.addf %add3A_916, %mul3A_967 : vector<16xf32>
          %mul3A_969 = arith.mulf %mul3A_967, %gather3A_955 : vector<16xf32>
          %add3A_970 = arith.addf %add3A_918, %mul3A_969 : vector<16xf32>
          %mul3A_971 = arith.mulf %mul3A_967, %gather3A_958 : vector<16xf32>
          %add3A_972 = arith.addf %add3A_920, %mul3A_971 : vector<16xf32>
          %mul3A_973 = arith.mulf %mul3A_967, %gather3A_961 : vector<16xf32>
          %add3A_974 = arith.addf %add3A_922, %mul3A_973 : vector<16xf32>
          %mul3A_975 = arith.mulf %mul3A_967, %gather3A_964 : vector<16xf32>
          %add3A_976 = arith.addf %add3A_924, %mul3A_975 : vector<16xf32>
          %mul3A_977 = arith.mulf %mul3A_965, %gather3A_958 : vector<16xf32>
          %add3A_978 = arith.addf %add3A_926, %mul3A_977 : vector<16xf32>
          %mul3A_979 = arith.mulf %mul3A_977, %gather3A_958 : vector<16xf32>
          %add3A_980 = arith.addf %add3A_928, %mul3A_979 : vector<16xf32>
          %mul3A_981 = arith.mulf %mul3A_977, %gather3A_961 : vector<16xf32>
          %add3A_982 = arith.addf %add3A_930, %mul3A_981 : vector<16xf32>
          %mul3A_983 = arith.mulf %mul3A_977, %gather3A_964 : vector<16xf32>
          %add3A_984 = arith.addf %add3A_932, %mul3A_983 : vector<16xf32>
          %mul3A_985 = arith.mulf %mul3A_965, %gather3A_961 : vector<16xf32>
          %add3A_986 = arith.addf %add3A_934, %mul3A_985 : vector<16xf32>
          %mul3A_987 = arith.mulf %mul3A_985, %gather3A_961 : vector<16xf32>
          %add3A_988 = arith.addf %add3A_936, %mul3A_987 : vector<16xf32>
          %mul3A_989 = arith.mulf %mul3A_985, %gather3A_964 : vector<16xf32>
          %add3A_990 = arith.addf %add3A_938, %mul3A_989 : vector<16xf32>
          %mul3A_991 = arith.mulf %mul3A_965, %gather3A_964 : vector<16xf32>
          %add3A_992 = arith.addf %add3A_940, %mul3A_991 : vector<16xf32>
          %mul3A_993 = arith.mulf %mul3A_991, %gather3A_964 : vector<16xf32>
          %add3A_994 = arith.addf %add3A_942, %mul3A_993 : vector<16xf32>
          %broadcast_in_dim3A_995 = arith.constant 14 : i32
          %broadcast_in_dim3A_996 = vector.broadcast %broadcast_in_dim3A_995 : i32 to vector<16xi32>
          %add3A_997 = arith.constant 14 : i32
          %add3A_998 = arith.addi %mul3A_213, %add3A_997 : i32
          %get3A_999 = arith.index_cast %add3A_998 : i32 to index
          %get3A_1000 = arith.constant 0 : index
          %get3A_1001 = tpu.vector_load %arg11[%get3A_999, %get3A_1000] {strides = array<i32>} : memref<1280x24xf32, #tpu.memory_space<vmem>>, vector<16xf32>,
          %reshape3A_1002 = vector.shape_cast %broadcast_in_dim3A_996 : vector<16xi32> to vector<16x1xi32>
          %gather3A_1003 = vector.shape_cast %reshape3A_1002 : vector<16x1xi32> to vector<16xi32>
          %gather3A_1004 = tpu.dynamic_gather %exp3A[%gather3A_1003] in [0] : vector<16xf32>, vector<16xi32> -> vector<16xf32>
          %reshape3A_1005 = vector.shape_cast %broadcast_in_dim3A_996 : vector<16xi32> to vector<16x1xi32>
          %gather3A_1006 = vector.shape_cast %reshape3A_1005 : vector<16x1xi32> to vector<16xi32>
          %gather3A_1007 = tpu.dynamic_gather %gather3A[%gather3A_1006] in [0] : vector<16xf32>, vector<16xi32> -> vector<16xf32>
          %reshape3A_1008 = vector.shape_cast %broadcast_in_dim3A_996 : vector<16xi32> to vector<16x1xi32>
          %gather3A_1009 = vector.shape_cast %reshape3A_1008 : vector<16x1xi32> to vector<16xi32>
          %gather3A_1010 = tpu.dynamic_gather %gather3A_227[%gather3A_1009] in [0] : vector<16xf32>, vector<16xi32> -> vector<16xf32>
          %reshape3A_1011 = vector.shape_cast %broadcast_in_dim3A_996 : vector<16xi32> to vector<16x1xi32>
          %gather3A_1012 = vector.shape_cast %reshape3A_1011 : vector<16x1xi32> to vector<16xi32>
          %gather3A_1013 = tpu.dynamic_gather %gather3A_232[%gather3A_1012] in [0] : vector<16xf32>, vector<16xi32> -> vector<16xf32>
          %reshape3A_1014 = vector.shape_cast %broadcast_in_dim3A_996 : vector<16xi32> to vector<16x1xi32>
          %gather3A_1015 = vector.shape_cast %reshape3A_1014 : vector<16x1xi32> to vector<16xi32>
          %gather3A_1016 = tpu.dynamic_gather %gather3A_237[%gather3A_1015] in [0] : vector<16xf32>, vector<16xi32> -> vector<16xf32>
          %mul3A_1017 = arith.mulf %get3A_1001, %gather3A_1004 : vector<16xf32>
          %add3A_1018 = arith.addf %add3A_966, %mul3A_1017 : vector<16xf32>
          %mul3A_1019 = arith.mulf %mul3A_1017, %gather3A_1007 : vector<16xf32>
          %add3A_1020 = arith.addf %add3A_968, %mul3A_1019 : vector<16xf32>
          %mul3A_1021 = arith.mulf %mul3A_1019, %gather3A_1007 : vector<16xf32>
          %add3A_1022 = arith.addf %add3A_970, %mul3A_1021 : vector<16xf32>
          %mul3A_1023 = arith.mulf %mul3A_1019, %gather3A_1010 : vector<16xf32>
          %add3A_1024 = arith.addf %add3A_972, %mul3A_1023 : vector<16xf32>
          %mul3A_1025 = arith.mulf %mul3A_1019, %gather3A_1013 : vector<16xf32>
          %add3A_1026 = arith.addf %add3A_974, %mul3A_1025 : vector<16xf32>
          %mul3A_1027 = arith.mulf %mul3A_1019, %gather3A_1016 : vector<16xf32>
          %add3A_1028 = arith.addf %add3A_976, %mul3A_1027 : vector<16xf32>
          %mul3A_1029 = arith.mulf %mul3A_1017, %gather3A_1010 : vector<16xf32>
          %add3A_1030 = arith.addf %add3A_978, %mul3A_1029 : vector<16xf32>
          %mul3A_1031 = arith.mulf %mul3A_1029, %gather3A_1010 : vector<16xf32>
          %add3A_1032 = arith.addf %add3A_980, %mul3A_1031 : vector<16xf32>
          %mul3A_1033 = arith.mulf %mul3A_1029, %gather3A_1013 : vector<16xf32>
          %add3A_1034 = arith.addf %add3A_982, %mul3A_1033 : vector<16xf32>
          %mul3A_1035 = arith.mulf %mul3A_1029, %gather3A_1016 : vector<16xf32>
          %add3A_1036 = arith.addf %add3A_984, %mul3A_1035 : vector<16xf32>
          %mul3A_1037 = arith.mulf %mul3A_1017, %gather3A_1013 : vector<16xf32>
          %add3A_1038 = arith.addf %add3A_986, %mul3A_1037 : vector<16xf32>
          %mul3A_1039 = arith.mulf %mul3A_1037, %gather3A_1013 : vector<16xf32>
          %add3A_1040 = arith.addf %add3A_988, %mul3A_1039 : vector<16xf32>
          %mul3A_1041 = arith.mulf %mul3A_1037, %gather3A_1016 : vector<16xf32>
          %add3A_1042 = arith.addf %add3A_990, %mul3A_1041 : vector<16xf32>
          %mul3A_1043 = arith.mulf %mul3A_1017, %gather3A_1016 : vector<16xf32>
          %add3A_1044 = arith.addf %add3A_992, %mul3A_1043 : vector<16xf32>
          %mul3A_1045 = arith.mulf %mul3A_1043, %gather3A_1016 : vector<16xf32>
          %add3A_1046 = arith.addf %add3A_994, %mul3A_1045 : vector<16xf32>
          %broadcast_in_dim3A_1047 = arith.constant 15 : i32
          %broadcast_in_dim3A_1048 = vector.broadcast %broadcast_in_dim3A_1047 : i32 to vector<16xi32>
          %add3A_1049 = arith.constant 15 : i32
          %add3A_1050 = arith.addi %mul3A_213, %add3A_1049 : i32
          %get3A_1051 = arith.index_cast %add3A_1050 : i32 to index
          %get3A_1052 = arith.constant 0 : index
          %get3A_1053 = tpu.vector_load %arg11[%get3A_1051, %get3A_1052] {strides = array<i32>} : memref<1280x24xf32, #tpu.memory_space<vmem>>, vector<16xf32>,
          %reshape3A_1054 = vector.shape_cast %broadcast_in_dim3A_1048 : vector<16xi32> to vector<16x1xi32>
          %gather3A_1055 = vector.shape_cast %reshape3A_1054 : vector<16x1xi32> to vector<16xi32>
          %gather3A_1056 = tpu.dynamic_gather %exp3A[%gather3A_1055] in [0] : vector<16xf32>, vector<16xi32> -> vector<16xf32>
          %reshape3A_1057 = vector.shape_cast %broadcast_in_dim3A_1048 : vector<16xi32> to vector<16x1xi32>
          %gather3A_1058 = vector.shape_cast %reshape3A_1057 : vector<16x1xi32> to vector<16xi32>
          %gather3A_1059 = tpu.dynamic_gather %gather3A[%gather3A_1058] in [0] : vector<16xf32>, vector<16xi32> -> vector<16xf32>
          %reshape3A_1060 = vector.shape_cast %broadcast_in_dim3A_1048 : vector<16xi32> to vector<16x1xi32>
          %gather3A_1061 = vector.shape_cast %reshape3A_1060 : vector<16x1xi32> to vector<16xi32>
          %gather3A_1062 = tpu.dynamic_gather %gather3A_227[%gather3A_1061] in [0] : vector<16xf32>, vector<16xi32> -> vector<16xf32>
          %reshape3A_1063 = vector.shape_cast %broadcast_in_dim3A_1048 : vector<16xi32> to vector<16x1xi32>
          %gather3A_1064 = vector.shape_cast %reshape3A_1063 : vector<16x1xi32> to vector<16xi32>
          %gather3A_1065 = tpu.dynamic_gather %gather3A_232[%gather3A_1064] in [0] : vector<16xf32>, vector<16xi32> -> vector<16xf32>
          %reshape3A_1066 = vector.shape_cast %broadcast_in_dim3A_1048 : vector<16xi32> to vector<16x1xi32>
          %gather3A_1067 = vector.shape_cast %reshape3A_1066 : vector<16x1xi32> to vector<16xi32>
          %gather3A_1068 = tpu.dynamic_gather %gather3A_237[%gather3A_1067] in [0] : vector<16xf32>, vector<16xi32> -> vector<16xf32>
          %mul3A_1069 = arith.mulf %get3A_1053, %gather3A_1056 : vector<16xf32>
          %add3A_1070 = arith.addf %add3A_1018, %mul3A_1069 : vector<16xf32>
          %mul3A_1071 = arith.mulf %mul3A_1069, %gather3A_1059 : vector<16xf32>
          %add3A_1072 = arith.addf %add3A_1020, %mul3A_1071 : vector<16xf32>
          %mul3A_1073 = arith.mulf %mul3A_1071, %gather3A_1059 : vector<16xf32>
          %add3A_1074 = arith.addf %add3A_1022, %mul3A_1073 : vector<16xf32>
          %mul3A_1075 = arith.mulf %mul3A_1071, %gather3A_1062 : vector<16xf32>
          %add3A_1076 = arith.addf %add3A_1024, %mul3A_1075 : vector<16xf32>
          %mul3A_1077 = arith.mulf %mul3A_1071, %gather3A_1065 : vector<16xf32>
          %add3A_1078 = arith.addf %add3A_1026, %mul3A_1077 : vector<16xf32>
          %mul3A_1079 = arith.mulf %mul3A_1071, %gather3A_1068 : vector<16xf32>
          %add3A_1080 = arith.addf %add3A_1028, %mul3A_1079 : vector<16xf32>
          %mul3A_1081 = arith.mulf %mul3A_1069, %gather3A_1062 : vector<16xf32>
          %add3A_1082 = arith.addf %add3A_1030, %mul3A_1081 : vector<16xf32>
          %mul3A_1083 = arith.mulf %mul3A_1081, %gather3A_1062 : vector<16xf32>
          %add3A_1084 = arith.addf %add3A_1032, %mul3A_1083 : vector<16xf32>
          %mul3A_1085 = arith.mulf %mul3A_1081, %gather3A_1065 : vector<16xf32>
          %add3A_1086 = arith.addf %add3A_1034, %mul3A_1085 : vector<16xf32>
          %mul3A_1087 = arith.mulf %mul3A_1081, %gather3A_1068 : vector<16xf32>
          %add3A_1088 = arith.addf %add3A_1036, %mul3A_1087 : vector<16xf32>
          %mul3A_1089 = arith.mulf %mul3A_1069, %gather3A_1065 : vector<16xf32>
          %add3A_1090 = arith.addf %add3A_1038, %mul3A_1089 : vector<16xf32>
          %mul3A_1091 = arith.mulf %mul3A_1089, %gather3A_1065 : vector<16xf32>
          %add3A_1092 = arith.addf %add3A_1040, %mul3A_1091 : vector<16xf32>
          %mul3A_1093 = arith.mulf %mul3A_1089, %gather3A_1068 : vector<16xf32>
          %add3A_1094 = arith.addf %add3A_1042, %mul3A_1093 : vector<16xf32>
          %mul3A_1095 = arith.mulf %mul3A_1069, %gather3A_1068 : vector<16xf32>
          %add3A_1096 = arith.addf %add3A_1044, %mul3A_1095 : vector<16xf32>
          %mul3A_1097 = arith.mulf %mul3A_1095, %gather3A_1068 : vector<16xf32>
          %add3A_1098 = arith.addf %add3A_1046, %mul3A_1097 : vector<16xf32>
          %eq3A = arith.constant 0.000000e+00 : f32
          %eq3A_1099 = vector.broadcast %eq3A : f32 to vector<16xf32>
          %eq3A_1100 = arith.cmpf oeq, %add3A_1070, %eq3A_1099 : vector<16xf32>
          %div3A_1101 = arith.constant 1.000000e+00 : f32
          %div3A_1102 = vector.broadcast %div3A_1101 : f32 to vector<16xf32>
          %div3A_1103 = arith.divf %div3A_1102, %add3A_1070 : vector<16xf32>
          %jit3A_1104 = arith.constant 0.000000e+00 : f32
          %broadcast_in_dim3A_1105 = vector.broadcast %jit3A_1104 : f32 to vector<16xf32>
          %select_n3A_1106 = arith.select %eq3A_1100, %broadcast_in_dim3A_1105, %div3A_1103 : vector<16xi1>, vector<16xf32>
          %mul3A_1107 = arith.mulf %add3A_1072, %select_n3A_1106 : vector<16xf32>
          %mul3A_1108 = arith.mulf %add3A_1082, %select_n3A_1106 : vector<16xf32>
          %mul3A_1109 = arith.mulf %add3A_1090, %select_n3A_1106 : vector<16xf32>
          %mul3A_1110 = arith.mulf %add3A_1096, %select_n3A_1106 : vector<16xf32>
          %add3A_1111 = arith.constant 0 : i32
          %add3A_1112 = vector.broadcast %add3A_1111 : i32 to vector<16xi32>
          %add3A_1113 = arith.addi %add3A_9, %add3A_1112 : vector<16xi32>
          tpu.vector_store_idx %arg13[%add3A_1113, %broadcast_in_dim3A], %mul3A_1107 : memref<320x80xf32, #tpu.memory_space<vmem>>[vector<16xi32>, vector<16xi32>], vector<16xf32>,
          %mul3A_1114 = arith.mulf %add3A_1074, %select_n3A_1106 : vector<16xf32>
          %mul3A_1115 = arith.mulf %mul3A_1107, %mul3A_1107 : vector<16xf32>
          %sub3A_1116 = arith.subf %mul3A_1114, %mul3A_1115 : vector<16xf32>
          %add3A_1117 = arith.constant 0 : i32
          %add3A_1118 = vector.broadcast %add3A_1117 : i32 to vector<16xi32>
          %add3A_1119 = arith.addi %mul3A_3, %add3A_1118 : vector<16xi32>
          tpu.vector_store_idx %arg13[%add3A_1119, %broadcast_in_dim3A], %sub3A_1116 : memref<320x80xf32, #tpu.memory_space<vmem>>[vector<16xi32>, vector<16xi32>], vector<16xf32>,
          %mul3A_1120 = arith.mulf %add3A_1076, %select_n3A_1106 : vector<16xf32>
          %mul3A_1121 = arith.mulf %mul3A_1107, %mul3A_1108 : vector<16xf32>
          %sub3A_1122 = arith.subf %mul3A_1120, %mul3A_1121 : vector<16xf32>
          %add3A_1123 = arith.constant 1 : i32
          %add3A_1124 = vector.broadcast %add3A_1123 : i32 to vector<16xi32>
          %add3A_1125 = arith.addi %mul3A_3, %add3A_1124 : vector<16xi32>
          tpu.vector_store_idx %arg13[%add3A_1125, %broadcast_in_dim3A], %sub3A_1122 : memref<320x80xf32, #tpu.memory_space<vmem>>[vector<16xi32>, vector<16xi32>], vector<16xf32>,
          %add3A_1126 = arith.constant 4 : i32
          %add3A_1127 = vector.broadcast %add3A_1126 : i32 to vector<16xi32>
          %add3A_1128 = arith.addi %mul3A_3, %add3A_1127 : vector<16xi32>
          tpu.vector_store_idx %arg13[%add3A_1128, %broadcast_in_dim3A], %sub3A_1122 : memref<320x80xf32, #tpu.memory_space<vmem>>[vector<16xi32>, vector<16xi32>], vector<16xf32>,
          %mul3A_1129 = arith.mulf %add3A_1078, %select_n3A_1106 : vector<16xf32>
          %mul3A_1130 = arith.mulf %mul3A_1107, %mul3A_1109 : vector<16xf32>
          %sub3A_1131 = arith.subf %mul3A_1129, %mul3A_1130 : vector<16xf32>
          %add3A_1132 = arith.constant 2 : i32
          %add3A_1133 = vector.broadcast %add3A_1132 : i32 to vector<16xi32>
          %add3A_1134 = arith.addi %mul3A_3, %add3A_1133 : vector<16xi32>
          tpu.vector_store_idx %arg13[%add3A_1134, %broadcast_in_dim3A], %sub3A_1131 : memref<320x80xf32, #tpu.memory_space<vmem>>[vector<16xi32>, vector<16xi32>], vector<16xf32>,
          %add3A_1135 = arith.constant 8 : i32
          %add3A_1136 = vector.broadcast %add3A_1135 : i32 to vector<16xi32>
          %add3A_1137 = arith.addi %mul3A_3, %add3A_1136 : vector<16xi32>
          tpu.vector_store_idx %arg13[%add3A_1137, %broadcast_in_dim3A], %sub3A_1131 : memref<320x80xf32, #tpu.memory_space<vmem>>[vector<16xi32>, vector<16xi32>], vector<16xf32>,
          %mul3A_1138 = arith.mulf %add3A_1080, %select_n3A_1106 : vector<16xf32>
          %mul3A_1139 = arith.mulf %mul3A_1107, %mul3A_1110 : vector<16xf32>
          %sub3A_1140 = arith.subf %mul3A_1138, %mul3A_1139 : vector<16xf32>
          %add3A_1141 = arith.constant 3 : i32
          %add3A_1142 = vector.broadcast %add3A_1141 : i32 to vector<16xi32>
          %add3A_1143 = arith.addi %mul3A_3, %add3A_1142 : vector<16xi32>
          tpu.vector_store_idx %arg13[%add3A_1143, %broadcast_in_dim3A], %sub3A_1140 : memref<320x80xf32, #tpu.memory_space<vmem>>[vector<16xi32>, vector<16xi32>], vector<16xf32>,
          %add3A_1144 = arith.constant 12 : i32
          %add3A_1145 = vector.broadcast %add3A_1144 : i32 to vector<16xi32>
          %add3A_1146 = arith.addi %mul3A_3, %add3A_1145 : vector<16xi32>
          tpu.vector_store_idx %arg13[%add3A_1146, %broadcast_in_dim3A], %sub3A_1140 : memref<320x80xf32, #tpu.memory_space<vmem>>[vector<16xi32>, vector<16xi32>], vector<16xf32>,
          %add3A_1147 = arith.constant 1 : i32
          %add3A_1148 = vector.broadcast %add3A_1147 : i32 to vector<16xi32>
          %add3A_1149 = arith.addi %add3A_9, %add3A_1148 : vector<16xi32>
          tpu.vector_store_idx %arg13[%add3A_1149, %broadcast_in_dim3A], %mul3A_1108 : memref<320x80xf32, #tpu.memory_space<vmem>>[vector<16xi32>, vector<16xi32>], vector<16xf32>,
          %mul3A_1150 = arith.mulf %add3A_1084, %select_n3A_1106 : vector<16xf32>
          %mul3A_1151 = arith.mulf %mul3A_1108, %mul3A_1108 : vector<16xf32>
          %sub3A_1152 = arith.subf %mul3A_1150, %mul3A_1151 : vector<16xf32>
          %add3A_1153 = arith.constant 5 : i32
          %add3A_1154 = vector.broadcast %add3A_1153 : i32 to vector<16xi32>
          %add3A_1155 = arith.addi %mul3A_3, %add3A_1154 : vector<16xi32>
          tpu.vector_store_idx %arg13[%add3A_1155, %broadcast_in_dim3A], %sub3A_1152 : memref<320x80xf32, #tpu.memory_space<vmem>>[vector<16xi32>, vector<16xi32>], vector<16xf32>,
          %mul3A_1156 = arith.mulf %add3A_1086, %select_n3A_1106 : vector<16xf32>
          %mul3A_1157 = arith.mulf %mul3A_1108, %mul3A_1109 : vector<16xf32>
          %sub3A_1158 = arith.subf %mul3A_1156, %mul3A_1157 : vector<16xf32>
          %add3A_1159 = arith.constant 6 : i32
          %add3A_1160 = vector.broadcast %add3A_1159 : i32 to vector<16xi32>
          %add3A_1161 = arith.addi %mul3A_3, %add3A_1160 : vector<16xi32>
          tpu.vector_store_idx %arg13[%add3A_1161, %broadcast_in_dim3A], %sub3A_1158 : memref<320x80xf32, #tpu.memory_space<vmem>>[vector<16xi32>, vector<16xi32>], vector<16xf32>,
          %add3A_1162 = arith.constant 9 : i32
          %add3A_1163 = vector.broadcast %add3A_1162 : i32 to vector<16xi32>
          %add3A_1164 = arith.addi %mul3A_3, %add3A_1163 : vector<16xi32>
          tpu.vector_store_idx %arg13[%add3A_1164, %broadcast_in_dim3A], %sub3A_1158 : memref<320x80xf32, #tpu.memory_space<vmem>>[vector<16xi32>, vector<16xi32>], vector<16xf32>,
          %mul3A_1165 = arith.mulf %add3A_1088, %select_n3A_1106 : vector<16xf32>
          %mul3A_1166 = arith.mulf %mul3A_1108, %mul3A_1110 : vector<16xf32>
          %sub3A_1167 = arith.subf %mul3A_1165, %mul3A_1166 : vector<16xf32>
          %add3A_1168 = arith.constant 7 : i32
          %add3A_1169 = vector.broadcast %add3A_1168 : i32 to vector<16xi32>
          %add3A_1170 = arith.addi %mul3A_3, %add3A_1169 : vector<16xi32>
          tpu.vector_store_idx %arg13[%add3A_1170, %broadcast_in_dim3A], %sub3A_1167 : memref<320x80xf32, #tpu.memory_space<vmem>>[vector<16xi32>, vector<16xi32>], vector<16xf32>,
          %add3A_1171 = arith.constant 13 : i32
          %add3A_1172 = vector.broadcast %add3A_1171 : i32 to vector<16xi32>
          %add3A_1173 = arith.addi %mul3A_3, %add3A_1172 : vector<16xi32>
          tpu.vector_store_idx %arg13[%add3A_1173, %broadcast_in_dim3A], %sub3A_1167 : memref<320x80xf32, #tpu.memory_space<vmem>>[vector<16xi32>, vector<16xi32>], vector<16xf32>,
          %add3A_1174 = arith.constant 2 : i32
          %add3A_1175 = vector.broadcast %add3A_1174 : i32 to vector<16xi32>
          %add3A_1176 = arith.addi %add3A_9, %add3A_1175 : vector<16xi32>
          tpu.vector_store_idx %arg13[%add3A_1176, %broadcast_in_dim3A], %mul3A_1109 : memref<320x80xf32, #tpu.memory_space<vmem>>[vector<16xi32>, vector<16xi32>], vector<16xf32>,
          %mul3A_1177 = arith.mulf %add3A_1092, %select_n3A_1106 : vector<16xf32>
          %mul3A_1178 = arith.mulf %mul3A_1109, %mul3A_1109 : vector<16xf32>
          %sub3A_1179 = arith.subf %mul3A_1177, %mul3A_1178 : vector<16xf32>
          %add3A_1180 = arith.constant 10 : i32
          %add3A_1181 = vector.broadcast %add3A_1180 : i32 to vector<16xi32>
          %add3A_1182 = arith.addi %mul3A_3, %add3A_1181 : vector<16xi32>
          tpu.vector_store_idx %arg13[%add3A_1182, %broadcast_in_dim3A], %sub3A_1179 : memref<320x80xf32, #tpu.memory_space<vmem>>[vector<16xi32>, vector<16xi32>], vector<16xf32>,
          %mul3A_1183 = arith.mulf %add3A_1094, %select_n3A_1106 : vector<16xf32>
          %mul3A_1184 = arith.mulf %mul3A_1109, %mul3A_1110 : vector<16xf32>
          %sub3A_1185 = arith.subf %mul3A_1183, %mul3A_1184 : vector<16xf32>
          %add3A_1186 = arith.constant 11 : i32
          %add3A_1187 = vector.broadcast %add3A_1186 : i32 to vector<16xi32>
          %add3A_1188 = arith.addi %mul3A_3, %add3A_1187 : vector<16xi32>
          tpu.vector_store_idx %arg13[%add3A_1188, %broadcast_in_dim3A], %sub3A_1185 : memref<320x80xf32, #tpu.memory_space<vmem>>[vector<16xi32>, vector<16xi32>], vector<16xf32>,
          %add3A_1189 = arith.constant 14 : i32
          %add3A_1190 = vector.broadcast %add3A_1189 : i32 to vector<16xi32>
          %add3A_1191 = arith.addi %mul3A_3, %add3A_1190 : vector<16xi32>
          tpu.vector_store_idx %arg13[%add3A_1191, %broadcast_in_dim3A], %sub3A_1185 : memref<320x80xf32, #tpu.memory_space<vmem>>[vector<16xi32>, vector<16xi32>], vector<16xf32>,
          %add3A_1192 = arith.constant 3 : i32
          %add3A_1193 = vector.broadcast %add3A_1192 : i32 to vector<16xi32>
          %add3A_1194 = arith.addi %add3A_9, %add3A_1193 : vector<16xi32>
          tpu.vector_store_idx %arg13[%add3A_1194, %broadcast_in_dim3A], %mul3A_1110 : memref<320x80xf32, #tpu.memory_space<vmem>>[vector<16xi32>, vector<16xi32>], vector<16xf32>,
          %mul3A_1195 = arith.mulf %add3A_1098, %select_n3A_1106 : vector<16xf32>
          %mul3A_1196 = arith.mulf %mul3A_1110, %mul3A_1110 : vector<16xf32>
          %sub3A_1197 = arith.subf %mul3A_1195, %mul3A_1196 : vector<16xf32>
          %add3A_1198 = arith.constant 15 : i32
          %add3A_1199 = vector.broadcast %add3A_1198 : i32 to vector<16xi32>
          %add3A_1200 = arith.addi %mul3A_3, %add3A_1199 : vector<16xi32>
          tpu.vector_store_idx %arg13[%add3A_1200, %broadcast_in_dim3A], %sub3A_1197 : memref<320x80xf32, #tpu.memory_space<vmem>>[vector<16xi32>, vector<16xi32>], vector<16xf32>,
          %scan3A_1201 = arith.constant 0 : i32
          scf.yield %scan3A_1201 : i32
        }
        %scan3A_199 = arith.constant 80 : i32
        %mul3A_200 = arith.constant 80 : i32
        %mul3A_201 = arith.muli %add3A_80, %mul3A_200 : i32
        %dma_start3A = arith.constant 0 : i32
        %dma_start3A_202 = tpu.memref_slice %arg5[%dma_start3A, %mul3A_201] : memref<320x50000xf32, #tpu.memory_space<hbm>> -> memref<320x80xf32, #tpu.memory_space<hbm>>
        %dma_start3A_203 = arith.constant 0 : i32
        %dma_start3A_204 = tpu.memref_slice %arg5[%dma_start3A_203, %mul3A_201] : memref<320x50000xf32, #tpu.memory_space<hbm>> -> memref<320x80xf32, #tpu.memory_space<hbm>>
        tpu.enqueue_dma source(%arg13 : memref<320x80xf32, #tpu.memory_space<vmem>>) target(%dma_start3A_204 : memref<320x80xf32, #tpu.memory_space<hbm>>) target_semaphore(%arg17 : memref<!tpu.dma_semaphore, #tpu.memory_space<semaphore_mem>>)
        %lt3A_205 = arith.constant 625 : i32
        %lt3A_206 = arith.cmpi slt, %add3A_82, %lt3A_205 : i32
        %convert_element_type3A_207 = arith.extui %lt3A_206 : i1 to i32
        %cond3A_208 = arith.constant 0 : i32
        %cond3A_209 = arith.cmpi ne, %convert_element_type3A_207, %cond3A_208 : i32
        scf.if %cond3A_209 {
          %mul3A_210 = arith.constant 10 : i32
          %mul3A_211 = arith.muli %add3A_82, %mul3A_210 : i32
          "tpu.region"() ({
            %run_scoped3A = tpu.sem_alloc : memref<!tpu.dma_semaphore, #tpu.memory_space<semaphore_mem>>
            %dma_start3A_314 = arith.constant 0 : i32
            %dma_start3A_315 = tpu.memref_slice %arg4[%mul3A_211, %dma_start3A_314] : memref<6250x128xi32, #tpu.memory_space<hbm>> -> memref<10x128xi32, #tpu.memory_space<hbm>>
            %dma_start3A_316 = arith.constant 0 : i32
            %dma_start3A_317 = tpu.memref_slice %arg4[%mul3A_211, %dma_start3A_316] : memref<6250x128xi32, #tpu.memory_space<hbm>> -> memref<10x128xi32, #tpu.memory_space<hbm>>
            tpu.enqueue_dma source(%dma_start3A_317 : memref<10x128xi32, #tpu.memory_space<hbm>>) target(%arg7 : memref<10x128xi32, #tpu.memory_space<vmem>>) target_semaphore(%run_scoped3A : memref<!tpu.dma_semaphore, #tpu.memory_space<semaphore_mem>>)
            %dma_wait3A_318 = arith.constant 0 : i32
            %dma_wait3A_319 = tpu.memref_slice %arg4[%mul3A_211, %dma_wait3A_318] : memref<6250x128xi32, #tpu.memory_space<hbm>> -> memref<10x128xi32, #tpu.memory_space<hbm>>
            %dma_wait3A_320 = arith.constant 0 : i32
            %dma_wait3A_321 = tpu.memref_slice %arg4[%mul3A_211, %dma_wait3A_320] : memref<6250x128xi32, #tpu.memory_space<hbm>> -> memref<10x128xi32, #tpu.memory_space<hbm>>
            tpu.wait_dma2 semaphore(%run_scoped3A : memref<!tpu.dma_semaphore, #tpu.memory_space<semaphore_mem>>) src(%dma_wait3A_321 : memref<10x128xi32, #tpu.memory_space<hbm>>) dst(%arg7 : memref<10x128xi32, #tpu.memory_space<vmem>>)
            tpu.yield
          }) : () -> ()
          %mul3A_212 = arith.constant 80 : i32
          %mul3A_213 = arith.muli %add3A_82, %mul3A_212 : i32
          "tpu.region"() ({
            %run_scoped3A = tpu.sem_alloc : memref<!tpu.dma_semaphore, #tpu.memory_space<semaphore_mem>>
            %dma_start3A_314 = arith.constant 0 : i32
            %dma_start3A_315 = tpu.memref_slice %arg3[%mul3A_213, %dma_start3A_314] : memref<50000x16xf32, #tpu.memory_space<hbm>> -> memref<80x16xf32, #tpu.memory_space<hbm>>
            %dma_start3A_316 = arith.constant 0 : i32
            %dma_start3A_317 = tpu.memref_slice %arg3[%mul3A_213, %dma_start3A_316] : memref<50000x16xf32, #tpu.memory_space<hbm>> -> memref<80x16xf32, #tpu.memory_space<hbm>>
            tpu.enqueue_dma source(%dma_start3A_317 : memref<80x16xf32, #tpu.memory_space<hbm>>) target(%arg9 : memref<80x16xf32, #tpu.memory_space<vmem>>) target_semaphore(%run_scoped3A : memref<!tpu.dma_semaphore, #tpu.memory_space<semaphore_mem>>)
            %dma_wait3A_318 = arith.constant 0 : i32
            %dma_wait3A_319 = tpu.memref_slice %arg3[%mul3A_213, %dma_wait3A_318] : memref<50000x16xf32, #tpu.memory_space<hbm>> -> memref<80x16xf32, #tpu.memory_space<hbm>>
            %dma_wait3A_320 = arith.constant 0 : i32
            %dma_wait3A_321 = tpu.memref_slice %arg3[%mul3A_213, %dma_wait3A_320] : memref<50000x16xf32, #tpu.memory_space<hbm>> -> memref<80x16xf32, #tpu.memory_space<hbm>>
            tpu.wait_dma2 semaphore(%run_scoped3A : memref<!tpu.dma_semaphore, #tpu.memory_space<semaphore_mem>>) src(%dma_wait3A_321 : memref<80x16xf32, #tpu.memory_space<hbm>>) dst(%arg9 : memref<80x16xf32, #tpu.memory_space<vmem>>)
            tpu.yield
          }) : () -> ()
          %dma_start3A_214 = arith.constant 0 : i32
          %dma_start3A_215 = arith.constant 0 : i32
          %dma_start3A_216 = arith.constant 0 : i32
          %dma_start3A_217 = tpu.memref_slice %arg11[%dma_start3A_215, %dma_start3A_216] : memref<1280x24xf32, #tpu.memory_space<vmem>> -> memref<128x24xf32, #tpu.memory_space<vmem>>
          %dma_start3A_218 = arith.constant 0 : i32
          %dma_start3A_219 = tpu.memref_slice %arg7[%dma_start3A_214, %dma_start3A_218] : memref<10x128xi32, #tpu.memory_space<vmem>> -> memref<1x128xi32, #tpu.memory_space<vmem>>
          %dma_start3A_220 = tpu.memref_squeeze %dma_start3A_219 : memref<1x128xi32, #tpu.memory_space<vmem>> -> memref<128xi32, #tpu.memory_space<vmem>>
          %dma_start3A_221 = arith.constant 0 : i32
          %dma_start3A_222 = arith.constant 0 : i32
          %dma_start3A_223 = tpu.memref_slice %arg2[%dma_start3A_221, %dma_start3A_222] : memref<50000x24xf32, #tpu.memory_space<hbm>> -> memref<50000x24xf32, #tpu.memory_space<hbm>>
          tpu.enqueue_indirect_dma source(%dma_start3A_223 : memref<50000x24xf32, #tpu.memory_space<hbm>>) target(%dma_start3A_217 : memref<128x24xf32, #tpu.memory_space<vmem>>) offsets(%dma_start3A_220 : memref<128xi32, #tpu.memory_space<vmem>>) semaphore(%arg15 : memref<!tpu.dma_semaphore, #tpu.memory_space<semaphore_mem>>)
          %dma_start3A_224 = arith.constant 1 : i32
          %dma_start3A_225 = arith.constant 128 : i32
          %dma_start3A_226 = arith.constant 0 : i32
          %dma_start3A_227 = tpu.memref_slice %arg11[%dma_start3A_225, %dma_start3A_226] : memref<1280x24xf32, #tpu.memory_space<vmem>> -> memref<128x24xf32, #tpu.memory_space<vmem>>
          %dma_start3A_228 = arith.constant 0 : i32
          %dma_start3A_229 = tpu.memref_slice %arg7[%dma_start3A_224, %dma_start3A_228] : memref<10x128xi32, #tpu.memory_space<vmem>> -> memref<1x128xi32, #tpu.memory_space<vmem>>
          %dma_start3A_230 = tpu.memref_squeeze %dma_start3A_229 : memref<1x128xi32, #tpu.memory_space<vmem>> -> memref<128xi32, #tpu.memory_space<vmem>>
          %dma_start3A_231 = arith.constant 0 : i32
          %dma_start3A_232 = arith.constant 0 : i32
          %dma_start3A_233 = tpu.memref_slice %arg2[%dma_start3A_231, %dma_start3A_232] : memref<50000x24xf32, #tpu.memory_space<hbm>> -> memref<50000x24xf32, #tpu.memory_space<hbm>>
          tpu.enqueue_indirect_dma source(%dma_start3A_233 : memref<50000x24xf32, #tpu.memory_space<hbm>>) target(%dma_start3A_227 : memref<128x24xf32, #tpu.memory_space<vmem>>) offsets(%dma_start3A_230 : memref<128xi32, #tpu.memory_space<vmem>>) semaphore(%arg15 : memref<!tpu.dma_semaphore, #tpu.memory_space<semaphore_mem>>)
          %dma_start3A_234 = arith.constant 2 : i32
          %dma_start3A_235 = arith.constant 256 : i32
          %dma_start3A_236 = arith.constant 0 : i32
          %dma_start3A_237 = tpu.memref_slice %arg11[%dma_start3A_235, %dma_start3A_236] : memref<1280x24xf32, #tpu.memory_space<vmem>> -> memref<128x24xf32, #tpu.memory_space<vmem>>
          %dma_start3A_238 = arith.constant 0 : i32
          %dma_start3A_239 = tpu.memref_slice %arg7[%dma_start3A_234, %dma_start3A_238] : memref<10x128xi32, #tpu.memory_space<vmem>> -> memref<1x128xi32, #tpu.memory_space<vmem>>
          %dma_start3A_240 = tpu.memref_squeeze %dma_start3A_239 : memref<1x128xi32, #tpu.memory_space<vmem>> -> memref<128xi32, #tpu.memory_space<vmem>>
          %dma_start3A_241 = arith.constant 0 : i32
          %dma_start3A_242 = arith.constant 0 : i32
          %dma_start3A_243 = tpu.memref_slice %arg2[%dma_start3A_241, %dma_start3A_242] : memref<50000x24xf32, #tpu.memory_space<hbm>> -> memref<50000x24xf32, #tpu.memory_space<hbm>>
          tpu.enqueue_indirect_dma source(%dma_start3A_243 : memref<50000x24xf32, #tpu.memory_space<hbm>>) target(%dma_start3A_237 : memref<128x24xf32, #tpu.memory_space<vmem>>) offsets(%dma_start3A_240 : memref<128xi32, #tpu.memory_space<vmem>>) semaphore(%arg15 : memref<!tpu.dma_semaphore, #tpu.memory_space<semaphore_mem>>)
          %dma_start3A_244 = arith.constant 3 : i32
          %dma_start3A_245 = arith.constant 384 : i32
          %dma_start3A_246 = arith.constant 0 : i32
          %dma_start3A_247 = tpu.memref_slice %arg11[%dma_start3A_245, %dma_start3A_246] : memref<1280x24xf32, #tpu.memory_space<vmem>> -> memref<128x24xf32, #tpu.memory_space<vmem>>
          %dma_start3A_248 = arith.constant 0 : i32
          %dma_start3A_249 = tpu.memref_slice %arg7[%dma_start3A_244, %dma_start3A_248] : memref<10x128xi32, #tpu.memory_space<vmem>> -> memref<1x128xi32, #tpu.memory_space<vmem>>
          %dma_start3A_250 = tpu.memref_squeeze %dma_start3A_249 : memref<1x128xi32, #tpu.memory_space<vmem>> -> memref<128xi32, #tpu.memory_space<vmem>>
          %dma_start3A_251 = arith.constant 0 : i32
          %dma_start3A_252 = arith.constant 0 : i32
          %dma_start3A_253 = tpu.memref_slice %arg2[%dma_start3A_251, %dma_start3A_252] : memref<50000x24xf32, #tpu.memory_space<hbm>> -> memref<50000x24xf32, #tpu.memory_space<hbm>>
          tpu.enqueue_indirect_dma source(%dma_start3A_253 : memref<50000x24xf32, #tpu.memory_space<hbm>>) target(%dma_start3A_247 : memref<128x24xf32, #tpu.memory_space<vmem>>) offsets(%dma_start3A_250 : memref<128xi32, #tpu.memory_space<vmem>>) semaphore(%arg15 : memref<!tpu.dma_semaphore, #tpu.memory_space<semaphore_mem>>)
          %dma_start3A_254 = arith.constant 4 : i32
          %dma_start3A_255 = arith.constant 512 : i32
          %dma_start3A_256 = arith.constant 0 : i32
          %dma_start3A_257 = tpu.memref_slice %arg11[%dma_start3A_255, %dma_start3A_256] : memref<1280x24xf32, #tpu.memory_space<vmem>> -> memref<128x24xf32, #tpu.memory_space<vmem>>
          %dma_start3A_258 = arith.constant 0 : i32
          %dma_start3A_259 = tpu.memref_slice %arg7[%dma_start3A_254, %dma_start3A_258] : memref<10x128xi32, #tpu.memory_space<vmem>> -> memref<1x128xi32, #tpu.memory_space<vmem>>
          %dma_start3A_260 = tpu.memref_squeeze %dma_start3A_259 : memref<1x128xi32, #tpu.memory_space<vmem>> -> memref<128xi32, #tpu.memory_space<vmem>>
          %dma_start3A_261 = arith.constant 0 : i32
          %dma_start3A_262 = arith.constant 0 : i32
          %dma_start3A_263 = tpu.memref_slice %arg2[%dma_start3A_261, %dma_start3A_262] : memref<50000x24xf32, #tpu.memory_space<hbm>> -> memref<50000x24xf32, #tpu.memory_space<hbm>>
          tpu.enqueue_indirect_dma source(%dma_start3A_263 : memref<50000x24xf32, #tpu.memory_space<hbm>>) target(%dma_start3A_257 : memref<128x24xf32, #tpu.memory_space<vmem>>) offsets(%dma_start3A_260 : memref<128xi32, #tpu.memory_space<vmem>>) semaphore(%arg15 : memref<!tpu.dma_semaphore, #tpu.memory_space<semaphore_mem>>)
          %dma_start3A_264 = arith.constant 5 : i32
          %dma_start3A_265 = arith.constant 640 : i32
          %dma_start3A_266 = arith.constant 0 : i32
          %dma_start3A_267 = tpu.memref_slice %arg11[%dma_start3A_265, %dma_start3A_266] : memref<1280x24xf32, #tpu.memory_space<vmem>> -> memref<128x24xf32, #tpu.memory_space<vmem>>
          %dma_start3A_268 = arith.constant 0 : i32
          %dma_start3A_269 = tpu.memref_slice %arg7[%dma_start3A_264, %dma_start3A_268] : memref<10x128xi32, #tpu.memory_space<vmem>> -> memref<1x128xi32, #tpu.memory_space<vmem>>
          %dma_start3A_270 = tpu.memref_squeeze %dma_start3A_269 : memref<1x128xi32, #tpu.memory_space<vmem>> -> memref<128xi32, #tpu.memory_space<vmem>>
          %dma_start3A_271 = arith.constant 0 : i32
          %dma_start3A_272 = arith.constant 0 : i32
          %dma_start3A_273 = tpu.memref_slice %arg2[%dma_start3A_271, %dma_start3A_272] : memref<50000x24xf32, #tpu.memory_space<hbm>> -> memref<50000x24xf32, #tpu.memory_space<hbm>>
          tpu.enqueue_indirect_dma source(%dma_start3A_273 : memref<50000x24xf32, #tpu.memory_space<hbm>>) target(%dma_start3A_267 : memref<128x24xf32, #tpu.memory_space<vmem>>) offsets(%dma_start3A_270 : memref<128xi32, #tpu.memory_space<vmem>>) semaphore(%arg15 : memref<!tpu.dma_semaphore, #tpu.memory_space<semaphore_mem>>)
          %dma_start3A_274 = arith.constant 6 : i32
          %dma_start3A_275 = arith.constant 768 : i32
          %dma_start3A_276 = arith.constant 0 : i32
          %dma_start3A_277 = tpu.memref_slice %arg11[%dma_start3A_275, %dma_start3A_276] : memref<1280x24xf32, #tpu.memory_space<vmem>> -> memref<128x24xf32, #tpu.memory_space<vmem>>
          %dma_start3A_278 = arith.constant 0 : i32
          %dma_start3A_279 = tpu.memref_slice %arg7[%dma_start3A_274, %dma_start3A_278] : memref<10x128xi32, #tpu.memory_space<vmem>> -> memref<1x128xi32, #tpu.memory_space<vmem>>
          %dma_start3A_280 = tpu.memref_squeeze %dma_start3A_279 : memref<1x128xi32, #tpu.memory_space<vmem>> -> memref<128xi32, #tpu.memory_space<vmem>>
          %dma_start3A_281 = arith.constant 0 : i32
          %dma_start3A_282 = arith.constant 0 : i32
          %dma_start3A_283 = tpu.memref_slice %arg2[%dma_start3A_281, %dma_start3A_282] : memref<50000x24xf32, #tpu.memory_space<hbm>> -> memref<50000x24xf32, #tpu.memory_space<hbm>>
          tpu.enqueue_indirect_dma source(%dma_start3A_283 : memref<50000x24xf32, #tpu.memory_space<hbm>>) target(%dma_start3A_277 : memref<128x24xf32, #tpu.memory_space<vmem>>) offsets(%dma_start3A_280 : memref<128xi32, #tpu.memory_space<vmem>>) semaphore(%arg15 : memref<!tpu.dma_semaphore, #tpu.memory_space<semaphore_mem>>)
          %dma_start3A_284 = arith.constant 7 : i32
          %dma_start3A_285 = arith.constant 896 : i32
          %dma_start3A_286 = arith.constant 0 : i32
          %dma_start3A_287 = tpu.memref_slice %arg11[%dma_start3A_285, %dma_start3A_286] : memref<1280x24xf32, #tpu.memory_space<vmem>> -> memref<128x24xf32, #tpu.memory_space<vmem>>
          %dma_start3A_288 = arith.constant 0 : i32
          %dma_start3A_289 = tpu.memref_slice %arg7[%dma_start3A_284, %dma_start3A_288] : memref<10x128xi32, #tpu.memory_space<vmem>> -> memref<1x128xi32, #tpu.memory_space<vmem>>
          %dma_start3A_290 = tpu.memref_squeeze %dma_start3A_289 : memref<1x128xi32, #tpu.memory_space<vmem>> -> memref<128xi32, #tpu.memory_space<vmem>>
          %dma_start3A_291 = arith.constant 0 : i32
          %dma_start3A_292 = arith.constant 0 : i32
          %dma_start3A_293 = tpu.memref_slice %arg2[%dma_start3A_291, %dma_start3A_292] : memref<50000x24xf32, #tpu.memory_space<hbm>> -> memref<50000x24xf32, #tpu.memory_space<hbm>>
          tpu.enqueue_indirect_dma source(%dma_start3A_293 : memref<50000x24xf32, #tpu.memory_space<hbm>>) target(%dma_start3A_287 : memref<128x24xf32, #tpu.memory_space<vmem>>) offsets(%dma_start3A_290 : memref<128xi32, #tpu.memory_space<vmem>>) semaphore(%arg15 : memref<!tpu.dma_semaphore, #tpu.memory_space<semaphore_mem>>)
          %dma_start3A_294 = arith.constant 8 : i32
          %dma_start3A_295 = arith.constant 1024 : i32
          %dma_start3A_296 = arith.constant 0 : i32
          %dma_start3A_297 = tpu.memref_slice %arg11[%dma_start3A_295, %dma_start3A_296] : memref<1280x24xf32, #tpu.memory_space<vmem>> -> memref<128x24xf32, #tpu.memory_space<vmem>>
          %dma_start3A_298 = arith.constant 0 : i32
          %dma_start3A_299 = tpu.memref_slice %arg7[%dma_start3A_294, %dma_start3A_298] : memref<10x128xi32, #tpu.memory_space<vmem>> -> memref<1x128xi32, #tpu.memory_space<vmem>>
          %dma_start3A_300 = tpu.memref_squeeze %dma_start3A_299 : memref<1x128xi32, #tpu.memory_space<vmem>> -> memref<128xi32, #tpu.memory_space<vmem>>
          %dma_start3A_301 = arith.constant 0 : i32
          %dma_start3A_302 = arith.constant 0 : i32
          %dma_start3A_303 = tpu.memref_slice %arg2[%dma_start3A_301, %dma_start3A_302] : memref<50000x24xf32, #tpu.memory_space<hbm>> -> memref<50000x24xf32, #tpu.memory_space<hbm>>
          tpu.enqueue_indirect_dma source(%dma_start3A_303 : memref<50000x24xf32, #tpu.memory_space<hbm>>) target(%dma_start3A_297 : memref<128x24xf32, #tpu.memory_space<vmem>>) offsets(%dma_start3A_300 : memref<128xi32, #tpu.memory_space<vmem>>) semaphore(%arg15 : memref<!tpu.dma_semaphore, #tpu.memory_space<semaphore_mem>>)
          %dma_start3A_304 = arith.constant 9 : i32
          %dma_start3A_305 = arith.constant 1152 : i32
          %dma_start3A_306 = arith.constant 0 : i32
          %dma_start3A_307 = tpu.memref_slice %arg11[%dma_start3A_305, %dma_start3A_306] : memref<1280x24xf32, #tpu.memory_space<vmem>> -> memref<128x24xf32, #tpu.memory_space<vmem>>
          %dma_start3A_308 = arith.constant 0 : i32
          %dma_start3A_309 = tpu.memref_slice %arg7[%dma_start3A_304, %dma_start3A_308] : memref<10x128xi32, #tpu.memory_space<vmem>> -> memref<1x128xi32, #tpu.memory_space<vmem>>
          %dma_start3A_310 = tpu.memref_squeeze %dma_start3A_309 : memref<1x128xi32, #tpu.memory_space<vmem>> -> memref<128xi32, #tpu.memory_space<vmem>>
          %dma_start3A_311 = arith.constant 0 : i32
          %dma_start3A_312 = arith.constant 0 : i32
          %dma_start3A_313 = tpu.memref_slice %arg2[%dma_start3A_311, %dma_start3A_312] : memref<50000x24xf32, #tpu.memory_space<hbm>> -> memref<50000x24xf32, #tpu.memory_space<hbm>>
          tpu.enqueue_indirect_dma source(%dma_start3A_313 : memref<50000x24xf32, #tpu.memory_space<hbm>>) target(%dma_start3A_307 : memref<128x24xf32, #tpu.memory_space<vmem>>) offsets(%dma_start3A_310 : memref<128xi32, #tpu.memory_space<vmem>>) semaphore(%arg15 : memref<!tpu.dma_semaphore, #tpu.memory_space<semaphore_mem>>)
        } else {
        }
      } else {
      }
      %scan3A_88 = arith.constant 0 : i32
      scf.yield %scan3A_88 : i32
    }
    %scan3A_26 = arith.constant 10 : i32
    %sub3A = arith.constant 625 : i32
    %sub3A_27 = arith.subi %sub3A, %add3A : i32
    %add3A_28 = arith.constant 32 : i32
    %add3A_29 = arith.addi %sub3A_27, %add3A_28 : i32
    %sub3A_30 = arith.constant 1 : i32
    %sub3A_31 = arith.subi %add3A_29, %sub3A_30 : i32
    %jit3A = arith.constant 32 : i32
    %div3A = arith.divsi %sub3A_31, %jit3A : i32
    %sign3A = arith.constant 0 : i32
    %sign3A_32 = arith.cmpi sgt, %sub3A_31, %sign3A : i32
    %sign3A_33 = arith.extui %sign3A_32 : i1 to i32
    %sign3A_34 = arith.constant 0 : i32
    %sign3A_35 = arith.cmpi slt, %sub3A_31, %sign3A_34 : i32
    %sign3A_36 = arith.extui %sign3A_35 : i1 to i32
    %sign3A_37 = arith.subi %sign3A_33, %sign3A_36 : i32
    %sign3A_38 = arith.constant 0 : i32
    %sign3A_39 = arith.cmpi sgt, %jit3A, %sign3A_38 : i32
    %sign3A_40 = arith.extui %sign3A_39 : i1 to i32
    %sign3A_41 = arith.constant 0 : i32
    %sign3A_42 = arith.cmpi slt, %jit3A, %sign3A_41 : i32
    %sign3A_43 = arith.extui %sign3A_42 : i1 to i32
    %sign3A_44 = arith.subi %sign3A_40, %sign3A_43 : i32
    %ne3A = arith.cmpi ne, %sign3A_37, %sign3A_44 : i32
    %rem3A = arith.remsi %sub3A_31, %jit3A : i32
    %ne3A_45 = arith.constant 0 : i32
    %ne3A_46 = arith.cmpi ne, %rem3A, %ne3A_45 : i32
    %and3A = arith.andi %ne3A, %ne3A_46 : i1
    %sub3A_47 = arith.constant 1 : i32
    %sub3A_48 = arith.subi %div3A, %sub3A_47 : i32
    %select_n3A = arith.select %and3A, %sub3A_48, %div3A : i32
    %ge3A = arith.constant 1 : i32
    %ge3A_49 = arith.cmpi sge, %select_n3A, %ge3A : i32
    %convert_element_type3A_50 = arith.extui %ge3A_49 : i1 to i32
    %cond3A_51 = arith.constant 0 : i32
    %cond3A_52 = arith.cmpi ne, %convert_element_type3A_50, %cond3A_51 : i32
    scf.if %cond3A_52 {
      %dma_wait3A = arith.constant 0 : i32
      %dma_wait3A_58 = arith.constant 0 : i32
      %dma_wait3A_59 = tpu.memref_slice %arg5[%dma_wait3A, %dma_wait3A_58] : memref<320x50000xf32, #tpu.memory_space<hbm>> -> memref<320x80xf32, #tpu.memory_space<hbm>>
      %dma_wait3A_60 = arith.constant 0 : i32
      %dma_wait3A_61 = arith.constant 0 : i32
      %dma_wait3A_62 = tpu.memref_slice %arg5[%dma_wait3A_60, %dma_wait3A_61] : memref<320x50000xf32, #tpu.memory_space<hbm>> -> memref<320x80xf32, #tpu.memory_space<hbm>>
      tpu.wait_dma2 semaphore(%arg16 : memref<!tpu.dma_semaphore, #tpu.memory_space<semaphore_mem>>) src(%dma_wait3A_62 : memref<320x80xf32, #tpu.memory_space<hbm>>) dst(%arg12 : memref<320x80xf32, #tpu.memory_space<vmem>>)
    } else {
    }
    %ge3A_53 = arith.constant 2 : i32
    %ge3A_54 = arith.cmpi sge, %select_n3A, %ge3A_53 : i32
    %convert_element_type3A_55 = arith.extui %ge3A_54 : i1 to i32
    %cond3A_56 = arith.constant 0 : i32
    %cond3A_57 = arith.cmpi ne, %convert_element_type3A_55, %cond3A_56 : i32
    scf.if %cond3A_57 {
      %dma_wait3A = arith.constant 0 : i32
      %dma_wait3A_58 = arith.constant 0 : i32
      %dma_wait3A_59 = tpu.memref_slice %arg5[%dma_wait3A, %dma_wait3A_58] : memref<320x50000xf32, #tpu.memory_space<hbm>> -> memref<320x80xf32, #tpu.memory_space<hbm>>
      %dma_wait3A_60 = arith.constant 0 : i32
      %dma_wait3A_61 = arith.constant 0 : i32
      %dma_wait3A_62 = tpu.memref_slice %arg5[%dma_wait3A_60, %dma_wait3A_61] : memref<320x50000xf32, #tpu.memory_space<hbm>> -> memref<320x80xf32, #tpu.memory_space<hbm>>
      tpu.wait_dma2 semaphore(%arg17 : memref<!tpu.dma_semaphore, #tpu.memory_space<semaphore_mem>>) src(%dma_wait3A_62 : memref<320x80xf32, #tpu.memory_space<hbm>>) dst(%arg13 : memref<320x80xf32, #tpu.memory_space<vmem>>)
    } else {
    }
    return
  }
}

</mosaic_0001>

<sc_bundles>
// kernel: kernel.3.cloned.1.call-start
scs
__scs_entry_jumppad:
0x0: {  	(pc) =	sbr.rel $0x88, $3  }
0x1: {  	(tag) =	ssettag $0x0;
	lr =	simm.s32 $0x1  }
0x2: {  	[smem:$0x3F9D] =	sst lr;
	_ =	strace $0xD0000000  }
0x3: {  	_ = 	snop  }
0x4: {  	_ = 	snop  }
0x5: {  	_ = 	snop  }
0x6: {  	_ = 	snop  }
0x7: {  	_ = 	snop  }
__scs_overlays_trampoline_lowered:
0x8: {  	[smem:$0x3FAC] =	sst s0  }
0x9: {  	[smem:$0x3FAD] =	sst s1  }
0xa: {  	[smem:$0x3FAE] =	sst s2  }
0xb: {  	[smem:$0x3FAF] =	sst s3  }
0xc: {  	[smem:$0x3FB0] =	sst s4  }
0xd: {  	[smem:$0x3FB1] =	sst s5  }
0xe: {  	[smem:$0x3FB2] =	sst s6  }
0xf: {  	[smem:$0x3FB3] =	sst s7  }
0x10: {  	[smem:$0x3FB4] =	sst s8  }
0x11: {  	[smem:$0x3FB5] =	sst s9;
	s0 =	simm.s32 @!p0 $0x0  }
0x12: {  	s1 =	sld [smem:$0x3F9B];
	s0 =	simm.s32 @p0 $0x1  }
0x13: {  	[smem:$0x3FB6] =	sst s0;
	s0 =	simm.s32 @!p1 $0x0  }
0x14: {  	s2 =	sld [smem:$0x3F9A];
	s0 =	simm.s32 @p1 $0x1  }
0x15: {  	[smem:$0x3FB7] =	sst s0;
	s0 =	simm.s32 @!p2 $0x0  }
0x16: {  	s3 =	sld [smem:$0x3FDB];
	s0 =	simm.s32 @p2 $0x1  }
0x17: {  	s4 =	simm.s32 $0x1BF5;
	[smem:$0x3FB9] =	sst s0  }
0x18: {  	s0 =	sld [smem:$0x3F9C];
	_ =	swait.ge [sflag:s4], $0x0  }
0x19: {  	s7 =	sld [smem:$0x3F9D]  }
0x1a: {  	s8 =	sadd.s32 $0xFFFFE003, lr  }
0x1b: {  	s9 =	sadd.s32 $0xFFFFFEF7, lr;
	s5 =	simm.s32 $0xFFFFFFFF;
	p2 =	slt.u32 s8, $0xFFFFF086  }
0x1c: {  	p1 =	slt.u32 s9, $0xF7A;
	s5 =	simm.s32 @!p2 $0x0  }
0x1d: {  	s5 =	simm.s32 @p1 $0x1;
	p0 =	seq.s32 s7, s2  }
0x1e: {  	s7 =	smul.u32 @!p0 $0xF7A, s2;
	p2 =	seq.s32 @!p0 s5, $0x0  }
0x1f: {  	s9 =	smul.u32 $0xF7A, s1;
	s8 =	simm.s32 @!p0 $0x1BF5;
	p2 =	por !p2, p0  }
0x20: {  	[sflag:s8] =	ssyncset.s32 @!p0 $0xFFFFF086;
	s6 =	sadd.s32 @!p0 s3, s7;
	s7 =	simm.s32 @!p0 $0x108  }
0x21: {  	s3 =	sadd.s32 s3, s9;
	s6 =	sadd.s32 @!p0 $0x88, s6;
	s7 =	simm.s32 @p2 $0x1082  }
0x22: {  	[simem:s7], [sflag:s8] =	dma.local @!p0 [hbm:s6], $0xF7A  }
0x23: {  	s9 =	sor.u32 $0xD0000000, s2;
	s6 =	simm.s32 $0x108;
	_ =	swait.ge @!p0 [sflag:s8], $0x0  }
0x24: {  	s3 =	sadd.s32 $0x88, s3;
	s6 =	simm.s32 @!p1 $0x1082;
	[sflag:s4] =	ssyncset.s32 $0xFFFFF086  }
0x25: {  	[simem:s6], [sflag:s4] =	dma.local [hbm:s3], $0xF7A  }
0x26: {  	[smem:$0x3F9D] =	sst s1;
	(tag) =	ssettag s2;
	_ =	strace s9  }
0x27: {  	s1 =	sld [smem:$0x3FAD]  }
0x28: {  	s2 =	sld [smem:$0x3FAE]  }
0x29: {  	s4 =	sld [smem:$0x3FB0]  }
0x2a: {  	p0 =	seq.s32 s5, $0x0;
	s5 =	sld [smem:$0x3FB1]  }
0x2b: {  	s6 =	sld [smem:$0x3FB2]  }
0x2c: {  	s7 =	sld [smem:$0x3FB3]  }
0x2d: {  	s3 =	simm.s32 $0x108;
	s8 =	sld [smem:$0x3FB4]  }
0x2e: {  	s3 =	simm.s32 @!p0 $0x1082;
	s9 =	sld [smem:$0x3FB5]  }
0x2f: {  	lr =	sadd.s32 s0, s3;
	s0 =	sld [smem:$0x3FAC]  }
0x30: {  	s3 =	sld [smem:$0x3FAF]  }
0x31: {  	[smem:$0x3FB8] =	sst s10  }
0x32: {  	s10 =	sld [smem:$0x3FB6];
	_ =	sdelay $0x3  }
0x33: {  	p0 =	seq.s32 s10, $0x1;
	s10 =	sld [smem:$0x3FB8];
	_ =	sdelay $0x3  }
0x34: {  	[smem:$0x3FB8] =	sst s10  }
0x35: {  	s10 =	sld [smem:$0x3FB7];
	_ =	sdelay $0x3  }
0x36: {  	p1 =	seq.s32 s10, $0x1;
	s10 =	sld [smem:$0x3FB8];
	_ =	sdelay $0x3  }
0x37: {  	[smem:$0x3FB8] =	sst s10  }
0x38: {  	s10 =	sld [smem:$0x3FB9]  }
0x39: {  	_ = 	snop;
	(pc) =	sbr.ind lr, $3  }
0x3a: {  	_ = 	snop  }
0x3b: {  	_ = 	snop  }
0x3c: {  	p2 =	seq.s32 s10, $0x1;
	s10 =	sld [smem:$0x3FB8]  }
0x3d: {  	_ =	shalt  }
0x3e: {  	_ =	shalt  }
0x3f: {  	_ =	shalt  }
0x40: {  	_ =	shalt  }
0x41: {  	_ =	shalt  }
0x42: {  	_ =	shalt  }
0x43: {  	_ =	shalt  }
0x44: {  	_ =	shalt  }
0x45: {  	_ =	shalt  }
0x46: {  	_ =	shalt  }
0x47: {  	_ =	shalt  }
0x48: {  	_ =	shalt  }
0x49: {  	_ =	shalt  }
0x4a: {  	_ =	shalt  }
0x4b: {  	_ =	shalt  }
0x4c: {  	_ =	shalt  }
0x4d: {  	_ =	shalt  }
0x4e: {  	_ =	shalt  }
0x4f: {  	_ =	shalt  }
0x50: {  	_ =	shalt  }
0x51: {  	_ =	shalt  }
0x52: {  	_ =	shalt  }
0x53: {  	_ =	shalt  }
0x54: {  	_ =	shalt  }
0x55: {  	_ =	shalt  }
0x56: {  	_ =	shalt  }
0x57: {  	_ =	shalt  }
0x58: {  	_ =	shalt  }
0x59: {  	_ =	shalt  }
0x5a: {  	_ =	shalt  }
0x5b: {  	_ =	shalt  }
0x5c: {  	_ =	shalt  }
0x5d: {  	_ =	shalt  }
0x5e: {  	_ =	shalt  }
0x5f: {  	_ =	shalt  }
0x60: {  	_ =	shalt  }
0x61: {  	_ =	shalt  }
0x62: {  	_ =	shalt  }
0x63: {  	_ =	shalt  }
0x64: {  	_ =	shalt  }
0x65: {  	_ =	shalt  }
0x66: {  	_ =	shalt  }
0x67: {  	_ =	shalt  }
0x68: {  	_ =	shalt  }
0x69: {  	_ =	shalt  }
0x6a: {  	_ =	shalt  }
0x6b: {  	_ =	shalt  }
0x6c: {  	_ =	shalt  }
0x6d: {  	_ =	shalt  }
0x6e: {  	_ =	shalt  }
0x6f: {  	_ =	shalt  }
0x70: {  	_ =	shalt  }
0x71: {  	_ =	shalt  }
0x72: {  	_ =	shalt  }
0x73: {  	_ =	shalt  }
0x74: {  	_ =	shalt  }
0x75: {  	_ =	shalt  }
0x76: {  	_ =	shalt  }
0x77: {  	_ =	shalt  }
0x78: {  	_ =	shalt  }
0x79: {  	_ =	shalt  }
0x7a: {  	_ =	shalt  }
0x7b: {  	_ =	shalt  }
0x7c: {  	_ =	shalt  }
0x7d: {  	_ =	shalt  }
0x7e: {  	_ =	shalt  }
0x7f: {  	_ =	shalt  }
0x80: {  	_ =	shalt  }
0x81: {  	_ =	shalt  }
0x82: {  	_ =	shalt  }
0x83: {  	_ =	shalt  }
0x84: {  	_ =	shalt  }
0x85: {  	_ =	shalt  }
0x86: {  	_ =	shalt  }
0x87: {  	_ =	shalt  }
.Lfunc_end0:
.L_simem_size_0:
called_computation_lowered:
.L_overlay_start_0:
0x88: {  	s2 =	sld [smem:$0x3FD9]  }
0x89: {  	s3 =	sld [smem:$0x3FFE];
	_ =	sdelay $0x1  }
0x8a: {  	s1 =	srdreg.scid  }
0x8b: {  	s0 =	sand.u32 $0x1, s1  }
0x8c: {  	s17 =	sshll.u32 s0, $0xA;
	s2 =	sadd.s32 s3, s2  }
0x8d: {  	s2 =	sadd.s32 s2, s17  }
0x8e: {  	[smem:$0x3FC4] =	sst s2  }
0x8f: {  	_ = 	snop  }
0x90: {  	s2 =	sld [smem:$0x3FD0];
	(tm) =	ssettm $0x1  }
0x91: {  	s18 =	sld [smem:$0x3FFB];
	_ =	sdelay $0x3  }
0x92: {  	_ =	strace s18  }
0x93: {  	s3 =	sld [smem:$0x3FFC];
	_ =	sdelay $0x3  }
0x94: {  	_ =	strace s3  }
0x95: {  	s3 =	sld [smem:$0x3FFD];
	_ =	sdelay $0x3  }
0x96: {  	_ =	strace s3  }
0x97: {  	_ =	strace $0x8FFFFFFF  }
0x98: {  	s19 =	sld [smem:$0x3FDB];
	_ =	sdelay $0x1  }
0x99: {  	s4 =	simm.s32 $_scs_section_size  }
0x9a: {  	s5 =	simm.s32 $_size__tile_overlayer_lowered;
	s6 =	simm.s32 $_tile_overlayer_lowered  }
0x9b: {  	s22 =	simm.s32 $0x1BFF;
	s21 =	sshll.u32 s6, $0x1;
	s3 =	sadd.s32 s4, s19  }
0x9c: {  	s7 =	simm.s32 $0x0;
	s20 =	sshll.u32 s5, $0x1;
	s5 =	sadd.s32 s21, s3  }
0x9d: {  	[timem:s7], [sflag:s22] =	dma.local [hbm:s5], s20  }
0x9e: {  	_ =	swait.ge [sflag:s22], s20  }
0x9f: {  	s4 =	ssub.s32 $0x0, s20;
	[sflag:s22] =	ssyncset.done $0x0  }
0xa0: {  	[sflag:s22] =	ssyncadd.s32 s4;
	_ =	sdelay $0x1  }
0xa1: {  	s23 =	simm.s32 $0x1B8B  }
0xa2: {  	_ =	swait.ge [sflag:s23], $0x1  }
0xa3: {  	[sflag:s23] =	ssyncset.done $0x0  }
0xa4: {  	s25 =	simm.s32 $0x1B8E;
	s24 =	sld [smem:$0x3FFE];
	[sflag:s23] =	ssyncadd.s32 $0xFFFFFFFF  }
0xa5: {  	s26 =	simm.s32 $execute0_lowered;
	[smem:$0x3FD2] =	sst s25  }
0xa6: {  	s5 =	sshll.u32 s26, $0x1;
	_ =	strace $0x80000046;
	[dreg:$0x1] =	wrdreg $0xFFFFFFFF  }
0xa7: {  	s28 =	simm.s32 $_size_execute0_lowered;
	s3 =	sadd.s32 s3, s5;
	[dreg:$0x0] =	wrdreg $0x0  }
0xa8: {  	s5 =	sshll.u32 s28, $0x1;
	[dreg:$0x2] =	wrdreg s3  }
0xa9: {  	[dreg:$0x3] =	wrdreg s5  }
0xaa: {  	[dreg:$0x4] =	wrdreg $0xC0  }
0xab: {  	_ =	task [dreg:s7], $0x5FFFF  }
0xac: {  	[dreg:$0x1] =	wrdreg $0xFFFFFFFF  }
0xad: {  	[dreg:$0x0] =	wrdreg $0x60  }
0xae: {  	[dreg:$0x2] =	wrdreg s2  }
0xaf: {  	[dreg:$0x3] =	wrdreg s24  }
0xb0: {  	[dreg:$0x4] =	wrdreg $0x9  }
0xb1: {  	_ =	task.clear_ibuf [dreg:s7], $0x5FFFF;
	_ =	strace $0x90000046  }
0xb2: {  	s29 =	simm.s32 $0x9;
	_ =	strace $0x80000048  }
0xb3: {  	_ =	swait.ge [sflag:s29], $0x1  }
0xb4: {  	[sflag:s29] =	ssyncadd.s32 $0xFFFFFFFF  }
0xb5: {  	_ =	strace $0x90000048  }
0xb6: {  	_ =	sfence  }
0xb7: {  	s30 =	sld [smem:$0x0];
	_ =	sdelay $0x2  }
0xb8: {  	s31 =	sshll.u32 s1, $0xD;
	s1 =	sshrl.u32 s1, $0x2  }
0xb9: {  	s3 =	sand.u32 $0x4000, s31;
	s1 =	sadd.s32 s1, s30  }
0xba: {  	s0 =	sor.u32 s3, s0;
	s1 =	sshll.u32 s1, $0x11  }
0xbb: {  	s0 =	sor.u32 s1, s0  }
0xbc: {  	s0 =	sadd.s32 $0x8F2B, s0  }
0xbd: {  	[sflag:s0] =	ssyncadd.remote.s32 $0x1  }
0xbe: {  	_ =	sfence.sel $0xFFFF  }
0xbf: {  	[dreg:$0x0] =	wrdreg $0xFFFFFFFF;
	(pc) =	sbr.abs _section_cstart, $3  }
0xc0: {  	[dreg:$0x1] =	wrdreg $0xFFFFFFFF  }
0xc1: {  	_ =	task.clear_ibuf [dreg:s7], $0x2FFFF;
	_ =	strace $0x9FFFFFFF  }
0xc2: {  	(tm) =	ssettm $0x7FFFFFFF  }
0xc3: {  	_ =	shalt  }
tec
execute0_lowered:
.L_overlay_start_1:
0x0: {  	(tag) =	ssettag $0x1  }
0x1: {  	v18 =	vlaneseq.u32  }
0x2: {  	s1 =	rddreg [dreg:$0x0];
	s3 =	simm.s32 $0x0;
	v38 =	vmul.u32 $0x140, v18;
	v0 =	vmul.u32 $0x500, v18  }
0x3: {  	[smem:$0x7FF] =	sst s3  }
0x4: {  	s0 =	rddreg [dreg:$0x1];
	_ =	strace $0x80000047;
	v1 =	vadd.s32 $0x5000, v38;
	[tilespmem:$0x1FF90] =	vst v0  }
0x5: {  	v4 =	vimm.s32 $0x0;
	v5 =	vimm.s32 $0x1;
	v29 =	vadd.s32 $0x50A0, v38;
	[tilespmem:$0x1FF20] =	vst v1  }
0x6: {  	v6 =	vimm.s32 $0x2;
	v7 =	vimm.s32 $0x3;
	v31 =	vadd.s32 $0x410, v0;
	[tilespmem:$0x1FFA0] =	vst v29  }
0x7: {  	s2 =	srdreg.scid;
	s4 =	stileid.u32;
	s13 =	simm.s32 $0x5;
	v8 =	vimm.s32 $0x4;
	v9 =	vimm.s32 $0x5;
	v34 =	vadd.s32 $0x5050, v38;
	[tilespmem:$0x1FFB0] =	vst v31  }
0x8: {  	s15 =	simm.s32 $0x80;
	s16 =	simm.s32 $0x1400;
	v10 =	vimm.s32 $0x6;
	v11 =	vimm.s32 $0x7;
	s17 =	simm.s32 $0x500;
	v54 =	vadd.s32 $0x230, v0;
	[tilespmem:$0x1FFC0] =	vst v34  }
0x9: {  	v12 =	vimm.s32 $0x8;
	v13 =	vimm.s32 $0x9;
	s19 =	simm.s32 $0x8C00;
	s23 =	simm.s32 $0x1;
	s28 =	simm.s32 $0x2;
	v27 =	vadd.s32 $0x2D0, v0;
	[tilespmem:$0x1FFD0] =	vst v54  }
0xa: {  	v14 =	vimm.s32 $0xA;
	v15 =	vimm.s32 $0xB;
	s29 =	simm.s32 $0x16800;
	s2 =	sand.u32 $0x1, s2;
	s4 =	sshll.u32 s4, $0x1;
	v35 =	vadd.s32 $0x1E0, v0;
	[tilespmem:$0x1FFE0] =	vst v27  }
0xb: {  	v16 =	vimm.s32 $0xC;
	s30 =	simm.s32 $0x3;
	s31 =	simm.s32 $0x4;
	v3 =	vmul.u32 $0x18, v18;
	s4 =	sor.u32 s2, s4;
	v1 =	vor.u32 $0x50, v0;
	[tilespmem:$0x1FFF0] =	vst v35  }
0xc: {  	v17 =	vimm.s32 $0xD;
	v19 =	vimm.s32 $0xE;
	s5 =	sadd.s32 $0x800, s0;
	s8 =	ssub.s32 $0x2, s2;
	s10 =	smul.u32 $0xA0, s4;
	[tilespmem:$0x1FF30] =	vst v1;
	v1 =	vadd.s32 $0x140, v0  }
.Ltmp0:
0xd: {  	v20 =	vimm.s32 $0xF;
	s6 =	sadd.s32 $0x19000, s0;
	s24 =	sshrl.u32 s8, $0x1;
	v2 =	vadd.s32 $0x10, v3;
	[tilespmem:$0x1FF40] =	vst v1;
	v1 =	vadd.s32 $0x280, v0;
	(pc) =	sbr.rel .LBB2_1-.Ltmp0, $4  }
0xe: {  	s7 =	sadd.s32 $0x31800, s0;
	s0 =	simm.s32 $0x0;
	v21 =	vadd.s32 $0x11, v3;
	v43 =	vadd.s32 $0x12, v3;
	s25 =	ssub.s32 s8, s24;
	[tilespmem:$0x1FF50] =	vst v1;
	v1 =	vor.u32 $0xF0, v0  }
0xf: {  	v44 =	vadd.s32 $0x13, v3;
	v63 =	vor.u32 $0xA0, v0;
	s24 =	simm.s32 $0x10400;
	s8 =	sadd.s32 s6, s10;
	s9 =	sadd.s32 s5, s10;
	[tilespmem:$0x1FF60] =	vst v1;
	v1 =	vadd.s32 $0x3C0, v0  }
0x10: {  	v46 =	vadd.s32 $0x320, v0;
	v47 =	vadd.s32 $0x370, v0;
	s26 =	sadd.s32 $0x1400, s10;
	s12 =	smax.u32 s25, $0x1;
	s25 =	simm.s32 $0x50;
	[tilespmem:$0x1FF70] =	vst v1;
	v1 =	vadd.s32 $0x190, v0  }
0x11: {  	v48 =	vadd.s32 $0x460, v0;
	v49 =	vadd.s32 $0x50F0, v38;
	v50 =	vadd.s32 $0x4B0, v0;
	s10 =	sadd.s32 s6, s26;
	s11 =	sadd.s32 s5, s26;
	s26 =	simm.s32 $0xC350;
	[tilespmem:$0x1FF80] =	vst v1  }
.LBB2_9:
0x12: {  	s0 =	sadd.s32 $0x1, s0  }
0x13: {  	_ =	swait.ge [sflag:s30], $0x6400;
	p0 =	sne.s32 s0, s12  }
.Ltmp1:
0x14: {  	[sflag:s30] =	ssyncset.done $0x0;
	(pc) =	sbr.rel @!p0 .LBB2_10-.Ltmp1, $4  }
0x15: {  	[sflag:s30] =	ssyncadd.s32 $0xFFFF9C00  }
0x16: {  	_ =	swait.ge [sflag:s31], $0x6400  }
0x17: {  	[sflag:s31] =	ssyncset.done $0x0  }
0x18: {  	[sflag:s31] =	ssyncadd.s32 $0xFFFF9C00  }
.LBB2_1:
0x19: {  	[tilespmem:s3], [sflag:$0x5] =	stream.linear.gather [hbm4b:s8+s3], $0x500, $0x38;
	[tilespmem:$0x1CC00] =	vst v63  }
0x1a: {  	_ =	swait.ge [sflag:s13], $0x500  }
0x1b: {  	[sflag:s13] =	ssyncset.done $0x0  }
0x1c: {  	s2 =	simm.s32 $0xA00;
	[sflag:s13] =	ssyncadd.s32 $0xFFFFFB00  }
0x1d: {  	[tilespmem:s2], [sflag:$0x5] =	stream.linear.gather [hbm4b:s9+s3], $0x500, $0x38;
	[tilespmem:$0x1CC00] =	vst v63  }
0x1e: {  	_ =	swait.ge [sflag:s13], $0x500  }
0x1f: {  	[sflag:s13] =	ssyncset.done $0x0  }
0x20: {  	[sflag:s13] =	ssyncadd.s32 $0xFFFFFB00  }
0x21: {  	[tilespmem:s16], [sflag:$0x1] =	stream.indirect.gather [hbm4b:s1+s15], $0x18, s3, s15, $0xb8;
	[tilespmem:$0x1CC00] =	vst v63  }
0x22: {  	s21 =	simm.s32 $0x2000  }
0x23: {  	[tilespmem:s21], [sflag:$0x1] =	stream.indirect.gather [hbm4b:s1+s15], $0x18, s15, s15, $0xb8;
	[tilespmem:$0x1CC00] =	vst v63  }
0x24: {  	s22 =	simm.s32 $0x100;
	s14 =	simm.s32 $0x2C00  }
0x25: {  	[tilespmem:s14], [sflag:$0x1] =	stream.indirect.gather [hbm4b:s1+s15], $0x18, s22, s15, $0xb8;
	[tilespmem:$0x1CC00] =	vst v63  }
0x26: {  	s18 =	simm.s32 $0x180;
	s20 =	simm.s32 $0x3800  }
0x27: {  	[tilespmem:s20], [sflag:$0x1] =	stream.indirect.gather [hbm4b:s1+s15], $0x18, s18, s15, $0xb8;
	[tilespmem:$0x1CC00] =	vst v63  }
0x28: {  	s21 =	simm.s32 $0x200;
	s22 =	simm.s32 $0x4400  }
0x29: {  	[tilespmem:s22], [sflag:$0x1] =	stream.indirect.gather [hbm4b:s1+s15], $0x18, s21, s15, $0xb8;
	[tilespmem:$0x1CC00] =	vst v63  }
0x2a: {  	s18 =	simm.s32 $0x280;
	s20 =	simm.s32 $0x5000  }
0x2b: {  	[tilespmem:s20], [sflag:$0x1] =	stream.indirect.gather [hbm4b:s1+s15], $0x18, s18, s15, $0xb8;
	[tilespmem:$0x1CC00] =	vst v63  }
0x2c: {  	s21 =	simm.s32 $0x300;
	s22 =	simm.s32 $0x5C00  }
0x2d: {  	[tilespmem:s22], [sflag:$0x1] =	stream.indirect.gather [hbm4b:s1+s15], $0x18, s21, s15, $0xb8;
	[tilespmem:$0x1CC00] =	vst v63  }
0x2e: {  	s18 =	simm.s32 $0x380;
	s20 =	simm.s32 $0x6800  }
0x2f: {  	[tilespmem:s20], [sflag:$0x1] =	stream.indirect.gather [hbm4b:s1+s15], $0x18, s18, s15, $0xb8;
	[tilespmem:$0x1CC00] =	vst v63  }
0x30: {  	s21 =	simm.s32 $0x400;
	s22 =	simm.s32 $0x7400  }
0x31: {  	[tilespmem:s22], [sflag:$0x1] =	stream.indirect.gather [hbm4b:s1+s15], $0x18, s21, s15, $0xb8;
	[tilespmem:$0x1CC00] =	vst v63  }
0x32: {  	s14 =	simm.s32 $0x480;
	s18 =	simm.s32 $0x8000  }
0x33: {  	[tilespmem:s18], [sflag:$0x1] =	stream.indirect.gather [hbm4b:s1+s15], $0x18, s14, s15, $0xb8;
	[tilespmem:$0x1CC00] =	vst v63  }
0x34: {  	_ = 	snop  }
0x35: {  	[tilespmem:s17], [sflag:$0x5] =	stream.linear.gather [hbm4b:s10+s3], $0x500, $0x38;
	[tilespmem:$0x1CC00] =	vst v63  }
0x36: {  	_ =	swait.ge [sflag:s13], $0x500  }
0x37: {  	[sflag:s13] =	ssyncset.done $0x0  }
0x38: {  	s20 =	simm.s32 $0xF00;
	[sflag:s13] =	ssyncadd.s32 $0xFFFFFB00  }
0x39: {  	[tilespmem:s20], [sflag:$0x5] =	stream.linear.gather [hbm4b:s11+s3], $0x500, $0x38;
	[tilespmem:$0x1CC00] =	vst v63  }
0x3a: {  	_ =	swait.ge [sflag:s13], $0x500  }
0x3b: {  	[sflag:s13] =	ssyncset.done $0x0  }
0x3c: {  	[sflag:s13] =	ssyncadd.s32 $0xFFFFFB00  }
0x3d: {  	[tilespmem:s19], [sflag:$0x2] =	stream.indirect.gather [hbm4b:s1+s15], $0x18, s17, s15, $0xb8;
	[tilespmem:$0x1CC00] =	vst v63  }
0x3e: {  	s21 =	simm.s32 $0x580;
	s22 =	simm.s32 $0x9800  }
0x3f: {  	[tilespmem:s22], [sflag:$0x2] =	stream.indirect.gather [hbm4b:s1+s15], $0x18, s21, s15, $0xb8;
	[tilespmem:$0x1CC00] =	vst v63  }
0x40: {  	s18 =	simm.s32 $0x600;
	s20 =	simm.s32 $0xA400  }
0x41: {  	[tilespmem:s20], [sflag:$0x2] =	stream.indirect.gather [hbm4b:s1+s15], $0x18, s18, s15, $0xb8;
	[tilespmem:$0x1CC00] =	vst v63  }
0x42: {  	s21 =	simm.s32 $0x680;
	s22 =	simm.s32 $0xB000  }
0x43: {  	[tilespmem:s22], [sflag:$0x2] =	stream.indirect.gather [hbm4b:s1+s15], $0x18, s21, s15, $0xb8;
	[tilespmem:$0x1CC00] =	vst v63  }
0x44: {  	s18 =	simm.s32 $0x700;
	s20 =	simm.s32 $0xBC00  }
0x45: {  	[tilespmem:s20], [sflag:$0x2] =	stream.indirect.gather [hbm4b:s1+s15], $0x18, s18, s15, $0xb8;
	[tilespmem:$0x1CC00] =	vst v63  }
0x46: {  	s21 =	simm.s32 $0x780;
	s22 =	simm.s32 $0xC800  }
0x47: {  	[tilespmem:s22], [sflag:$0x2] =	stream.indirect.gather [hbm4b:s1+s15], $0x18, s21, s15, $0xb8;
	[tilespmem:$0x1CC00] =	vst v63  }
0x48: {  	s18 =	simm.s32 $0x800;
	s20 =	simm.s32 $0xD400  }
0x49: {  	[tilespmem:s20], [sflag:$0x2] =	stream.indirect.gather [hbm4b:s1+s15], $0x18, s18, s15, $0xb8;
	[tilespmem:$0x1CC00] =	vst v63  }
0x4a: {  	s21 =	simm.s32 $0x880;
	s22 =	simm.s32 $0xE000  }
0x4b: {  	[tilespmem:s22], [sflag:$0x2] =	stream.indirect.gather [hbm4b:s1+s15], $0x18, s21, s15, $0xb8;
	[tilespmem:$0x1CC00] =	vst v63  }
.Ltmp2:
0x4c: {  	_ = 	snop;
	(pc) =	sbr.rel .LBB2_2-.Ltmp2, $4  }
0x4d: {  	s18 =	simm.s32 $0x900;
	s20 =	simm.s32 $0xEC00  }
0x4e: {  	[tilespmem:s20], [sflag:$0x2] =	stream.indirect.gather [hbm4b:s1+s15], $0x18, s18, s15, $0xb8;
	[tilespmem:$0x1CC00] =	vst v63  }
0x4f: {  	s2 =	simm.s32 $0x0;
	s21 =	simm.s32 $0x980;
	s22 =	simm.s32 $0xF800  }
0x50: {  	[tilespmem:s22], [sflag:$0x2] =	stream.indirect.gather [hbm4b:s1+s15], $0x18, s21, s15, $0xb8;
	[tilespmem:$0x1CC00] =	vst v63  }
.LBB2_8:
0x51: {  	s2 =	sadd.s32 $0x1, s2  }
0x52: {  	p0 =	sne.s32 s2, $0xA  }
.Ltmp3:
0x53: {  	_ = 	snop;
	(pc) =	sbr.rel @!p0 .LBB2_9-.Ltmp3, $1  }
0x54: {  	_ =	sdelay $0x3  }
.LBB2_2:
0x55: {  	_ =	swait.ge [sflag:s23], $0xC00  }
0x56: {  	[sflag:s23] =	ssyncset.done $0x0  }
0x57: {  	[sflag:s23] =	ssyncadd.s32 $0xFFFFF400  }
0x58: {  	_ =	swait.ge [sflag:s23], $0xC00  }
0x59: {  	[sflag:s23] =	ssyncset.done $0x0  }
0x5a: {  	[sflag:s23] =	ssyncadd.s32 $0xFFFFF400  }
0x5b: {  	_ =	swait.ge [sflag:s23], $0xC00  }
0x5c: {  	[sflag:s23] =	ssyncset.done $0x0  }
0x5d: {  	[sflag:s23] =	ssyncadd.s32 $0xFFFFF400  }
0x5e: {  	_ =	swait.ge [sflag:s23], $0xC00  }
0x5f: {  	[sflag:s23] =	ssyncset.done $0x0  }
0x60: {  	[sflag:s23] =	ssyncadd.s32 $0xFFFFF400  }
0x61: {  	_ =	swait.ge [sflag:s23], $0xC00  }
0x62: {  	[sflag:s23] =	ssyncset.done $0x0  }
0x63: {  	[sflag:s23] =	ssyncadd.s32 $0xFFFFF400  }
0x64: {  	_ =	swait.ge [sflag:s23], $0xC00  }
0x65: {  	[sflag:s23] =	ssyncset.done $0x0  }
0x66: {  	[sflag:s23] =	ssyncadd.s32 $0xFFFFF400  }
0x67: {  	_ =	swait.ge [sflag:s23], $0xC00  }
0x68: {  	[sflag:s23] =	ssyncset.done $0x0  }
0x69: {  	[sflag:s23] =	ssyncadd.s32 $0xFFFFF400  }
0x6a: {  	_ =	swait.ge [sflag:s23], $0xC00  }
0x6b: {  	[sflag:s23] =	ssyncset.done $0x0  }
0x6c: {  	[sflag:s23] =	ssyncadd.s32 $0xFFFFF400  }
0x6d: {  	_ =	swait.ge [sflag:s23], $0xC00  }
0x6e: {  	[sflag:s23] =	ssyncset.done $0x0  }
0x6f: {  	[sflag:s23] =	ssyncadd.s32 $0xFFFFF400  }
0x70: {  	_ =	swait.ge [sflag:s23], $0xC00  }
0x71: {  	p0 =	seq.s32 s2, $0x0;
	[sflag:s23] =	ssyncset.done $0x0  }
0x72: {  	s18 =	simm.s32 @!p0 $0x3;
	[sflag:s23] =	ssyncadd.s32 $0xFFFFF400  }
0x73: {  	_ =	swait.ge @!p0 [sflag:s18], $0x6400  }
0x74: {  	v27 =	vld [tilespmem:$0x1FF20]  }
0x75: {  	v28 =	vld [tilespmem:$0x1FF30]  }
0x76: {  	v29 =	vld [tilespmem:$0x1FF40]  }
0x77: {  	v31 =	vld [tilespmem:$0x1FF50]  }
0x78: {  	s14 =	sshll.u32 s2, $0x6;
	s20 =	simm.s32 $0x0;
	v32 =	vld [tilespmem:$0x1FF60]  }
0x79: {  	s21 =	simm.s32 $0x14C0;
	s22 =	simm.s32 $0x0;
	[sflag:s18] =	ssyncset.done @!p0 $0x0;
	v33 =	vld [tilespmem:$0x1FF70]  }
0x7a: {  	s14 =	sor.u32 s4, s14;
	v35 =	vld [tilespmem:$0x1FF80];
	[sflag:s18] =	ssyncadd.s32 @!p0 $0xFFFF9C00;
	s18 =	simm.s32 $0xA00  }
.LBB2_3:
0x7b: {  	v40 =	vld [tilespmem:s18+$0x0];
	_ =	sdelay $0x3  }
0x7c: {  	v41 =	vmov s20  }
0x7d: {  	v41 =	vmul.u32 $0x18, v41;
	v40 =	vmul.f32 $-1.000000000e+01, v40;
	_ =	sdelay $0x1  }
0x7e: {  	v41 =	vbroadcast v41, $0x0;
	v40 =	vmul.f32 $1.442695020e+00, v40;
	_ =	sdelay $0x1  }
0x7f: {  	v56 =	vadd.s32 v2, v41;
	(erf) = vpow2.f32 v40  }
0x80: {  	v42 =	vadd.s32 v21, v41  }
0x81: {  	v45 =	vadd.s32 v43, v41  }
0x82: {  	v57 =	vadd.s32 v44, v41  }
0x83: {  	v58 =	vld [tilespmem:s21+$0xFFFFFF40]  }
0x84: {  	v24 =	vmov v43;
	v43 =	vld.idx.msk [tilespmem:v56+s16+$0x0], $0xffff  }
0x85: {  	v42 =	vld.idx.msk [tilespmem:v42+s16+$0x0], $0xffff  }
0x86: {  	v41 =	vld.idx.msk [tilespmem:v45+s16+$0x0], $0xffff  }
0x87: {  	v40 =	vld.idx.msk [tilespmem:v57+s16+$0x0], $0xffff  }
0x88: {  	v25 =	vmov v44;
	v44 =	vpop (erf)  }
0x89: {  	v59 =	vperm.xlane v44, v4  }
0x8a: {  	v60 =	vperm.xlane v43, v4;
	v61 =	vperm.xlane v42, v4  }
0x8b: {  	v62 =	vperm.xlane v41, v4;
	v45 =	vmul.f32 v59, v58  }
0x8c: {  	v26 =	vmovc v50;
	v30 =	vmov v63;
	v50 =	vperm.xlane v40, v4;
	v63 =	vperm.xlane v42, v5  }
0x8d: {  	v39 =	vmov v46;
	v46 =	vmul.f32 v60, v45;
	v55 =	vmul.f32 v61, v45  }
0x8e: {  	v51 =	vadd.f32 $0.0e+00, v45;
	v57 =	vmul.f32 v62, v45;
	v45 =	vmul.f32 v50, v45  }
0x8f: {  	v38 =	vmov v47;
	v47 =	vmul.f32 v46, v60;
	v53 =	vmul.f32 v61, v46  }
0x90: {  	v52 =	vadd.f32 $0.0e+00, v46;
	v54 =	vmul.f32 v62, v46;
	v46 =	vmul.f32 v50, v46  }
0x91: {  	v37 =	vmov v48;
	v56 =	vld [tilespmem:s21+$0xFFFFFF58];
	v48 =	vmul.f32 v55, v61;
	v59 =	vmul.f32 v62, v55  }
0x92: {  	v36 =	vmovc v49;
	v58 =	vadd.f32 $0.0e+00, v55;
	v55 =	vmul.f32 v50, v55;
	v49 =	vmul.f32 v57, v62  }
0x93: {  	v60 =	vperm.xlane v44, v5;
	v61 =	vmul.f32 v50, v57  }
0x94: {  	v57 =	vadd.f32 $0.0e+00, v57;
	v50 =	vmul.f32 v45, v50;
	v45 =	vadd.f32 $0.0e+00, v45  }
0x95: {  	v62 =	vperm.xlane v43, v5;
	v47 =	vadd.f32 $0.0e+00, v47;
	v53 =	vadd.f32 $0.0e+00, v53  }
0x96: {  	v54 =	vadd.f32 $0.0e+00, v54;
	v46 =	vadd.f32 $0.0e+00, v46;
	v56 =	vmul.f32 v60, v56  }
0x97: {  	v0 =	vperm.xlane v41, v5;
	v48 =	vadd.f32 $0.0e+00, v48;
	v59 =	vadd.f32 $0.0e+00, v59  }
0x98: {  	v55 =	vadd.f32 $0.0e+00, v55;
	v60 =	vadd.f32 $0.0e+00, v61;
	v61 =	vmul.f32 v62, v56  }
0x99: {  	v1 =	vperm.xlane v40, v5;
	v49 =	vadd.f32 $0.0e+00, v49;
	v50 =	vadd.f32 $0.0e+00, v50  }
0x9a: {  	v22 =	vmovc v2;
	v51 =	vadd.f32 v56, v51;
	v62 =	vmul.f32 v61, v62;
	v2 =	vmul.f32 v63, v61  }
0x9b: {  	v52 =	vadd.f32 v61, v52;
	v3 =	vmul.f32 v0, v61;
	v61 =	vmul.f32 v1, v61  }
0x9c: {  	v47 =	vadd.f32 v62, v47;
	v62 =	vmul.f32 v63, v56;
	v2 =	vadd.f32 v2, v53  }
0x9d: {  	v53 =	vld [tilespmem:s21+$0xFFFFFF70];
	v46 =	vadd.f32 v61, v46;
	v61 =	vmul.f32 v0, v56;
	v56 =	vmul.f32 v1, v56  }
0x9e: {  	v3 =	vadd.f32 v3, v54;
	v54 =	vmul.f32 v62, v63;
	v63 =	vmul.f32 v0, v62  }
0x9f: {  	v58 =	vadd.f32 v62, v58;
	v62 =	vmul.f32 v1, v62;
	v0 =	vmul.f32 v61, v0  }
0xa0: {  	v48 =	vadd.f32 v54, v48;
	v54 =	vperm.xlane v44, v6;
	v59 =	vadd.f32 v63, v59  }
0xa1: {  	v63 =	vmul.f32 v1, v61;
	v55 =	vadd.f32 v62, v55;
	v62 =	vperm.xlane v43, v6  }
0xa2: {  	v45 =	vadd.f32 v56, v45;
	v1 =	vmul.f32 v56, v1;
	v53 =	vmul.f32 v54, v53  }
0xa3: {  	v0 =	vadd.f32 v0, v49;
	v54 =	vadd.f32 v61, v57  }
0xa4: {  	v1 =	vadd.f32 v1, v50;
	v50 =	vperm.xlane v42, v6;
	v56 =	vmul.f32 v62, v53  }
0xa5: {  	v49 =	vadd.f32 v63, v60;
	v57 =	vperm.xlane v41, v6;
	v60 =	vperm.xlane v40, v6  }
0xa6: {  	v61 =	vmul.f32 v56, v62;
	v62 =	vmul.f32 v50, v56  }
0xa7: {  	v52 =	vadd.f32 v56, v52;
	v63 =	vmul.f32 v57, v56;
	v56 =	vmul.f32 v60, v56  }
0xa8: {  	v51 =	vadd.f32 v53, v51;
	v47 =	vadd.f32 v61, v47;
	v61 =	vmul.f32 v50, v53  }
0xa9: {  	v2 =	vadd.f32 v62, v2;
	v62 =	vld [tilespmem:s21+$0xFFFFFF88];
	v46 =	vadd.f32 v56, v46;
	v56 =	vmul.f32 v57, v53  }
0xaa: {  	v3 =	vadd.f32 v63, v3;
	v53 =	vmul.f32 v60, v53;
	v50 =	vmul.f32 v61, v50  }
0xab: {  	v58 =	vadd.f32 v61, v58;
	v63 =	vmul.f32 v57, v61;
	v61 =	vmul.f32 v60, v61  }
0xac: {  	v48 =	vadd.f32 v50, v48;
	v50 =	vmul.f32 v56, v57;
	v57 =	vperm.xlane v44, v7  }
0xad: {  	v54 =	vadd.f32 v56, v54;
	v45 =	vadd.f32 v53, v45  }
0xae: {  	v55 =	vadd.f32 v61, v55;
	v61 =	vperm.xlane v43, v7;
	v57 =	vmul.f32 v57, v62  }
0xaf: {  	v59 =	vadd.f32 v63, v59;
	v63 =	vmul.f32 v60, v56;
	v56 =	vmul.f32 v53, v60  }
0xb0: {  	v0 =	vadd.f32 v50, v0;
	v50 =	vperm.xlane v42, v7;
	v53 =	vmul.f32 v61, v57  }
0xb1: {  	v60 =	vperm.xlane v40, v7;
	v1 =	vadd.f32 v56, v1;
	v56 =	vperm.xlane v41, v7  }
0xb2: {  	v49 =	vadd.f32 v63, v49;
	v61 =	vmul.f32 v53, v61;
	v62 =	vmul.f32 v50, v53  }
0xb3: {  	v52 =	vadd.f32 v53, v52;
	v63 =	vmul.f32 v56, v53;
	v53 =	vmul.f32 v60, v53  }
0xb4: {  	v51 =	vadd.f32 v57, v51;
	v47 =	vadd.f32 v61, v47;
	v61 =	vmul.f32 v50, v57  }
0xb5: {  	v2 =	vadd.f32 v62, v2;
	v62 =	vld [tilespmem:s21+$0xFFFFFFA0];
	v46 =	vadd.f32 v53, v46;
	v53 =	vmul.f32 v56, v57  }
0xb6: {  	v3 =	vadd.f32 v63, v3;
	v57 =	vmul.f32 v60, v57;
	v50 =	vmul.f32 v61, v50  }
0xb7: {  	v58 =	vadd.f32 v61, v58;
	v63 =	vmul.f32 v56, v61;
	v61 =	vmul.f32 v60, v61  }
0xb8: {  	v48 =	vadd.f32 v50, v48;
	v50 =	vmul.f32 v53, v56;
	v56 =	vperm.xlane v44, v8  }
0xb9: {  	v45 =	vadd.f32 v57, v45;
	v59 =	vadd.f32 v63, v59  }
0xba: {  	v55 =	vadd.f32 v61, v55;
	v61 =	vperm.xlane v43, v8;
	v56 =	vmul.f32 v56, v62  }
0xbb: {  	v63 =	vmul.f32 v60, v53;
	v53 =	vadd.f32 v53, v54;
	v60 =	vmul.f32 v57, v60  }
0xbc: {  	v0 =	vadd.f32 v50, v0;
	v50 =	vperm.xlane v42, v8;
	v54 =	vmul.f32 v61, v56  }
0xbd: {  	v57 =	vperm.xlane v41, v8;
	v1 =	vadd.f32 v60, v1;
	v60 =	vperm.xlane v40, v8  }
0xbe: {  	v49 =	vadd.f32 v63, v49;
	v61 =	vmul.f32 v54, v61;
	v62 =	vmul.f32 v50, v54  }
0xbf: {  	v52 =	vadd.f32 v54, v52;
	v63 =	vmul.f32 v57, v54;
	v54 =	vmul.f32 v60, v54  }
0xc0: {  	v51 =	vadd.f32 v56, v51;
	v47 =	vadd.f32 v61, v47;
	v61 =	vmul.f32 v50, v56  }
0xc1: {  	v2 =	vadd.f32 v62, v2;
	v62 =	vld [tilespmem:s21+$0xFFFFFFB8];
	v46 =	vadd.f32 v54, v46;
	v54 =	vmul.f32 v57, v56  }
0xc2: {  	v3 =	vadd.f32 v63, v3;
	v56 =	vmul.f32 v60, v56;
	v50 =	vmul.f32 v61, v50  }
0xc3: {  	v58 =	vadd.f32 v61, v58;
	v63 =	vmul.f32 v57, v61;
	v61 =	vmul.f32 v60, v61  }
0xc4: {  	v48 =	vadd.f32 v50, v48;
	v50 =	vmul.f32 v54, v57;
	v57 =	vperm.xlane v44, v9  }
0xc5: {  	v53 =	vadd.f32 v54, v53;
	v45 =	vadd.f32 v56, v45  }
0xc6: {  	v55 =	vadd.f32 v61, v55;
	v61 =	vperm.xlane v43, v9;
	v57 =	vmul.f32 v57, v62  }
0xc7: {  	v59 =	vadd.f32 v63, v59;
	v63 =	vmul.f32 v60, v54;
	v62 =	vmul.f32 v56, v60  }
0xc8: {  	v0 =	vadd.f32 v50, v0;
	v50 =	vperm.xlane v42, v9;
	v54 =	vmul.f32 v61, v57  }
0xc9: {  	v49 =	vadd.f32 v63, v49;
	v56 =	vperm.xlane v41, v9;
	v60 =	vperm.xlane v40, v9  }
0xca: {  	v1 =	vadd.f32 v62, v1;
	v61 =	vmul.f32 v54, v61;
	v62 =	vmul.f32 v50, v54  }
0xcb: {  	v52 =	vadd.f32 v54, v52;
	v63 =	vmul.f32 v56, v54;
	v54 =	vmul.f32 v60, v54  }
0xcc: {  	v51 =	vadd.f32 v57, v51;
	v47 =	vadd.f32 v61, v47;
	v61 =	vmul.f32 v50, v57  }
0xcd: {  	v2 =	vadd.f32 v62, v2;
	v62 =	vld [tilespmem:s21+$0xFFFFFFD0];
	v46 =	vadd.f32 v54, v46;
	v54 =	vmul.f32 v56, v57  }
0xce: {  	v3 =	vadd.f32 v63, v3;
	v57 =	vmul.f32 v60, v57;
	v50 =	vmul.f32 v61, v50  }
0xcf: {  	v58 =	vadd.f32 v61, v58;
	v63 =	vmul.f32 v56, v61;
	v61 =	vmul.f32 v60, v61  }
0xd0: {  	v48 =	vadd.f32 v50, v48;
	v50 =	vmul.f32 v54, v56;
	v56 =	vperm.xlane v44, v10  }
0xd1: {  	v53 =	vadd.f32 v54, v53;
	v45 =	vadd.f32 v57, v45  }
0xd2: {  	v55 =	vadd.f32 v61, v55;
	v61 =	vperm.xlane v43, v10;
	v56 =	vmul.f32 v56, v62  }
0xd3: {  	v59 =	vadd.f32 v63, v59;
	v63 =	vmul.f32 v60, v54;
	v60 =	vmul.f32 v57, v60  }
0xd4: {  	v0 =	vadd.f32 v50, v0;
	v50 =	vperm.xlane v42, v10;
	v54 =	vmul.f32 v61, v56  }
0xd5: {  	v57 =	vperm.xlane v41, v10;
	v1 =	vadd.f32 v60, v1;
	v60 =	vperm.xlane v40, v10  }
0xd6: {  	v49 =	vadd.f32 v63, v49;
	v61 =	vmul.f32 v54, v61;
	v62 =	vmul.f32 v50, v54  }
0xd7: {  	v52 =	vadd.f32 v54, v52;
	v63 =	vmul.f32 v57, v54;
	v54 =	vmul.f32 v60, v54  }
0xd8: {  	v51 =	vadd.f32 v56, v51;
	v47 =	vadd.f32 v61, v47;
	v61 =	vmul.f32 v50, v56  }
0xd9: {  	v2 =	vadd.f32 v62, v2;
	v62 =	vld [tilespmem:s21+$0xFFFFFFE8];
	v46 =	vadd.f32 v54, v46;
	v54 =	vmul.f32 v57, v56  }
0xda: {  	v3 =	vadd.f32 v63, v3;
	v56 =	vmul.f32 v60, v56;
	v50 =	vmul.f32 v61, v50  }
0xdb: {  	v58 =	vadd.f32 v61, v58;
	v63 =	vmul.f32 v57, v61;
	v61 =	vmul.f32 v60, v61  }
0xdc: {  	v48 =	vadd.f32 v50, v48;
	v50 =	vmul.f32 v54, v57;
	v57 =	vperm.xlane v44, v11  }
0xdd: {  	v53 =	vadd.f32 v54, v53;
	v45 =	vadd.f32 v56, v45  }
0xde: {  	v55 =	vadd.f32 v61, v55;
	v61 =	vperm.xlane v43, v11;
	v57 =	vmul.f32 v57, v62  }
0xdf: {  	v59 =	vadd.f32 v63, v59;
	v63 =	vmul.f32 v60, v54;
	v62 =	vmul.f32 v56, v60  }
0xe0: {  	v0 =	vadd.f32 v50, v0;
	v50 =	vperm.xlane v42, v11;
	v54 =	vmul.f32 v61, v57  }
0xe1: {  	v49 =	vadd.f32 v63, v49;
	v56 =	vperm.xlane v41, v11;
	v60 =	vperm.xlane v40, v11  }
0xe2: {  	v1 =	vadd.f32 v62, v1;
	v61 =	vmul.f32 v54, v61;
	v62 =	vmul.f32 v50, v54  }
0xe3: {  	v52 =	vadd.f32 v54, v52;
	v63 =	vmul.f32 v56, v54;
	v54 =	vmul.f32 v60, v54  }
0xe4: {  	v51 =	vadd.f32 v57, v51;
	v47 =	vadd.f32 v61, v47;
	v61 =	vmul.f32 v50, v57  }
0xe5: {  	v2 =	vadd.f32 v62, v2;
	v62 =	vld [tilespmem:s21+$0x0];
	v46 =	vadd.f32 v54, v46;
	v54 =	vmul.f32 v56, v57  }
0xe6: {  	v3 =	vadd.f32 v63, v3;
	v57 =	vmul.f32 v60, v57;
	v50 =	vmul.f32 v61, v50  }
0xe7: {  	v58 =	vadd.f32 v61, v58;
	v63 =	vmul.f32 v56, v61;
	v61 =	vmul.f32 v60, v61  }
0xe8: {  	v48 =	vadd.f32 v50, v48;
	v50 =	vmul.f32 v54, v56;
	v56 =	vperm.xlane v44, v12  }
0xe9: {  	v53 =	vadd.f32 v54, v53;
	v45 =	vadd.f32 v57, v45  }
0xea: {  	v55 =	vadd.f32 v61, v55;
	v61 =	vperm.xlane v43, v12;
	v56 =	vmul.f32 v56, v62  }
0xeb: {  	v59 =	vadd.f32 v63, v59;
	v63 =	vmul.f32 v60, v54;
	v60 =	vmul.f32 v57, v60  }
0xec: {  	v0 =	vadd.f32 v50, v0;
	v50 =	vperm.xlane v42, v12;
	v54 =	vmul.f32 v61, v56  }
0xed: {  	v57 =	vperm.xlane v41, v12;
	v1 =	vadd.f32 v60, v1;
	v60 =	vperm.xlane v40, v12  }
0xee: {  	v49 =	vadd.f32 v63, v49;
	v61 =	vmul.f32 v54, v61;
	v62 =	vmul.f32 v50, v54  }
0xef: {  	v52 =	vadd.f32 v54, v52;
	v63 =	vmul.f32 v57, v54;
	v54 =	vmul.f32 v60, v54  }
0xf0: {  	v51 =	vadd.f32 v56, v51;
	v47 =	vadd.f32 v61, v47;
	v61 =	vmul.f32 v50, v56  }
0xf1: {  	v2 =	vadd.f32 v62, v2;
	v62 =	vld [tilespmem:s21+$0x18];
	v46 =	vadd.f32 v54, v46;
	v54 =	vmul.f32 v57, v56  }
0xf2: {  	v3 =	vadd.f32 v63, v3;
	v56 =	vmul.f32 v60, v56;
	v50 =	vmul.f32 v61, v50  }
0xf3: {  	v58 =	vadd.f32 v61, v58;
	v63 =	vmul.f32 v57, v61;
	v61 =	vmul.f32 v60, v61  }
0xf4: {  	v48 =	vadd.f32 v50, v48;
	v50 =	vmul.f32 v54, v57;
	v57 =	vperm.xlane v44, v13  }
0xf5: {  	v53 =	vadd.f32 v54, v53;
	v45 =	vadd.f32 v56, v45  }
0xf6: {  	v55 =	vadd.f32 v61, v55;
	v61 =	vperm.xlane v43, v13;
	v57 =	vmul.f32 v57, v62  }
0xf7: {  	v59 =	vadd.f32 v63, v59;
	v63 =	vmul.f32 v60, v54;
	v62 =	vmul.f32 v56, v60  }
0xf8: {  	v0 =	vadd.f32 v50, v0;
	v50 =	vperm.xlane v42, v13;
	v54 =	vmul.f32 v61, v57  }
0xf9: {  	v49 =	vadd.f32 v63, v49;
	v56 =	vperm.xlane v41, v13;
	v60 =	vperm.xlane v40, v13  }
0xfa: {  	v1 =	vadd.f32 v62, v1;
	v61 =	vmul.f32 v54, v61;
	v62 =	vmul.f32 v50, v54  }
0xfb: {  	v52 =	vadd.f32 v54, v52;
	v63 =	vmul.f32 v56, v54;
	v54 =	vmul.f32 v60, v54  }
0xfc: {  	v51 =	vadd.f32 v57, v51;
	v47 =	vadd.f32 v61, v47;
	v61 =	vmul.f32 v50, v57  }
0xfd: {  	v2 =	vadd.f32 v62, v2;
	v62 =	vld [tilespmem:s21+$0x30];
	v46 =	vadd.f32 v54, v46;
	v54 =	vmul.f32 v56, v57  }
0xfe: {  	v3 =	vadd.f32 v63, v3;
	v57 =	vmul.f32 v60, v57;
	v50 =	vmul.f32 v61, v50  }
0xff: {  	v58 =	vadd.f32 v61, v58;
	v63 =	vmul.f32 v56, v61;
	v61 =	vmul.f32 v60, v61  }
0x100: {  	v48 =	vadd.f32 v50, v48;
	v50 =	vmul.f32 v54, v56;
	v56 =	vperm.xlane v44, v14  }
0x101: {  	v53 =	vadd.f32 v54, v53;
	v45 =	vadd.f32 v57, v45  }
0x102: {  	v55 =	vadd.f32 v61, v55;
	v61 =	vperm.xlane v43, v14;
	v56 =	vmul.f32 v56, v62  }
0x103: {  	v59 =	vadd.f32 v63, v59;
	v63 =	vmul.f32 v60, v54;
	v60 =	vmul.f32 v57, v60  }
0x104: {  	v0 =	vadd.f32 v50, v0;
	v50 =	vperm.xlane v42, v14;
	v54 =	vmul.f32 v61, v56  }
0x105: {  	v57 =	vperm.xlane v41, v14;
	v1 =	vadd.f32 v60, v1;
	v60 =	vperm.xlane v40, v14  }
0x106: {  	v49 =	vadd.f32 v63, v49;
	v61 =	vmul.f32 v54, v61;
	v62 =	vmul.f32 v50, v54  }
0x107: {  	v52 =	vadd.f32 v54, v52;
	v63 =	vmul.f32 v57, v54;
	v54 =	vmul.f32 v60, v54  }
0x108: {  	v51 =	vadd.f32 v56, v51;
	v47 =	vadd.f32 v61, v47;
	v61 =	vmul.f32 v50, v56  }
0x109: {  	v2 =	vadd.f32 v62, v2;
	v62 =	vld [tilespmem:s21+$0x48];
	v46 =	vadd.f32 v54, v46;
	v54 =	vmul.f32 v57, v56  }
0x10a: {  	v3 =	vadd.f32 v63, v3;
	v56 =	vmul.f32 v60, v56;
	v50 =	vmul.f32 v61, v50  }
0x10b: {  	v58 =	vadd.f32 v61, v58;
	v63 =	vmul.f32 v57, v61;
	v61 =	vmul.f32 v60, v61  }
0x10c: {  	v48 =	vadd.f32 v50, v48;
	v50 =	vmul.f32 v54, v57;
	v57 =	vperm.xlane v44, v15  }
0x10d: {  	v53 =	vadd.f32 v54, v53;
	v45 =	vadd.f32 v56, v45  }
0x10e: {  	v55 =	vadd.f32 v61, v55;
	v61 =	vperm.xlane v43, v15;
	v57 =	vmul.f32 v57, v62  }
0x10f: {  	v59 =	vadd.f32 v63, v59;
	v63 =	vmul.f32 v60, v54;
	v62 =	vmul.f32 v56, v60  }
0x110: {  	v0 =	vadd.f32 v50, v0;
	v50 =	vperm.xlane v42, v15;
	v54 =	vmul.f32 v61, v57  }
0x111: {  	v49 =	vadd.f32 v63, v49;
	v56 =	vperm.xlane v41, v15;
	v60 =	vperm.xlane v40, v15  }
0x112: {  	v1 =	vadd.f32 v62, v1;
	v61 =	vmul.f32 v54, v61;
	v62 =	vmul.f32 v50, v54  }
0x113: {  	v52 =	vadd.f32 v54, v52;
	v63 =	vmul.f32 v56, v54;
	v54 =	vmul.f32 v60, v54  }
0x114: {  	v51 =	vadd.f32 v57, v51;
	v47 =	vadd.f32 v61, v47;
	v61 =	vmul.f32 v50, v57  }
0x115: {  	v2 =	vadd.f32 v62, v2;
	v62 =	vld [tilespmem:s21+$0x60];
	v46 =	vadd.f32 v54, v46;
	v54 =	vmul.f32 v56, v57  }
0x116: {  	v3 =	vadd.f32 v63, v3;
	v57 =	vmul.f32 v60, v57;
	v50 =	vmul.f32 v61, v50  }
0x117: {  	v58 =	vadd.f32 v61, v58;
	v63 =	vmul.f32 v56, v61;
	v61 =	vmul.f32 v60, v61  }
0x118: {  	v48 =	vadd.f32 v50, v48;
	v50 =	vmul.f32 v54, v56;
	v56 =	vperm.xlane v44, v16  }
0x119: {  	v53 =	vadd.f32 v54, v53;
	v45 =	vadd.f32 v57, v45  }
0x11a: {  	v55 =	vadd.f32 v61, v55;
	v61 =	vperm.xlane v43, v16;
	v56 =	vmul.f32 v56, v62  }
0x11b: {  	v59 =	vadd.f32 v63, v59;
	v63 =	vmul.f32 v60, v54;
	v60 =	vmul.f32 v57, v60  }
0x11c: {  	v57 =	vperm.xlane v41, v16;
	v0 =	vadd.f32 v50, v0;
	v54 =	vmul.f32 v61, v56  }
0x11d: {  	v49 =	vadd.f32 v63, v49;
	v1 =	vadd.f32 v60, v1;
	v50 =	vperm.xlane v42, v16  }
0x11e: {  	v60 =	vperm.xlane v40, v16;
	v51 =	vadd.f32 v56, v51;
	v61 =	vmul.f32 v54, v61  }
0x11f: {  	v52 =	vadd.f32 v54, v52;
	v62 =	vmul.f32 v50, v54;
	v63 =	vmul.f32 v57, v54  }
0x120: {  	v54 =	vmul.f32 v60, v54;
	v47 =	vadd.f32 v61, v47;
	v61 =	vmul.f32 v50, v56  }
0x121: {  	v18 =	vperm.xlane v44, v19;
	v2 =	vadd.f32 v62, v2;
	v3 =	vadd.f32 v63, v3;
	v62 =	vld [tilespmem:s21+$0x78]  }
0x122: {  	v46 =	vadd.f32 v54, v46;
	v54 =	vmul.f32 v57, v56;
	v50 =	vmul.f32 v61, v50  }
0x123: {  	v58 =	vadd.f32 v61, v58;
	v63 =	vmul.f32 v57, v61;
	v61 =	vmul.f32 v60, v61  }
0x124: {  	v48 =	vadd.f32 v50, v48;
	v50 =	vmul.f32 v54, v57;
	v57 =	vperm.xlane v44, v17  }
0x125: {  	v56 =	vmul.f32 v60, v56;
	v53 =	vadd.f32 v54, v53;
	v59 =	vadd.f32 v63, v59  }
0x126: {  	v55 =	vadd.f32 v61, v55;
	v61 =	vperm.xlane v43, v17;
	v57 =	vmul.f32 v57, v62  }
0x127: {  	v63 =	vmul.f32 v60, v54;
	v0 =	vadd.f32 v50, v0;
	v50 =	vmul.f32 v56, v60;
	v60 =	vld [tilespmem:s21+$0x90]  }
0x128: {  	v45 =	vadd.f32 v56, v45;
	v44 =	vperm.xlane v44, v20;
	v54 =	vmul.f32 v61, v57  }
0x129: {  	v23 =	vmovc v21;
	v21 =	vld [tilespmem:s21+$0xA8];
	v49 =	vadd.f32 v63, v49;
	v56 =	vperm.xlane v42, v17;
	v62 =	vperm.xlane v41, v17  }
0x12a: {  	v1 =	vadd.f32 v50, v1;
	v50 =	vperm.xlane v40, v17;
	v61 =	vmul.f32 v54, v61  }
0x12b: {  	v51 =	vadd.f32 v57, v51;
	v52 =	vadd.f32 v54, v52;
	v63 =	vmul.f32 v56, v54  }
0x12c: {  	v18 =	vmul.f32 v18, v60;
	v47 =	vadd.f32 v61, v47;
	v61 =	vmul.f32 v62, v54  }
0x12d: {  	v54 =	vmul.f32 v50, v54;
	v2 =	vadd.f32 v63, v2;
	v63 =	vmul.f32 v56, v57  }
0x12e: {  	v21 =	vmul.f32 v44, v21;
	v51 =	vadd.f32 v18, v51  }
0x12f: {  	v3 =	vadd.f32 v61, v3;
	v46 =	vadd.f32 v54, v46;
	v61 =	vmul.f32 v63, v56  }
0x130: {  	v56 =	vmul.f32 v62, v57;
	v54 =	vmul.f32 v62, v63;
	v51 =	vadd.f32 v21, v51  }
0x131: {  	v44 =	vadd.f32 v63, v58;
	v58 =	vmul.f32 v50, v63;
	v57 =	vmul.f32 v50, v57  }
0x132: {  	v48 =	vadd.f32 v61, v48;
	v61 =	vmul.f32 v56, v62;
	(erf) = vrcp.f32 v51  }
0x133: {  	v54 =	vadd.f32 v54, v59;
	v55 =	vadd.f32 v58, v55;
	v58 =	vperm.xlane v43, v19  }
0x134: {  	v62 =	vmul.f32 v50, v56;
	v53 =	vadd.f32 v56, v53;
	v50 =	vmul.f32 v57, v50  }
0x135: {  	v0 =	vadd.f32 v61, v0;
	v59 =	vmul.f32 v58, v18;
	v61 =	vperm.xlane v40, v19  }
0x136: {  	v56 =	vperm.xlane v42, v19;
	v45 =	vadd.f32 v57, v45;
	v57 =	vperm.xlane v41, v19  }
0x137: {  	v60 =	vmov s22;
	v43 =	vperm.xlane v43, v20;
	v63 =	vmul.f32 v61, v59  }
0x138: {  	v42 =	vperm.xlane v42, v20;
	v41 =	vperm.xlane v41, v20;
	vm0 =	veq.f32 v51, $0.0e+00  }
0x139: {  	v49 =	vadd.f32 v62, v49;
	v1 =	vadd.f32 v50, v1;
	v50 =	vmul.f32 v59, v58  }
0x13a: {  	v58 =	vmul.f32 v56, v59;
	v52 =	vadd.f32 v59, v52;
	v62 =	vmul.f32 v57, v59  }
0x13b: {  	v59 =	vmul.f32 v56, v18;
	v47 =	vadd.f32 v50, v47;
	v46 =	vadd.f32 v63, v46;
	v63 =	vpop (erf)  }
0x13c: {  	v2 =	vadd.f32 v58, v2;
	v58 =	vmul.f32 v43, v21;
	v51 =	vsel vm0, $0x0, v63;
	v63 =	vld [tilespmem:$0x1FF90]  }
0x13d: {  	v3 =	vadd.f32 v62, v3;
	v44 =	vadd.f32 v59, v44;
	v50 =	vmul.f32 v59, v56  }
0x13e: {  	v56 =	vand.u32 $0x7F, v60;
	v52 =	vadd.f32 v58, v52;
	v43 =	vmul.f32 v58, v43  }
0x13f: {  	v62 =	vmul.f32 v42, v21;
	v60 =	vmul.f32 v42, v58;
	v48 =	vadd.f32 v50, v48  }
0x140: {  	v43 =	vadd.f32 v43, v47;
	v47 =	vmul.f32 v51, v52;
	v52 =	vadd.s32 v27, v56  }
0x141: {  	v2 =	vadd.f32 v60, v2;
	v60 =	vmul.f32 v57, v18;
	v63 =	vor.u32 v63, v56  }
0x142: {  	v44 =	vadd.f32 v62, v44;
	v43 =	vmul.f32 v51, v43;
	v50 =	vmul.f32 v47, v47  }
0x143: {  	v40 =	vperm.xlane v40, v20;
	v18 =	vmul.f32 v61, v18;
	v53 =	vadd.f32 v60, v53  }
0x144: {  	v44 =	vmul.f32 v51, v44;
	v2 =	vmul.f32 v51, v2;
	v43 =	vsub.f32 v43, v50  }
0x145: {  	v45 =	vadd.f32 v18, v45;
	v50 =	vmul.f32 v57, v59;
	[tilespmem:v52+s24+$0x0] =	vst.idx.msk $0xffff, v47  }
0x146: {  	v52 =	vmul.f32 v41, v21;
	[tilespmem:v63+s24+$0x0] =	vst.idx.msk $0xffff, v43;
	v43 =	vmul.f32 v44, v47  }
0x147: {  	v21 =	vmul.f32 v40, v21;
	v50 =	vadd.f32 v50, v54;
	v63 =	vadd.s32 v28, v56  }
0x148: {  	v54 =	vmul.f32 v41, v58;
	v2 =	vsub.f32 v2, v43;
	v43 =	vadd.s32 v29, v56  }
0x149: {  	v58 =	vmul.f32 v40, v58;
	v53 =	vadd.f32 v52, v53  }
0x14a: {  	v42 =	vmul.f32 v62, v42;
	v45 =	vadd.f32 v21, v45;
	v3 =	vadd.f32 v54, v3  }
0x14b: {  	v54 =	vmul.f32 v61, v59;
	v46 =	vadd.f32 v58, v46;
	v53 =	vmul.f32 v53, v51  }
0x14c: {  	v59 =	vadd.s32 v30, v56;
	v3 =	vmul.f32 v3, v51;
	[tilespmem:v63+s24+$0x0] =	vst.idx.msk $0xffff, v2  }
0x14d: {  	v58 =	vmul.f32 v53, v47;
	[tilespmem:v43+s24+$0x0] =	vst.idx.msk $0xffff, v2;
	v2 =	vor.u32 v31, v56  }
0x14e: {  	v45 =	vmul.f32 v45, v51  }
0x14f: {  	v42 =	vadd.f32 v42, v48;
	v3 =	vsub.f32 v3, v58;
	v43 =	vadd.s32 v32, v56  }
0x150: {  	v46 =	vmul.f32 v46, v51;
	v47 =	vmul.f32 v45, v47;
	v58 =	vadd.s32 v33, v56  }
0x151: {  	v48 =	vadd.s32 v34, v56;
	v42 =	vmul.f32 v42, v51;
	[tilespmem:v59+s24+$0x0] =	vst.idx.msk $0xffff, v3  }
0x152: {  	v46 =	vsub.f32 v46, v47;
	[tilespmem:v2+s24+$0x0] =	vst.idx.msk $0xffff, v3;
	v3 =	vadd.s32 v35, v56  }
0x153: {  	v54 =	vadd.f32 v54, v55;
	v55 =	vmul.f32 v60, v57;
	v57 =	vmul.f32 v44, v44  }
0x154: {  	[tilespmem:v43+s24+$0x0] =	vst.idx.msk $0xffff, v46  }
0x155: {  	v42 =	vsub.f32 v42, v57;
	[tilespmem:v58+s24+$0x0] =	vst.idx.msk $0xffff, v46  }
0x156: {  	[tilespmem:v48+s24+$0x0] =	vst.idx.msk $0xffff, v44;
	v48 =	vld [tilespmem:$0x1FFF0]  }
0x157: {  	[tilespmem:v3+s24+$0x0] =	vst.idx.msk $0xffff, v42;
	v3 =	vld [tilespmem:$0x1FFE0]  }
0x158: {  	v2 =	vmul.f32 v41, v62;
	_ =	sdelay $0x1  }
0x159: {  	v2 =	vadd.f32 v2, v50  }
0x15a: {  	v59 =	vmul.f32 v40, v62;
	v47 =	vadd.s32 v48, v56  }
0x15b: {  	v62 =	vmul.f32 v53, v44;
	v2 =	vmul.f32 v2, v51;
	v3 =	vadd.s32 v3, v56;
	_ =	sdelay $0x1  }
0x15c: {  	v2 =	vsub.f32 v2, v62  }
0x15d: {  	v0 =	vadd.f32 v55, v0;
	v55 =	vld [tilespmem:$0x1FFD0]  }
0x15e: {  	v18 =	vmul.f32 v18, v61;
	v57 =	vld [tilespmem:$0x1FFB0];
	[tilespmem:v47+s24+$0x0] =	vst.idx.msk $0xffff, v2  }
0x15f: {  	[tilespmem:v3+s24+$0x0] =	vst.idx.msk $0xffff, v2;
	v3 =	vld [tilespmem:$0x1FFA0]  }
0x160: {  	v1 =	vadd.f32 v18, v1;
	v18 =	vmul.f32 v21, v40;
	v21 =	vadd.s32 v39, v56  }
0x161: {  	v41 =	vmul.f32 v52, v41;
	v46 =	vadd.f32 v59, v54;
	v54 =	vmul.f32 v61, v60  }
0x162: {  	v43 =	vadd.s32 v55, v56;
	v58 =	vmul.f32 v40, v52;
	v44 =	vmul.f32 v45, v44  }
0x163: {  	v46 =	vmul.f32 v46, v51;
	v42 =	vadd.f32 v54, v49;
	v48 =	vadd.s32 v57, v56  }
0x164: {  	v1 =	vadd.f32 v18, v1;
	v0 =	vadd.f32 v41, v0;
	v3 =	vadd.s32 v3, v56  }
0x165: {  	v59 =	vmul.f32 v53, v53;
	v44 =	vsub.f32 v46, v44;
	v2 =	vadd.f32 v58, v42  }
0x166: {  	v60 =	vadd.s32 v38, v56;
	v61 =	vmul.f32 v45, v53;
	v0 =	vmul.f32 v0, v51  }
0x167: {  	v62 =	vadd.s32 v37, v56;
	[tilespmem:v43+s24+$0x0] =	vst.idx.msk $0xffff, v44;
	v2 =	vmul.f32 v2, v51  }
0x168: {  	v18 =	vadd.s32 v36, v56;
	v0 =	vsub.f32 v0, v59;
	[tilespmem:v48+s24+$0x0] =	vst.idx.msk $0xffff, v44  }
0x169: {  	p1 =	sne.s32 s22, $0x4F;
	v2 =	vsub.f32 v2, v61;
	[tilespmem:v3+s24+$0x0] =	vst.idx.msk $0xffff, v53;
	v3 =	vadd.s32 v26, v56  }
.Ltmp4:
0x16a: {  	[tilespmem:v21+s24+$0x0] =	vst.idx.msk $0xffff, v0;
	v0 =	vmul.f32 v1, v51;
	v1 =	vmul.f32 v45, v45;
	(pc) =	sbr.rel @p1 .LBB2_3-.Ltmp4, $4  }
0x16b: {  	[tilespmem:v60+s24+$0x0] =	vst.idx.msk $0xffff, v2  }
0x16c: {  	[tilespmem:v62+s24+$0x0] =	vst.idx.msk $0xffff, v2;
	v0 =	vsub.f32 v0, v1  }
0x16d: {  	s18 =	sadd.s32 $0x10, s18;
	v63 =	vmovc v30;
	v50 =	vmovc v26;
	v49 =	vmov v36;
	v46 =	vmov v39;
	v47 =	vmov v38;
	[tilespmem:v18+s24+$0x0] =	vst.idx.msk $0xffff, v45  }
0x16e: {  	s20 =	sadd.s32 $0x10, s20;
	s21 =	sadd.s32 $0x180, s21;
	s22 =	sadd.s32 $0x1, s22;
	v43 =	vmovc v24;
	v48 =	vmovc v37;
	v44 =	vmov v25;
	v21 =	vmov v23;
	v2 =	vmov v22;
	[tilespmem:v3+s24+$0x0] =	vst.idx.msk $0xffff, v0  }
0x16f: {  	s18 =	smul.u32 $0xA, s14  }
0x170: {  	p1 =	sgt.u32 s14, $0x230  }
0x171: {  	s20 =	smul.u32 @!p1 $0xA0, s14;
	s18 =	sadd.s32 s7, s18  }
0x172: {  	[hbm4b:s18+s25] =	stream.strided.scatter [tilespmem:s24], [sflag:$0x3], $0x6400, s26, s25, $0x38;
	[tilespmem:$0x1CC00] =	vst v63  }
0x173: {  	s18 =	sadd.s32 @!p1 $0x2800, s20  }
0x174: {  	s21 =	simm.s32 @!p1 $0x0;
	s20 =	sadd.s32 @!p1 s6, s18  }
0x175: {  	[tilespmem:s21], [sflag:$0x5] =	stream.linear.gather @!p1 [hbm4b:s20+s21], $0x500, $0x38;
	[tilespmem:$0x1CC00] =	vst v63  }
0x176: {  	s20 =	simm.s32 @!p1 $0x5  }
0x177: {  	_ =	swait.ge @!p1 [sflag:s20], $0x500  }
0x178: {  	[sflag:s20] =	ssyncset.done @!p1 $0x0  }
0x179: {  	s22 =	simm.s32 @!p1 $0xA00;
	s18 =	sadd.s32 @!p1 s5, s18;
	[sflag:s20] =	ssyncadd.s32 @!p1 $0xFFFFFB00  }
0x17a: {  	[tilespmem:s22], [sflag:$0x5] =	stream.linear.gather @!p1 [hbm4b:s18+s21], $0x500, $0x38;
	[tilespmem:$0x1CC00] =	vst v63  }
0x17b: {  	_ =	swait.ge @!p1 [sflag:s20], $0x500  }
0x17c: {  	[sflag:s20] =	ssyncset.done @!p1 $0x0  }
0x17d: {  	s18 =	simm.s32 @!p1 $0x80;
	[sflag:s20] =	ssyncadd.s32 @!p1 $0xFFFFFB00;
	s20 =	simm.s32 @!p1 $0x1400  }
0x17e: {  	[tilespmem:s20], [sflag:$0x1] =	stream.indirect.gather @!p1 [hbm4b:s1+s18], $0x18, s21, s18, $0xb8;
	[tilespmem:$0x1CC00] =	vst v63  }
0x17f: {  	s20 =	simm.s32 @!p1 $0x2000  }
0x180: {  	[tilespmem:s20], [sflag:$0x1] =	stream.indirect.gather @!p1 [hbm4b:s1+s18], $0x18, s18, s18, $0xb8;
	[tilespmem:$0x1CC00] =	vst v63  }
0x181: {  	s21 =	simm.s32 @!p1 $0x2C00;
	s20 =	simm.s32 @!p1 $0x100  }
0x182: {  	[tilespmem:s21], [sflag:$0x1] =	stream.indirect.gather @!p1 [hbm4b:s1+s18], $0x18, s20, s18, $0xb8;
	[tilespmem:$0x1CC00] =	vst v63  }
0x183: {  	s20 =	simm.s32 @!p1 $0x180;
	s21 =	simm.s32 @!p1 $0x3800  }
0x184: {  	[tilespmem:s21], [sflag:$0x1] =	stream.indirect.gather @!p1 [hbm4b:s1+s18], $0x18, s20, s18, $0xb8;
	[tilespmem:$0x1CC00] =	vst v63  }
0x185: {  	s20 =	simm.s32 @!p1 $0x200;
	s21 =	simm.s32 @!p1 $0x4400  }
0x186: {  	[tilespmem:s21], [sflag:$0x1] =	stream.indirect.gather @!p1 [hbm4b:s1+s18], $0x18, s20, s18, $0xb8;
	[tilespmem:$0x1CC00] =	vst v63  }
0x187: {  	s20 =	simm.s32 @!p1 $0x280;
	s21 =	simm.s32 @!p1 $0x5000  }
0x188: {  	[tilespmem:s21], [sflag:$0x1] =	stream.indirect.gather @!p1 [hbm4b:s1+s18], $0x18, s20, s18, $0xb8;
	[tilespmem:$0x1CC00] =	vst v63  }
0x189: {  	s20 =	simm.s32 @!p1 $0x300;
	s21 =	simm.s32 @!p1 $0x5C00  }
0x18a: {  	[tilespmem:s21], [sflag:$0x1] =	stream.indirect.gather @!p1 [hbm4b:s1+s18], $0x18, s20, s18, $0xb8;
	[tilespmem:$0x1CC00] =	vst v63  }
0x18b: {  	s20 =	simm.s32 @!p1 $0x380;
	s21 =	simm.s32 @!p1 $0x6800  }
0x18c: {  	[tilespmem:s21], [sflag:$0x1] =	stream.indirect.gather @!p1 [hbm4b:s1+s18], $0x18, s20, s18, $0xb8;
	[tilespmem:$0x1CC00] =	vst v63  }
0x18d: {  	s20 =	simm.s32 @!p1 $0x400;
	s21 =	simm.s32 @!p1 $0x7400  }
0x18e: {  	[tilespmem:s21], [sflag:$0x1] =	stream.indirect.gather @!p1 [hbm4b:s1+s18], $0x18, s20, s18, $0xb8;
	[tilespmem:$0x1CC00] =	vst v63  }
0x18f: {  	s14 =	sor.u32 $0x20, s14;
	s20 =	simm.s32 @!p1 $0x480;
	s21 =	simm.s32 @!p1 $0x8000  }
0x190: {  	[tilespmem:s21], [sflag:$0x1] =	stream.indirect.gather @!p1 [hbm4b:s1+s18], $0x18, s20, s18, $0xb8;
	[tilespmem:$0x1CC00] =	vst v63  }
0x191: {  	p1 =	sgt.u32 s14, $0x270  }
.Ltmp5:
0x192: {  	v35 =	vld [tilespmem:$0x1FFF0];
	(pc) =	sbr.rel @p1 .LBB2_8-.Ltmp5, $4  }
0x193: {  	v27 =	vld [tilespmem:$0x1FFE0]  }
0x194: {  	v54 =	vld [tilespmem:$0x1FFD0]  }
0x195: {  	v31 =	vld [tilespmem:$0x1FFB0]  }
0x196: {  	v29 =	vld [tilespmem:$0x1FFA0]  }
0x197: {  	_ =	swait.ge [sflag:s28], $0xC00  }
0x198: {  	[sflag:s28] =	ssyncset.done $0x0  }
0x199: {  	[sflag:s28] =	ssyncadd.s32 $0xFFFFF400  }
0x19a: {  	_ =	swait.ge [sflag:s28], $0xC00  }
0x19b: {  	[sflag:s28] =	ssyncset.done $0x0  }
0x19c: {  	[sflag:s28] =	ssyncadd.s32 $0xFFFFF400  }
0x19d: {  	_ =	swait.ge [sflag:s28], $0xC00  }
0x19e: {  	[sflag:s28] =	ssyncset.done $0x0  }
0x19f: {  	[sflag:s28] =	ssyncadd.s32 $0xFFFFF400  }
0x1a0: {  	_ =	swait.ge [sflag:s28], $0xC00  }
0x1a1: {  	[sflag:s28] =	ssyncset.done $0x0  }
0x1a2: {  	[sflag:s28] =	ssyncadd.s32 $0xFFFFF400  }
0x1a3: {  	_ =	swait.ge [sflag:s28], $0xC00  }
0x1a4: {  	[sflag:s28] =	ssyncset.done $0x0  }
0x1a5: {  	[sflag:s28] =	ssyncadd.s32 $0xFFFFF400  }
0x1a6: {  	_ =	swait.ge [sflag:s28], $0xC00  }
0x1a7: {  	[sflag:s28] =	ssyncset.done $0x0  }
0x1a8: {  	[sflag:s28] =	ssyncadd.s32 $0xFFFFF400  }
0x1a9: {  	_ =	swait.ge [sflag:s28], $0xC00  }
0x1aa: {  	[sflag:s28] =	ssyncset.done $0x0  }
0x1ab: {  	[sflag:s28] =	ssyncadd.s32 $0xFFFFF400  }
0x1ac: {  	_ =	swait.ge [sflag:s28], $0xC00  }
0x1ad: {  	[sflag:s28] =	ssyncset.done $0x0  }
0x1ae: {  	[sflag:s28] =	ssyncadd.s32 $0xFFFFF400  }
0x1af: {  	_ =	swait.ge [sflag:s28], $0xC00  }
0x1b0: {  	[sflag:s28] =	ssyncset.done $0x0  }
0x1b1: {  	[sflag:s28] =	ssyncadd.s32 $0xFFFFF400  }
0x1b2: {  	_ =	swait.ge [sflag:s28], $0xC00  }
0x1b3: {  	[sflag:s28] =	ssyncset.done $0x0  }
0x1b4: {  	s18 =	simm.s32 @!p0 $0x4;
	[sflag:s28] =	ssyncadd.s32 $0xFFFFF400  }
0x1b5: {  	_ =	swait.ge @!p0 [sflag:s18], $0x6400  }
0x1b6: {  	v32 =	vld [tilespmem:$0x1FF60]  }
0x1b7: {  	s20 =	simm.s32 $0x0;
	s21 =	simm.s32 $0x8CC0;
	[sflag:s18] =	ssyncset.done @!p0 $0x0;
	v33 =	vld [tilespmem:$0x1FF70]  }
0x1b8: {  	s22 =	simm.s32 $0x0;
	v34 =	vld [tilespmem:$0x1FF80];
	[sflag:s18] =	ssyncadd.s32 @!p0 $0xFFFF9C00;
	s18 =	simm.s32 $0xF00  }
.LBB2_6:
0x1b9: {  	v0 =	vld [tilespmem:s18+$0x0];
	_ =	sdelay $0x2  }
0x1ba: {  	v1 =	vmov s20  }
0x1bb: {  	v1 =	vmul.u32 $0x18, v1  }
0x1bc: {  	v0 =	vmul.f32 $-1.000000000e+01, v0  }
0x1bd: {  	v1 =	vbroadcast v1, $0x0  }
0x1be: {  	v0 =	vmul.f32 $1.442695020e+00, v0  }
0x1bf: {  	v3 =	vadd.s32 v43, v1  }
0x1c0: {  	(erf) = vpow2.f32 v0;
	v0 =	vadd.s32 v2, v1  }
0x1c1: {  	v2 =	vadd.s32 v21, v1;
	_ =	sdelay $0x2  }
0x1c2: {  	v41 =	vld.idx.msk [tilespmem:v3+s19+$0x0], $0xffff  }
0x1c3: {  	v43 =	vld.idx.msk [tilespmem:v0+s19+$0x0], $0xffff  }
0x1c4: {  	v0 =	vadd.s32 v44, v1;
	v42 =	vld.idx.msk [tilespmem:v2+s19+$0x0], $0xffff;
	_ =	sdelay $0x1  }
0x1c5: {  	v1 =	vld [tilespmem:s21+$0xFFFFFF40]  }
0x1c6: {  	v50 =	vld [tilespmem:s21+$0xFFFFFF58];
	v18 =	vperm.xlane v41, v4;
	v44 =	vpop (erf)  }
0x1c7: {  	v58 =	vperm.xlane v41, v5;
	v2 =	vperm.xlane v44, v4  }
0x1c8: {  	v40 =	vld.idx.msk [tilespmem:v0+s19+$0x0], $0xffff;
	v0 =	vperm.xlane v43, v4;
	v3 =	vperm.xlane v42, v4  }
0x1c9: {  	v62 =	vperm.xlane v44, v5;
	v56 =	vperm.xlane v43, v5  }
0x1ca: {  	v57 =	vperm.xlane v42, v5;
	v1 =	vmul.f32 v2, v1  }
0x1cb: {  	v63 =	vperm.xlane v43, v6;
	v50 =	vmul.f32 v62, v50  }
0x1cc: {  	v2 =	vmul.f32 v0, v1;
	v49 =	vmul.f32 v3, v1  }
0x1cd: {  	v51 =	vmul.f32 v18, v1;
	v21 =	vperm.xlane v40, v4  }
0x1ce: {  	v45 =	vadd.f32 $0.0e+00, v1;
	v59 =	vperm.xlane v40, v5;
	v0 =	vmul.f32 v2, v0  }
0x1cf: {  	v46 =	vadd.f32 $0.0e+00, v2;
	v47 =	vmul.f32 v3, v2;
	v48 =	vmul.f32 v18, v2  }
0x1d0: {  	v3 =	vmul.f32 v49, v3;
	v52 =	vadd.f32 $0.0e+00, v49;
	v53 =	vmul.f32 v18, v49  }
0x1d1: {  	v18 =	vmul.f32 v51, v18;
	v45 =	vadd.f32 v50, v45;
	v2 =	vmul.f32 v21, v2  }
0x1d2: {  	v55 =	vmul.f32 v21, v51;
	v51 =	vadd.f32 $0.0e+00, v51;
	v0 =	vadd.f32 $0.0e+00, v0  }
0x1d3: {  	v49 =	vmul.f32 v21, v49;
	v47 =	vadd.f32 $0.0e+00, v47;
	v48 =	vadd.f32 $0.0e+00, v48  }
0x1d4: {  	v28 =	vmovc v54;
	v3 =	vadd.f32 $0.0e+00, v3;
	v54 =	vadd.f32 $0.0e+00, v55;
	v55 =	vmul.f32 v56, v50  }
0x1d5: {  	v1 =	vmul.f32 v21, v1;
	v53 =	vadd.f32 $0.0e+00, v53;
	v18 =	vadd.f32 $0.0e+00, v18  }
0x1d6: {  	v2 =	vadd.f32 $0.0e+00, v2;
	v49 =	vadd.f32 $0.0e+00, v49;
	v56 =	vmul.f32 v55, v56  }
0x1d7: {  	v46 =	vadd.f32 v55, v46;
	v60 =	vmul.f32 v57, v55;
	v61 =	vmul.f32 v58, v55  }
0x1d8: {  	v55 =	vmul.f32 v59, v55;
	v0 =	vadd.f32 v56, v0;
	v56 =	vmul.f32 v57, v50  }
0x1d9: {  	v21 =	vmul.f32 v1, v21;
	v1 =	vadd.f32 $0.0e+00, v1;
	v47 =	vadd.f32 v60, v47;
	v60 =	vld [tilespmem:s21+$0xFFFFFF70]  }
0x1da: {  	v2 =	vadd.f32 v55, v2;
	v55 =	vmul.f32 v56, v57;
	v57 =	vmul.f32 v58, v50  }
0x1db: {  	v21 =	vadd.f32 $0.0e+00, v21;
	v48 =	vadd.f32 v61, v48;
	v61 =	vmul.f32 v58, v56  }
0x1dc: {  	v3 =	vadd.f32 v55, v3;
	v55 =	vmul.f32 v57, v58;
	v58 =	vperm.xlane v44, v6  }
0x1dd: {  	v52 =	vadd.f32 v56, v52;
	v56 =	vmul.f32 v59, v56;
	v50 =	vmul.f32 v59, v50  }
0x1de: {  	v53 =	vadd.f32 v61, v53;
	v61 =	vmul.f32 v59, v57;
	v58 =	vmul.f32 v58, v60  }
0x1df: {  	v49 =	vadd.f32 v56, v49;
	v51 =	vadd.f32 v57, v51;
	v62 =	vmul.f32 v50, v59  }
0x1e0: {  	v1 =	vadd.f32 v50, v1;
	v57 =	vperm.xlane v41, v6;
	v50 =	vmul.f32 v63, v58  }
0x1e1: {  	v59 =	vperm.xlane v40, v6;
	v18 =	vadd.f32 v55, v18;
	v55 =	vperm.xlane v42, v6  }
0x1e2: {  	v54 =	vadd.f32 v61, v54;
	v21 =	vadd.f32 v62, v21;
	v56 =	vmul.f32 v50, v63  }
0x1e3: {  	v46 =	vadd.f32 v50, v46;
	v60 =	vmul.f32 v55, v50;
	v61 =	vmul.f32 v57, v50  }
0x1e4: {  	v50 =	vmul.f32 v59, v50;
	v0 =	vadd.f32 v56, v0;
	v56 =	vmul.f32 v55, v58  }
0x1e5: {  	v45 =	vadd.f32 v58, v45;
	v47 =	vadd.f32 v60, v47;
	v60 =	vld [tilespmem:s21+$0xFFFFFF88]  }
0x1e6: {  	v2 =	vadd.f32 v50, v2;
	v50 =	vmul.f32 v56, v55;
	v55 =	vmul.f32 v57, v58  }
0x1e7: {  	v63 =	vperm.xlane v43, v7;
	v48 =	vadd.f32 v61, v48;
	v61 =	vmul.f32 v57, v56  }
0x1e8: {  	v3 =	vadd.f32 v50, v3;
	v50 =	vmul.f32 v55, v57;
	v57 =	vperm.xlane v44, v7  }
0x1e9: {  	v52 =	vadd.f32 v56, v52;
	v56 =	vmul.f32 v59, v56;
	v58 =	vmul.f32 v59, v58  }
0x1ea: {  	v53 =	vadd.f32 v61, v53;
	v61 =	vmul.f32 v59, v55;
	v57 =	vmul.f32 v57, v60  }
0x1eb: {  	v49 =	vadd.f32 v56, v49;
	v51 =	vadd.f32 v55, v51;
	v62 =	vmul.f32 v58, v59  }
0x1ec: {  	v1 =	vadd.f32 v58, v1;
	v58 =	vperm.xlane v41, v7;
	v55 =	vmul.f32 v63, v57  }
0x1ed: {  	v59 =	vperm.xlane v40, v7;
	v18 =	vadd.f32 v50, v18;
	v50 =	vperm.xlane v42, v7  }
0x1ee: {  	v54 =	vadd.f32 v61, v54;
	v21 =	vadd.f32 v62, v21;
	v56 =	vmul.f32 v55, v63  }
0x1ef: {  	v46 =	vadd.f32 v55, v46;
	v60 =	vmul.f32 v50, v55;
	v61 =	vmul.f32 v58, v55  }
0x1f0: {  	v55 =	vmul.f32 v59, v55;
	v0 =	vadd.f32 v56, v0;
	v56 =	vmul.f32 v50, v57  }
0x1f1: {  	v45 =	vadd.f32 v57, v45;
	v47 =	vadd.f32 v60, v47;
	v60 =	vld [tilespmem:s21+$0xFFFFFFA0]  }
0x1f2: {  	v2 =	vadd.f32 v55, v2;
	v55 =	vmul.f32 v58, v57;
	v50 =	vmul.f32 v56, v50  }
0x1f3: {  	v48 =	vadd.f32 v61, v48;
	v57 =	vmul.f32 v59, v57;
	v61 =	vmul.f32 v58, v56  }
0x1f4: {  	v3 =	vadd.f32 v50, v3;
	v50 =	vmul.f32 v55, v58;
	v58 =	vperm.xlane v44, v8  }
0x1f5: {  	v63 =	vperm.xlane v43, v8;
	v52 =	vadd.f32 v56, v52;
	v56 =	vmul.f32 v59, v56  }
0x1f6: {  	v51 =	vadd.f32 v55, v51;
	v62 =	vmul.f32 v57, v59;
	v58 =	vmul.f32 v58, v60  }
0x1f7: {  	v1 =	vadd.f32 v57, v1;
	v57 =	vperm.xlane v41, v8;
	v53 =	vadd.f32 v61, v53  }
0x1f8: {  	v61 =	vmul.f32 v59, v55;
	v49 =	vadd.f32 v56, v49;
	v55 =	vmul.f32 v63, v58  }
0x1f9: {  	v21 =	vadd.f32 v62, v21;
	v18 =	vadd.f32 v50, v18;
	v50 =	vperm.xlane v42, v8  }
0x1fa: {  	v59 =	vperm.xlane v40, v8;
	v54 =	vadd.f32 v61, v54;
	v56 =	vmul.f32 v55, v63  }
0x1fb: {  	v46 =	vadd.f32 v55, v46;
	v60 =	vmul.f32 v50, v55;
	v61 =	vmul.f32 v57, v55  }
0x1fc: {  	v55 =	vmul.f32 v59, v55;
	v0 =	vadd.f32 v56, v0;
	v56 =	vmul.f32 v50, v58  }
0x1fd: {  	v45 =	vadd.f32 v58, v45;
	v47 =	vadd.f32 v60, v47;
	v60 =	vld [tilespmem:s21+$0xFFFFFFB8]  }
0x1fe: {  	v2 =	vadd.f32 v55, v2;
	v55 =	vmul.f32 v57, v58;
	v50 =	vmul.f32 v56, v50  }
0x1ff: {  	v48 =	vadd.f32 v61, v48;
	v58 =	vmul.f32 v59, v58;
	v61 =	vmul.f32 v57, v56  }
0x200: {  	v3 =	vadd.f32 v50, v3;
	v50 =	vmul.f32 v55, v57;
	v57 =	vperm.xlane v44, v9  }
0x201: {  	v63 =	vperm.xlane v43, v9;
	v52 =	vadd.f32 v56, v52;
	v56 =	vmul.f32 v59, v56  }
0x202: {  	v51 =	vadd.f32 v55, v51;
	v62 =	vmul.f32 v58, v59;
	v57 =	vmul.f32 v57, v60  }
0x203: {  	v1 =	vadd.f32 v58, v1;
	v58 =	vperm.xlane v41, v9;
	v53 =	vadd.f32 v61, v53  }
0x204: {  	v61 =	vmul.f32 v59, v55;
	v49 =	vadd.f32 v56, v49;
	v55 =	vmul.f32 v63, v57  }
0x205: {  	v21 =	vadd.f32 v62, v21;
	v18 =	vadd.f32 v50, v18;
	v50 =	vperm.xlane v42, v9  }
0x206: {  	v59 =	vperm.xlane v40, v9;
	v54 =	vadd.f32 v61, v54;
	v56 =	vmul.f32 v55, v63  }
0x207: {  	v46 =	vadd.f32 v55, v46;
	v60 =	vmul.f32 v50, v55;
	v61 =	vmul.f32 v58, v55  }
0x208: {  	v55 =	vmul.f32 v59, v55;
	v0 =	vadd.f32 v56, v0;
	v56 =	vmul.f32 v50, v57  }
0x209: {  	v45 =	vadd.f32 v57, v45;
	v47 =	vadd.f32 v60, v47;
	v60 =	vld [tilespmem:s21+$0xFFFFFFD0]  }
0x20a: {  	v2 =	vadd.f32 v55, v2;
	v55 =	vmul.f32 v58, v57;
	v50 =	vmul.f32 v56, v50  }
0x20b: {  	v48 =	vadd.f32 v61, v48;
	v57 =	vmul.f32 v59, v57;
	v61 =	vmul.f32 v58, v56  }
0x20c: {  	v3 =	vadd.f32 v50, v3;
	v50 =	vmul.f32 v55, v58;
	v58 =	vperm.xlane v44, v10  }
0x20d: {  	v63 =	vperm.xlane v43, v10;
	v52 =	vadd.f32 v56, v52;
	v56 =	vmul.f32 v59, v56  }
0x20e: {  	v51 =	vadd.f32 v55, v51;
	v62 =	vmul.f32 v57, v59;
	v58 =	vmul.f32 v58, v60  }
0x20f: {  	v1 =	vadd.f32 v57, v1;
	v57 =	vperm.xlane v41, v10;
	v53 =	vadd.f32 v61, v53  }
0x210: {  	v61 =	vmul.f32 v59, v55;
	v49 =	vadd.f32 v56, v49;
	v55 =	vmul.f32 v63, v58  }
0x211: {  	v21 =	vadd.f32 v62, v21;
	v18 =	vadd.f32 v50, v18;
	v50 =	vperm.xlane v42, v10  }
0x212: {  	v59 =	vperm.xlane v40, v10;
	v54 =	vadd.f32 v61, v54;
	v56 =	vmul.f32 v55, v63  }
0x213: {  	v46 =	vadd.f32 v55, v46;
	v60 =	vmul.f32 v50, v55;
	v61 =	vmul.f32 v57, v55  }
0x214: {  	v55 =	vmul.f32 v59, v55;
	v0 =	vadd.f32 v56, v0;
	v56 =	vmul.f32 v50, v58  }
0x215: {  	v45 =	vadd.f32 v58, v45;
	v47 =	vadd.f32 v60, v47;
	v60 =	vld [tilespmem:s21+$0xFFFFFFE8]  }
0x216: {  	v2 =	vadd.f32 v55, v2;
	v55 =	vmul.f32 v57, v58;
	v50 =	vmul.f32 v56, v50  }
0x217: {  	v48 =	vadd.f32 v61, v48;
	v58 =	vmul.f32 v59, v58;
	v61 =	vmul.f32 v57, v56  }
0x218: {  	v3 =	vadd.f32 v50, v3;
	v50 =	vmul.f32 v55, v57;
	v57 =	vperm.xlane v44, v11  }
0x219: {  	v63 =	vperm.xlane v43, v11;
	v52 =	vadd.f32 v56, v52;
	v56 =	vmul.f32 v59, v56  }
0x21a: {  	v51 =	vadd.f32 v55, v51;
	v62 =	vmul.f32 v58, v59;
	v57 =	vmul.f32 v57, v60  }
0x21b: {  	v1 =	vadd.f32 v58, v1;
	v58 =	vperm.xlane v41, v11;
	v53 =	vadd.f32 v61, v53  }
0x21c: {  	v61 =	vmul.f32 v59, v55;
	v49 =	vadd.f32 v56, v49;
	v55 =	vmul.f32 v63, v57  }
0x21d: {  	v21 =	vadd.f32 v62, v21;
	v18 =	vadd.f32 v50, v18;
	v50 =	vperm.xlane v42, v11  }
0x21e: {  	v59 =	vperm.xlane v40, v11;
	v54 =	vadd.f32 v61, v54;
	v56 =	vmul.f32 v55, v63  }
0x21f: {  	v46 =	vadd.f32 v55, v46;
	v60 =	vmul.f32 v50, v55;
	v61 =	vmul.f32 v58, v55  }
0x220: {  	v55 =	vmul.f32 v59, v55;
	v0 =	vadd.f32 v56, v0;
	v56 =	vmul.f32 v50, v57  }
0x221: {  	v45 =	vadd.f32 v57, v45;
	v47 =	vadd.f32 v60, v47;
	v60 =	vld [tilespmem:s21+$0x0]  }
0x222: {  	v2 =	vadd.f32 v55, v2;
	v55 =	vmul.f32 v58, v57;
	v50 =	vmul.f32 v56, v50  }
0x223: {  	v48 =	vadd.f32 v61, v48;
	v57 =	vmul.f32 v59, v57;
	v61 =	vmul.f32 v58, v56  }
0x224: {  	v3 =	vadd.f32 v50, v3;
	v50 =	vmul.f32 v55, v58;
	v58 =	vperm.xlane v44, v12  }
0x225: {  	v63 =	vperm.xlane v43, v12;
	v52 =	vadd.f32 v56, v52;
	v56 =	vmul.f32 v59, v56  }
0x226: {  	v51 =	vadd.f32 v55, v51;
	v62 =	vmul.f32 v57, v59;
	v58 =	vmul.f32 v58, v60  }
0x227: {  	v1 =	vadd.f32 v57, v1;
	v57 =	vperm.xlane v41, v12;
	v53 =	vadd.f32 v61, v53  }
0x228: {  	v61 =	vmul.f32 v59, v55;
	v49 =	vadd.f32 v56, v49;
	v55 =	vmul.f32 v63, v58  }
0x229: {  	v21 =	vadd.f32 v62, v21;
	v18 =	vadd.f32 v50, v18;
	v50 =	vperm.xlane v42, v12  }
0x22a: {  	v59 =	vperm.xlane v40, v12;
	v54 =	vadd.f32 v61, v54;
	v56 =	vmul.f32 v55, v63  }
0x22b: {  	v46 =	vadd.f32 v55, v46;
	v60 =	vmul.f32 v50, v55;
	v61 =	vmul.f32 v57, v55  }
0x22c: {  	v55 =	vmul.f32 v59, v55;
	v0 =	vadd.f32 v56, v0;
	v56 =	vmul.f32 v50, v58  }
0x22d: {  	v45 =	vadd.f32 v58, v45;
	v47 =	vadd.f32 v60, v47;
	v60 =	vld [tilespmem:s21+$0x18]  }
0x22e: {  	v2 =	vadd.f32 v55, v2;
	v55 =	vmul.f32 v57, v58;
	v50 =	vmul.f32 v56, v50  }
0x22f: {  	v48 =	vadd.f32 v61, v48;
	v58 =	vmul.f32 v59, v58;
	v61 =	vmul.f32 v57, v56  }
0x230: {  	v3 =	vadd.f32 v50, v3;
	v50 =	vmul.f32 v55, v57;
	v57 =	vperm.xlane v44, v13  }
0x231: {  	v63 =	vperm.xlane v43, v13;
	v52 =	vadd.f32 v56, v52;
	v56 =	vmul.f32 v59, v56  }
0x232: {  	v51 =	vadd.f32 v55, v51;
	v62 =	vmul.f32 v58, v59;
	v57 =	vmul.f32 v57, v60  }
0x233: {  	v1 =	vadd.f32 v58, v1;
	v58 =	vperm.xlane v41, v13;
	v53 =	vadd.f32 v61, v53  }
0x234: {  	v61 =	vmul.f32 v59, v55;
	v49 =	vadd.f32 v56, v49;
	v55 =	vmul.f32 v63, v57  }
0x235: {  	v21 =	vadd.f32 v62, v21;
	v18 =	vadd.f32 v50, v18;
	v50 =	vperm.xlane v42, v13  }
0x236: {  	v59 =	vperm.xlane v40, v13;
	v54 =	vadd.f32 v61, v54;
	v56 =	vmul.f32 v55, v63  }
0x237: {  	v46 =	vadd.f32 v55, v46;
	v60 =	vmul.f32 v50, v55;
	v61 =	vmul.f32 v58, v55  }
0x238: {  	v55 =	vmul.f32 v59, v55;
	v0 =	vadd.f32 v56, v0;
	v56 =	vmul.f32 v50, v57  }
0x239: {  	v45 =	vadd.f32 v57, v45;
	v47 =	vadd.f32 v60, v47;
	v60 =	vld [tilespmem:s21+$0x30]  }
0x23a: {  	v2 =	vadd.f32 v55, v2;
	v55 =	vmul.f32 v58, v57;
	v50 =	vmul.f32 v56, v50  }
0x23b: {  	v48 =	vadd.f32 v61, v48;
	v57 =	vmul.f32 v59, v57;
	v61 =	vmul.f32 v58, v56  }
0x23c: {  	v3 =	vadd.f32 v50, v3;
	v50 =	vmul.f32 v55, v58;
	v58 =	vperm.xlane v44, v14  }
0x23d: {  	v63 =	vperm.xlane v43, v14;
	v52 =	vadd.f32 v56, v52;
	v56 =	vmul.f32 v59, v56  }
0x23e: {  	v51 =	vadd.f32 v55, v51;
	v62 =	vmul.f32 v57, v59;
	v58 =	vmul.f32 v58, v60  }
0x23f: {  	v1 =	vadd.f32 v57, v1;
	v57 =	vperm.xlane v41, v14;
	v53 =	vadd.f32 v61, v53  }
0x240: {  	v61 =	vmul.f32 v59, v55;
	v49 =	vadd.f32 v56, v49;
	v55 =	vmul.f32 v63, v58  }
0x241: {  	v21 =	vadd.f32 v62, v21;
	v18 =	vadd.f32 v50, v18;
	v50 =	vperm.xlane v42, v14  }
0x242: {  	v59 =	vperm.xlane v40, v14;
	v54 =	vadd.f32 v61, v54;
	v56 =	vmul.f32 v55, v63  }
0x243: {  	v46 =	vadd.f32 v55, v46;
	v60 =	vmul.f32 v50, v55;
	v61 =	vmul.f32 v57, v55  }
0x244: {  	v55 =	vmul.f32 v59, v55;
	v0 =	vadd.f32 v56, v0;
	v56 =	vmul.f32 v50, v58  }
0x245: {  	v45 =	vadd.f32 v58, v45;
	v47 =	vadd.f32 v60, v47;
	v60 =	vld [tilespmem:s21+$0x48]  }
0x246: {  	v2 =	vadd.f32 v55, v2;
	v55 =	vmul.f32 v57, v58;
	v50 =	vmul.f32 v56, v50  }
0x247: {  	v48 =	vadd.f32 v61, v48;
	v58 =	vmul.f32 v59, v58;
	v61 =	vmul.f32 v57, v56  }
0x248: {  	v3 =	vadd.f32 v50, v3;
	v50 =	vmul.f32 v55, v57;
	v57 =	vperm.xlane v44, v15  }
0x249: {  	v63 =	vperm.xlane v43, v15;
	v52 =	vadd.f32 v56, v52;
	v56 =	vmul.f32 v59, v56  }
0x24a: {  	v51 =	vadd.f32 v55, v51;
	v62 =	vmul.f32 v58, v59;
	v57 =	vmul.f32 v57, v60  }
0x24b: {  	v1 =	vadd.f32 v58, v1;
	v58 =	vperm.xlane v41, v15;
	v53 =	vadd.f32 v61, v53  }
0x24c: {  	v61 =	vmul.f32 v59, v55;
	v49 =	vadd.f32 v56, v49;
	v55 =	vmul.f32 v63, v57  }
0x24d: {  	v21 =	vadd.f32 v62, v21;
	v18 =	vadd.f32 v50, v18;
	v50 =	vperm.xlane v42, v15  }
0x24e: {  	v59 =	vperm.xlane v40, v15;
	v54 =	vadd.f32 v61, v54;
	v56 =	vmul.f32 v55, v63  }
0x24f: {  	v46 =	vadd.f32 v55, v46;
	v60 =	vmul.f32 v50, v55;
	v61 =	vmul.f32 v58, v55  }
0x250: {  	v55 =	vmul.f32 v59, v55;
	v0 =	vadd.f32 v56, v0;
	v56 =	vmul.f32 v50, v57  }
0x251: {  	v45 =	vadd.f32 v57, v45;
	v63 =	vperm.xlane v43, v16;
	v47 =	vadd.f32 v60, v47;
	v60 =	vld [tilespmem:s21+$0x60]  }
0x252: {  	v2 =	vadd.f32 v55, v2;
	v55 =	vmul.f32 v58, v57;
	v50 =	vmul.f32 v56, v50  }
0x253: {  	v48 =	vadd.f32 v61, v48;
	v57 =	vmul.f32 v59, v57;
	v61 =	vmul.f32 v58, v56  }
0x254: {  	v3 =	vadd.f32 v50, v3;
	v50 =	vmul.f32 v55, v58;
	v58 =	vperm.xlane v44, v16  }
0x255: {  	v52 =	vadd.f32 v56, v52;
	v56 =	vmul.f32 v59, v56;
	v51 =	vadd.f32 v55, v51  }
0x256: {  	v1 =	vadd.f32 v57, v1;
	v53 =	vadd.f32 v61, v53;
	v58 =	vmul.f32 v58, v60  }
0x257: {  	v61 =	vmul.f32 v59, v55;
	v49 =	vadd.f32 v56, v49;
	v60 =	vmul.f32 v57, v59  }
0x258: {  	v18 =	vadd.f32 v50, v18;
	v50 =	vperm.xlane v42, v16;
	v55 =	vmul.f32 v63, v58  }
0x259: {  	v54 =	vadd.f32 v61, v54;
	v57 =	vperm.xlane v41, v16;
	v59 =	vperm.xlane v40, v16  }
0x25a: {  	v21 =	vadd.f32 v60, v21;
	v45 =	vadd.f32 v58, v45;
	v56 =	vmul.f32 v55, v63  }
0x25b: {  	v46 =	vadd.f32 v55, v46;
	v60 =	vmul.f32 v50, v55;
	v61 =	vmul.f32 v57, v55  }
0x25c: {  	v55 =	vmul.f32 v59, v55;
	v0 =	vadd.f32 v56, v0;
	v56 =	vmul.f32 v50, v58  }
0x25d: {  	v62 =	vperm.xlane v44, v19;
	v47 =	vadd.f32 v60, v47;
	v48 =	vadd.f32 v61, v48;
	v60 =	vld [tilespmem:s21+$0x78]  }
0x25e: {  	v2 =	vadd.f32 v55, v2;
	v55 =	vmul.f32 v57, v58;
	v50 =	vmul.f32 v56, v50  }
0x25f: {  	v52 =	vadd.f32 v56, v52;
	v61 =	vmul.f32 v57, v56;
	v56 =	vmul.f32 v59, v56  }
0x260: {  	v3 =	vadd.f32 v50, v3;
	v50 =	vmul.f32 v55, v57;
	v57 =	vperm.xlane v44, v17  }
0x261: {  	v58 =	vmul.f32 v59, v58;
	v53 =	vadd.f32 v61, v53;
	v61 =	vmul.f32 v59, v55  }
0x262: {  	v49 =	vadd.f32 v56, v49;
	v56 =	vperm.xlane v43, v17;
	v57 =	vmul.f32 v57, v60  }
0x263: {  	v18 =	vadd.f32 v50, v18;
	v50 =	vadd.f32 v61, v54;
	v54 =	vmul.f32 v58, v59;
	v59 =	vld [tilespmem:s21+$0x90]  }
0x264: {  	v51 =	vadd.f32 v55, v51;
	v44 =	vperm.xlane v44, v20;
	v55 =	vmul.f32 v56, v57  }
0x265: {  	v63 =	vld [tilespmem:s21+$0xA8];
	v1 =	vadd.f32 v58, v1;
	v58 =	vperm.xlane v42, v17;
	v60 =	vperm.xlane v41, v17  }
0x266: {  	v21 =	vadd.f32 v54, v21;
	v54 =	vperm.xlane v40, v17;
	v56 =	vmul.f32 v55, v56  }
0x267: {  	v45 =	vadd.f32 v57, v45;
	v46 =	vadd.f32 v55, v46;
	v61 =	vmul.f32 v58, v55  }
0x268: {  	v59 =	vmul.f32 v62, v59;
	v0 =	vadd.f32 v56, v0;
	v56 =	vmul.f32 v60, v55  }
0x269: {  	v55 =	vmul.f32 v54, v55;
	v47 =	vadd.f32 v61, v47;
	v61 =	vmul.f32 v58, v57  }
0x26a: {  	v44 =	vmul.f32 v44, v63;
	v45 =	vadd.f32 v59, v45  }
0x26b: {  	v48 =	vadd.f32 v56, v48;
	v2 =	vadd.f32 v55, v2;
	v55 =	vmul.f32 v61, v58  }
0x26c: {  	v56 =	vmul.f32 v60, v57;
	v52 =	vadd.f32 v61, v52;
	v58 =	vmul.f32 v54, v61  }
0x26d: {  	v57 =	vmul.f32 v54, v57;
	v3 =	vadd.f32 v55, v3;
	v55 =	vmul.f32 v60, v61  }
0x26e: {  	v45 =	vadd.f32 v44, v45;
	v60 =	vmul.f32 v56, v60;
	v61 =	vmul.f32 v54, v56  }
0x26f: {  	v49 =	vadd.f32 v58, v49;
	v58 =	vperm.xlane v43, v19;
	v54 =	vmul.f32 v57, v54  }
0x270: {  	v1 =	vadd.f32 v57, v1;
	v57 =	vperm.xlane v41, v19;
	v43 =	vperm.xlane v43, v20  }
0x271: {  	v51 =	vadd.f32 v56, v51;
	(erf) = vrcp.f32 v45;
	v56 =	vmul.f32 v58, v59  }
0x272: {  	v53 =	vadd.f32 v55, v53;
	v18 =	vadd.f32 v60, v18;
	v55 =	vperm.xlane v42, v19  }
0x273: {  	v60 =	vperm.xlane v40, v19;
	v21 =	vadd.f32 v54, v21;
	v54 =	vmul.f32 v56, v58  }
0x274: {  	v50 =	vadd.f32 v61, v50;
	v58 =	vmul.f32 v55, v56;
	v61 =	vmul.f32 v57, v56  }
0x275: {  	v46 =	vadd.f32 v56, v46;
	v63 =	vmul.f32 v60, v56;
	v56 =	vmul.f32 v55, v59  }
0x276: {  	v62 =	vmov s22;
	v0 =	vadd.f32 v54, v0;
	v47 =	vadd.f32 v58, v47  }
0x277: {  	v58 =	vmul.f32 v43, v44;
	v54 =	vmul.f32 v56, v55;
	v55 =	vand.u32 $0x7F, v62;
	v62 =	vld [tilespmem:$0x1FF20]  }
0x278: {  	v2 =	vadd.f32 v63, v2;
	v63 =	vld [tilespmem:$0x1FF90]  }
0x279: {  	vm0 =	veq.f32 v45, $0.0e+00;
	v43 =	vmul.f32 v58, v43  }
0x27a: {  	v42 =	vperm.xlane v42, v20;
	v48 =	vadd.f32 v61, v48;
	v46 =	vadd.f32 v58, v46;
	v61 =	vpop (erf)  }
0x27b: {  	v52 =	vadd.f32 v56, v52;
	v0 =	vadd.f32 v43, v0;
	v45 =	vsel vm0, $0x0, v61  }
0x27c: {  	v43 =	vmul.f32 v45, v46;
	v46 =	vadd.s32 v62, v55;
	v62 =	vmul.f32 v42, v44  }
0x27d: {  	v3 =	vadd.f32 v54, v3;
	v61 =	vmul.f32 v42, v58;
	v63 =	vor.u32 v63, v55  }
0x27e: {  	v0 =	vmul.f32 v45, v0;
	v54 =	vmul.f32 v43, v43;
	v52 =	vadd.f32 v62, v52;
	_ =	sdelay $0x1  }
0x27f: {  	v47 =	vadd.f32 v61, v47;
	v0 =	vsub.f32 v0, v54;
	v52 =	vmul.f32 v45, v52  }
0x280: {  	[tilespmem:v46+s29+$0x0] =	vst.idx.msk $0xffff, v43  }
0x281: {  	[tilespmem:v63+s29+$0x0] =	vst.idx.msk $0xffff, v0;
	v0 =	vmul.f32 v45, v47;
	v47 =	vmul.f32 v52, v43  }
0x282: {  	v63 =	vld [tilespmem:$0x1FF30]  }
0x283: {  	v0 =	vsub.f32 v0, v47;
	v47 =	vld [tilespmem:$0x1FF40];
	_ =	sdelay $0x3  }
0x284: {  	v63 =	vadd.s32 v63, v55  }
0x285: {  	v41 =	vperm.xlane v41, v20;
	v54 =	vmul.f32 v57, v56;
	v47 =	vadd.s32 v47, v55  }
0x286: {  	v40 =	vperm.xlane v40, v20;
	v61 =	vmul.f32 v57, v59  }
0x287: {  	v46 =	vmul.f32 v60, v59;
	v53 =	vadd.f32 v54, v53;
	v54 =	vmul.f32 v41, v58  }
0x288: {  	v51 =	vadd.f32 v61, v51;
	v59 =	vmul.f32 v41, v44;
	v44 =	vmul.f32 v40, v44  }
0x289: {  	v48 =	vadd.f32 v54, v48;
	v54 =	vmul.f32 v60, v56;
	[tilespmem:v63+s29+$0x0] =	vst.idx.msk $0xffff, v0  }
0x28a: {  	v51 =	vadd.f32 v59, v51;
	v1 =	vadd.f32 v46, v1;
	[tilespmem:v47+s29+$0x0] =	vst.idx.msk $0xffff, v0;
	v0 =	vld [tilespmem:$0x1FF50]  }
0x28b: {  	v58 =	vmul.f32 v40, v58  }
0x28c: {  	v42 =	vmul.f32 v62, v42;
	v51 =	vmul.f32 v51, v45;
	v1 =	vadd.f32 v44, v1  }
0x28d: {  	v2 =	vadd.f32 v58, v2;
	v48 =	vmul.f32 v48, v45;
	v49 =	vadd.f32 v54, v49;
	v54 =	vmovc v28;
	v28 =	vld [tilespmem:$0x1FFC0]  }
0x28e: {  	v58 =	vadd.s32 v30, v55;
	v1 =	vmul.f32 v1, v45;
	v63 =	vmul.f32 v51, v43  }
0x28f: {  	v3 =	vadd.f32 v42, v3;
	v2 =	vmul.f32 v2, v45;
	v0 =	vor.u32 v0, v55  }
0x290: {  	v43 =	vmul.f32 v1, v43;
	v63 =	vsub.f32 v48, v63;
	v48 =	vadd.s32 v32, v55  }
0x291: {  	v56 =	vadd.s32 v33, v55  }
0x292: {  	v3 =	vmul.f32 v3, v45;
	v42 =	vadd.s32 v28, v55;
	v2 =	vsub.f32 v2, v43  }
0x293: {  	[tilespmem:v58+s29+$0x0] =	vst.idx.msk $0xffff, v63;
	v58 =	vmul.f32 v61, v57;
	v57 =	vmul.f32 v52, v52  }
0x294: {  	[tilespmem:v0+s29+$0x0] =	vst.idx.msk $0xffff, v63;
	v0 =	vmul.f32 v41, v62;
	v63 =	vadd.s32 v34, v55  }
0x295: {  	[tilespmem:v48+s29+$0x0] =	vst.idx.msk $0xffff, v2  }
0x296: {  	v3 =	vsub.f32 v3, v57;
	[tilespmem:v56+s29+$0x0] =	vst.idx.msk $0xffff, v2;
	v0 =	vadd.f32 v0, v53  }
0x297: {  	v2 =	vadd.f32 v58, v18;
	v18 =	vmul.f32 v40, v62;
	v58 =	vmul.f32 v51, v52  }
0x298: {  	v62 =	vadd.s32 v35, v55;
	[tilespmem:v42+s29+$0x0] =	vst.idx.msk $0xffff, v52;
	v0 =	vmul.f32 v0, v45  }
0x299: {  	v18 =	vadd.f32 v18, v49;
	[tilespmem:v63+s29+$0x0] =	vst.idx.msk $0xffff, v3;
	v3 =	vadd.s32 v27, v55  }
0x29a: {  	v57 =	vadd.s32 v31, v55;
	v41 =	vmul.f32 v59, v41;
	v53 =	vadd.s32 v54, v55  }
0x29b: {  	v56 =	vmul.f32 v1, v52;
	v0 =	vsub.f32 v0, v58;
	v18 =	vmul.f32 v18, v45  }
0x29c: {  	v46 =	vmul.f32 v46, v60;
	v2 =	vadd.f32 v41, v2;
	v63 =	vmul.f32 v60, v61  }
0x29d: {  	v58 =	vmul.f32 v40, v59;
	[tilespmem:v62+s29+$0x0] =	vst.idx.msk $0xffff, v0;
	v18 =	vsub.f32 v18, v56  }
0x29e: {  	v40 =	vmul.f32 v44, v40;
	v47 =	vadd.f32 v63, v50;
	[tilespmem:v3+s29+$0x0] =	vst.idx.msk $0xffff, v0  }
0x29f: {  	v0 =	vadd.f32 v46, v21;
	v21 =	vadd.s32 v29, v55;
	[tilespmem:v53+s29+$0x0] =	vst.idx.msk $0xffff, v18  }
0x2a0: {  	v3 =	vadd.f32 v58, v47;
	[tilespmem:v57+s29+$0x0] =	vst.idx.msk $0xffff, v18;
	v18 =	vadd.s32 v39, v55  }
0x2a1: {  	v60 =	vadd.s32 v38, v55;
	v2 =	vmul.f32 v2, v45;
	v59 =	vmul.f32 v51, v51  }
0x2a2: {  	v61 =	vmul.f32 v1, v51;
	v62 =	vadd.s32 v37, v55;
	v3 =	vmul.f32 v3, v45  }
0x2a3: {  	v63 =	vadd.s32 v36, v55;
	v2 =	vsub.f32 v2, v59;
	v0 =	vadd.f32 v40, v0  }
0x2a4: {  	p0 =	sne.s32 s22, $0x4F;
	v3 =	vsub.f32 v3, v61;
	[tilespmem:v21+s29+$0x0] =	vst.idx.msk $0xffff, v51;
	v21 =	vadd.s32 v26, v55  }
.Ltmp6:
0x2a5: {  	v0 =	vmul.f32 v0, v45;
	[tilespmem:v18+s29+$0x0] =	vst.idx.msk $0xffff, v2;
	v2 =	vmul.f32 v1, v1;
	(pc) =	sbr.rel @p0 .LBB2_6-.Ltmp6, $4  }
0x2a6: {  	[tilespmem:v60+s29+$0x0] =	vst.idx.msk $0xffff, v3  }
0x2a7: {  	[tilespmem:v62+s29+$0x0] =	vst.idx.msk $0xffff, v3;
	v0 =	vsub.f32 v0, v2  }
0x2a8: {  	s18 =	sadd.s32 $0x10, s18;
	[tilespmem:v63+s29+$0x0] =	vst.idx.msk $0xffff, v1  }
0x2a9: {  	s20 =	sadd.s32 $0x10, s20;
	s21 =	sadd.s32 $0x180, s21;
	s22 =	sadd.s32 $0x1, s22;
	v43 =	vmovc v24;
	v44 =	vmov v25;
	v2 =	vmov v22;
	[tilespmem:v21+s29+$0x0] =	vst.idx.msk $0xffff, v0;
	v21 =	vmov v23  }
0x2aa: {  	s18 =	smul.u32 $0xA, s14  }
0x2ab: {  	p0 =	sgt.u32 s14, $0x230  }
0x2ac: {  	s14 =	smul.u32 @!p0 $0xA0, s14;
	s18 =	sadd.s32 s7, s18  }
0x2ad: {  	[hbm4b:s18+s25] =	stream.strided.scatter [tilespmem:s29], [sflag:$0x4], $0x6400, s26, s25, $0x38;
	[tilespmem:$0x1CC00] =	vst v63  }
0x2ae: {  	s14 =	sadd.s32 @!p0 $0x2800, s14  }
0x2af: {  	s20 =	simm.s32 @!p0 $0x0;
	s21 =	simm.s32 @!p0 $0x500;
	s18 =	sadd.s32 @!p0 s6, s14  }
0x2b0: {  	[tilespmem:s21], [sflag:$0x5] =	stream.linear.gather @!p0 [hbm4b:s18+s20], $0x500, $0x38;
	[tilespmem:$0x1CC00] =	vst v63  }
0x2b1: {  	s18 =	simm.s32 @!p0 $0x5  }
0x2b2: {  	_ =	swait.ge @!p0 [sflag:s18], $0x500  }
0x2b3: {  	[sflag:s18] =	ssyncset.done @!p0 $0x0  }
0x2b4: {  	s22 =	simm.s32 @!p0 $0xF00;
	s14 =	sadd.s32 @!p0 s5, s14;
	[sflag:s18] =	ssyncadd.s32 @!p0 $0xFFFFFB00  }
0x2b5: {  	[tilespmem:s22], [sflag:$0x5] =	stream.linear.gather @!p0 [hbm4b:s14+s20], $0x500, $0x38;
	[tilespmem:$0x1CC00] =	vst v63  }
0x2b6: {  	_ =	swait.ge @!p0 [sflag:s18], $0x500  }
0x2b7: {  	[sflag:s18] =	ssyncset.done @!p0 $0x0  }
0x2b8: {  	s14 =	simm.s32 @!p0 $0x80;
	[sflag:s18] =	ssyncadd.s32 @!p0 $0xFFFFFB00;
	s18 =	simm.s32 @!p0 $0x8C00  }
0x2b9: {  	[tilespmem:s18], [sflag:$0x2] =	stream.indirect.gather @!p0 [hbm4b:s1+s14], $0x18, s21, s14, $0xb8;
	[tilespmem:$0x1CC00] =	vst v63  }
0x2ba: {  	s20 =	simm.s32 @!p0 $0x9800;
	s18 =	simm.s32 @!p0 $0x580  }
0x2bb: {  	[tilespmem:s20], [sflag:$0x2] =	stream.indirect.gather @!p0 [hbm4b:s1+s14], $0x18, s18, s14, $0xb8;
	[tilespmem:$0x1CC00] =	vst v63  }
0x2bc: {  	s18 =	simm.s32 @!p0 $0x600;
	s20 =	simm.s32 @!p0 $0xA400  }
0x2bd: {  	[tilespmem:s20], [sflag:$0x2] =	stream.indirect.gather @!p0 [hbm4b:s1+s14], $0x18, s18, s14, $0xb8;
	[tilespmem:$0x1CC00] =	vst v63  }
0x2be: {  	s18 =	simm.s32 @!p0 $0x680;
	s20 =	simm.s32 @!p0 $0xB000  }
0x2bf: {  	[tilespmem:s20], [sflag:$0x2] =	stream.indirect.gather @!p0 [hbm4b:s1+s14], $0x18, s18, s14, $0xb8;
	[tilespmem:$0x1CC00] =	vst v63  }
0x2c0: {  	s18 =	simm.s32 @!p0 $0x700;
	s20 =	simm.s32 @!p0 $0xBC00  }
0x2c1: {  	[tilespmem:s20], [sflag:$0x2] =	stream.indirect.gather @!p0 [hbm4b:s1+s14], $0x18, s18, s14, $0xb8;
	[tilespmem:$0x1CC00] =	vst v63  }
0x2c2: {  	s18 =	simm.s32 @!p0 $0x780;
	s20 =	simm.s32 @!p0 $0xC800  }
0x2c3: {  	[tilespmem:s20], [sflag:$0x2] =	stream.indirect.gather @!p0 [hbm4b:s1+s14], $0x18, s18, s14, $0xb8;
	[tilespmem:$0x1CC00] =	vst v63  }
0x2c4: {  	s18 =	simm.s32 @!p0 $0x800;
	s20 =	simm.s32 @!p0 $0xD400  }
0x2c5: {  	[tilespmem:s20], [sflag:$0x2] =	stream.indirect.gather @!p0 [hbm4b:s1+s14], $0x18, s18, s14, $0xb8;
	[tilespmem:$0x1CC00] =	vst v63  }
0x2c6: {  	s18 =	simm.s32 @!p0 $0x880;
	s20 =	simm.s32 @!p0 $0xE000  }
0x2c7: {  	[tilespmem:s20], [sflag:$0x2] =	stream.indirect.gather @!p0 [hbm4b:s1+s14], $0x18, s18, s14, $0xb8;
	[tilespmem:$0x1CC00] =	vst v63  }
.Ltmp7:
0x2c8: {  	_ = 	snop;
	(pc) =	sbr.rel .LBB2_8-.Ltmp7, $4  }
0x2c9: {  	s18 =	simm.s32 @!p0 $0x900;
	s20 =	simm.s32 @!p0 $0xEC00  }
0x2ca: {  	[tilespmem:s20], [sflag:$0x2] =	stream.indirect.gather @!p0 [hbm4b:s1+s14], $0x18, s18, s14, $0xb8;
	[tilespmem:$0x1CC00] =	vst v63  }
0x2cb: {  	v63 =	vmov v30;
	s18 =	simm.s32 @!p0 $0x980;
	s20 =	simm.s32 @!p0 $0xF800  }
0x2cc: {  	v50 =	vmovc v26;
	v48 =	vmovc v37;
	v46 =	vmov v39;
	v47 =	vmov v38;
	v49 =	vmov v36;
	v34 =	vld [tilespmem:$0x1FFC0];
	[tilespmem:s20], [sflag:$0x2] =	stream.indirect.gather @!p0 [hbm4b:s1+s14], $0x18, s18, s14, $0xb8  }
.LBB2_10:
0x2cd: {  	_ =	sfence.sel $0x180000  }
0x2ce: {  	[bflag:$0x0] =	sbarrier.arrive $0xFFFF  }
0x2cf: {  	_ =	strace $0x90000047  }
0x2d0: {  	s0 =	stileid.u32;
	[bflag:$0x2] =	sbarrier.arrive $0xFFFF  }
0x2d1: {  	p0 =	sne.s32 s0, $0x0;
	s0 =	rddreg [dreg:$0x2]  }
0x2d2: {  	s0 =	sadd.s32 @!p0 $0x100000, s0  }
0x2d3: {  	[sflag:s0] =	ssyncadd.tile.s32 @!p0 $0x1;
	_ =	shalt  }
.Lfunc_end2:
_tile_overlayer_lowered:
.L_overlay_start_2:
0x2d4: {  	(tag) =	ssettag $0x2  }
0x2d5: {  	s0 =	rddreg [dreg:$0x0];
	s2 =	stileid.u32  }
0x2d6: {  	s1 =	rddreg [dreg:$0x1];
	p0 =	sne.s32 s2, $0x0  }
0x2d7: {  	s3 =	rddreg [dreg:$0x2];
	[bflag:$0x3] =	sbarrier.arrive $0xFFFF;
	s2 =	simm.s32 @!p0 $0x1C05  }
0x2d8: {  	[timem:s3], [sflag:s2] =	dma.local @!p0 [hbm:s0], s1  }
0x2d9: {  	s0 =	simm.s32 @!p0 $0x5  }
0x2da: {  	_ =	swait.ge @!p0 [sflag:s0], s1  }
0x2db: {  	s1 =	ssub.s32 @!p0 $0x0, s1;
	[sflag:s0] =	ssyncset.done @!p0 $0x0  }
0x2dc: {  	[sflag:s0] =	ssyncadd.s32 @!p0 s1  }
0x2dd: {  	[bflag:$0x3] =	sbarrier.arrive $0xFFFF  }
0x2de: {  	_ =	shalt  }

</sc_bundles>
